<compile_context>
chip_gen: v7x
topology: tpu7x:2x2x1
jax: 0.10.2.dev20260603
libtpu: 0.0.44.dev20260713+nightly
codegen_flags: <defaults>
</compile_context>

<pallas_src>
import functools

import jax
import jax.numpy as jnp
from jax import lax
from jax.experimental import pallas as pl
from jax.experimental.pallas import tpu as pltpu
from jax.experimental.pallas import tpu_sc as plsc

B = 16384
F = 64
NC = 2
NS = 16
NW = NC * NS
BPW = B // NW
CH = 128
NCH = BPW // CH
NBLK = BPW // 16
BPC = CH // 16


def _tree_sum(vals):
    vals = list(vals)
    while len(vals) > 1:
        nxt = [a + b for a, b in zip(vals[0::2], vals[1::2])]
        if len(vals) % 2:
            nxt.append(vals[-1])
        vals = nxt
    return vals[0]


def _gmf_body(user_h, item_h, eu_h, ei_h, wb_h, out_h,
              uix, iix, eu_v, ei_v, wb_v, out_v, tmp_v, sems):
    wid = lax.axis_index("s") * NC + lax.axis_index("c")
    base = wid * BPW

    pltpu.sync_copy(user_h.at[pl.ds(base, BPW)], uix)
    pltpu.sync_copy(item_h.at[pl.ds(base, BPW)], iix)
    pltpu.sync_copy(wb_h, wb_v)

    handles = []
    for j in range(NCH):
        sem = sems.at[j]
        h1 = pltpu.async_copy(
            eu_h.at[uix.at[pl.ds(j * CH, CH)]],
            eu_v.at[pl.ds(j * CH, CH)], sem)
        h2 = pltpu.async_copy(
            ei_h.at[iix.at[pl.ds(j * CH, CH)]],
            ei_v.at[pl.ds(j * CH, CH)], sem)
        handles.append((h1, h2))

    w0 = wb_v[pl.ds(0, 16)]
    w1 = wb_v[pl.ds(16, 16)]
    w2 = wb_v[pl.ds(32, 16)]
    w3 = wb_v[pl.ds(48, 16)]
    bias = wb_v[pl.ds(F, 16)]
    row_iota = lax.iota(jnp.int32, 16)

    def block(blk, carry):
        for i in range(16):
            r = blk * 16 + i
            acc = _tree_sum([
                eu_v[r, pl.ds(0, 16)] * ei_v[r, pl.ds(0, 16)] * w0,
                eu_v[r, pl.ds(16, 16)] * ei_v[r, pl.ds(16, 16)] * w1,
                eu_v[r, pl.ds(32, 16)] * ei_v[r, pl.ds(32, 16)] * w2,
                eu_v[r, pl.ds(48, 16)] * ei_v[r, pl.ds(48, 16)] * w3,
            ])
            tmp_v[blk, i, pl.ds(0, 16)] = acc
        blk_idx = jnp.full((16,), blk, jnp.int32)
        cols = [
            plsc.load_gather(tmp_v,
                             [blk_idx, row_iota, jnp.full((16,), c, jnp.int32)])
            for c in range(16)
        ]
        out_v[pl.ds(blk * 16, 16)] = _tree_sum(cols) + bias
        return carry

    for j in range(NCH):
        h1, h2 = handles[j]
        h1.wait()
        h2.wait()
        lax.fori_loop(j * BPC, (j + 1) * BPC, block, 0)

    pltpu.sync_copy(out_v, out_h.at[pl.ds(base, BPW)])


def kernel(user, item, embed_user, embed_item, W, b):
    wb = jnp.concatenate([
        W.reshape(-1),
        jnp.broadcast_to(b, (16,)),
        jnp.zeros((48,), jnp.float32),
    ])

    mesh = plsc.VectorSubcoreMesh(core_axis_name="c", subcore_axis_name="s")
    run = functools.partial(
        pl.kernel,
        mesh=mesh,
        compiler_params=pltpu.CompilerParams(
            needs_layout_passes=False, use_tc_tiling_on_sc=False),
        out_type=jax.ShapeDtypeStruct((B,), jnp.float32),
        scratch_types=[
            pltpu.VMEM((BPW,), jnp.int32),
            pltpu.VMEM((BPW,), jnp.int32),
            pltpu.VMEM((BPW, F), jnp.float32),
            pltpu.VMEM((BPW, F), jnp.float32),
            pltpu.VMEM((128,), jnp.float32),
            pltpu.VMEM((BPW,), jnp.float32),
            pltpu.VMEM((NBLK, 16, 17), jnp.float32),
            pltpu.SemaphoreType.DMA((NCH,)),
        ],
    )(_gmf_body)
    return run(user, item, embed_user, embed_item, wb)

# --- scband reference (transcript-rebuilt; emitter-appended) ---
"""Pipeline reference for scband-gmf-51204600103083 (READ-ONLY COPY).

The authoritative reference and input builder live on the scoring server;
editing this copy changes nothing except your own understanding.
"""

import jax, jax.numpy as jnp
import numpy as np

NUM_USERS = 1000000
NUM_ITEMS = 1000000
FACTOR = 64
BATCH = 16384

def setup_inputs(seed: int = 0) -> dict:
    key = jax.random.key(seed)
    k1, k2, k3, k4, k5 = jax.random.split(key, 5)
    user = jax.random.randint(k1, (BATCH,), 0, NUM_USERS, dtype=jnp.int64 if jax.config.jax_enable_x64 else jnp.int32)
    item = jax.random.randint(k2, (BATCH,), 0, NUM_ITEMS, dtype=jnp.int64 if jax.config.jax_enable_x64 else jnp.int32)
    embed_user = 0.01 * jax.random.normal(k3, (NUM_USERS, FACTOR), dtype=jnp.float32)
    embed_item = 0.01 * jax.random.normal(k4, (NUM_ITEMS, FACTOR), dtype=jnp.float32)
    # kaiming_uniform with a=1: bound = sqrt(6 / ((1 + a^2) * fan_in)) = sqrt(3/fan_in)
    bound = float(np.sqrt(3.0 / FACTOR))
    W = jax.random.uniform(k5, (1, FACTOR), dtype=jnp.float32, minval=-bound, maxval=bound)
    b = jnp.zeros((1,), dtype=jnp.float32)
    return {"user": user, "item": item, "embed_user": embed_user, "embed_item": embed_item, "W": W, "b": b}

def reference(user, item, embed_user, embed_item, W, b):
    eu = jnp.take(embed_user, user, axis=0)          # [B, F] gather
    ei = jnp.take(embed_item, item, axis=0)          # [B, F] gather
    out = eu * ei                                     # elementwise GMF
    pred = out @ W.T + b                              # [B, 1]
    return pred.reshape(-1)

if __name__ == "__main__":
    import jax
    _d = setup_inputs()
    print(jax.jit(kernel)(*tuple(_d.values())))

</pallas_src>

<mosaic_0001>
#map = affine_map<(d0, d1) -> (0)>
#map1 = affine_map<(d0, d1) -> (0, 0)>
module attributes {stable_mosaic.version = 14 : i64} {
  func.func @_gmf_body(%arg0: i32, %arg1: i32, %arg2: memref<16384xi32, #tpu.memory_space<hbm>>, %arg3: memref<16384xi32, #tpu.memory_space<hbm>>, %arg4: memref<1000000x64xf32, #tpu.memory_space<hbm>>, %arg5: memref<1000000x64xf32, #tpu.memory_space<hbm>>, %arg6: memref<128xf32, #tpu.memory_space<hbm>>, %arg7: memref<16384xf32, #tpu.memory_space<hbm>>, %arg8: memref<512xi32, #tpu.memory_space<vmem>>, %arg9: memref<512xi32, #tpu.memory_space<vmem>>, %arg10: memref<512x64xf32, #tpu.memory_space<vmem>>, %arg11: memref<512x64xf32, #tpu.memory_space<vmem>>, %arg12: memref<128xf32, #tpu.memory_space<vmem>>, %arg13: memref<512xf32, #tpu.memory_space<vmem>>, %arg14: memref<32x16x17xf32, #tpu.memory_space<vmem>>, %arg15: memref<4x!tpu.dma_semaphore, #tpu.memory_space<semaphore_mem>>) attributes {dimension_semantics = [#tpu.dimension_semantics<core_parallel>, #tpu.dimension_semantics<subcore_parallel>], iteration_bounds = array<i64: 2, 16>, scalar_prefetch = 0 : i64, scratch_operands = 8 : i64, tpu.core_type = #tpu.core_type<sc_vector_subcore>, window_params = [{transform_indices = #map}, {transform_indices = #map}, {transform_indices = #map1}, {transform_indices = #map1}, {transform_indices = #map}, {transform_indices = #map}]} {
    %mul3A = arith.constant 2 : i32
    %mul3A_0 = arith.muli %arg1, %mul3A : i32
    %add3A = arith.addi %mul3A_0, %arg0 : i32
    %mul3A_1 = arith.constant 512 : i32
    %mul3A_2 = arith.muli %add3A, %mul3A_1 : i32
    "tpu.region"() ({
      %run_scoped3A = tpu.sem_alloc : memref<!tpu.dma_semaphore, #tpu.memory_space<semaphore_mem>>
      %dma_start3A_209 = tpu.memref_slice %arg2[%mul3A_2] : memref<16384xi32, #tpu.memory_space<hbm>> -> memref<512xi32, #tpu.memory_space<hbm>>
      %dma_start3A_210 = tpu.memref_slice %arg2[%mul3A_2] : memref<16384xi32, #tpu.memory_space<hbm>> -> memref<512xi32, #tpu.memory_space<hbm>>
      tpu.enqueue_dma source(%dma_start3A_210 : memref<512xi32, #tpu.memory_space<hbm>>) target(%arg8 : memref<512xi32, #tpu.memory_space<vmem>>) target_semaphore(%run_scoped3A : memref<!tpu.dma_semaphore, #tpu.memory_space<semaphore_mem>>)
      %dma_wait3A_211 = tpu.memref_slice %arg2[%mul3A_2] : memref<16384xi32, #tpu.memory_space<hbm>> -> memref<512xi32, #tpu.memory_space<hbm>>
      %dma_wait3A_212 = tpu.memref_slice %arg2[%mul3A_2] : memref<16384xi32, #tpu.memory_space<hbm>> -> memref<512xi32, #tpu.memory_space<hbm>>
      tpu.wait_dma2 semaphore(%run_scoped3A : memref<!tpu.dma_semaphore, #tpu.memory_space<semaphore_mem>>) src(%dma_wait3A_212 : memref<512xi32, #tpu.memory_space<hbm>>) dst(%arg8 : memref<512xi32, #tpu.memory_space<vmem>>)
      tpu.yield
    }) : () -> ()
    "tpu.region"() ({
      %run_scoped3A = tpu.sem_alloc : memref<!tpu.dma_semaphore, #tpu.memory_space<semaphore_mem>>
      %dma_start3A_209 = tpu.memref_slice %arg3[%mul3A_2] : memref<16384xi32, #tpu.memory_space<hbm>> -> memref<512xi32, #tpu.memory_space<hbm>>
      %dma_start3A_210 = tpu.memref_slice %arg3[%mul3A_2] : memref<16384xi32, #tpu.memory_space<hbm>> -> memref<512xi32, #tpu.memory_space<hbm>>
      tpu.enqueue_dma source(%dma_start3A_210 : memref<512xi32, #tpu.memory_space<hbm>>) target(%arg9 : memref<512xi32, #tpu.memory_space<vmem>>) target_semaphore(%run_scoped3A : memref<!tpu.dma_semaphore, #tpu.memory_space<semaphore_mem>>)
      %dma_wait3A_211 = tpu.memref_slice %arg3[%mul3A_2] : memref<16384xi32, #tpu.memory_space<hbm>> -> memref<512xi32, #tpu.memory_space<hbm>>
      %dma_wait3A_212 = tpu.memref_slice %arg3[%mul3A_2] : memref<16384xi32, #tpu.memory_space<hbm>> -> memref<512xi32, #tpu.memory_space<hbm>>
      tpu.wait_dma2 semaphore(%run_scoped3A : memref<!tpu.dma_semaphore, #tpu.memory_space<semaphore_mem>>) src(%dma_wait3A_212 : memref<512xi32, #tpu.memory_space<hbm>>) dst(%arg9 : memref<512xi32, #tpu.memory_space<vmem>>)
      tpu.yield
    }) : () -> ()
    "tpu.region"() ({
      %run_scoped3A = tpu.sem_alloc : memref<!tpu.dma_semaphore, #tpu.memory_space<semaphore_mem>>
      tpu.enqueue_dma source(%arg6 : memref<128xf32, #tpu.memory_space<hbm>>) target(%arg12 : memref<128xf32, #tpu.memory_space<vmem>>) target_semaphore(%run_scoped3A : memref<!tpu.dma_semaphore, #tpu.memory_space<semaphore_mem>>)
      tpu.wait_dma2 semaphore(%run_scoped3A : memref<!tpu.dma_semaphore, #tpu.memory_space<semaphore_mem>>) src(%arg6 : memref<128xf32, #tpu.memory_space<hbm>>) dst(%arg12 : memref<128xf32, #tpu.memory_space<vmem>>)
      tpu.yield
    }) : () -> ()
    %dma_start3A = arith.constant 0 : i32
    %dma_start3A_3 = arith.constant 0 : i32
    %dma_start3A_4 = arith.constant 0 : i32
    %dma_start3A_5 = tpu.memref_slice %arg10[%dma_start3A_3, %dma_start3A_4] : memref<512x64xf32, #tpu.memory_space<vmem>> -> memref<128x64xf32, #tpu.memory_space<vmem>>
    %dma_start3A_6 = arith.constant 0 : i32
    %dma_start3A_7 = tpu.memref_slice %arg8[%dma_start3A_6] : memref<512xi32, #tpu.memory_space<vmem>> -> memref<128xi32, #tpu.memory_space<vmem>>
    %dma_start3A_8 = arith.constant 0 : i32
    %dma_start3A_9 = arith.constant 0 : i32
    %dma_start3A_10 = tpu.memref_slice %arg4[%dma_start3A_8, %dma_start3A_9] : memref<1000000x64xf32, #tpu.memory_space<hbm>> -> memref<1000000x64xf32, #tpu.memory_space<hbm>>
    %dma_start3A_11 = tpu.memref_slice %arg15[%dma_start3A] : memref<4x!tpu.dma_semaphore, #tpu.memory_space<semaphore_mem>> -> memref<1x!tpu.dma_semaphore, #tpu.memory_space<semaphore_mem>>
    %dma_start3A_12 = tpu.memref_squeeze %dma_start3A_11 : memref<1x!tpu.dma_semaphore, #tpu.memory_space<semaphore_mem>> -> memref<!tpu.dma_semaphore, #tpu.memory_space<semaphore_mem>>
    tpu.enqueue_indirect_dma source(%dma_start3A_10 : memref<1000000x64xf32, #tpu.memory_space<hbm>>) target(%dma_start3A_5 : memref<128x64xf32, #tpu.memory_space<vmem>>) offsets(%dma_start3A_7 : memref<128xi32, #tpu.memory_space<vmem>>) semaphore(%dma_start3A_12 : memref<!tpu.dma_semaphore, #tpu.memory_space<semaphore_mem>>)
    %dma_start3A_13 = arith.constant 0 : i32
    %dma_start3A_14 = arith.constant 0 : i32
    %dma_start3A_15 = arith.constant 0 : i32
    %dma_start3A_16 = tpu.memref_slice %arg11[%dma_start3A_14, %dma_start3A_15] : memref<512x64xf32, #tpu.memory_space<vmem>> -> memref<128x64xf32, #tpu.memory_space<vmem>>
    %dma_start3A_17 = arith.constant 0 : i32
    %dma_start3A_18 = tpu.memref_slice %arg9[%dma_start3A_17] : memref<512xi32, #tpu.memory_space<vmem>> -> memref<128xi32, #tpu.memory_space<vmem>>
    %dma_start3A_19 = arith.constant 0 : i32
    %dma_start3A_20 = arith.constant 0 : i32
    %dma_start3A_21 = tpu.memref_slice %arg5[%dma_start3A_19, %dma_start3A_20] : memref<1000000x64xf32, #tpu.memory_space<hbm>> -> memref<1000000x64xf32, #tpu.memory_space<hbm>>
    %dma_start3A_22 = tpu.memref_slice %arg15[%dma_start3A_13] : memref<4x!tpu.dma_semaphore, #tpu.memory_space<semaphore_mem>> -> memref<1x!tpu.dma_semaphore, #tpu.memory_space<semaphore_mem>>
    %dma_start3A_23 = tpu.memref_squeeze %dma_start3A_22 : memref<1x!tpu.dma_semaphore, #tpu.memory_space<semaphore_mem>> -> memref<!tpu.dma_semaphore, #tpu.memory_space<semaphore_mem>>
    tpu.enqueue_indirect_dma source(%dma_start3A_21 : memref<1000000x64xf32, #tpu.memory_space<hbm>>) target(%dma_start3A_16 : memref<128x64xf32, #tpu.memory_space<vmem>>) offsets(%dma_start3A_18 : memref<128xi32, #tpu.memory_space<vmem>>) semaphore(%dma_start3A_23 : memref<!tpu.dma_semaphore, #tpu.memory_space<semaphore_mem>>)
    %dma_start3A_24 = arith.constant 1 : i32
    %dma_start3A_25 = arith.constant 128 : i32
    %dma_start3A_26 = arith.constant 0 : i32
    %dma_start3A_27 = tpu.memref_slice %arg10[%dma_start3A_25, %dma_start3A_26] : memref<512x64xf32, #tpu.memory_space<vmem>> -> memref<128x64xf32, #tpu.memory_space<vmem>>
    %dma_start3A_28 = arith.constant 128 : i32
    %dma_start3A_29 = tpu.memref_slice %arg8[%dma_start3A_28] : memref<512xi32, #tpu.memory_space<vmem>> -> memref<128xi32, #tpu.memory_space<vmem>>
    %dma_start3A_30 = arith.constant 0 : i32
    %dma_start3A_31 = arith.constant 0 : i32
    %dma_start3A_32 = tpu.memref_slice %arg4[%dma_start3A_30, %dma_start3A_31] : memref<1000000x64xf32, #tpu.memory_space<hbm>> -> memref<1000000x64xf32, #tpu.memory_space<hbm>>
    %dma_start3A_33 = tpu.memref_slice %arg15[%dma_start3A_24] : memref<4x!tpu.dma_semaphore, #tpu.memory_space<semaphore_mem>> -> memref<1x!tpu.dma_semaphore, #tpu.memory_space<semaphore_mem>>
    %dma_start3A_34 = tpu.memref_squeeze %dma_start3A_33 : memref<1x!tpu.dma_semaphore, #tpu.memory_space<semaphore_mem>> -> memref<!tpu.dma_semaphore, #tpu.memory_space<semaphore_mem>>
    tpu.enqueue_indirect_dma source(%dma_start3A_32 : memref<1000000x64xf32, #tpu.memory_space<hbm>>) target(%dma_start3A_27 : memref<128x64xf32, #tpu.memory_space<vmem>>) offsets(%dma_start3A_29 : memref<128xi32, #tpu.memory_space<vmem>>) semaphore(%dma_start3A_34 : memref<!tpu.dma_semaphore, #tpu.memory_space<semaphore_mem>>)
    %dma_start3A_35 = arith.constant 1 : i32
    %dma_start3A_36 = arith.constant 128 : i32
    %dma_start3A_37 = arith.constant 0 : i32
    %dma_start3A_38 = tpu.memref_slice %arg11[%dma_start3A_36, %dma_start3A_37] : memref<512x64xf32, #tpu.memory_space<vmem>> -> memref<128x64xf32, #tpu.memory_space<vmem>>
    %dma_start3A_39 = arith.constant 128 : i32
    %dma_start3A_40 = tpu.memref_slice %arg9[%dma_start3A_39] : memref<512xi32, #tpu.memory_space<vmem>> -> memref<128xi32, #tpu.memory_space<vmem>>
    %dma_start3A_41 = arith.constant 0 : i32
    %dma_start3A_42 = arith.constant 0 : i32
    %dma_start3A_43 = tpu.memref_slice %arg5[%dma_start3A_41, %dma_start3A_42] : memref<1000000x64xf32, #tpu.memory_space<hbm>> -> memref<1000000x64xf32, #tpu.memory_space<hbm>>
    %dma_start3A_44 = tpu.memref_slice %arg15[%dma_start3A_35] : memref<4x!tpu.dma_semaphore, #tpu.memory_space<semaphore_mem>> -> memref<1x!tpu.dma_semaphore, #tpu.memory_space<semaphore_mem>>
    %dma_start3A_45 = tpu.memref_squeeze %dma_start3A_44 : memref<1x!tpu.dma_semaphore, #tpu.memory_space<semaphore_mem>> -> memref<!tpu.dma_semaphore, #tpu.memory_space<semaphore_mem>>
    tpu.enqueue_indirect_dma source(%dma_start3A_43 : memref<1000000x64xf32, #tpu.memory_space<hbm>>) target(%dma_start3A_38 : memref<128x64xf32, #tpu.memory_space<vmem>>) offsets(%dma_start3A_40 : memref<128xi32, #tpu.memory_space<vmem>>) semaphore(%dma_start3A_45 : memref<!tpu.dma_semaphore, #tpu.memory_space<semaphore_mem>>)
    %dma_start3A_46 = arith.constant 2 : i32
    %dma_start3A_47 = arith.constant 256 : i32
    %dma_start3A_48 = arith.constant 0 : i32
    %dma_start3A_49 = tpu.memref_slice %arg10[%dma_start3A_47, %dma_start3A_48] : memref<512x64xf32, #tpu.memory_space<vmem>> -> memref<128x64xf32, #tpu.memory_space<vmem>>
    %dma_start3A_50 = arith.constant 256 : i32
    %dma_start3A_51 = tpu.memref_slice %arg8[%dma_start3A_50] : memref<512xi32, #tpu.memory_space<vmem>> -> memref<128xi32, #tpu.memory_space<vmem>>
    %dma_start3A_52 = arith.constant 0 : i32
    %dma_start3A_53 = arith.constant 0 : i32
    %dma_start3A_54 = tpu.memref_slice %arg4[%dma_start3A_52, %dma_start3A_53] : memref<1000000x64xf32, #tpu.memory_space<hbm>> -> memref<1000000x64xf32, #tpu.memory_space<hbm>>
    %dma_start3A_55 = tpu.memref_slice %arg15[%dma_start3A_46] : memref<4x!tpu.dma_semaphore, #tpu.memory_space<semaphore_mem>> -> memref<1x!tpu.dma_semaphore, #tpu.memory_space<semaphore_mem>>
    %dma_start3A_56 = tpu.memref_squeeze %dma_start3A_55 : memref<1x!tpu.dma_semaphore, #tpu.memory_space<semaphore_mem>> -> memref<!tpu.dma_semaphore, #tpu.memory_space<semaphore_mem>>
    tpu.enqueue_indirect_dma source(%dma_start3A_54 : memref<1000000x64xf32, #tpu.memory_space<hbm>>) target(%dma_start3A_49 : memref<128x64xf32, #tpu.memory_space<vmem>>) offsets(%dma_start3A_51 : memref<128xi32, #tpu.memory_space<vmem>>) semaphore(%dma_start3A_56 : memref<!tpu.dma_semaphore, #tpu.memory_space<semaphore_mem>>)
    %dma_start3A_57 = arith.constant 2 : i32
    %dma_start3A_58 = arith.constant 256 : i32
    %dma_start3A_59 = arith.constant 0 : i32
    %dma_start3A_60 = tpu.memref_slice %arg11[%dma_start3A_58, %dma_start3A_59] : memref<512x64xf32, #tpu.memory_space<vmem>> -> memref<128x64xf32, #tpu.memory_space<vmem>>
    %dma_start3A_61 = arith.constant 256 : i32
    %dma_start3A_62 = tpu.memref_slice %arg9[%dma_start3A_61] : memref<512xi32, #tpu.memory_space<vmem>> -> memref<128xi32, #tpu.memory_space<vmem>>
    %dma_start3A_63 = arith.constant 0 : i32
    %dma_start3A_64 = arith.constant 0 : i32
    %dma_start3A_65 = tpu.memref_slice %arg5[%dma_start3A_63, %dma_start3A_64] : memref<1000000x64xf32, #tpu.memory_space<hbm>> -> memref<1000000x64xf32, #tpu.memory_space<hbm>>
    %dma_start3A_66 = tpu.memref_slice %arg15[%dma_start3A_57] : memref<4x!tpu.dma_semaphore, #tpu.memory_space<semaphore_mem>> -> memref<1x!tpu.dma_semaphore, #tpu.memory_space<semaphore_mem>>
    %dma_start3A_67 = tpu.memref_squeeze %dma_start3A_66 : memref<1x!tpu.dma_semaphore, #tpu.memory_space<semaphore_mem>> -> memref<!tpu.dma_semaphore, #tpu.memory_space<semaphore_mem>>
    tpu.enqueue_indirect_dma source(%dma_start3A_65 : memref<1000000x64xf32, #tpu.memory_space<hbm>>) target(%dma_start3A_60 : memref<128x64xf32, #tpu.memory_space<vmem>>) offsets(%dma_start3A_62 : memref<128xi32, #tpu.memory_space<vmem>>) semaphore(%dma_start3A_67 : memref<!tpu.dma_semaphore, #tpu.memory_space<semaphore_mem>>)
    %dma_start3A_68 = arith.constant 3 : i32
    %dma_start3A_69 = arith.constant 384 : i32
    %dma_start3A_70 = arith.constant 0 : i32
    %dma_start3A_71 = tpu.memref_slice %arg10[%dma_start3A_69, %dma_start3A_70] : memref<512x64xf32, #tpu.memory_space<vmem>> -> memref<128x64xf32, #tpu.memory_space<vmem>>
    %dma_start3A_72 = arith.constant 384 : i32
    %dma_start3A_73 = tpu.memref_slice %arg8[%dma_start3A_72] : memref<512xi32, #tpu.memory_space<vmem>> -> memref<128xi32, #tpu.memory_space<vmem>>
    %dma_start3A_74 = arith.constant 0 : i32
    %dma_start3A_75 = arith.constant 0 : i32
    %dma_start3A_76 = tpu.memref_slice %arg4[%dma_start3A_74, %dma_start3A_75] : memref<1000000x64xf32, #tpu.memory_space<hbm>> -> memref<1000000x64xf32, #tpu.memory_space<hbm>>
    %dma_start3A_77 = tpu.memref_slice %arg15[%dma_start3A_68] : memref<4x!tpu.dma_semaphore, #tpu.memory_space<semaphore_mem>> -> memref<1x!tpu.dma_semaphore, #tpu.memory_space<semaphore_mem>>
    %dma_start3A_78 = tpu.memref_squeeze %dma_start3A_77 : memref<1x!tpu.dma_semaphore, #tpu.memory_space<semaphore_mem>> -> memref<!tpu.dma_semaphore, #tpu.memory_space<semaphore_mem>>
    tpu.enqueue_indirect_dma source(%dma_start3A_76 : memref<1000000x64xf32, #tpu.memory_space<hbm>>) target(%dma_start3A_71 : memref<128x64xf32, #tpu.memory_space<vmem>>) offsets(%dma_start3A_73 : memref<128xi32, #tpu.memory_space<vmem>>) semaphore(%dma_start3A_78 : memref<!tpu.dma_semaphore, #tpu.memory_space<semaphore_mem>>)
    %dma_start3A_79 = arith.constant 3 : i32
    %dma_start3A_80 = arith.constant 384 : i32
    %dma_start3A_81 = arith.constant 0 : i32
    %dma_start3A_82 = tpu.memref_slice %arg11[%dma_start3A_80, %dma_start3A_81] : memref<512x64xf32, #tpu.memory_space<vmem>> -> memref<128x64xf32, #tpu.memory_space<vmem>>
    %dma_start3A_83 = arith.constant 384 : i32
    %dma_start3A_84 = tpu.memref_slice %arg9[%dma_start3A_83] : memref<512xi32, #tpu.memory_space<vmem>> -> memref<128xi32, #tpu.memory_space<vmem>>
    %dma_start3A_85 = arith.constant 0 : i32
    %dma_start3A_86 = arith.constant 0 : i32
    %dma_start3A_87 = tpu.memref_slice %arg5[%dma_start3A_85, %dma_start3A_86] : memref<1000000x64xf32, #tpu.memory_space<hbm>> -> memref<1000000x64xf32, #tpu.memory_space<hbm>>
    %dma_start3A_88 = tpu.memref_slice %arg15[%dma_start3A_79] : memref<4x!tpu.dma_semaphore, #tpu.memory_space<semaphore_mem>> -> memref<1x!tpu.dma_semaphore, #tpu.memory_space<semaphore_mem>>
    %dma_start3A_89 = tpu.memref_squeeze %dma_start3A_88 : memref<1x!tpu.dma_semaphore, #tpu.memory_space<semaphore_mem>> -> memref<!tpu.dma_semaphore, #tpu.memory_space<semaphore_mem>>
    tpu.enqueue_indirect_dma source(%dma_start3A_87 : memref<1000000x64xf32, #tpu.memory_space<hbm>>) target(%dma_start3A_82 : memref<128x64xf32, #tpu.memory_space<vmem>>) offsets(%dma_start3A_84 : memref<128xi32, #tpu.memory_space<vmem>>) semaphore(%dma_start3A_89 : memref<!tpu.dma_semaphore, #tpu.memory_space<semaphore_mem>>)
    %get3A = arith.constant 0 : index
    %get3A_90 = tpu.vector_load %arg12[%get3A] {strides = array<i32>} : memref<128xf32, #tpu.memory_space<vmem>>, vector<16xf32>,
    %get3A_91 = arith.constant 16 : index
    %get3A_92 = tpu.vector_load %arg12[%get3A_91] {strides = array<i32>} : memref<128xf32, #tpu.memory_space<vmem>>, vector<16xf32>,
    %get3A_93 = arith.constant 32 : index
    %get3A_94 = tpu.vector_load %arg12[%get3A_93] {strides = array<i32>} : memref<128xf32, #tpu.memory_space<vmem>>, vector<16xf32>,
    %get3A_95 = arith.constant 48 : index
    %get3A_96 = tpu.vector_load %arg12[%get3A_95] {strides = array<i32>} : memref<128xf32, #tpu.memory_space<vmem>>, vector<16xf32>,
    %get3A_97 = arith.constant 64 : index
    %get3A_98 = tpu.vector_load %arg12[%get3A_97] {strides = array<i32>} : memref<128xf32, #tpu.memory_space<vmem>>, vector<16xf32>,
    %iota3A = tpu.iota {dimensions = array<i32: 0>} : vector<16xi32>
    %dma_wait3A = arith.constant 0 : i32
    %dma_wait3A_99 = arith.constant 0 : i32
    %dma_wait3A_100 = arith.constant 0 : i32
    %dma_wait3A_101 = tpu.memref_slice %arg10[%dma_wait3A_99, %dma_wait3A_100] : memref<512x64xf32, #tpu.memory_space<vmem>> -> memref<128x64xf32, #tpu.memory_space<vmem>>
    %dma_wait3A_102 = arith.constant 0 : i32
    %dma_wait3A_103 = tpu.memref_slice %arg8[%dma_wait3A_102] : memref<512xi32, #tpu.memory_space<vmem>> -> memref<128xi32, #tpu.memory_space<vmem>>
    %dma_wait3A_104 = arith.constant 0 : i32
    %dma_wait3A_105 = arith.constant 0 : i32
    %dma_wait3A_106 = tpu.memref_slice %arg4[%dma_wait3A_104, %dma_wait3A_105] : memref<1000000x64xf32, #tpu.memory_space<hbm>> -> memref<1000000x64xf32, #tpu.memory_space<hbm>>
    %dma_wait3A_107 = tpu.memref_slice %arg15[%dma_wait3A] : memref<4x!tpu.dma_semaphore, #tpu.memory_space<semaphore_mem>> -> memref<1x!tpu.dma_semaphore, #tpu.memory_space<semaphore_mem>>
    %dma_wait3A_108 = tpu.memref_squeeze %dma_wait3A_107 : memref<1x!tpu.dma_semaphore, #tpu.memory_space<semaphore_mem>> -> memref<!tpu.dma_semaphore, #tpu.memory_space<semaphore_mem>>
    tpu.wait_indirect_dma semaphore(%dma_wait3A_108 : memref<!tpu.dma_semaphore, #tpu.memory_space<semaphore_mem>>) src(%dma_wait3A_106 : memref<1000000x64xf32, #tpu.memory_space<hbm>>) dst(%dma_wait3A_101 : memref<128x64xf32, #tpu.memory_space<vmem>>)
    %dma_wait3A_109 = arith.constant 0 : i32
    %dma_wait3A_110 = arith.constant 0 : i32
    %dma_wait3A_111 = arith.constant 0 : i32
    %dma_wait3A_112 = tpu.memref_slice %arg11[%dma_wait3A_110, %dma_wait3A_111] : memref<512x64xf32, #tpu.memory_space<vmem>> -> memref<128x64xf32, #tpu.memory_space<vmem>>
    %dma_wait3A_113 = arith.constant 0 : i32
    %dma_wait3A_114 = tpu.memref_slice %arg9[%dma_wait3A_113] : memref<512xi32, #tpu.memory_space<vmem>> -> memref<128xi32, #tpu.memory_space<vmem>>
    %dma_wait3A_115 = arith.constant 0 : i32
    %dma_wait3A_116 = arith.constant 0 : i32
    %dma_wait3A_117 = tpu.memref_slice %arg5[%dma_wait3A_115, %dma_wait3A_116] : memref<1000000x64xf32, #tpu.memory_space<hbm>> -> memref<1000000x64xf32, #tpu.memory_space<hbm>>
    %dma_wait3A_118 = tpu.memref_slice %arg15[%dma_wait3A_109] : memref<4x!tpu.dma_semaphore, #tpu.memory_space<semaphore_mem>> -> memref<1x!tpu.dma_semaphore, #tpu.memory_space<semaphore_mem>>
    %dma_wait3A_119 = tpu.memref_squeeze %dma_wait3A_118 : memref<1x!tpu.dma_semaphore, #tpu.memory_space<semaphore_mem>> -> memref<!tpu.dma_semaphore, #tpu.memory_space<semaphore_mem>>
    tpu.wait_indirect_dma semaphore(%dma_wait3A_119 : memref<!tpu.dma_semaphore, #tpu.memory_space<semaphore_mem>>) src(%dma_wait3A_117 : memref<1000000x64xf32, #tpu.memory_space<hbm>>) dst(%dma_wait3A_112 : memref<128x64xf32, #tpu.memory_space<vmem>>)
    %scan3A = arith.constant 0 : i32
    %scan3A_120 = arith.constant 0 : i32
    %scan3A_121 = arith.constant 8 : i32
    %scan3A_122 = arith.addi %scan3A_120, %scan3A_121 : i32
    %scan3A_123 = arith.constant 1 : i32
    scf.for %scan3A_209 = %scan3A_120 to %scan3A_122 step %scan3A_123  : i32 {
      %mul3A_210 = arith.constant 16 : i32
      %mul3A_211 = arith.muli %scan3A_209, %mul3A_210 : i32
      %add3A_212 = arith.constant 0 : i32
      %add3A_213 = arith.addi %mul3A_211, %add3A_212 : i32
      %get3A_214 = arith.index_cast %add3A_213 : i32 to index
      %get3A_215 = arith.constant 0 : index
      %get3A_216 = tpu.vector_load %arg10[%get3A_214, %get3A_215] {strides = array<i32>} : memref<512x64xf32, #tpu.memory_space<vmem>>, vector<16xf32>,
      %get3A_217 = arith.index_cast %add3A_213 : i32 to index
      %get3A_218 = arith.constant 0 : index
      %get3A_219 = tpu.vector_load %arg11[%get3A_217, %get3A_218] {strides = array<i32>} : memref<512x64xf32, #tpu.memory_space<vmem>>, vector<16xf32>,
      %mul3A_220 = arith.mulf %get3A_216, %get3A_219 : vector<16xf32>
      %mul3A_221 = arith.mulf %mul3A_220, %get3A_90 : vector<16xf32>
      %get3A_222 = arith.index_cast %add3A_213 : i32 to index
      %get3A_223 = arith.constant 16 : index
      %get3A_224 = tpu.vector_load %arg10[%get3A_222, %get3A_223] {strides = array<i32>} : memref<512x64xf32, #tpu.memory_space<vmem>>, vector<16xf32>,
      %get3A_225 = arith.index_cast %add3A_213 : i32 to index
      %get3A_226 = arith.constant 16 : index
      %get3A_227 = tpu.vector_load %arg11[%get3A_225, %get3A_226] {strides = array<i32>} : memref<512x64xf32, #tpu.memory_space<vmem>>, vector<16xf32>,
      %mul3A_228 = arith.mulf %get3A_224, %get3A_227 : vector<16xf32>
      %mul3A_229 = arith.mulf %mul3A_228, %get3A_92 : vector<16xf32>
      %get3A_230 = arith.index_cast %add3A_213 : i32 to index
      %get3A_231 = arith.constant 32 : index
      %get3A_232 = tpu.vector_load %arg10[%get3A_230, %get3A_231] {strides = array<i32>} : memref<512x64xf32, #tpu.memory_space<vmem>>, vector<16xf32>,
      %get3A_233 = arith.index_cast %add3A_213 : i32 to index
      %get3A_234 = arith.constant 32 : index
      %get3A_235 = tpu.vector_load %arg11[%get3A_233, %get3A_234] {strides = array<i32>} : memref<512x64xf32, #tpu.memory_space<vmem>>, vector<16xf32>,
      %mul3A_236 = arith.mulf %get3A_232, %get3A_235 : vector<16xf32>
      %mul3A_237 = arith.mulf %mul3A_236, %get3A_94 : vector<16xf32>
      %get3A_238 = arith.index_cast %add3A_213 : i32 to index
      %get3A_239 = arith.constant 48 : index
      %get3A_240 = tpu.vector_load %arg10[%get3A_238, %get3A_239] {strides = array<i32>} : memref<512x64xf32, #tpu.memory_space<vmem>>, vector<16xf32>,
      %get3A_241 = arith.index_cast %add3A_213 : i32 to index
      %get3A_242 = arith.constant 48 : index
      %get3A_243 = tpu.vector_load %arg11[%get3A_241, %get3A_242] {strides = array<i32>} : memref<512x64xf32, #tpu.memory_space<vmem>>, vector<16xf32>,
      %mul3A_244 = arith.mulf %get3A_240, %get3A_243 : vector<16xf32>
      %mul3A_245 = arith.mulf %mul3A_244, %get3A_96 : vector<16xf32>
      %add3A_246 = arith.addf %mul3A_221, %mul3A_229 : vector<16xf32>
      %add3A_247 = arith.addf %mul3A_237, %mul3A_245 : vector<16xf32>
      %add3A_248 = arith.addf %add3A_246, %add3A_247 : vector<16xf32>
      %swap3A = arith.constant 0 : i32
      %swap3A_249 = arith.index_cast %scan3A_209 : i32 to index
      %swap3A_250 = arith.index_cast %swap3A : i32 to index
      %swap3A_251 = arith.constant 0 : index
      %swap3A_252 = tpu.vector_load %arg14[%swap3A_249, %swap3A_250, %swap3A_251] {strides = array<i32>} : memref<32x16x17xf32, #tpu.memory_space<vmem>>, vector<16xf32>,
      tpu.vector_store %arg14[%swap3A_249, %swap3A_250, %swap3A_251], %add3A_248 {strides = array<i32>} : memref<32x16x17xf32, #tpu.memory_space<vmem>>, vector<16xf32>,
      %mul3A_253 = arith.constant 16 : i32
      %mul3A_254 = arith.muli %scan3A_209, %mul3A_253 : i32
      %add3A_255 = arith.constant 1 : i32
      %add3A_256 = arith.addi %mul3A_254, %add3A_255 : i32
      %get3A_257 = arith.index_cast %add3A_256 : i32 to index
      %get3A_258 = arith.constant 0 : index
      %get3A_259 = tpu.vector_load %arg10[%get3A_257, %get3A_258] {strides = array<i32>} : memref<512x64xf32, #tpu.memory_space<vmem>>, vector<16xf32>,
      %get3A_260 = arith.index_cast %add3A_256 : i32 to index
      %get3A_261 = arith.constant 0 : index
      %get3A_262 = tpu.vector_load %arg11[%get3A_260, %get3A_261] {strides = array<i32>} : memref<512x64xf32, #tpu.memory_space<vmem>>, vector<16xf32>,
      %mul3A_263 = arith.mulf %get3A_259, %get3A_262 : vector<16xf32>
      %mul3A_264 = arith.mulf %mul3A_263, %get3A_90 : vector<16xf32>
      %get3A_265 = arith.index_cast %add3A_256 : i32 to index
      %get3A_266 = arith.constant 16 : index
      %get3A_267 = tpu.vector_load %arg10[%get3A_265, %get3A_266] {strides = array<i32>} : memref<512x64xf32, #tpu.memory_space<vmem>>, vector<16xf32>,
      %get3A_268 = arith.index_cast %add3A_256 : i32 to index
      %get3A_269 = arith.constant 16 : index
      %get3A_270 = tpu.vector_load %arg11[%get3A_268, %get3A_269] {strides = array<i32>} : memref<512x64xf32, #tpu.memory_space<vmem>>, vector<16xf32>,
      %mul3A_271 = arith.mulf %get3A_267, %get3A_270 : vector<16xf32>
      %mul3A_272 = arith.mulf %mul3A_271, %get3A_92 : vector<16xf32>
      %get3A_273 = arith.index_cast %add3A_256 : i32 to index
      %get3A_274 = arith.constant 32 : index
      %get3A_275 = tpu.vector_load %arg10[%get3A_273, %get3A_274] {strides = array<i32>} : memref<512x64xf32, #tpu.memory_space<vmem>>, vector<16xf32>,
      %get3A_276 = arith.index_cast %add3A_256 : i32 to index
      %get3A_277 = arith.constant 32 : index
      %get3A_278 = tpu.vector_load %arg11[%get3A_276, %get3A_277] {strides = array<i32>} : memref<512x64xf32, #tpu.memory_space<vmem>>, vector<16xf32>,
      %mul3A_279 = arith.mulf %get3A_275, %get3A_278 : vector<16xf32>
      %mul3A_280 = arith.mulf %mul3A_279, %get3A_94 : vector<16xf32>
      %get3A_281 = arith.index_cast %add3A_256 : i32 to index
      %get3A_282 = arith.constant 48 : index
      %get3A_283 = tpu.vector_load %arg10[%get3A_281, %get3A_282] {strides = array<i32>} : memref<512x64xf32, #tpu.memory_space<vmem>>, vector<16xf32>,
      %get3A_284 = arith.index_cast %add3A_256 : i32 to index
      %get3A_285 = arith.constant 48 : index
      %get3A_286 = tpu.vector_load %arg11[%get3A_284, %get3A_285] {strides = array<i32>} : memref<512x64xf32, #tpu.memory_space<vmem>>, vector<16xf32>,
      %mul3A_287 = arith.mulf %get3A_283, %get3A_286 : vector<16xf32>
      %mul3A_288 = arith.mulf %mul3A_287, %get3A_96 : vector<16xf32>
      %add3A_289 = arith.addf %mul3A_264, %mul3A_272 : vector<16xf32>
      %add3A_290 = arith.addf %mul3A_280, %mul3A_288 : vector<16xf32>
      %add3A_291 = arith.addf %add3A_289, %add3A_290 : vector<16xf32>
      %swap3A_292 = arith.constant 1 : i32
      %swap3A_293 = arith.index_cast %scan3A_209 : i32 to index
      %swap3A_294 = arith.index_cast %swap3A_292 : i32 to index
      %swap3A_295 = arith.constant 0 : index
      %swap3A_296 = tpu.vector_load %arg14[%swap3A_293, %swap3A_294, %swap3A_295] {strides = array<i32>} : memref<32x16x17xf32, #tpu.memory_space<vmem>>, vector<16xf32>,
      tpu.vector_store %arg14[%swap3A_293, %swap3A_294, %swap3A_295], %add3A_291 {strides = array<i32>} : memref<32x16x17xf32, #tpu.memory_space<vmem>>, vector<16xf32>,
      %mul3A_297 = arith.constant 16 : i32
      %mul3A_298 = arith.muli %scan3A_209, %mul3A_297 : i32
      %add3A_299 = arith.constant 2 : i32
      %add3A_300 = arith.addi %mul3A_298, %add3A_299 : i32
      %get3A_301 = arith.index_cast %add3A_300 : i32 to index
      %get3A_302 = arith.constant 0 : index
      %get3A_303 = tpu.vector_load %arg10[%get3A_301, %get3A_302] {strides = array<i32>} : memref<512x64xf32, #tpu.memory_space<vmem>>, vector<16xf32>,
      %get3A_304 = arith.index_cast %add3A_300 : i32 to index
      %get3A_305 = arith.constant 0 : index
      %get3A_306 = tpu.vector_load %arg11[%get3A_304, %get3A_305] {strides = array<i32>} : memref<512x64xf32, #tpu.memory_space<vmem>>, vector<16xf32>,
      %mul3A_307 = arith.mulf %get3A_303, %get3A_306 : vector<16xf32>
      %mul3A_308 = arith.mulf %mul3A_307, %get3A_90 : vector<16xf32>
      %get3A_309 = arith.index_cast %add3A_300 : i32 to index
      %get3A_310 = arith.constant 16 : index
      %get3A_311 = tpu.vector_load %arg10[%get3A_309, %get3A_310] {strides = array<i32>} : memref<512x64xf32, #tpu.memory_space<vmem>>, vector<16xf32>,
      %get3A_312 = arith.index_cast %add3A_300 : i32 to index
      %get3A_313 = arith.constant 16 : index
      %get3A_314 = tpu.vector_load %arg11[%get3A_312, %get3A_313] {strides = array<i32>} : memref<512x64xf32, #tpu.memory_space<vmem>>, vector<16xf32>,
      %mul3A_315 = arith.mulf %get3A_311, %get3A_314 : vector<16xf32>
      %mul3A_316 = arith.mulf %mul3A_315, %get3A_92 : vector<16xf32>
      %get3A_317 = arith.index_cast %add3A_300 : i32 to index
      %get3A_318 = arith.constant 32 : index
      %get3A_319 = tpu.vector_load %arg10[%get3A_317, %get3A_318] {strides = array<i32>} : memref<512x64xf32, #tpu.memory_space<vmem>>, vector<16xf32>,
      %get3A_320 = arith.index_cast %add3A_300 : i32 to index
      %get3A_321 = arith.constant 32 : index
      %get3A_322 = tpu.vector_load %arg11[%get3A_320, %get3A_321] {strides = array<i32>} : memref<512x64xf32, #tpu.memory_space<vmem>>, vector<16xf32>,
      %mul3A_323 = arith.mulf %get3A_319, %get3A_322 : vector<16xf32>
      %mul3A_324 = arith.mulf %mul3A_323, %get3A_94 : vector<16xf32>
      %get3A_325 = arith.index_cast %add3A_300 : i32 to index
      %get3A_326 = arith.constant 48 : index
      %get3A_327 = tpu.vector_load %arg10[%get3A_325, %get3A_326] {strides = array<i32>} : memref<512x64xf32, #tpu.memory_space<vmem>>, vector<16xf32>,
      %get3A_328 = arith.index_cast %add3A_300 : i32 to index
      %get3A_329 = arith.constant 48 : index
      %get3A_330 = tpu.vector_load %arg11[%get3A_328, %get3A_329] {strides = array<i32>} : memref<512x64xf32, #tpu.memory_space<vmem>>, vector<16xf32>,
      %mul3A_331 = arith.mulf %get3A_327, %get3A_330 : vector<16xf32>
      %mul3A_332 = arith.mulf %mul3A_331, %get3A_96 : vector<16xf32>
      %add3A_333 = arith.addf %mul3A_308, %mul3A_316 : vector<16xf32>
      %add3A_334 = arith.addf %mul3A_324, %mul3A_332 : vector<16xf32>
      %add3A_335 = arith.addf %add3A_333, %add3A_334 : vector<16xf32>
      %swap3A_336 = arith.constant 2 : i32
      %swap3A_337 = arith.index_cast %scan3A_209 : i32 to index
      %swap3A_338 = arith.index_cast %swap3A_336 : i32 to index
      %swap3A_339 = arith.constant 0 : index
      %swap3A_340 = tpu.vector_load %arg14[%swap3A_337, %swap3A_338, %swap3A_339] {strides = array<i32>} : memref<32x16x17xf32, #tpu.memory_space<vmem>>, vector<16xf32>,
      tpu.vector_store %arg14[%swap3A_337, %swap3A_338, %swap3A_339], %add3A_335 {strides = array<i32>} : memref<32x16x17xf32, #tpu.memory_space<vmem>>, vector<16xf32>,
      %mul3A_341 = arith.constant 16 : i32
      %mul3A_342 = arith.muli %scan3A_209, %mul3A_341 : i32
      %add3A_343 = arith.constant 3 : i32
      %add3A_344 = arith.addi %mul3A_342, %add3A_343 : i32
      %get3A_345 = arith.index_cast %add3A_344 : i32 to index
      %get3A_346 = arith.constant 0 : index
      %get3A_347 = tpu.vector_load %arg10[%get3A_345, %get3A_346] {strides = array<i32>} : memref<512x64xf32, #tpu.memory_space<vmem>>, vector<16xf32>,
      %get3A_348 = arith.index_cast %add3A_344 : i32 to index
      %get3A_349 = arith.constant 0 : index
      %get3A_350 = tpu.vector_load %arg11[%get3A_348, %get3A_349] {strides = array<i32>} : memref<512x64xf32, #tpu.memory_space<vmem>>, vector<16xf32>,
      %mul3A_351 = arith.mulf %get3A_347, %get3A_350 : vector<16xf32>
      %mul3A_352 = arith.mulf %mul3A_351, %get3A_90 : vector<16xf32>
      %get3A_353 = arith.index_cast %add3A_344 : i32 to index
      %get3A_354 = arith.constant 16 : index
      %get3A_355 = tpu.vector_load %arg10[%get3A_353, %get3A_354] {strides = array<i32>} : memref<512x64xf32, #tpu.memory_space<vmem>>, vector<16xf32>,
      %get3A_356 = arith.index_cast %add3A_344 : i32 to index
      %get3A_357 = arith.constant 16 : index
      %get3A_358 = tpu.vector_load %arg11[%get3A_356, %get3A_357] {strides = array<i32>} : memref<512x64xf32, #tpu.memory_space<vmem>>, vector<16xf32>,
      %mul3A_359 = arith.mulf %get3A_355, %get3A_358 : vector<16xf32>
      %mul3A_360 = arith.mulf %mul3A_359, %get3A_92 : vector<16xf32>
      %get3A_361 = arith.index_cast %add3A_344 : i32 to index
      %get3A_362 = arith.constant 32 : index
      %get3A_363 = tpu.vector_load %arg10[%get3A_361, %get3A_362] {strides = array<i32>} : memref<512x64xf32, #tpu.memory_space<vmem>>, vector<16xf32>,
      %get3A_364 = arith.index_cast %add3A_344 : i32 to index
      %get3A_365 = arith.constant 32 : index
      %get3A_366 = tpu.vector_load %arg11[%get3A_364, %get3A_365] {strides = array<i32>} : memref<512x64xf32, #tpu.memory_space<vmem>>, vector<16xf32>,
      %mul3A_367 = arith.mulf %get3A_363, %get3A_366 : vector<16xf32>
      %mul3A_368 = arith.mulf %mul3A_367, %get3A_94 : vector<16xf32>
      %get3A_369 = arith.index_cast %add3A_344 : i32 to index
      %get3A_370 = arith.constant 48 : index
      %get3A_371 = tpu.vector_load %arg10[%get3A_369, %get3A_370] {strides = array<i32>} : memref<512x64xf32, #tpu.memory_space<vmem>>, vector<16xf32>,
      %get3A_372 = arith.index_cast %add3A_344 : i32 to index
      %get3A_373 = arith.constant 48 : index
      %get3A_374 = tpu.vector_load %arg11[%get3A_372, %get3A_373] {strides = array<i32>} : memref<512x64xf32, #tpu.memory_space<vmem>>, vector<16xf32>,
      %mul3A_375 = arith.mulf %get3A_371, %get3A_374 : vector<16xf32>
      %mul3A_376 = arith.mulf %mul3A_375, %get3A_96 : vector<16xf32>
      %add3A_377 = arith.addf %mul3A_352, %mul3A_360 : vector<16xf32>
      %add3A_378 = arith.addf %mul3A_368, %mul3A_376 : vector<16xf32>
      %add3A_379 = arith.addf %add3A_377, %add3A_378 : vector<16xf32>
      %swap3A_380 = arith.constant 3 : i32
      %swap3A_381 = arith.index_cast %scan3A_209 : i32 to index
      %swap3A_382 = arith.index_cast %swap3A_380 : i32 to index
      %swap3A_383 = arith.constant 0 : index
      %swap3A_384 = tpu.vector_load %arg14[%swap3A_381, %swap3A_382, %swap3A_383] {strides = array<i32>} : memref<32x16x17xf32, #tpu.memory_space<vmem>>, vector<16xf32>,
      tpu.vector_store %arg14[%swap3A_381, %swap3A_382, %swap3A_383], %add3A_379 {strides = array<i32>} : memref<32x16x17xf32, #tpu.memory_space<vmem>>, vector<16xf32>,
      %mul3A_385 = arith.constant 16 : i32
      %mul3A_386 = arith.muli %scan3A_209, %mul3A_385 : i32
      %add3A_387 = arith.constant 4 : i32
      %add3A_388 = arith.addi %mul3A_386, %add3A_387 : i32
      %get3A_389 = arith.index_cast %add3A_388 : i32 to index
      %get3A_390 = arith.constant 0 : index
      %get3A_391 = tpu.vector_load %arg10[%get3A_389, %get3A_390] {strides = array<i32>} : memref<512x64xf32, #tpu.memory_space<vmem>>, vector<16xf32>,
      %get3A_392 = arith.index_cast %add3A_388 : i32 to index
      %get3A_393 = arith.constant 0 : index
      %get3A_394 = tpu.vector_load %arg11[%get3A_392, %get3A_393] {strides = array<i32>} : memref<512x64xf32, #tpu.memory_space<vmem>>, vector<16xf32>,
      %mul3A_395 = arith.mulf %get3A_391, %get3A_394 : vector<16xf32>
      %mul3A_396 = arith.mulf %mul3A_395, %get3A_90 : vector<16xf32>
      %get3A_397 = arith.index_cast %add3A_388 : i32 to index
      %get3A_398 = arith.constant 16 : index
      %get3A_399 = tpu.vector_load %arg10[%get3A_397, %get3A_398] {strides = array<i32>} : memref<512x64xf32, #tpu.memory_space<vmem>>, vector<16xf32>,
      %get3A_400 = arith.index_cast %add3A_388 : i32 to index
      %get3A_401 = arith.constant 16 : index
      %get3A_402 = tpu.vector_load %arg11[%get3A_400, %get3A_401] {strides = array<i32>} : memref<512x64xf32, #tpu.memory_space<vmem>>, vector<16xf32>,
      %mul3A_403 = arith.mulf %get3A_399, %get3A_402 : vector<16xf32>
      %mul3A_404 = arith.mulf %mul3A_403, %get3A_92 : vector<16xf32>
      %get3A_405 = arith.index_cast %add3A_388 : i32 to index
      %get3A_406 = arith.constant 32 : index
      %get3A_407 = tpu.vector_load %arg10[%get3A_405, %get3A_406] {strides = array<i32>} : memref<512x64xf32, #tpu.memory_space<vmem>>, vector<16xf32>,
      %get3A_408 = arith.index_cast %add3A_388 : i32 to index
      %get3A_409 = arith.constant 32 : index
      %get3A_410 = tpu.vector_load %arg11[%get3A_408, %get3A_409] {strides = array<i32>} : memref<512x64xf32, #tpu.memory_space<vmem>>, vector<16xf32>,
      %mul3A_411 = arith.mulf %get3A_407, %get3A_410 : vector<16xf32>
      %mul3A_412 = arith.mulf %mul3A_411, %get3A_94 : vector<16xf32>
      %get3A_413 = arith.index_cast %add3A_388 : i32 to index
      %get3A_414 = arith.constant 48 : index
      %get3A_415 = tpu.vector_load %arg10[%get3A_413, %get3A_414] {strides = array<i32>} : memref<512x64xf32, #tpu.memory_space<vmem>>, vector<16xf32>,
      %get3A_416 = arith.index_cast %add3A_388 : i32 to index
      %get3A_417 = arith.constant 48 : index
      %get3A_418 = tpu.vector_load %arg11[%get3A_416, %get3A_417] {strides = array<i32>} : memref<512x64xf32, #tpu.memory_space<vmem>>, vector<16xf32>,
      %mul3A_419 = arith.mulf %get3A_415, %get3A_418 : vector<16xf32>
      %mul3A_420 = arith.mulf %mul3A_419, %get3A_96 : vector<16xf32>
      %add3A_421 = arith.addf %mul3A_396, %mul3A_404 : vector<16xf32>
      %add3A_422 = arith.addf %mul3A_412, %mul3A_420 : vector<16xf32>
      %add3A_423 = arith.addf %add3A_421, %add3A_422 : vector<16xf32>
      %swap3A_424 = arith.constant 4 : i32
      %swap3A_425 = arith.index_cast %scan3A_209 : i32 to index
      %swap3A_426 = arith.index_cast %swap3A_424 : i32 to index
      %swap3A_427 = arith.constant 0 : index
      %swap3A_428 = tpu.vector_load %arg14[%swap3A_425, %swap3A_426, %swap3A_427] {strides = array<i32>} : memref<32x16x17xf32, #tpu.memory_space<vmem>>, vector<16xf32>,
      tpu.vector_store %arg14[%swap3A_425, %swap3A_426, %swap3A_427], %add3A_423 {strides = array<i32>} : memref<32x16x17xf32, #tpu.memory_space<vmem>>, vector<16xf32>,
      %mul3A_429 = arith.constant 16 : i32
      %mul3A_430 = arith.muli %scan3A_209, %mul3A_429 : i32
      %add3A_431 = arith.constant 5 : i32
      %add3A_432 = arith.addi %mul3A_430, %add3A_431 : i32
      %get3A_433 = arith.index_cast %add3A_432 : i32 to index
      %get3A_434 = arith.constant 0 : index
      %get3A_435 = tpu.vector_load %arg10[%get3A_433, %get3A_434] {strides = array<i32>} : memref<512x64xf32, #tpu.memory_space<vmem>>, vector<16xf32>,
      %get3A_436 = arith.index_cast %add3A_432 : i32 to index
      %get3A_437 = arith.constant 0 : index
      %get3A_438 = tpu.vector_load %arg11[%get3A_436, %get3A_437] {strides = array<i32>} : memref<512x64xf32, #tpu.memory_space<vmem>>, vector<16xf32>,
      %mul3A_439 = arith.mulf %get3A_435, %get3A_438 : vector<16xf32>
      %mul3A_440 = arith.mulf %mul3A_439, %get3A_90 : vector<16xf32>
      %get3A_441 = arith.index_cast %add3A_432 : i32 to index
      %get3A_442 = arith.constant 16 : index
      %get3A_443 = tpu.vector_load %arg10[%get3A_441, %get3A_442] {strides = array<i32>} : memref<512x64xf32, #tpu.memory_space<vmem>>, vector<16xf32>,
      %get3A_444 = arith.index_cast %add3A_432 : i32 to index
      %get3A_445 = arith.constant 16 : index
      %get3A_446 = tpu.vector_load %arg11[%get3A_444, %get3A_445] {strides = array<i32>} : memref<512x64xf32, #tpu.memory_space<vmem>>, vector<16xf32>,
      %mul3A_447 = arith.mulf %get3A_443, %get3A_446 : vector<16xf32>
      %mul3A_448 = arith.mulf %mul3A_447, %get3A_92 : vector<16xf32>
      %get3A_449 = arith.index_cast %add3A_432 : i32 to index
      %get3A_450 = arith.constant 32 : index
      %get3A_451 = tpu.vector_load %arg10[%get3A_449, %get3A_450] {strides = array<i32>} : memref<512x64xf32, #tpu.memory_space<vmem>>, vector<16xf32>,
      %get3A_452 = arith.index_cast %add3A_432 : i32 to index
      %get3A_453 = arith.constant 32 : index
      %get3A_454 = tpu.vector_load %arg11[%get3A_452, %get3A_453] {strides = array<i32>} : memref<512x64xf32, #tpu.memory_space<vmem>>, vector<16xf32>,
      %mul3A_455 = arith.mulf %get3A_451, %get3A_454 : vector<16xf32>
      %mul3A_456 = arith.mulf %mul3A_455, %get3A_94 : vector<16xf32>
      %get3A_457 = arith.index_cast %add3A_432 : i32 to index
      %get3A_458 = arith.constant 48 : index
      %get3A_459 = tpu.vector_load %arg10[%get3A_457, %get3A_458] {strides = array<i32>} : memref<512x64xf32, #tpu.memory_space<vmem>>, vector<16xf32>,
      %get3A_460 = arith.index_cast %add3A_432 : i32 to index
      %get3A_461 = arith.constant 48 : index
      %get3A_462 = tpu.vector_load %arg11[%get3A_460, %get3A_461] {strides = array<i32>} : memref<512x64xf32, #tpu.memory_space<vmem>>, vector<16xf32>,
      %mul3A_463 = arith.mulf %get3A_459, %get3A_462 : vector<16xf32>
      %mul3A_464 = arith.mulf %mul3A_463, %get3A_96 : vector<16xf32>
      %add3A_465 = arith.addf %mul3A_440, %mul3A_448 : vector<16xf32>
      %add3A_466 = arith.addf %mul3A_456, %mul3A_464 : vector<16xf32>
      %add3A_467 = arith.addf %add3A_465, %add3A_466 : vector<16xf32>
      %swap3A_468 = arith.constant 5 : i32
      %swap3A_469 = arith.index_cast %scan3A_209 : i32 to index
      %swap3A_470 = arith.index_cast %swap3A_468 : i32 to index
      %swap3A_471 = arith.constant 0 : index
      %swap3A_472 = tpu.vector_load %arg14[%swap3A_469, %swap3A_470, %swap3A_471] {strides = array<i32>} : memref<32x16x17xf32, #tpu.memory_space<vmem>>, vector<16xf32>,
      tpu.vector_store %arg14[%swap3A_469, %swap3A_470, %swap3A_471], %add3A_467 {strides = array<i32>} : memref<32x16x17xf32, #tpu.memory_space<vmem>>, vector<16xf32>,
      %mul3A_473 = arith.constant 16 : i32
      %mul3A_474 = arith.muli %scan3A_209, %mul3A_473 : i32
      %add3A_475 = arith.constant 6 : i32
      %add3A_476 = arith.addi %mul3A_474, %add3A_475 : i32
      %get3A_477 = arith.index_cast %add3A_476 : i32 to index
      %get3A_478 = arith.constant 0 : index
      %get3A_479 = tpu.vector_load %arg10[%get3A_477, %get3A_478] {strides = array<i32>} : memref<512x64xf32, #tpu.memory_space<vmem>>, vector<16xf32>,
      %get3A_480 = arith.index_cast %add3A_476 : i32 to index
      %get3A_481 = arith.constant 0 : index
      %get3A_482 = tpu.vector_load %arg11[%get3A_480, %get3A_481] {strides = array<i32>} : memref<512x64xf32, #tpu.memory_space<vmem>>, vector<16xf32>,
      %mul3A_483 = arith.mulf %get3A_479, %get3A_482 : vector<16xf32>
      %mul3A_484 = arith.mulf %mul3A_483, %get3A_90 : vector<16xf32>
      %get3A_485 = arith.index_cast %add3A_476 : i32 to index
      %get3A_486 = arith.constant 16 : index
      %get3A_487 = tpu.vector_load %arg10[%get3A_485, %get3A_486] {strides = array<i32>} : memref<512x64xf32, #tpu.memory_space<vmem>>, vector<16xf32>,
      %get3A_488 = arith.index_cast %add3A_476 : i32 to index
      %get3A_489 = arith.constant 16 : index
      %get3A_490 = tpu.vector_load %arg11[%get3A_488, %get3A_489] {strides = array<i32>} : memref<512x64xf32, #tpu.memory_space<vmem>>, vector<16xf32>,
      %mul3A_491 = arith.mulf %get3A_487, %get3A_490 : vector<16xf32>
      %mul3A_492 = arith.mulf %mul3A_491, %get3A_92 : vector<16xf32>
      %get3A_493 = arith.index_cast %add3A_476 : i32 to index
      %get3A_494 = arith.constant 32 : index
      %get3A_495 = tpu.vector_load %arg10[%get3A_493, %get3A_494] {strides = array<i32>} : memref<512x64xf32, #tpu.memory_space<vmem>>, vector<16xf32>,
      %get3A_496 = arith.index_cast %add3A_476 : i32 to index
      %get3A_497 = arith.constant 32 : index
      %get3A_498 = tpu.vector_load %arg11[%get3A_496, %get3A_497] {strides = array<i32>} : memref<512x64xf32, #tpu.memory_space<vmem>>, vector<16xf32>,
      %mul3A_499 = arith.mulf %get3A_495, %get3A_498 : vector<16xf32>
      %mul3A_500 = arith.mulf %mul3A_499, %get3A_94 : vector<16xf32>
      %get3A_501 = arith.index_cast %add3A_476 : i32 to index
      %get3A_502 = arith.constant 48 : index
      %get3A_503 = tpu.vector_load %arg10[%get3A_501, %get3A_502] {strides = array<i32>} : memref<512x64xf32, #tpu.memory_space<vmem>>, vector<16xf32>,
      %get3A_504 = arith.index_cast %add3A_476 : i32 to index
      %get3A_505 = arith.constant 48 : index
      %get3A_506 = tpu.vector_load %arg11[%get3A_504, %get3A_505] {strides = array<i32>} : memref<512x64xf32, #tpu.memory_space<vmem>>, vector<16xf32>,
      %mul3A_507 = arith.mulf %get3A_503, %get3A_506 : vector<16xf32>
      %mul3A_508 = arith.mulf %mul3A_507, %get3A_96 : vector<16xf32>
      %add3A_509 = arith.addf %mul3A_484, %mul3A_492 : vector<16xf32>
      %add3A_510 = arith.addf %mul3A_500, %mul3A_508 : vector<16xf32>
      %add3A_511 = arith.addf %add3A_509, %add3A_510 : vector<16xf32>
      %swap3A_512 = arith.constant 6 : i32
      %swap3A_513 = arith.index_cast %scan3A_209 : i32 to index
      %swap3A_514 = arith.index_cast %swap3A_512 : i32 to index
      %swap3A_515 = arith.constant 0 : index
      %swap3A_516 = tpu.vector_load %arg14[%swap3A_513, %swap3A_514, %swap3A_515] {strides = array<i32>} : memref<32x16x17xf32, #tpu.memory_space<vmem>>, vector<16xf32>,
      tpu.vector_store %arg14[%swap3A_513, %swap3A_514, %swap3A_515], %add3A_511 {strides = array<i32>} : memref<32x16x17xf32, #tpu.memory_space<vmem>>, vector<16xf32>,
      %mul3A_517 = arith.constant 16 : i32
      %mul3A_518 = arith.muli %scan3A_209, %mul3A_517 : i32
      %add3A_519 = arith.constant 7 : i32
      %add3A_520 = arith.addi %mul3A_518, %add3A_519 : i32
      %get3A_521 = arith.index_cast %add3A_520 : i32 to index
      %get3A_522 = arith.constant 0 : index
      %get3A_523 = tpu.vector_load %arg10[%get3A_521, %get3A_522] {strides = array<i32>} : memref<512x64xf32, #tpu.memory_space<vmem>>, vector<16xf32>,
      %get3A_524 = arith.index_cast %add3A_520 : i32 to index
      %get3A_525 = arith.constant 0 : index
      %get3A_526 = tpu.vector_load %arg11[%get3A_524, %get3A_525] {strides = array<i32>} : memref<512x64xf32, #tpu.memory_space<vmem>>, vector<16xf32>,
      %mul3A_527 = arith.mulf %get3A_523, %get3A_526 : vector<16xf32>
      %mul3A_528 = arith.mulf %mul3A_527, %get3A_90 : vector<16xf32>
      %get3A_529 = arith.index_cast %add3A_520 : i32 to index
      %get3A_530 = arith.constant 16 : index
      %get3A_531 = tpu.vector_load %arg10[%get3A_529, %get3A_530] {strides = array<i32>} : memref<512x64xf32, #tpu.memory_space<vmem>>, vector<16xf32>,
      %get3A_532 = arith.index_cast %add3A_520 : i32 to index
      %get3A_533 = arith.constant 16 : index
      %get3A_534 = tpu.vector_load %arg11[%get3A_532, %get3A_533] {strides = array<i32>} : memref<512x64xf32, #tpu.memory_space<vmem>>, vector<16xf32>,
      %mul3A_535 = arith.mulf %get3A_531, %get3A_534 : vector<16xf32>
      %mul3A_536 = arith.mulf %mul3A_535, %get3A_92 : vector<16xf32>
      %get3A_537 = arith.index_cast %add3A_520 : i32 to index
      %get3A_538 = arith.constant 32 : index
      %get3A_539 = tpu.vector_load %arg10[%get3A_537, %get3A_538] {strides = array<i32>} : memref<512x64xf32, #tpu.memory_space<vmem>>, vector<16xf32>,
      %get3A_540 = arith.index_cast %add3A_520 : i32 to index
      %get3A_541 = arith.constant 32 : index
      %get3A_542 = tpu.vector_load %arg11[%get3A_540, %get3A_541] {strides = array<i32>} : memref<512x64xf32, #tpu.memory_space<vmem>>, vector<16xf32>,
      %mul3A_543 = arith.mulf %get3A_539, %get3A_542 : vector<16xf32>
      %mul3A_544 = arith.mulf %mul3A_543, %get3A_94 : vector<16xf32>
      %get3A_545 = arith.index_cast %add3A_520 : i32 to index
      %get3A_546 = arith.constant 48 : index
      %get3A_547 = tpu.vector_load %arg10[%get3A_545, %get3A_546] {strides = array<i32>} : memref<512x64xf32, #tpu.memory_space<vmem>>, vector<16xf32>,
      %get3A_548 = arith.index_cast %add3A_520 : i32 to index
      %get3A_549 = arith.constant 48 : index
      %get3A_550 = tpu.vector_load %arg11[%get3A_548, %get3A_549] {strides = array<i32>} : memref<512x64xf32, #tpu.memory_space<vmem>>, vector<16xf32>,
      %mul3A_551 = arith.mulf %get3A_547, %get3A_550 : vector<16xf32>
      %mul3A_552 = arith.mulf %mul3A_551, %get3A_96 : vector<16xf32>
      %add3A_553 = arith.addf %mul3A_528, %mul3A_536 : vector<16xf32>
      %add3A_554 = arith.addf %mul3A_544, %mul3A_552 : vector<16xf32>
      %add3A_555 = arith.addf %add3A_553, %add3A_554 : vector<16xf32>
      %swap3A_556 = arith.constant 7 : i32
      %swap3A_557 = arith.index_cast %scan3A_209 : i32 to index
      %swap3A_558 = arith.index_cast %swap3A_556 : i32 to index
      %swap3A_559 = arith.constant 0 : index
      %swap3A_560 = tpu.vector_load %arg14[%swap3A_557, %swap3A_558, %swap3A_559] {strides = array<i32>} : memref<32x16x17xf32, #tpu.memory_space<vmem>>, vector<16xf32>,
      tpu.vector_store %arg14[%swap3A_557, %swap3A_558, %swap3A_559], %add3A_555 {strides = array<i32>} : memref<32x16x17xf32, #tpu.memory_space<vmem>>, vector<16xf32>,
      %mul3A_561 = arith.constant 16 : i32
      %mul3A_562 = arith.muli %scan3A_209, %mul3A_561 : i32
      %add3A_563 = arith.constant 8 : i32
      %add3A_564 = arith.addi %mul3A_562, %add3A_563 : i32
      %get3A_565 = arith.index_cast %add3A_564 : i32 to index
      %get3A_566 = arith.constant 0 : index
      %get3A_567 = tpu.vector_load %arg10[%get3A_565, %get3A_566] {strides = array<i32>} : memref<512x64xf32, #tpu.memory_space<vmem>>, vector<16xf32>,
      %get3A_568 = arith.index_cast %add3A_564 : i32 to index
      %get3A_569 = arith.constant 0 : index
      %get3A_570 = tpu.vector_load %arg11[%get3A_568, %get3A_569] {strides = array<i32>} : memref<512x64xf32, #tpu.memory_space<vmem>>, vector<16xf32>,
      %mul3A_571 = arith.mulf %get3A_567, %get3A_570 : vector<16xf32>
      %mul3A_572 = arith.mulf %mul3A_571, %get3A_90 : vector<16xf32>
      %get3A_573 = arith.index_cast %add3A_564 : i32 to index
      %get3A_574 = arith.constant 16 : index
      %get3A_575 = tpu.vector_load %arg10[%get3A_573, %get3A_574] {strides = array<i32>} : memref<512x64xf32, #tpu.memory_space<vmem>>, vector<16xf32>,
      %get3A_576 = arith.index_cast %add3A_564 : i32 to index
      %get3A_577 = arith.constant 16 : index
      %get3A_578 = tpu.vector_load %arg11[%get3A_576, %get3A_577] {strides = array<i32>} : memref<512x64xf32, #tpu.memory_space<vmem>>, vector<16xf32>,
      %mul3A_579 = arith.mulf %get3A_575, %get3A_578 : vector<16xf32>
      %mul3A_580 = arith.mulf %mul3A_579, %get3A_92 : vector<16xf32>
      %get3A_581 = arith.index_cast %add3A_564 : i32 to index
      %get3A_582 = arith.constant 32 : index
      %get3A_583 = tpu.vector_load %arg10[%get3A_581, %get3A_582] {strides = array<i32>} : memref<512x64xf32, #tpu.memory_space<vmem>>, vector<16xf32>,
      %get3A_584 = arith.index_cast %add3A_564 : i32 to index
      %get3A_585 = arith.constant 32 : index
      %get3A_586 = tpu.vector_load %arg11[%get3A_584, %get3A_585] {strides = array<i32>} : memref<512x64xf32, #tpu.memory_space<vmem>>, vector<16xf32>,
      %mul3A_587 = arith.mulf %get3A_583, %get3A_586 : vector<16xf32>
      %mul3A_588 = arith.mulf %mul3A_587, %get3A_94 : vector<16xf32>
      %get3A_589 = arith.index_cast %add3A_564 : i32 to index
      %get3A_590 = arith.constant 48 : index
      %get3A_591 = tpu.vector_load %arg10[%get3A_589, %get3A_590] {strides = array<i32>} : memref<512x64xf32, #tpu.memory_space<vmem>>, vector<16xf32>,
      %get3A_592 = arith.index_cast %add3A_564 : i32 to index
      %get3A_593 = arith.constant 48 : index
      %get3A_594 = tpu.vector_load %arg11[%get3A_592, %get3A_593] {strides = array<i32>} : memref<512x64xf32, #tpu.memory_space<vmem>>, vector<16xf32>,
      %mul3A_595 = arith.mulf %get3A_591, %get3A_594 : vector<16xf32>
      %mul3A_596 = arith.mulf %mul3A_595, %get3A_96 : vector<16xf32>
      %add3A_597 = arith.addf %mul3A_572, %mul3A_580 : vector<16xf32>
      %add3A_598 = arith.addf %mul3A_588, %mul3A_596 : vector<16xf32>
      %add3A_599 = arith.addf %add3A_597, %add3A_598 : vector<16xf32>
      %swap3A_600 = arith.constant 8 : i32
      %swap3A_601 = arith.index_cast %scan3A_209 : i32 to index
      %swap3A_602 = arith.index_cast %swap3A_600 : i32 to index
      %swap3A_603 = arith.constant 0 : index
      %swap3A_604 = tpu.vector_load %arg14[%swap3A_601, %swap3A_602, %swap3A_603] {strides = array<i32>} : memref<32x16x17xf32, #tpu.memory_space<vmem>>, vector<16xf32>,
      tpu.vector_store %arg14[%swap3A_601, %swap3A_602, %swap3A_603], %add3A_599 {strides = array<i32>} : memref<32x16x17xf32, #tpu.memory_space<vmem>>, vector<16xf32>,
      %mul3A_605 = arith.constant 16 : i32
      %mul3A_606 = arith.muli %scan3A_209, %mul3A_605 : i32
      %add3A_607 = arith.constant 9 : i32
      %add3A_608 = arith.addi %mul3A_606, %add3A_607 : i32
      %get3A_609 = arith.index_cast %add3A_608 : i32 to index
      %get3A_610 = arith.constant 0 : index
      %get3A_611 = tpu.vector_load %arg10[%get3A_609, %get3A_610] {strides = array<i32>} : memref<512x64xf32, #tpu.memory_space<vmem>>, vector<16xf32>,
      %get3A_612 = arith.index_cast %add3A_608 : i32 to index
      %get3A_613 = arith.constant 0 : index
      %get3A_614 = tpu.vector_load %arg11[%get3A_612, %get3A_613] {strides = array<i32>} : memref<512x64xf32, #tpu.memory_space<vmem>>, vector<16xf32>,
      %mul3A_615 = arith.mulf %get3A_611, %get3A_614 : vector<16xf32>
      %mul3A_616 = arith.mulf %mul3A_615, %get3A_90 : vector<16xf32>
      %get3A_617 = arith.index_cast %add3A_608 : i32 to index
      %get3A_618 = arith.constant 16 : index
      %get3A_619 = tpu.vector_load %arg10[%get3A_617, %get3A_618] {strides = array<i32>} : memref<512x64xf32, #tpu.memory_space<vmem>>, vector<16xf32>,
      %get3A_620 = arith.index_cast %add3A_608 : i32 to index
      %get3A_621 = arith.constant 16 : index
      %get3A_622 = tpu.vector_load %arg11[%get3A_620, %get3A_621] {strides = array<i32>} : memref<512x64xf32, #tpu.memory_space<vmem>>, vector<16xf32>,
      %mul3A_623 = arith.mulf %get3A_619, %get3A_622 : vector<16xf32>
      %mul3A_624 = arith.mulf %mul3A_623, %get3A_92 : vector<16xf32>
      %get3A_625 = arith.index_cast %add3A_608 : i32 to index
      %get3A_626 = arith.constant 32 : index
      %get3A_627 = tpu.vector_load %arg10[%get3A_625, %get3A_626] {strides = array<i32>} : memref<512x64xf32, #tpu.memory_space<vmem>>, vector<16xf32>,
      %get3A_628 = arith.index_cast %add3A_608 : i32 to index
      %get3A_629 = arith.constant 32 : index
      %get3A_630 = tpu.vector_load %arg11[%get3A_628, %get3A_629] {strides = array<i32>} : memref<512x64xf32, #tpu.memory_space<vmem>>, vector<16xf32>,
      %mul3A_631 = arith.mulf %get3A_627, %get3A_630 : vector<16xf32>
      %mul3A_632 = arith.mulf %mul3A_631, %get3A_94 : vector<16xf32>
      %get3A_633 = arith.index_cast %add3A_608 : i32 to index
      %get3A_634 = arith.constant 48 : index
      %get3A_635 = tpu.vector_load %arg10[%get3A_633, %get3A_634] {strides = array<i32>} : memref<512x64xf32, #tpu.memory_space<vmem>>, vector<16xf32>,
      %get3A_636 = arith.index_cast %add3A_608 : i32 to index
      %get3A_637 = arith.constant 48 : index
      %get3A_638 = tpu.vector_load %arg11[%get3A_636, %get3A_637] {strides = array<i32>} : memref<512x64xf32, #tpu.memory_space<vmem>>, vector<16xf32>,
      %mul3A_639 = arith.mulf %get3A_635, %get3A_638 : vector<16xf32>
      %mul3A_640 = arith.mulf %mul3A_639, %get3A_96 : vector<16xf32>
      %add3A_641 = arith.addf %mul3A_616, %mul3A_624 : vector<16xf32>
      %add3A_642 = arith.addf %mul3A_632, %mul3A_640 : vector<16xf32>
      %add3A_643 = arith.addf %add3A_641, %add3A_642 : vector<16xf32>
      %swap3A_644 = arith.constant 9 : i32
      %swap3A_645 = arith.index_cast %scan3A_209 : i32 to index
      %swap3A_646 = arith.index_cast %swap3A_644 : i32 to index
      %swap3A_647 = arith.constant 0 : index
      %swap3A_648 = tpu.vector_load %arg14[%swap3A_645, %swap3A_646, %swap3A_647] {strides = array<i32>} : memref<32x16x17xf32, #tpu.memory_space<vmem>>, vector<16xf32>,
      tpu.vector_store %arg14[%swap3A_645, %swap3A_646, %swap3A_647], %add3A_643 {strides = array<i32>} : memref<32x16x17xf32, #tpu.memory_space<vmem>>, vector<16xf32>,
      %mul3A_649 = arith.constant 16 : i32
      %mul3A_650 = arith.muli %scan3A_209, %mul3A_649 : i32
      %add3A_651 = arith.constant 10 : i32
      %add3A_652 = arith.addi %mul3A_650, %add3A_651 : i32
      %get3A_653 = arith.index_cast %add3A_652 : i32 to index
      %get3A_654 = arith.constant 0 : index
      %get3A_655 = tpu.vector_load %arg10[%get3A_653, %get3A_654] {strides = array<i32>} : memref<512x64xf32, #tpu.memory_space<vmem>>, vector<16xf32>,
      %get3A_656 = arith.index_cast %add3A_652 : i32 to index
      %get3A_657 = arith.constant 0 : index
      %get3A_658 = tpu.vector_load %arg11[%get3A_656, %get3A_657] {strides = array<i32>} : memref<512x64xf32, #tpu.memory_space<vmem>>, vector<16xf32>,
      %mul3A_659 = arith.mulf %get3A_655, %get3A_658 : vector<16xf32>
      %mul3A_660 = arith.mulf %mul3A_659, %get3A_90 : vector<16xf32>
      %get3A_661 = arith.index_cast %add3A_652 : i32 to index
      %get3A_662 = arith.constant 16 : index
      %get3A_663 = tpu.vector_load %arg10[%get3A_661, %get3A_662] {strides = array<i32>} : memref<512x64xf32, #tpu.memory_space<vmem>>, vector<16xf32>,
      %get3A_664 = arith.index_cast %add3A_652 : i32 to index
      %get3A_665 = arith.constant 16 : index
      %get3A_666 = tpu.vector_load %arg11[%get3A_664, %get3A_665] {strides = array<i32>} : memref<512x64xf32, #tpu.memory_space<vmem>>, vector<16xf32>,
      %mul3A_667 = arith.mulf %get3A_663, %get3A_666 : vector<16xf32>
      %mul3A_668 = arith.mulf %mul3A_667, %get3A_92 : vector<16xf32>
      %get3A_669 = arith.index_cast %add3A_652 : i32 to index
      %get3A_670 = arith.constant 32 : index
      %get3A_671 = tpu.vector_load %arg10[%get3A_669, %get3A_670] {strides = array<i32>} : memref<512x64xf32, #tpu.memory_space<vmem>>, vector<16xf32>,
      %get3A_672 = arith.index_cast %add3A_652 : i32 to index
      %get3A_673 = arith.constant 32 : index
      %get3A_674 = tpu.vector_load %arg11[%get3A_672, %get3A_673] {strides = array<i32>} : memref<512x64xf32, #tpu.memory_space<vmem>>, vector<16xf32>,
      %mul3A_675 = arith.mulf %get3A_671, %get3A_674 : vector<16xf32>
      %mul3A_676 = arith.mulf %mul3A_675, %get3A_94 : vector<16xf32>
      %get3A_677 = arith.index_cast %add3A_652 : i32 to index
      %get3A_678 = arith.constant 48 : index
      %get3A_679 = tpu.vector_load %arg10[%get3A_677, %get3A_678] {strides = array<i32>} : memref<512x64xf32, #tpu.memory_space<vmem>>, vector<16xf32>,
      %get3A_680 = arith.index_cast %add3A_652 : i32 to index
      %get3A_681 = arith.constant 48 : index
      %get3A_682 = tpu.vector_load %arg11[%get3A_680, %get3A_681] {strides = array<i32>} : memref<512x64xf32, #tpu.memory_space<vmem>>, vector<16xf32>,
      %mul3A_683 = arith.mulf %get3A_679, %get3A_682 : vector<16xf32>
      %mul3A_684 = arith.mulf %mul3A_683, %get3A_96 : vector<16xf32>
      %add3A_685 = arith.addf %mul3A_660, %mul3A_668 : vector<16xf32>
      %add3A_686 = arith.addf %mul3A_676, %mul3A_684 : vector<16xf32>
      %add3A_687 = arith.addf %add3A_685, %add3A_686 : vector<16xf32>
      %swap3A_688 = arith.constant 10 : i32
      %swap3A_689 = arith.index_cast %scan3A_209 : i32 to index
      %swap3A_690 = arith.index_cast %swap3A_688 : i32 to index
      %swap3A_691 = arith.constant 0 : index
      %swap3A_692 = tpu.vector_load %arg14[%swap3A_689, %swap3A_690, %swap3A_691] {strides = array<i32>} : memref<32x16x17xf32, #tpu.memory_space<vmem>>, vector<16xf32>,
      tpu.vector_store %arg14[%swap3A_689, %swap3A_690, %swap3A_691], %add3A_687 {strides = array<i32>} : memref<32x16x17xf32, #tpu.memory_space<vmem>>, vector<16xf32>,
      %mul3A_693 = arith.constant 16 : i32
      %mul3A_694 = arith.muli %scan3A_209, %mul3A_693 : i32
      %add3A_695 = arith.constant 11 : i32
      %add3A_696 = arith.addi %mul3A_694, %add3A_695 : i32
      %get3A_697 = arith.index_cast %add3A_696 : i32 to index
      %get3A_698 = arith.constant 0 : index
      %get3A_699 = tpu.vector_load %arg10[%get3A_697, %get3A_698] {strides = array<i32>} : memref<512x64xf32, #tpu.memory_space<vmem>>, vector<16xf32>,
      %get3A_700 = arith.index_cast %add3A_696 : i32 to index
      %get3A_701 = arith.constant 0 : index
      %get3A_702 = tpu.vector_load %arg11[%get3A_700, %get3A_701] {strides = array<i32>} : memref<512x64xf32, #tpu.memory_space<vmem>>, vector<16xf32>,
      %mul3A_703 = arith.mulf %get3A_699, %get3A_702 : vector<16xf32>
      %mul3A_704 = arith.mulf %mul3A_703, %get3A_90 : vector<16xf32>
      %get3A_705 = arith.index_cast %add3A_696 : i32 to index
      %get3A_706 = arith.constant 16 : index
      %get3A_707 = tpu.vector_load %arg10[%get3A_705, %get3A_706] {strides = array<i32>} : memref<512x64xf32, #tpu.memory_space<vmem>>, vector<16xf32>,
      %get3A_708 = arith.index_cast %add3A_696 : i32 to index
      %get3A_709 = arith.constant 16 : index
      %get3A_710 = tpu.vector_load %arg11[%get3A_708, %get3A_709] {strides = array<i32>} : memref<512x64xf32, #tpu.memory_space<vmem>>, vector<16xf32>,
      %mul3A_711 = arith.mulf %get3A_707, %get3A_710 : vector<16xf32>
      %mul3A_712 = arith.mulf %mul3A_711, %get3A_92 : vector<16xf32>
      %get3A_713 = arith.index_cast %add3A_696 : i32 to index
      %get3A_714 = arith.constant 32 : index
      %get3A_715 = tpu.vector_load %arg10[%get3A_713, %get3A_714] {strides = array<i32>} : memref<512x64xf32, #tpu.memory_space<vmem>>, vector<16xf32>,
      %get3A_716 = arith.index_cast %add3A_696 : i32 to index
      %get3A_717 = arith.constant 32 : index
      %get3A_718 = tpu.vector_load %arg11[%get3A_716, %get3A_717] {strides = array<i32>} : memref<512x64xf32, #tpu.memory_space<vmem>>, vector<16xf32>,
      %mul3A_719 = arith.mulf %get3A_715, %get3A_718 : vector<16xf32>
      %mul3A_720 = arith.mulf %mul3A_719, %get3A_94 : vector<16xf32>
      %get3A_721 = arith.index_cast %add3A_696 : i32 to index
      %get3A_722 = arith.constant 48 : index
      %get3A_723 = tpu.vector_load %arg10[%get3A_721, %get3A_722] {strides = array<i32>} : memref<512x64xf32, #tpu.memory_space<vmem>>, vector<16xf32>,
      %get3A_724 = arith.index_cast %add3A_696 : i32 to index
      %get3A_725 = arith.constant 48 : index
      %get3A_726 = tpu.vector_load %arg11[%get3A_724, %get3A_725] {strides = array<i32>} : memref<512x64xf32, #tpu.memory_space<vmem>>, vector<16xf32>,
      %mul3A_727 = arith.mulf %get3A_723, %get3A_726 : vector<16xf32>
      %mul3A_728 = arith.mulf %mul3A_727, %get3A_96 : vector<16xf32>
      %add3A_729 = arith.addf %mul3A_704, %mul3A_712 : vector<16xf32>
      %add3A_730 = arith.addf %mul3A_720, %mul3A_728 : vector<16xf32>
      %add3A_731 = arith.addf %add3A_729, %add3A_730 : vector<16xf32>
      %swap3A_732 = arith.constant 11 : i32
      %swap3A_733 = arith.index_cast %scan3A_209 : i32 to index
      %swap3A_734 = arith.index_cast %swap3A_732 : i32 to index
      %swap3A_735 = arith.constant 0 : index
      %swap3A_736 = tpu.vector_load %arg14[%swap3A_733, %swap3A_734, %swap3A_735] {strides = array<i32>} : memref<32x16x17xf32, #tpu.memory_space<vmem>>, vector<16xf32>,
      tpu.vector_store %arg14[%swap3A_733, %swap3A_734, %swap3A_735], %add3A_731 {strides = array<i32>} : memref<32x16x17xf32, #tpu.memory_space<vmem>>, vector<16xf32>,
      %mul3A_737 = arith.constant 16 : i32
      %mul3A_738 = arith.muli %scan3A_209, %mul3A_737 : i32
      %add3A_739 = arith.constant 12 : i32
      %add3A_740 = arith.addi %mul3A_738, %add3A_739 : i32
      %get3A_741 = arith.index_cast %add3A_740 : i32 to index
      %get3A_742 = arith.constant 0 : index
      %get3A_743 = tpu.vector_load %arg10[%get3A_741, %get3A_742] {strides = array<i32>} : memref<512x64xf32, #tpu.memory_space<vmem>>, vector<16xf32>,
      %get3A_744 = arith.index_cast %add3A_740 : i32 to index
      %get3A_745 = arith.constant 0 : index
      %get3A_746 = tpu.vector_load %arg11[%get3A_744, %get3A_745] {strides = array<i32>} : memref<512x64xf32, #tpu.memory_space<vmem>>, vector<16xf32>,
      %mul3A_747 = arith.mulf %get3A_743, %get3A_746 : vector<16xf32>
      %mul3A_748 = arith.mulf %mul3A_747, %get3A_90 : vector<16xf32>
      %get3A_749 = arith.index_cast %add3A_740 : i32 to index
      %get3A_750 = arith.constant 16 : index
      %get3A_751 = tpu.vector_load %arg10[%get3A_749, %get3A_750] {strides = array<i32>} : memref<512x64xf32, #tpu.memory_space<vmem>>, vector<16xf32>,
      %get3A_752 = arith.index_cast %add3A_740 : i32 to index
      %get3A_753 = arith.constant 16 : index
      %get3A_754 = tpu.vector_load %arg11[%get3A_752, %get3A_753] {strides = array<i32>} : memref<512x64xf32, #tpu.memory_space<vmem>>, vector<16xf32>,
      %mul3A_755 = arith.mulf %get3A_751, %get3A_754 : vector<16xf32>
      %mul3A_756 = arith.mulf %mul3A_755, %get3A_92 : vector<16xf32>
      %get3A_757 = arith.index_cast %add3A_740 : i32 to index
      %get3A_758 = arith.constant 32 : index
      %get3A_759 = tpu.vector_load %arg10[%get3A_757, %get3A_758] {strides = array<i32>} : memref<512x64xf32, #tpu.memory_space<vmem>>, vector<16xf32>,
      %get3A_760 = arith.index_cast %add3A_740 : i32 to index
      %get3A_761 = arith.constant 32 : index
      %get3A_762 = tpu.vector_load %arg11[%get3A_760, %get3A_761] {strides = array<i32>} : memref<512x64xf32, #tpu.memory_space<vmem>>, vector<16xf32>,
      %mul3A_763 = arith.mulf %get3A_759, %get3A_762 : vector<16xf32>
      %mul3A_764 = arith.mulf %mul3A_763, %get3A_94 : vector<16xf32>
      %get3A_765 = arith.index_cast %add3A_740 : i32 to index
      %get3A_766 = arith.constant 48 : index
      %get3A_767 = tpu.vector_load %arg10[%get3A_765, %get3A_766] {strides = array<i32>} : memref<512x64xf32, #tpu.memory_space<vmem>>, vector<16xf32>,
      %get3A_768 = arith.index_cast %add3A_740 : i32 to index
      %get3A_769 = arith.constant 48 : index
      %get3A_770 = tpu.vector_load %arg11[%get3A_768, %get3A_769] {strides = array<i32>} : memref<512x64xf32, #tpu.memory_space<vmem>>, vector<16xf32>,
      %mul3A_771 = arith.mulf %get3A_767, %get3A_770 : vector<16xf32>
      %mul3A_772 = arith.mulf %mul3A_771, %get3A_96 : vector<16xf32>
      %add3A_773 = arith.addf %mul3A_748, %mul3A_756 : vector<16xf32>
      %add3A_774 = arith.addf %mul3A_764, %mul3A_772 : vector<16xf32>
      %add3A_775 = arith.addf %add3A_773, %add3A_774 : vector<16xf32>
      %swap3A_776 = arith.constant 12 : i32
      %swap3A_777 = arith.index_cast %scan3A_209 : i32 to index
      %swap3A_778 = arith.index_cast %swap3A_776 : i32 to index
      %swap3A_779 = arith.constant 0 : index
      %swap3A_780 = tpu.vector_load %arg14[%swap3A_777, %swap3A_778, %swap3A_779] {strides = array<i32>} : memref<32x16x17xf32, #tpu.memory_space<vmem>>, vector<16xf32>,
      tpu.vector_store %arg14[%swap3A_777, %swap3A_778, %swap3A_779], %add3A_775 {strides = array<i32>} : memref<32x16x17xf32, #tpu.memory_space<vmem>>, vector<16xf32>,
      %mul3A_781 = arith.constant 16 : i32
      %mul3A_782 = arith.muli %scan3A_209, %mul3A_781 : i32
      %add3A_783 = arith.constant 13 : i32
      %add3A_784 = arith.addi %mul3A_782, %add3A_783 : i32
      %get3A_785 = arith.index_cast %add3A_784 : i32 to index
      %get3A_786 = arith.constant 0 : index
      %get3A_787 = tpu.vector_load %arg10[%get3A_785, %get3A_786] {strides = array<i32>} : memref<512x64xf32, #tpu.memory_space<vmem>>, vector<16xf32>,
      %get3A_788 = arith.index_cast %add3A_784 : i32 to index
      %get3A_789 = arith.constant 0 : index
      %get3A_790 = tpu.vector_load %arg11[%get3A_788, %get3A_789] {strides = array<i32>} : memref<512x64xf32, #tpu.memory_space<vmem>>, vector<16xf32>,
      %mul3A_791 = arith.mulf %get3A_787, %get3A_790 : vector<16xf32>
      %mul3A_792 = arith.mulf %mul3A_791, %get3A_90 : vector<16xf32>
      %get3A_793 = arith.index_cast %add3A_784 : i32 to index
      %get3A_794 = arith.constant 16 : index
      %get3A_795 = tpu.vector_load %arg10[%get3A_793, %get3A_794] {strides = array<i32>} : memref<512x64xf32, #tpu.memory_space<vmem>>, vector<16xf32>,
      %get3A_796 = arith.index_cast %add3A_784 : i32 to index
      %get3A_797 = arith.constant 16 : index
      %get3A_798 = tpu.vector_load %arg11[%get3A_796, %get3A_797] {strides = array<i32>} : memref<512x64xf32, #tpu.memory_space<vmem>>, vector<16xf32>,
      %mul3A_799 = arith.mulf %get3A_795, %get3A_798 : vector<16xf32>
      %mul3A_800 = arith.mulf %mul3A_799, %get3A_92 : vector<16xf32>
      %get3A_801 = arith.index_cast %add3A_784 : i32 to index
      %get3A_802 = arith.constant 32 : index
      %get3A_803 = tpu.vector_load %arg10[%get3A_801, %get3A_802] {strides = array<i32>} : memref<512x64xf32, #tpu.memory_space<vmem>>, vector<16xf32>,
      %get3A_804 = arith.index_cast %add3A_784 : i32 to index
      %get3A_805 = arith.constant 32 : index
      %get3A_806 = tpu.vector_load %arg11[%get3A_804, %get3A_805] {strides = array<i32>} : memref<512x64xf32, #tpu.memory_space<vmem>>, vector<16xf32>,
      %mul3A_807 = arith.mulf %get3A_803, %get3A_806 : vector<16xf32>
      %mul3A_808 = arith.mulf %mul3A_807, %get3A_94 : vector<16xf32>
      %get3A_809 = arith.index_cast %add3A_784 : i32 to index
      %get3A_810 = arith.constant 48 : index
      %get3A_811 = tpu.vector_load %arg10[%get3A_809, %get3A_810] {strides = array<i32>} : memref<512x64xf32, #tpu.memory_space<vmem>>, vector<16xf32>,
      %get3A_812 = arith.index_cast %add3A_784 : i32 to index
      %get3A_813 = arith.constant 48 : index
      %get3A_814 = tpu.vector_load %arg11[%get3A_812, %get3A_813] {strides = array<i32>} : memref<512x64xf32, #tpu.memory_space<vmem>>, vector<16xf32>,
      %mul3A_815 = arith.mulf %get3A_811, %get3A_814 : vector<16xf32>
      %mul3A_816 = arith.mulf %mul3A_815, %get3A_96 : vector<16xf32>
      %add3A_817 = arith.addf %mul3A_792, %mul3A_800 : vector<16xf32>
      %add3A_818 = arith.addf %mul3A_808, %mul3A_816 : vector<16xf32>
      %add3A_819 = arith.addf %add3A_817, %add3A_818 : vector<16xf32>
      %swap3A_820 = arith.constant 13 : i32
      %swap3A_821 = arith.index_cast %scan3A_209 : i32 to index
      %swap3A_822 = arith.index_cast %swap3A_820 : i32 to index
      %swap3A_823 = arith.constant 0 : index
      %swap3A_824 = tpu.vector_load %arg14[%swap3A_821, %swap3A_822, %swap3A_823] {strides = array<i32>} : memref<32x16x17xf32, #tpu.memory_space<vmem>>, vector<16xf32>,
      tpu.vector_store %arg14[%swap3A_821, %swap3A_822, %swap3A_823], %add3A_819 {strides = array<i32>} : memref<32x16x17xf32, #tpu.memory_space<vmem>>, vector<16xf32>,
      %mul3A_825 = arith.constant 16 : i32
      %mul3A_826 = arith.muli %scan3A_209, %mul3A_825 : i32
      %add3A_827 = arith.constant 14 : i32
      %add3A_828 = arith.addi %mul3A_826, %add3A_827 : i32
      %get3A_829 = arith.index_cast %add3A_828 : i32 to index
      %get3A_830 = arith.constant 0 : index
      %get3A_831 = tpu.vector_load %arg10[%get3A_829, %get3A_830] {strides = array<i32>} : memref<512x64xf32, #tpu.memory_space<vmem>>, vector<16xf32>,
      %get3A_832 = arith.index_cast %add3A_828 : i32 to index
      %get3A_833 = arith.constant 0 : index
      %get3A_834 = tpu.vector_load %arg11[%get3A_832, %get3A_833] {strides = array<i32>} : memref<512x64xf32, #tpu.memory_space<vmem>>, vector<16xf32>,
      %mul3A_835 = arith.mulf %get3A_831, %get3A_834 : vector<16xf32>
      %mul3A_836 = arith.mulf %mul3A_835, %get3A_90 : vector<16xf32>
      %get3A_837 = arith.index_cast %add3A_828 : i32 to index
      %get3A_838 = arith.constant 16 : index
      %get3A_839 = tpu.vector_load %arg10[%get3A_837, %get3A_838] {strides = array<i32>} : memref<512x64xf32, #tpu.memory_space<vmem>>, vector<16xf32>,
      %get3A_840 = arith.index_cast %add3A_828 : i32 to index
      %get3A_841 = arith.constant 16 : index
      %get3A_842 = tpu.vector_load %arg11[%get3A_840, %get3A_841] {strides = array<i32>} : memref<512x64xf32, #tpu.memory_space<vmem>>, vector<16xf32>,
      %mul3A_843 = arith.mulf %get3A_839, %get3A_842 : vector<16xf32>
      %mul3A_844 = arith.mulf %mul3A_843, %get3A_92 : vector<16xf32>
      %get3A_845 = arith.index_cast %add3A_828 : i32 to index
      %get3A_846 = arith.constant 32 : index
      %get3A_847 = tpu.vector_load %arg10[%get3A_845, %get3A_846] {strides = array<i32>} : memref<512x64xf32, #tpu.memory_space<vmem>>, vector<16xf32>,
      %get3A_848 = arith.index_cast %add3A_828 : i32 to index
      %get3A_849 = arith.constant 32 : index
      %get3A_850 = tpu.vector_load %arg11[%get3A_848, %get3A_849] {strides = array<i32>} : memref<512x64xf32, #tpu.memory_space<vmem>>, vector<16xf32>,
      %mul3A_851 = arith.mulf %get3A_847, %get3A_850 : vector<16xf32>
      %mul3A_852 = arith.mulf %mul3A_851, %get3A_94 : vector<16xf32>
      %get3A_853 = arith.index_cast %add3A_828 : i32 to index
      %get3A_854 = arith.constant 48 : index
      %get3A_855 = tpu.vector_load %arg10[%get3A_853, %get3A_854] {strides = array<i32>} : memref<512x64xf32, #tpu.memory_space<vmem>>, vector<16xf32>,
      %get3A_856 = arith.index_cast %add3A_828 : i32 to index
      %get3A_857 = arith.constant 48 : index
      %get3A_858 = tpu.vector_load %arg11[%get3A_856, %get3A_857] {strides = array<i32>} : memref<512x64xf32, #tpu.memory_space<vmem>>, vector<16xf32>,
      %mul3A_859 = arith.mulf %get3A_855, %get3A_858 : vector<16xf32>
      %mul3A_860 = arith.mulf %mul3A_859, %get3A_96 : vector<16xf32>
      %add3A_861 = arith.addf %mul3A_836, %mul3A_844 : vector<16xf32>
      %add3A_862 = arith.addf %mul3A_852, %mul3A_860 : vector<16xf32>
      %add3A_863 = arith.addf %add3A_861, %add3A_862 : vector<16xf32>
      %swap3A_864 = arith.constant 14 : i32
      %swap3A_865 = arith.index_cast %scan3A_209 : i32 to index
      %swap3A_866 = arith.index_cast %swap3A_864 : i32 to index
      %swap3A_867 = arith.constant 0 : index
      %swap3A_868 = tpu.vector_load %arg14[%swap3A_865, %swap3A_866, %swap3A_867] {strides = array<i32>} : memref<32x16x17xf32, #tpu.memory_space<vmem>>, vector<16xf32>,
      tpu.vector_store %arg14[%swap3A_865, %swap3A_866, %swap3A_867], %add3A_863 {strides = array<i32>} : memref<32x16x17xf32, #tpu.memory_space<vmem>>, vector<16xf32>,
      %mul3A_869 = arith.constant 16 : i32
      %mul3A_870 = arith.muli %scan3A_209, %mul3A_869 : i32
      %add3A_871 = arith.constant 15 : i32
      %add3A_872 = arith.addi %mul3A_870, %add3A_871 : i32
      %get3A_873 = arith.index_cast %add3A_872 : i32 to index
      %get3A_874 = arith.constant 0 : index
      %get3A_875 = tpu.vector_load %arg10[%get3A_873, %get3A_874] {strides = array<i32>} : memref<512x64xf32, #tpu.memory_space<vmem>>, vector<16xf32>,
      %get3A_876 = arith.index_cast %add3A_872 : i32 to index
      %get3A_877 = arith.constant 0 : index
      %get3A_878 = tpu.vector_load %arg11[%get3A_876, %get3A_877] {strides = array<i32>} : memref<512x64xf32, #tpu.memory_space<vmem>>, vector<16xf32>,
      %mul3A_879 = arith.mulf %get3A_875, %get3A_878 : vector<16xf32>
      %mul3A_880 = arith.mulf %mul3A_879, %get3A_90 : vector<16xf32>
      %get3A_881 = arith.index_cast %add3A_872 : i32 to index
      %get3A_882 = arith.constant 16 : index
      %get3A_883 = tpu.vector_load %arg10[%get3A_881, %get3A_882] {strides = array<i32>} : memref<512x64xf32, #tpu.memory_space<vmem>>, vector<16xf32>,
      %get3A_884 = arith.index_cast %add3A_872 : i32 to index
      %get3A_885 = arith.constant 16 : index
      %get3A_886 = tpu.vector_load %arg11[%get3A_884, %get3A_885] {strides = array<i32>} : memref<512x64xf32, #tpu.memory_space<vmem>>, vector<16xf32>,
      %mul3A_887 = arith.mulf %get3A_883, %get3A_886 : vector<16xf32>
      %mul3A_888 = arith.mulf %mul3A_887, %get3A_92 : vector<16xf32>
      %get3A_889 = arith.index_cast %add3A_872 : i32 to index
      %get3A_890 = arith.constant 32 : index
      %get3A_891 = tpu.vector_load %arg10[%get3A_889, %get3A_890] {strides = array<i32>} : memref<512x64xf32, #tpu.memory_space<vmem>>, vector<16xf32>,
      %get3A_892 = arith.index_cast %add3A_872 : i32 to index
      %get3A_893 = arith.constant 32 : index
      %get3A_894 = tpu.vector_load %arg11[%get3A_892, %get3A_893] {strides = array<i32>} : memref<512x64xf32, #tpu.memory_space<vmem>>, vector<16xf32>,
      %mul3A_895 = arith.mulf %get3A_891, %get3A_894 : vector<16xf32>
      %mul3A_896 = arith.mulf %mul3A_895, %get3A_94 : vector<16xf32>
      %get3A_897 = arith.index_cast %add3A_872 : i32 to index
      %get3A_898 = arith.constant 48 : index
      %get3A_899 = tpu.vector_load %arg10[%get3A_897, %get3A_898] {strides = array<i32>} : memref<512x64xf32, #tpu.memory_space<vmem>>, vector<16xf32>,
      %get3A_900 = arith.index_cast %add3A_872 : i32 to index
      %get3A_901 = arith.constant 48 : index
      %get3A_902 = tpu.vector_load %arg11[%get3A_900, %get3A_901] {strides = array<i32>} : memref<512x64xf32, #tpu.memory_space<vmem>>, vector<16xf32>,
      %mul3A_903 = arith.mulf %get3A_899, %get3A_902 : vector<16xf32>
      %mul3A_904 = arith.mulf %mul3A_903, %get3A_96 : vector<16xf32>
      %add3A_905 = arith.addf %mul3A_880, %mul3A_888 : vector<16xf32>
      %add3A_906 = arith.addf %mul3A_896, %mul3A_904 : vector<16xf32>
      %add3A_907 = arith.addf %add3A_905, %add3A_906 : vector<16xf32>
      %swap3A_908 = arith.constant 15 : i32
      %swap3A_909 = arith.index_cast %scan3A_209 : i32 to index
      %swap3A_910 = arith.index_cast %swap3A_908 : i32 to index
      %swap3A_911 = arith.constant 0 : index
      %swap3A_912 = tpu.vector_load %arg14[%swap3A_909, %swap3A_910, %swap3A_911] {strides = array<i32>} : memref<32x16x17xf32, #tpu.memory_space<vmem>>, vector<16xf32>,
      tpu.vector_store %arg14[%swap3A_909, %swap3A_910, %swap3A_911], %add3A_907 {strides = array<i32>} : memref<32x16x17xf32, #tpu.memory_space<vmem>>, vector<16xf32>,
      %broadcast_in_dim3A = vector.broadcast %scan3A_209 : i32 to vector<16xi32>
      %broadcast_in_dim3A_913 = arith.constant 0 : i32
      %broadcast_in_dim3A_914 = vector.broadcast %broadcast_in_dim3A_913 : i32 to vector<16xi32>
      %gather3A = tpu.vector_load_idx %arg14[%broadcast_in_dim3A, %iota3A, %broadcast_in_dim3A_914] : memref<32x16x17xf32, #tpu.memory_space<vmem>>[vector<16xi32>, vector<16xi32>, vector<16xi32>], vector<16xf32>,
      %broadcast_in_dim3A_915 = arith.constant 1 : i32
      %broadcast_in_dim3A_916 = vector.broadcast %broadcast_in_dim3A_915 : i32 to vector<16xi32>
      %gather3A_917 = tpu.vector_load_idx %arg14[%broadcast_in_dim3A, %iota3A, %broadcast_in_dim3A_916] : memref<32x16x17xf32, #tpu.memory_space<vmem>>[vector<16xi32>, vector<16xi32>, vector<16xi32>], vector<16xf32>,
      %broadcast_in_dim3A_918 = arith.constant 2 : i32
      %broadcast_in_dim3A_919 = vector.broadcast %broadcast_in_dim3A_918 : i32 to vector<16xi32>
      %gather3A_920 = tpu.vector_load_idx %arg14[%broadcast_in_dim3A, %iota3A, %broadcast_in_dim3A_919] : memref<32x16x17xf32, #tpu.memory_space<vmem>>[vector<16xi32>, vector<16xi32>, vector<16xi32>], vector<16xf32>,
      %broadcast_in_dim3A_921 = arith.constant 3 : i32
      %broadcast_in_dim3A_922 = vector.broadcast %broadcast_in_dim3A_921 : i32 to vector<16xi32>
      %gather3A_923 = tpu.vector_load_idx %arg14[%broadcast_in_dim3A, %iota3A, %broadcast_in_dim3A_922] : memref<32x16x17xf32, #tpu.memory_space<vmem>>[vector<16xi32>, vector<16xi32>, vector<16xi32>], vector<16xf32>,
      %broadcast_in_dim3A_924 = arith.constant 4 : i32
      %broadcast_in_dim3A_925 = vector.broadcast %broadcast_in_dim3A_924 : i32 to vector<16xi32>
      %gather3A_926 = tpu.vector_load_idx %arg14[%broadcast_in_dim3A, %iota3A, %broadcast_in_dim3A_925] : memref<32x16x17xf32, #tpu.memory_space<vmem>>[vector<16xi32>, vector<16xi32>, vector<16xi32>], vector<16xf32>,
      %broadcast_in_dim3A_927 = arith.constant 5 : i32
      %broadcast_in_dim3A_928 = vector.broadcast %broadcast_in_dim3A_927 : i32 to vector<16xi32>
      %gather3A_929 = tpu.vector_load_idx %arg14[%broadcast_in_dim3A, %iota3A, %broadcast_in_dim3A_928] : memref<32x16x17xf32, #tpu.memory_space<vmem>>[vector<16xi32>, vector<16xi32>, vector<16xi32>], vector<16xf32>,
      %broadcast_in_dim3A_930 = arith.constant 6 : i32
      %broadcast_in_dim3A_931 = vector.broadcast %broadcast_in_dim3A_930 : i32 to vector<16xi32>
      %gather3A_932 = tpu.vector_load_idx %arg14[%broadcast_in_dim3A, %iota3A, %broadcast_in_dim3A_931] : memref<32x16x17xf32, #tpu.memory_space<vmem>>[vector<16xi32>, vector<16xi32>, vector<16xi32>], vector<16xf32>,
      %broadcast_in_dim3A_933 = arith.constant 7 : i32
      %broadcast_in_dim3A_934 = vector.broadcast %broadcast_in_dim3A_933 : i32 to vector<16xi32>
      %gather3A_935 = tpu.vector_load_idx %arg14[%broadcast_in_dim3A, %iota3A, %broadcast_in_dim3A_934] : memref<32x16x17xf32, #tpu.memory_space<vmem>>[vector<16xi32>, vector<16xi32>, vector<16xi32>], vector<16xf32>,
      %broadcast_in_dim3A_936 = arith.constant 8 : i32
      %broadcast_in_dim3A_937 = vector.broadcast %broadcast_in_dim3A_936 : i32 to vector<16xi32>
      %gather3A_938 = tpu.vector_load_idx %arg14[%broadcast_in_dim3A, %iota3A, %broadcast_in_dim3A_937] : memref<32x16x17xf32, #tpu.memory_space<vmem>>[vector<16xi32>, vector<16xi32>, vector<16xi32>], vector<16xf32>,
      %broadcast_in_dim3A_939 = arith.constant 9 : i32
      %broadcast_in_dim3A_940 = vector.broadcast %broadcast_in_dim3A_939 : i32 to vector<16xi32>
      %gather3A_941 = tpu.vector_load_idx %arg14[%broadcast_in_dim3A, %iota3A, %broadcast_in_dim3A_940] : memref<32x16x17xf32, #tpu.memory_space<vmem>>[vector<16xi32>, vector<16xi32>, vector<16xi32>], vector<16xf32>,
      %broadcast_in_dim3A_942 = arith.constant 10 : i32
      %broadcast_in_dim3A_943 = vector.broadcast %broadcast_in_dim3A_942 : i32 to vector<16xi32>
      %gather3A_944 = tpu.vector_load_idx %arg14[%broadcast_in_dim3A, %iota3A, %broadcast_in_dim3A_943] : memref<32x16x17xf32, #tpu.memory_space<vmem>>[vector<16xi32>, vector<16xi32>, vector<16xi32>], vector<16xf32>,
      %broadcast_in_dim3A_945 = arith.constant 11 : i32
      %broadcast_in_dim3A_946 = vector.broadcast %broadcast_in_dim3A_945 : i32 to vector<16xi32>
      %gather3A_947 = tpu.vector_load_idx %arg14[%broadcast_in_dim3A, %iota3A, %broadcast_in_dim3A_946] : memref<32x16x17xf32, #tpu.memory_space<vmem>>[vector<16xi32>, vector<16xi32>, vector<16xi32>], vector<16xf32>,
      %broadcast_in_dim3A_948 = arith.constant 12 : i32
      %broadcast_in_dim3A_949 = vector.broadcast %broadcast_in_dim3A_948 : i32 to vector<16xi32>
      %gather3A_950 = tpu.vector_load_idx %arg14[%broadcast_in_dim3A, %iota3A, %broadcast_in_dim3A_949] : memref<32x16x17xf32, #tpu.memory_space<vmem>>[vector<16xi32>, vector<16xi32>, vector<16xi32>], vector<16xf32>,
      %broadcast_in_dim3A_951 = arith.constant 13 : i32
      %broadcast_in_dim3A_952 = vector.broadcast %broadcast_in_dim3A_951 : i32 to vector<16xi32>
      %gather3A_953 = tpu.vector_load_idx %arg14[%broadcast_in_dim3A, %iota3A, %broadcast_in_dim3A_952] : memref<32x16x17xf32, #tpu.memory_space<vmem>>[vector<16xi32>, vector<16xi32>, vector<16xi32>], vector<16xf32>,
      %broadcast_in_dim3A_954 = arith.constant 14 : i32
      %broadcast_in_dim3A_955 = vector.broadcast %broadcast_in_dim3A_954 : i32 to vector<16xi32>
      %gather3A_956 = tpu.vector_load_idx %arg14[%broadcast_in_dim3A, %iota3A, %broadcast_in_dim3A_955] : memref<32x16x17xf32, #tpu.memory_space<vmem>>[vector<16xi32>, vector<16xi32>, vector<16xi32>], vector<16xf32>,
      %broadcast_in_dim3A_957 = arith.constant 15 : i32
      %broadcast_in_dim3A_958 = vector.broadcast %broadcast_in_dim3A_957 : i32 to vector<16xi32>
      %gather3A_959 = tpu.vector_load_idx %arg14[%broadcast_in_dim3A, %iota3A, %broadcast_in_dim3A_958] : memref<32x16x17xf32, #tpu.memory_space<vmem>>[vector<16xi32>, vector<16xi32>, vector<16xi32>], vector<16xf32>,
      %add3A_960 = arith.addf %gather3A, %gather3A_917 : vector<16xf32>
      %add3A_961 = arith.addf %gather3A_920, %gather3A_923 : vector<16xf32>
      %add3A_962 = arith.addf %gather3A_926, %gather3A_929 : vector<16xf32>
      %add3A_963 = arith.addf %gather3A_932, %gather3A_935 : vector<16xf32>
      %add3A_964 = arith.addf %gather3A_938, %gather3A_941 : vector<16xf32>
      %add3A_965 = arith.addf %gather3A_944, %gather3A_947 : vector<16xf32>
      %add3A_966 = arith.addf %gather3A_950, %gather3A_953 : vector<16xf32>
      %add3A_967 = arith.addf %gather3A_956, %gather3A_959 : vector<16xf32>
      %add3A_968 = arith.addf %add3A_960, %add3A_961 : vector<16xf32>
      %add3A_969 = arith.addf %add3A_962, %add3A_963 : vector<16xf32>
      %add3A_970 = arith.addf %add3A_964, %add3A_965 : vector<16xf32>
      %add3A_971 = arith.addf %add3A_966, %add3A_967 : vector<16xf32>
      %add3A_972 = arith.addf %add3A_968, %add3A_969 : vector<16xf32>
      %add3A_973 = arith.addf %add3A_970, %add3A_971 : vector<16xf32>
      %add3A_974 = arith.addf %add3A_972, %add3A_973 : vector<16xf32>
      %add3A_975 = arith.addf %add3A_974, %get3A_98 : vector<16xf32>
      %mul3A_976 = arith.constant 16 : i32
      %mul3A_977 = arith.muli %scan3A_209, %mul3A_976 : i32
      %swap3A_978 = arith.index_cast %mul3A_977 : i32 to index
      %swap3A_979 = tpu.vector_load %arg13[%swap3A_978] {strides = array<i32>} : memref<512xf32, #tpu.memory_space<vmem>>, vector<16xf32>,
      tpu.vector_store %arg13[%swap3A_978], %add3A_975 {strides = array<i32>} : memref<512xf32, #tpu.memory_space<vmem>>, vector<16xf32>,
    }
    %scan3A_124 = arith.constant 8 : i32
    %dma_wait3A_125 = arith.constant 1 : i32
    %dma_wait3A_126 = arith.constant 128 : i32
    %dma_wait3A_127 = arith.constant 0 : i32
    %dma_wait3A_128 = tpu.memref_slice %arg10[%dma_wait3A_126, %dma_wait3A_127] : memref<512x64xf32, #tpu.memory_space<vmem>> -> memref<128x64xf32, #tpu.memory_space<vmem>>
    %dma_wait3A_129 = arith.constant 128 : i32
    %dma_wait3A_130 = tpu.memref_slice %arg8[%dma_wait3A_129] : memref<512xi32, #tpu.memory_space<vmem>> -> memref<128xi32, #tpu.memory_space<vmem>>
    %dma_wait3A_131 = arith.constant 0 : i32
    %dma_wait3A_132 = arith.constant 0 : i32
    %dma_wait3A_133 = tpu.memref_slice %arg4[%dma_wait3A_131, %dma_wait3A_132] : memref<1000000x64xf32, #tpu.memory_space<hbm>> -> memref<1000000x64xf32, #tpu.memory_space<hbm>>
    %dma_wait3A_134 = tpu.memref_slice %arg15[%dma_wait3A_125] : memref<4x!tpu.dma_semaphore, #tpu.memory_space<semaphore_mem>> -> memref<1x!tpu.dma_semaphore, #tpu.memory_space<semaphore_mem>>
    %dma_wait3A_135 = tpu.memref_squeeze %dma_wait3A_134 : memref<1x!tpu.dma_semaphore, #tpu.memory_space<semaphore_mem>> -> memref<!tpu.dma_semaphore, #tpu.memory_space<semaphore_mem>>
    tpu.wait_indirect_dma semaphore(%dma_wait3A_135 : memref<!tpu.dma_semaphore, #tpu.memory_space<semaphore_mem>>) src(%dma_wait3A_133 : memref<1000000x64xf32, #tpu.memory_space<hbm>>) dst(%dma_wait3A_128 : memref<128x64xf32, #tpu.memory_space<vmem>>)
    %dma_wait3A_136 = arith.constant 1 : i32
    %dma_wait3A_137 = arith.constant 128 : i32
    %dma_wait3A_138 = arith.constant 0 : i32
    %dma_wait3A_139 = tpu.memref_slice %arg11[%dma_wait3A_137, %dma_wait3A_138] : memref<512x64xf32, #tpu.memory_space<vmem>> -> memref<128x64xf32, #tpu.memory_space<vmem>>
    %dma_wait3A_140 = arith.constant 128 : i32
    %dma_wait3A_141 = tpu.memref_slice %arg9[%dma_wait3A_140] : memref<512xi32, #tpu.memory_space<vmem>> -> memref<128xi32, #tpu.memory_space<vmem>>
    %dma_wait3A_142 = arith.constant 0 : i32
    %dma_wait3A_143 = arith.constant 0 : i32
    %dma_wait3A_144 = tpu.memref_slice %arg5[%dma_wait3A_142, %dma_wait3A_143] : memref<1000000x64xf32, #tpu.memory_space<hbm>> -> memref<1000000x64xf32, #tpu.memory_space<hbm>>
    %dma_wait3A_145 = tpu.memref_slice %arg15[%dma_wait3A_136] : memref<4x!tpu.dma_semaphore, #tpu.memory_space<semaphore_mem>> -> memref<1x!tpu.dma_semaphore, #tpu.memory_space<semaphore_mem>>
    %dma_wait3A_146 = tpu.memref_squeeze %dma_wait3A_145 : memref<1x!tpu.dma_semaphore, #tpu.memory_space<semaphore_mem>> -> memref<!tpu.dma_semaphore, #tpu.memory_space<semaphore_mem>>
    tpu.wait_indirect_dma semaphore(%dma_wait3A_146 : memref<!tpu.dma_semaphore, #tpu.memory_space<semaphore_mem>>) src(%dma_wait3A_144 : memref<1000000x64xf32, #tpu.memory_space<hbm>>) dst(%dma_wait3A_139 : memref<128x64xf32, #tpu.memory_space<vmem>>)
    %scan3A_147 = arith.constant 0 : i32
    %scan3A_148 = arith.constant 8 : i32
    %scan3A_149 = arith.constant 8 : i32
    %scan3A_150 = arith.addi %scan3A_148, %scan3A_149 : i32
    %scan3A_151 = arith.constant 1 : i32
    scf.for %scan3A_209 = %scan3A_148 to %scan3A_150 step %scan3A_151  : i32 {
      %mul3A_210 = arith.constant 16 : i32
      %mul3A_211 = arith.muli %scan3A_209, %mul3A_210 : i32
      %add3A_212 = arith.constant 0 : i32
      %add3A_213 = arith.addi %mul3A_211, %add3A_212 : i32
      %get3A_214 = arith.index_cast %add3A_213 : i32 to index
      %get3A_215 = arith.constant 0 : index
      %get3A_216 = tpu.vector_load %arg10[%get3A_214, %get3A_215] {strides = array<i32>} : memref<512x64xf32, #tpu.memory_space<vmem>>, vector<16xf32>,
      %get3A_217 = arith.index_cast %add3A_213 : i32 to index
      %get3A_218 = arith.constant 0 : index
      %get3A_219 = tpu.vector_load %arg11[%get3A_217, %get3A_218] {strides = array<i32>} : memref<512x64xf32, #tpu.memory_space<vmem>>, vector<16xf32>,
      %mul3A_220 = arith.mulf %get3A_216, %get3A_219 : vector<16xf32>
      %mul3A_221 = arith.mulf %mul3A_220, %get3A_90 : vector<16xf32>
      %get3A_222 = arith.index_cast %add3A_213 : i32 to index
      %get3A_223 = arith.constant 16 : index
      %get3A_224 = tpu.vector_load %arg10[%get3A_222, %get3A_223] {strides = array<i32>} : memref<512x64xf32, #tpu.memory_space<vmem>>, vector<16xf32>,
      %get3A_225 = arith.index_cast %add3A_213 : i32 to index
      %get3A_226 = arith.constant 16 : index
      %get3A_227 = tpu.vector_load %arg11[%get3A_225, %get3A_226] {strides = array<i32>} : memref<512x64xf32, #tpu.memory_space<vmem>>, vector<16xf32>,
      %mul3A_228 = arith.mulf %get3A_224, %get3A_227 : vector<16xf32>
      %mul3A_229 = arith.mulf %mul3A_228, %get3A_92 : vector<16xf32>
      %get3A_230 = arith.index_cast %add3A_213 : i32 to index
      %get3A_231 = arith.constant 32 : index
      %get3A_232 = tpu.vector_load %arg10[%get3A_230, %get3A_231] {strides = array<i32>} : memref<512x64xf32, #tpu.memory_space<vmem>>, vector<16xf32>,
      %get3A_233 = arith.index_cast %add3A_213 : i32 to index
      %get3A_234 = arith.constant 32 : index
      %get3A_235 = tpu.vector_load %arg11[%get3A_233, %get3A_234] {strides = array<i32>} : memref<512x64xf32, #tpu.memory_space<vmem>>, vector<16xf32>,
      %mul3A_236 = arith.mulf %get3A_232, %get3A_235 : vector<16xf32>
      %mul3A_237 = arith.mulf %mul3A_236, %get3A_94 : vector<16xf32>
      %get3A_238 = arith.index_cast %add3A_213 : i32 to index
      %get3A_239 = arith.constant 48 : index
      %get3A_240 = tpu.vector_load %arg10[%get3A_238, %get3A_239] {strides = array<i32>} : memref<512x64xf32, #tpu.memory_space<vmem>>, vector<16xf32>,
      %get3A_241 = arith.index_cast %add3A_213 : i32 to index
      %get3A_242 = arith.constant 48 : index
      %get3A_243 = tpu.vector_load %arg11[%get3A_241, %get3A_242] {strides = array<i32>} : memref<512x64xf32, #tpu.memory_space<vmem>>, vector<16xf32>,
      %mul3A_244 = arith.mulf %get3A_240, %get3A_243 : vector<16xf32>
      %mul3A_245 = arith.mulf %mul3A_244, %get3A_96 : vector<16xf32>
      %add3A_246 = arith.addf %mul3A_221, %mul3A_229 : vector<16xf32>
      %add3A_247 = arith.addf %mul3A_237, %mul3A_245 : vector<16xf32>
      %add3A_248 = arith.addf %add3A_246, %add3A_247 : vector<16xf32>
      %swap3A = arith.constant 0 : i32
      %swap3A_249 = arith.index_cast %scan3A_209 : i32 to index
      %swap3A_250 = arith.index_cast %swap3A : i32 to index
      %swap3A_251 = arith.constant 0 : index
      %swap3A_252 = tpu.vector_load %arg14[%swap3A_249, %swap3A_250, %swap3A_251] {strides = array<i32>} : memref<32x16x17xf32, #tpu.memory_space<vmem>>, vector<16xf32>,
      tpu.vector_store %arg14[%swap3A_249, %swap3A_250, %swap3A_251], %add3A_248 {strides = array<i32>} : memref<32x16x17xf32, #tpu.memory_space<vmem>>, vector<16xf32>,
      %mul3A_253 = arith.constant 16 : i32
      %mul3A_254 = arith.muli %scan3A_209, %mul3A_253 : i32
      %add3A_255 = arith.constant 1 : i32
      %add3A_256 = arith.addi %mul3A_254, %add3A_255 : i32
      %get3A_257 = arith.index_cast %add3A_256 : i32 to index
      %get3A_258 = arith.constant 0 : index
      %get3A_259 = tpu.vector_load %arg10[%get3A_257, %get3A_258] {strides = array<i32>} : memref<512x64xf32, #tpu.memory_space<vmem>>, vector<16xf32>,
      %get3A_260 = arith.index_cast %add3A_256 : i32 to index
      %get3A_261 = arith.constant 0 : index
      %get3A_262 = tpu.vector_load %arg11[%get3A_260, %get3A_261] {strides = array<i32>} : memref<512x64xf32, #tpu.memory_space<vmem>>, vector<16xf32>,
      %mul3A_263 = arith.mulf %get3A_259, %get3A_262 : vector<16xf32>
      %mul3A_264 = arith.mulf %mul3A_263, %get3A_90 : vector<16xf32>
      %get3A_265 = arith.index_cast %add3A_256 : i32 to index
      %get3A_266 = arith.constant 16 : index
      %get3A_267 = tpu.vector_load %arg10[%get3A_265, %get3A_266] {strides = array<i32>} : memref<512x64xf32, #tpu.memory_space<vmem>>, vector<16xf32>,
      %get3A_268 = arith.index_cast %add3A_256 : i32 to index
      %get3A_269 = arith.constant 16 : index
      %get3A_270 = tpu.vector_load %arg11[%get3A_268, %get3A_269] {strides = array<i32>} : memref<512x64xf32, #tpu.memory_space<vmem>>, vector<16xf32>,
      %mul3A_271 = arith.mulf %get3A_267, %get3A_270 : vector<16xf32>
      %mul3A_272 = arith.mulf %mul3A_271, %get3A_92 : vector<16xf32>
      %get3A_273 = arith.index_cast %add3A_256 : i32 to index
      %get3A_274 = arith.constant 32 : index
      %get3A_275 = tpu.vector_load %arg10[%get3A_273, %get3A_274] {strides = array<i32>} : memref<512x64xf32, #tpu.memory_space<vmem>>, vector<16xf32>,
      %get3A_276 = arith.index_cast %add3A_256 : i32 to index
      %get3A_277 = arith.constant 32 : index
      %get3A_278 = tpu.vector_load %arg11[%get3A_276, %get3A_277] {strides = array<i32>} : memref<512x64xf32, #tpu.memory_space<vmem>>, vector<16xf32>,
      %mul3A_279 = arith.mulf %get3A_275, %get3A_278 : vector<16xf32>
      %mul3A_280 = arith.mulf %mul3A_279, %get3A_94 : vector<16xf32>
      %get3A_281 = arith.index_cast %add3A_256 : i32 to index
      %get3A_282 = arith.constant 48 : index
      %get3A_283 = tpu.vector_load %arg10[%get3A_281, %get3A_282] {strides = array<i32>} : memref<512x64xf32, #tpu.memory_space<vmem>>, vector<16xf32>,
      %get3A_284 = arith.index_cast %add3A_256 : i32 to index
      %get3A_285 = arith.constant 48 : index
      %get3A_286 = tpu.vector_load %arg11[%get3A_284, %get3A_285] {strides = array<i32>} : memref<512x64xf32, #tpu.memory_space<vmem>>, vector<16xf32>,
      %mul3A_287 = arith.mulf %get3A_283, %get3A_286 : vector<16xf32>
      %mul3A_288 = arith.mulf %mul3A_287, %get3A_96 : vector<16xf32>
      %add3A_289 = arith.addf %mul3A_264, %mul3A_272 : vector<16xf32>
      %add3A_290 = arith.addf %mul3A_280, %mul3A_288 : vector<16xf32>
      %add3A_291 = arith.addf %add3A_289, %add3A_290 : vector<16xf32>
      %swap3A_292 = arith.constant 1 : i32
      %swap3A_293 = arith.index_cast %scan3A_209 : i32 to index
      %swap3A_294 = arith.index_cast %swap3A_292 : i32 to index
      %swap3A_295 = arith.constant 0 : index
      %swap3A_296 = tpu.vector_load %arg14[%swap3A_293, %swap3A_294, %swap3A_295] {strides = array<i32>} : memref<32x16x17xf32, #tpu.memory_space<vmem>>, vector<16xf32>,
      tpu.vector_store %arg14[%swap3A_293, %swap3A_294, %swap3A_295], %add3A_291 {strides = array<i32>} : memref<32x16x17xf32, #tpu.memory_space<vmem>>, vector<16xf32>,
      %mul3A_297 = arith.constant 16 : i32
      %mul3A_298 = arith.muli %scan3A_209, %mul3A_297 : i32
      %add3A_299 = arith.constant 2 : i32
      %add3A_300 = arith.addi %mul3A_298, %add3A_299 : i32
      %get3A_301 = arith.index_cast %add3A_300 : i32 to index
      %get3A_302 = arith.constant 0 : index
      %get3A_303 = tpu.vector_load %arg10[%get3A_301, %get3A_302] {strides = array<i32>} : memref<512x64xf32, #tpu.memory_space<vmem>>, vector<16xf32>,
      %get3A_304 = arith.index_cast %add3A_300 : i32 to index
      %get3A_305 = arith.constant 0 : index
      %get3A_306 = tpu.vector_load %arg11[%get3A_304, %get3A_305] {strides = array<i32>} : memref<512x64xf32, #tpu.memory_space<vmem>>, vector<16xf32>,
      %mul3A_307 = arith.mulf %get3A_303, %get3A_306 : vector<16xf32>
      %mul3A_308 = arith.mulf %mul3A_307, %get3A_90 : vector<16xf32>
      %get3A_309 = arith.index_cast %add3A_300 : i32 to index
      %get3A_310 = arith.constant 16 : index
      %get3A_311 = tpu.vector_load %arg10[%get3A_309, %get3A_310] {strides = array<i32>} : memref<512x64xf32, #tpu.memory_space<vmem>>, vector<16xf32>,
      %get3A_312 = arith.index_cast %add3A_300 : i32 to index
      %get3A_313 = arith.constant 16 : index
      %get3A_314 = tpu.vector_load %arg11[%get3A_312, %get3A_313] {strides = array<i32>} : memref<512x64xf32, #tpu.memory_space<vmem>>, vector<16xf32>,
      %mul3A_315 = arith.mulf %get3A_311, %get3A_314 : vector<16xf32>
      %mul3A_316 = arith.mulf %mul3A_315, %get3A_92 : vector<16xf32>
      %get3A_317 = arith.index_cast %add3A_300 : i32 to index
      %get3A_318 = arith.constant 32 : index
      %get3A_319 = tpu.vector_load %arg10[%get3A_317, %get3A_318] {strides = array<i32>} : memref<512x64xf32, #tpu.memory_space<vmem>>, vector<16xf32>,
      %get3A_320 = arith.index_cast %add3A_300 : i32 to index
      %get3A_321 = arith.constant 32 : index
      %get3A_322 = tpu.vector_load %arg11[%get3A_320, %get3A_321] {strides = array<i32>} : memref<512x64xf32, #tpu.memory_space<vmem>>, vector<16xf32>,
      %mul3A_323 = arith.mulf %get3A_319, %get3A_322 : vector<16xf32>
      %mul3A_324 = arith.mulf %mul3A_323, %get3A_94 : vector<16xf32>
      %get3A_325 = arith.index_cast %add3A_300 : i32 to index
      %get3A_326 = arith.constant 48 : index
      %get3A_327 = tpu.vector_load %arg10[%get3A_325, %get3A_326] {strides = array<i32>} : memref<512x64xf32, #tpu.memory_space<vmem>>, vector<16xf32>,
      %get3A_328 = arith.index_cast %add3A_300 : i32 to index
      %get3A_329 = arith.constant 48 : index
      %get3A_330 = tpu.vector_load %arg11[%get3A_328, %get3A_329] {strides = array<i32>} : memref<512x64xf32, #tpu.memory_space<vmem>>, vector<16xf32>,
      %mul3A_331 = arith.mulf %get3A_327, %get3A_330 : vector<16xf32>
      %mul3A_332 = arith.mulf %mul3A_331, %get3A_96 : vector<16xf32>
      %add3A_333 = arith.addf %mul3A_308, %mul3A_316 : vector<16xf32>
      %add3A_334 = arith.addf %mul3A_324, %mul3A_332 : vector<16xf32>
      %add3A_335 = arith.addf %add3A_333, %add3A_334 : vector<16xf32>
      %swap3A_336 = arith.constant 2 : i32
      %swap3A_337 = arith.index_cast %scan3A_209 : i32 to index
      %swap3A_338 = arith.index_cast %swap3A_336 : i32 to index
      %swap3A_339 = arith.constant 0 : index
      %swap3A_340 = tpu.vector_load %arg14[%swap3A_337, %swap3A_338, %swap3A_339] {strides = array<i32>} : memref<32x16x17xf32, #tpu.memory_space<vmem>>, vector<16xf32>,
      tpu.vector_store %arg14[%swap3A_337, %swap3A_338, %swap3A_339], %add3A_335 {strides = array<i32>} : memref<32x16x17xf32, #tpu.memory_space<vmem>>, vector<16xf32>,
      %mul3A_341 = arith.constant 16 : i32
      %mul3A_342 = arith.muli %scan3A_209, %mul3A_341 : i32
      %add3A_343 = arith.constant 3 : i32
      %add3A_344 = arith.addi %mul3A_342, %add3A_343 : i32
      %get3A_345 = arith.index_cast %add3A_344 : i32 to index
      %get3A_346 = arith.constant 0 : index
      %get3A_347 = tpu.vector_load %arg10[%get3A_345, %get3A_346] {strides = array<i32>} : memref<512x64xf32, #tpu.memory_space<vmem>>, vector<16xf32>,
      %get3A_348 = arith.index_cast %add3A_344 : i32 to index
      %get3A_349 = arith.constant 0 : index
      %get3A_350 = tpu.vector_load %arg11[%get3A_348, %get3A_349] {strides = array<i32>} : memref<512x64xf32, #tpu.memory_space<vmem>>, vector<16xf32>,
      %mul3A_351 = arith.mulf %get3A_347, %get3A_350 : vector<16xf32>
      %mul3A_352 = arith.mulf %mul3A_351, %get3A_90 : vector<16xf32>
      %get3A_353 = arith.index_cast %add3A_344 : i32 to index
      %get3A_354 = arith.constant 16 : index
      %get3A_355 = tpu.vector_load %arg10[%get3A_353, %get3A_354] {strides = array<i32>} : memref<512x64xf32, #tpu.memory_space<vmem>>, vector<16xf32>,
      %get3A_356 = arith.index_cast %add3A_344 : i32 to index
      %get3A_357 = arith.constant 16 : index
      %get3A_358 = tpu.vector_load %arg11[%get3A_356, %get3A_357] {strides = array<i32>} : memref<512x64xf32, #tpu.memory_space<vmem>>, vector<16xf32>,
      %mul3A_359 = arith.mulf %get3A_355, %get3A_358 : vector<16xf32>
      %mul3A_360 = arith.mulf %mul3A_359, %get3A_92 : vector<16xf32>
      %get3A_361 = arith.index_cast %add3A_344 : i32 to index
      %get3A_362 = arith.constant 32 : index
      %get3A_363 = tpu.vector_load %arg10[%get3A_361, %get3A_362] {strides = array<i32>} : memref<512x64xf32, #tpu.memory_space<vmem>>, vector<16xf32>,
      %get3A_364 = arith.index_cast %add3A_344 : i32 to index
      %get3A_365 = arith.constant 32 : index
      %get3A_366 = tpu.vector_load %arg11[%get3A_364, %get3A_365] {strides = array<i32>} : memref<512x64xf32, #tpu.memory_space<vmem>>, vector<16xf32>,
      %mul3A_367 = arith.mulf %get3A_363, %get3A_366 : vector<16xf32>
      %mul3A_368 = arith.mulf %mul3A_367, %get3A_94 : vector<16xf32>
      %get3A_369 = arith.index_cast %add3A_344 : i32 to index
      %get3A_370 = arith.constant 48 : index
      %get3A_371 = tpu.vector_load %arg10[%get3A_369, %get3A_370] {strides = array<i32>} : memref<512x64xf32, #tpu.memory_space<vmem>>, vector<16xf32>,
      %get3A_372 = arith.index_cast %add3A_344 : i32 to index
      %get3A_373 = arith.constant 48 : index
      %get3A_374 = tpu.vector_load %arg11[%get3A_372, %get3A_373] {strides = array<i32>} : memref<512x64xf32, #tpu.memory_space<vmem>>, vector<16xf32>,
      %mul3A_375 = arith.mulf %get3A_371, %get3A_374 : vector<16xf32>
      %mul3A_376 = arith.mulf %mul3A_375, %get3A_96 : vector<16xf32>
      %add3A_377 = arith.addf %mul3A_352, %mul3A_360 : vector<16xf32>
      %add3A_378 = arith.addf %mul3A_368, %mul3A_376 : vector<16xf32>
      %add3A_379 = arith.addf %add3A_377, %add3A_378 : vector<16xf32>
      %swap3A_380 = arith.constant 3 : i32
      %swap3A_381 = arith.index_cast %scan3A_209 : i32 to index
      %swap3A_382 = arith.index_cast %swap3A_380 : i32 to index
      %swap3A_383 = arith.constant 0 : index
      %swap3A_384 = tpu.vector_load %arg14[%swap3A_381, %swap3A_382, %swap3A_383] {strides = array<i32>} : memref<32x16x17xf32, #tpu.memory_space<vmem>>, vector<16xf32>,
      tpu.vector_store %arg14[%swap3A_381, %swap3A_382, %swap3A_383], %add3A_379 {strides = array<i32>} : memref<32x16x17xf32, #tpu.memory_space<vmem>>, vector<16xf32>,
      %mul3A_385 = arith.constant 16 : i32
      %mul3A_386 = arith.muli %scan3A_209, %mul3A_385 : i32
      %add3A_387 = arith.constant 4 : i32
      %add3A_388 = arith.addi %mul3A_386, %add3A_387 : i32
      %get3A_389 = arith.index_cast %add3A_388 : i32 to index
      %get3A_390 = arith.constant 0 : index
      %get3A_391 = tpu.vector_load %arg10[%get3A_389, %get3A_390] {strides = array<i32>} : memref<512x64xf32, #tpu.memory_space<vmem>>, vector<16xf32>,
      %get3A_392 = arith.index_cast %add3A_388 : i32 to index
      %get3A_393 = arith.constant 0 : index
      %get3A_394 = tpu.vector_load %arg11[%get3A_392, %get3A_393] {strides = array<i32>} : memref<512x64xf32, #tpu.memory_space<vmem>>, vector<16xf32>,
      %mul3A_395 = arith.mulf %get3A_391, %get3A_394 : vector<16xf32>
      %mul3A_396 = arith.mulf %mul3A_395, %get3A_90 : vector<16xf32>
      %get3A_397 = arith.index_cast %add3A_388 : i32 to index
      %get3A_398 = arith.constant 16 : index
      %get3A_399 = tpu.vector_load %arg10[%get3A_397, %get3A_398] {strides = array<i32>} : memref<512x64xf32, #tpu.memory_space<vmem>>, vector<16xf32>,
      %get3A_400 = arith.index_cast %add3A_388 : i32 to index
      %get3A_401 = arith.constant 16 : index
      %get3A_402 = tpu.vector_load %arg11[%get3A_400, %get3A_401] {strides = array<i32>} : memref<512x64xf32, #tpu.memory_space<vmem>>, vector<16xf32>,
      %mul3A_403 = arith.mulf %get3A_399, %get3A_402 : vector<16xf32>
      %mul3A_404 = arith.mulf %mul3A_403, %get3A_92 : vector<16xf32>
      %get3A_405 = arith.index_cast %add3A_388 : i32 to index
      %get3A_406 = arith.constant 32 : index
      %get3A_407 = tpu.vector_load %arg10[%get3A_405, %get3A_406] {strides = array<i32>} : memref<512x64xf32, #tpu.memory_space<vmem>>, vector<16xf32>,
      %get3A_408 = arith.index_cast %add3A_388 : i32 to index
      %get3A_409 = arith.constant 32 : index
      %get3A_410 = tpu.vector_load %arg11[%get3A_408, %get3A_409] {strides = array<i32>} : memref<512x64xf32, #tpu.memory_space<vmem>>, vector<16xf32>,
      %mul3A_411 = arith.mulf %get3A_407, %get3A_410 : vector<16xf32>
      %mul3A_412 = arith.mulf %mul3A_411, %get3A_94 : vector<16xf32>
      %get3A_413 = arith.index_cast %add3A_388 : i32 to index
      %get3A_414 = arith.constant 48 : index
      %get3A_415 = tpu.vector_load %arg10[%get3A_413, %get3A_414] {strides = array<i32>} : memref<512x64xf32, #tpu.memory_space<vmem>>, vector<16xf32>,
      %get3A_416 = arith.index_cast %add3A_388 : i32 to index
      %get3A_417 = arith.constant 48 : index
      %get3A_418 = tpu.vector_load %arg11[%get3A_416, %get3A_417] {strides = array<i32>} : memref<512x64xf32, #tpu.memory_space<vmem>>, vector<16xf32>,
      %mul3A_419 = arith.mulf %get3A_415, %get3A_418 : vector<16xf32>
      %mul3A_420 = arith.mulf %mul3A_419, %get3A_96 : vector<16xf32>
      %add3A_421 = arith.addf %mul3A_396, %mul3A_404 : vector<16xf32>
      %add3A_422 = arith.addf %mul3A_412, %mul3A_420 : vector<16xf32>
      %add3A_423 = arith.addf %add3A_421, %add3A_422 : vector<16xf32>
      %swap3A_424 = arith.constant 4 : i32
      %swap3A_425 = arith.index_cast %scan3A_209 : i32 to index
      %swap3A_426 = arith.index_cast %swap3A_424 : i32 to index
      %swap3A_427 = arith.constant 0 : index
      %swap3A_428 = tpu.vector_load %arg14[%swap3A_425, %swap3A_426, %swap3A_427] {strides = array<i32>} : memref<32x16x17xf32, #tpu.memory_space<vmem>>, vector<16xf32>,
      tpu.vector_store %arg14[%swap3A_425, %swap3A_426, %swap3A_427], %add3A_423 {strides = array<i32>} : memref<32x16x17xf32, #tpu.memory_space<vmem>>, vector<16xf32>,
      %mul3A_429 = arith.constant 16 : i32
      %mul3A_430 = arith.muli %scan3A_209, %mul3A_429 : i32
      %add3A_431 = arith.constant 5 : i32
      %add3A_432 = arith.addi %mul3A_430, %add3A_431 : i32
      %get3A_433 = arith.index_cast %add3A_432 : i32 to index
      %get3A_434 = arith.constant 0 : index
      %get3A_435 = tpu.vector_load %arg10[%get3A_433, %get3A_434] {strides = array<i32>} : memref<512x64xf32, #tpu.memory_space<vmem>>, vector<16xf32>,
      %get3A_436 = arith.index_cast %add3A_432 : i32 to index
      %get3A_437 = arith.constant 0 : index
      %get3A_438 = tpu.vector_load %arg11[%get3A_436, %get3A_437] {strides = array<i32>} : memref<512x64xf32, #tpu.memory_space<vmem>>, vector<16xf32>,
      %mul3A_439 = arith.mulf %get3A_435, %get3A_438 : vector<16xf32>
      %mul3A_440 = arith.mulf %mul3A_439, %get3A_90 : vector<16xf32>
      %get3A_441 = arith.index_cast %add3A_432 : i32 to index
      %get3A_442 = arith.constant 16 : index
      %get3A_443 = tpu.vector_load %arg10[%get3A_441, %get3A_442] {strides = array<i32>} : memref<512x64xf32, #tpu.memory_space<vmem>>, vector<16xf32>,
      %get3A_444 = arith.index_cast %add3A_432 : i32 to index
      %get3A_445 = arith.constant 16 : index
      %get3A_446 = tpu.vector_load %arg11[%get3A_444, %get3A_445] {strides = array<i32>} : memref<512x64xf32, #tpu.memory_space<vmem>>, vector<16xf32>,
      %mul3A_447 = arith.mulf %get3A_443, %get3A_446 : vector<16xf32>
      %mul3A_448 = arith.mulf %mul3A_447, %get3A_92 : vector<16xf32>
      %get3A_449 = arith.index_cast %add3A_432 : i32 to index
      %get3A_450 = arith.constant 32 : index
      %get3A_451 = tpu.vector_load %arg10[%get3A_449, %get3A_450] {strides = array<i32>} : memref<512x64xf32, #tpu.memory_space<vmem>>, vector<16xf32>,
      %get3A_452 = arith.index_cast %add3A_432 : i32 to index
      %get3A_453 = arith.constant 32 : index
      %get3A_454 = tpu.vector_load %arg11[%get3A_452, %get3A_453] {strides = array<i32>} : memref<512x64xf32, #tpu.memory_space<vmem>>, vector<16xf32>,
      %mul3A_455 = arith.mulf %get3A_451, %get3A_454 : vector<16xf32>
      %mul3A_456 = arith.mulf %mul3A_455, %get3A_94 : vector<16xf32>
      %get3A_457 = arith.index_cast %add3A_432 : i32 to index
      %get3A_458 = arith.constant 48 : index
      %get3A_459 = tpu.vector_load %arg10[%get3A_457, %get3A_458] {strides = array<i32>} : memref<512x64xf32, #tpu.memory_space<vmem>>, vector<16xf32>,
      %get3A_460 = arith.index_cast %add3A_432 : i32 to index
      %get3A_461 = arith.constant 48 : index
      %get3A_462 = tpu.vector_load %arg11[%get3A_460, %get3A_461] {strides = array<i32>} : memref<512x64xf32, #tpu.memory_space<vmem>>, vector<16xf32>,
      %mul3A_463 = arith.mulf %get3A_459, %get3A_462 : vector<16xf32>
      %mul3A_464 = arith.mulf %mul3A_463, %get3A_96 : vector<16xf32>
      %add3A_465 = arith.addf %mul3A_440, %mul3A_448 : vector<16xf32>
      %add3A_466 = arith.addf %mul3A_456, %mul3A_464 : vector<16xf32>
      %add3A_467 = arith.addf %add3A_465, %add3A_466 : vector<16xf32>
      %swap3A_468 = arith.constant 5 : i32
      %swap3A_469 = arith.index_cast %scan3A_209 : i32 to index
      %swap3A_470 = arith.index_cast %swap3A_468 : i32 to index
      %swap3A_471 = arith.constant 0 : index
      %swap3A_472 = tpu.vector_load %arg14[%swap3A_469, %swap3A_470, %swap3A_471] {strides = array<i32>} : memref<32x16x17xf32, #tpu.memory_space<vmem>>, vector<16xf32>,
      tpu.vector_store %arg14[%swap3A_469, %swap3A_470, %swap3A_471], %add3A_467 {strides = array<i32>} : memref<32x16x17xf32, #tpu.memory_space<vmem>>, vector<16xf32>,
      %mul3A_473 = arith.constant 16 : i32
      %mul3A_474 = arith.muli %scan3A_209, %mul3A_473 : i32
      %add3A_475 = arith.constant 6 : i32
      %add3A_476 = arith.addi %mul3A_474, %add3A_475 : i32
      %get3A_477 = arith.index_cast %add3A_476 : i32 to index
      %get3A_478 = arith.constant 0 : index
      %get3A_479 = tpu.vector_load %arg10[%get3A_477, %get3A_478] {strides = array<i32>} : memref<512x64xf32, #tpu.memory_space<vmem>>, vector<16xf32>,
      %get3A_480 = arith.index_cast %add3A_476 : i32 to index
      %get3A_481 = arith.constant 0 : index
      %get3A_482 = tpu.vector_load %arg11[%get3A_480, %get3A_481] {strides = array<i32>} : memref<512x64xf32, #tpu.memory_space<vmem>>, vector<16xf32>,
      %mul3A_483 = arith.mulf %get3A_479, %get3A_482 : vector<16xf32>
      %mul3A_484 = arith.mulf %mul3A_483, %get3A_90 : vector<16xf32>
      %get3A_485 = arith.index_cast %add3A_476 : i32 to index
      %get3A_486 = arith.constant 16 : index
      %get3A_487 = tpu.vector_load %arg10[%get3A_485, %get3A_486] {strides = array<i32>} : memref<512x64xf32, #tpu.memory_space<vmem>>, vector<16xf32>,
      %get3A_488 = arith.index_cast %add3A_476 : i32 to index
      %get3A_489 = arith.constant 16 : index
      %get3A_490 = tpu.vector_load %arg11[%get3A_488, %get3A_489] {strides = array<i32>} : memref<512x64xf32, #tpu.memory_space<vmem>>, vector<16xf32>,
      %mul3A_491 = arith.mulf %get3A_487, %get3A_490 : vector<16xf32>
      %mul3A_492 = arith.mulf %mul3A_491, %get3A_92 : vector<16xf32>
      %get3A_493 = arith.index_cast %add3A_476 : i32 to index
      %get3A_494 = arith.constant 32 : index
      %get3A_495 = tpu.vector_load %arg10[%get3A_493, %get3A_494] {strides = array<i32>} : memref<512x64xf32, #tpu.memory_space<vmem>>, vector<16xf32>,
      %get3A_496 = arith.index_cast %add3A_476 : i32 to index
      %get3A_497 = arith.constant 32 : index
      %get3A_498 = tpu.vector_load %arg11[%get3A_496, %get3A_497] {strides = array<i32>} : memref<512x64xf32, #tpu.memory_space<vmem>>, vector<16xf32>,
      %mul3A_499 = arith.mulf %get3A_495, %get3A_498 : vector<16xf32>
      %mul3A_500 = arith.mulf %mul3A_499, %get3A_94 : vector<16xf32>
      %get3A_501 = arith.index_cast %add3A_476 : i32 to index
      %get3A_502 = arith.constant 48 : index
      %get3A_503 = tpu.vector_load %arg10[%get3A_501, %get3A_502] {strides = array<i32>} : memref<512x64xf32, #tpu.memory_space<vmem>>, vector<16xf32>,
      %get3A_504 = arith.index_cast %add3A_476 : i32 to index
      %get3A_505 = arith.constant 48 : index
      %get3A_506 = tpu.vector_load %arg11[%get3A_504, %get3A_505] {strides = array<i32>} : memref<512x64xf32, #tpu.memory_space<vmem>>, vector<16xf32>,
      %mul3A_507 = arith.mulf %get3A_503, %get3A_506 : vector<16xf32>
      %mul3A_508 = arith.mulf %mul3A_507, %get3A_96 : vector<16xf32>
      %add3A_509 = arith.addf %mul3A_484, %mul3A_492 : vector<16xf32>
      %add3A_510 = arith.addf %mul3A_500, %mul3A_508 : vector<16xf32>
      %add3A_511 = arith.addf %add3A_509, %add3A_510 : vector<16xf32>
      %swap3A_512 = arith.constant 6 : i32
      %swap3A_513 = arith.index_cast %scan3A_209 : i32 to index
      %swap3A_514 = arith.index_cast %swap3A_512 : i32 to index
      %swap3A_515 = arith.constant 0 : index
      %swap3A_516 = tpu.vector_load %arg14[%swap3A_513, %swap3A_514, %swap3A_515] {strides = array<i32>} : memref<32x16x17xf32, #tpu.memory_space<vmem>>, vector<16xf32>,
      tpu.vector_store %arg14[%swap3A_513, %swap3A_514, %swap3A_515], %add3A_511 {strides = array<i32>} : memref<32x16x17xf32, #tpu.memory_space<vmem>>, vector<16xf32>,
      %mul3A_517 = arith.constant 16 : i32
      %mul3A_518 = arith.muli %scan3A_209, %mul3A_517 : i32
      %add3A_519 = arith.constant 7 : i32
      %add3A_520 = arith.addi %mul3A_518, %add3A_519 : i32
      %get3A_521 = arith.index_cast %add3A_520 : i32 to index
      %get3A_522 = arith.constant 0 : index
      %get3A_523 = tpu.vector_load %arg10[%get3A_521, %get3A_522] {strides = array<i32>} : memref<512x64xf32, #tpu.memory_space<vmem>>, vector<16xf32>,
      %get3A_524 = arith.index_cast %add3A_520 : i32 to index
      %get3A_525 = arith.constant 0 : index
      %get3A_526 = tpu.vector_load %arg11[%get3A_524, %get3A_525] {strides = array<i32>} : memref<512x64xf32, #tpu.memory_space<vmem>>, vector<16xf32>,
      %mul3A_527 = arith.mulf %get3A_523, %get3A_526 : vector<16xf32>
      %mul3A_528 = arith.mulf %mul3A_527, %get3A_90 : vector<16xf32>
      %get3A_529 = arith.index_cast %add3A_520 : i32 to index
      %get3A_530 = arith.constant 16 : index
      %get3A_531 = tpu.vector_load %arg10[%get3A_529, %get3A_530] {strides = array<i32>} : memref<512x64xf32, #tpu.memory_space<vmem>>, vector<16xf32>,
      %get3A_532 = arith.index_cast %add3A_520 : i32 to index
      %get3A_533 = arith.constant 16 : index
      %get3A_534 = tpu.vector_load %arg11[%get3A_532, %get3A_533] {strides = array<i32>} : memref<512x64xf32, #tpu.memory_space<vmem>>, vector<16xf32>,
      %mul3A_535 = arith.mulf %get3A_531, %get3A_534 : vector<16xf32>
      %mul3A_536 = arith.mulf %mul3A_535, %get3A_92 : vector<16xf32>
      %get3A_537 = arith.index_cast %add3A_520 : i32 to index
      %get3A_538 = arith.constant 32 : index
      %get3A_539 = tpu.vector_load %arg10[%get3A_537, %get3A_538] {strides = array<i32>} : memref<512x64xf32, #tpu.memory_space<vmem>>, vector<16xf32>,
      %get3A_540 = arith.index_cast %add3A_520 : i32 to index
      %get3A_541 = arith.constant 32 : index
      %get3A_542 = tpu.vector_load %arg11[%get3A_540, %get3A_541] {strides = array<i32>} : memref<512x64xf32, #tpu.memory_space<vmem>>, vector<16xf32>,
      %mul3A_543 = arith.mulf %get3A_539, %get3A_542 : vector<16xf32>
      %mul3A_544 = arith.mulf %mul3A_543, %get3A_94 : vector<16xf32>
      %get3A_545 = arith.index_cast %add3A_520 : i32 to index
      %get3A_546 = arith.constant 48 : index
      %get3A_547 = tpu.vector_load %arg10[%get3A_545, %get3A_546] {strides = array<i32>} : memref<512x64xf32, #tpu.memory_space<vmem>>, vector<16xf32>,
      %get3A_548 = arith.index_cast %add3A_520 : i32 to index
      %get3A_549 = arith.constant 48 : index
      %get3A_550 = tpu.vector_load %arg11[%get3A_548, %get3A_549] {strides = array<i32>} : memref<512x64xf32, #tpu.memory_space<vmem>>, vector<16xf32>,
      %mul3A_551 = arith.mulf %get3A_547, %get3A_550 : vector<16xf32>
      %mul3A_552 = arith.mulf %mul3A_551, %get3A_96 : vector<16xf32>
      %add3A_553 = arith.addf %mul3A_528, %mul3A_536 : vector<16xf32>
      %add3A_554 = arith.addf %mul3A_544, %mul3A_552 : vector<16xf32>
      %add3A_555 = arith.addf %add3A_553, %add3A_554 : vector<16xf32>
      %swap3A_556 = arith.constant 7 : i32
      %swap3A_557 = arith.index_cast %scan3A_209 : i32 to index
      %swap3A_558 = arith.index_cast %swap3A_556 : i32 to index
      %swap3A_559 = arith.constant 0 : index
      %swap3A_560 = tpu.vector_load %arg14[%swap3A_557, %swap3A_558, %swap3A_559] {strides = array<i32>} : memref<32x16x17xf32, #tpu.memory_space<vmem>>, vector<16xf32>,
      tpu.vector_store %arg14[%swap3A_557, %swap3A_558, %swap3A_559], %add3A_555 {strides = array<i32>} : memref<32x16x17xf32, #tpu.memory_space<vmem>>, vector<16xf32>,
      %mul3A_561 = arith.constant 16 : i32
      %mul3A_562 = arith.muli %scan3A_209, %mul3A_561 : i32
      %add3A_563 = arith.constant 8 : i32
      %add3A_564 = arith.addi %mul3A_562, %add3A_563 : i32
      %get3A_565 = arith.index_cast %add3A_564 : i32 to index
      %get3A_566 = arith.constant 0 : index
      %get3A_567 = tpu.vector_load %arg10[%get3A_565, %get3A_566] {strides = array<i32>} : memref<512x64xf32, #tpu.memory_space<vmem>>, vector<16xf32>,
      %get3A_568 = arith.index_cast %add3A_564 : i32 to index
      %get3A_569 = arith.constant 0 : index
      %get3A_570 = tpu.vector_load %arg11[%get3A_568, %get3A_569] {strides = array<i32>} : memref<512x64xf32, #tpu.memory_space<vmem>>, vector<16xf32>,
      %mul3A_571 = arith.mulf %get3A_567, %get3A_570 : vector<16xf32>
      %mul3A_572 = arith.mulf %mul3A_571, %get3A_90 : vector<16xf32>
      %get3A_573 = arith.index_cast %add3A_564 : i32 to index
      %get3A_574 = arith.constant 16 : index
      %get3A_575 = tpu.vector_load %arg10[%get3A_573, %get3A_574] {strides = array<i32>} : memref<512x64xf32, #tpu.memory_space<vmem>>, vector<16xf32>,
      %get3A_576 = arith.index_cast %add3A_564 : i32 to index
      %get3A_577 = arith.constant 16 : index
      %get3A_578 = tpu.vector_load %arg11[%get3A_576, %get3A_577] {strides = array<i32>} : memref<512x64xf32, #tpu.memory_space<vmem>>, vector<16xf32>,
      %mul3A_579 = arith.mulf %get3A_575, %get3A_578 : vector<16xf32>
      %mul3A_580 = arith.mulf %mul3A_579, %get3A_92 : vector<16xf32>
      %get3A_581 = arith.index_cast %add3A_564 : i32 to index
      %get3A_582 = arith.constant 32 : index
      %get3A_583 = tpu.vector_load %arg10[%get3A_581, %get3A_582] {strides = array<i32>} : memref<512x64xf32, #tpu.memory_space<vmem>>, vector<16xf32>,
      %get3A_584 = arith.index_cast %add3A_564 : i32 to index
      %get3A_585 = arith.constant 32 : index
      %get3A_586 = tpu.vector_load %arg11[%get3A_584, %get3A_585] {strides = array<i32>} : memref<512x64xf32, #tpu.memory_space<vmem>>, vector<16xf32>,
      %mul3A_587 = arith.mulf %get3A_583, %get3A_586 : vector<16xf32>
      %mul3A_588 = arith.mulf %mul3A_587, %get3A_94 : vector<16xf32>
      %get3A_589 = arith.index_cast %add3A_564 : i32 to index
      %get3A_590 = arith.constant 48 : index
      %get3A_591 = tpu.vector_load %arg10[%get3A_589, %get3A_590] {strides = array<i32>} : memref<512x64xf32, #tpu.memory_space<vmem>>, vector<16xf32>,
      %get3A_592 = arith.index_cast %add3A_564 : i32 to index
      %get3A_593 = arith.constant 48 : index
      %get3A_594 = tpu.vector_load %arg11[%get3A_592, %get3A_593] {strides = array<i32>} : memref<512x64xf32, #tpu.memory_space<vmem>>, vector<16xf32>,
      %mul3A_595 = arith.mulf %get3A_591, %get3A_594 : vector<16xf32>
      %mul3A_596 = arith.mulf %mul3A_595, %get3A_96 : vector<16xf32>
      %add3A_597 = arith.addf %mul3A_572, %mul3A_580 : vector<16xf32>
      %add3A_598 = arith.addf %mul3A_588, %mul3A_596 : vector<16xf32>
      %add3A_599 = arith.addf %add3A_597, %add3A_598 : vector<16xf32>
      %swap3A_600 = arith.constant 8 : i32
      %swap3A_601 = arith.index_cast %scan3A_209 : i32 to index
      %swap3A_602 = arith.index_cast %swap3A_600 : i32 to index
      %swap3A_603 = arith.constant 0 : index
      %swap3A_604 = tpu.vector_load %arg14[%swap3A_601, %swap3A_602, %swap3A_603] {strides = array<i32>} : memref<32x16x17xf32, #tpu.memory_space<vmem>>, vector<16xf32>,
      tpu.vector_store %arg14[%swap3A_601, %swap3A_602, %swap3A_603], %add3A_599 {strides = array<i32>} : memref<32x16x17xf32, #tpu.memory_space<vmem>>, vector<16xf32>,
      %mul3A_605 = arith.constant 16 : i32
      %mul3A_606 = arith.muli %scan3A_209, %mul3A_605 : i32
      %add3A_607 = arith.constant 9 : i32
      %add3A_608 = arith.addi %mul3A_606, %add3A_607 : i32
      %get3A_609 = arith.index_cast %add3A_608 : i32 to index
      %get3A_610 = arith.constant 0 : index
      %get3A_611 = tpu.vector_load %arg10[%get3A_609, %get3A_610] {strides = array<i32>} : memref<512x64xf32, #tpu.memory_space<vmem>>, vector<16xf32>,
      %get3A_612 = arith.index_cast %add3A_608 : i32 to index
      %get3A_613 = arith.constant 0 : index
      %get3A_614 = tpu.vector_load %arg11[%get3A_612, %get3A_613] {strides = array<i32>} : memref<512x64xf32, #tpu.memory_space<vmem>>, vector<16xf32>,
      %mul3A_615 = arith.mulf %get3A_611, %get3A_614 : vector<16xf32>
      %mul3A_616 = arith.mulf %mul3A_615, %get3A_90 : vector<16xf32>
      %get3A_617 = arith.index_cast %add3A_608 : i32 to index
      %get3A_618 = arith.constant 16 : index
      %get3A_619 = tpu.vector_load %arg10[%get3A_617, %get3A_618] {strides = array<i32>} : memref<512x64xf32, #tpu.memory_space<vmem>>, vector<16xf32>,
      %get3A_620 = arith.index_cast %add3A_608 : i32 to index
      %get3A_621 = arith.constant 16 : index
      %get3A_622 = tpu.vector_load %arg11[%get3A_620, %get3A_621] {strides = array<i32>} : memref<512x64xf32, #tpu.memory_space<vmem>>, vector<16xf32>,
      %mul3A_623 = arith.mulf %get3A_619, %get3A_622 : vector<16xf32>
      %mul3A_624 = arith.mulf %mul3A_623, %get3A_92 : vector<16xf32>
      %get3A_625 = arith.index_cast %add3A_608 : i32 to index
      %get3A_626 = arith.constant 32 : index
      %get3A_627 = tpu.vector_load %arg10[%get3A_625, %get3A_626] {strides = array<i32>} : memref<512x64xf32, #tpu.memory_space<vmem>>, vector<16xf32>,
      %get3A_628 = arith.index_cast %add3A_608 : i32 to index
      %get3A_629 = arith.constant 32 : index
      %get3A_630 = tpu.vector_load %arg11[%get3A_628, %get3A_629] {strides = array<i32>} : memref<512x64xf32, #tpu.memory_space<vmem>>, vector<16xf32>,
      %mul3A_631 = arith.mulf %get3A_627, %get3A_630 : vector<16xf32>
      %mul3A_632 = arith.mulf %mul3A_631, %get3A_94 : vector<16xf32>
      %get3A_633 = arith.index_cast %add3A_608 : i32 to index
      %get3A_634 = arith.constant 48 : index
      %get3A_635 = tpu.vector_load %arg10[%get3A_633, %get3A_634] {strides = array<i32>} : memref<512x64xf32, #tpu.memory_space<vmem>>, vector<16xf32>,
      %get3A_636 = arith.index_cast %add3A_608 : i32 to index
      %get3A_637 = arith.constant 48 : index
      %get3A_638 = tpu.vector_load %arg11[%get3A_636, %get3A_637] {strides = array<i32>} : memref<512x64xf32, #tpu.memory_space<vmem>>, vector<16xf32>,
      %mul3A_639 = arith.mulf %get3A_635, %get3A_638 : vector<16xf32>
      %mul3A_640 = arith.mulf %mul3A_639, %get3A_96 : vector<16xf32>
      %add3A_641 = arith.addf %mul3A_616, %mul3A_624 : vector<16xf32>
      %add3A_642 = arith.addf %mul3A_632, %mul3A_640 : vector<16xf32>
      %add3A_643 = arith.addf %add3A_641, %add3A_642 : vector<16xf32>
      %swap3A_644 = arith.constant 9 : i32
      %swap3A_645 = arith.index_cast %scan3A_209 : i32 to index
      %swap3A_646 = arith.index_cast %swap3A_644 : i32 to index
      %swap3A_647 = arith.constant 0 : index
      %swap3A_648 = tpu.vector_load %arg14[%swap3A_645, %swap3A_646, %swap3A_647] {strides = array<i32>} : memref<32x16x17xf32, #tpu.memory_space<vmem>>, vector<16xf32>,
      tpu.vector_store %arg14[%swap3A_645, %swap3A_646, %swap3A_647], %add3A_643 {strides = array<i32>} : memref<32x16x17xf32, #tpu.memory_space<vmem>>, vector<16xf32>,
      %mul3A_649 = arith.constant 16 : i32
      %mul3A_650 = arith.muli %scan3A_209, %mul3A_649 : i32
      %add3A_651 = arith.constant 10 : i32
      %add3A_652 = arith.addi %mul3A_650, %add3A_651 : i32
      %get3A_653 = arith.index_cast %add3A_652 : i32 to index
      %get3A_654 = arith.constant 0 : index
      %get3A_655 = tpu.vector_load %arg10[%get3A_653, %get3A_654] {strides = array<i32>} : memref<512x64xf32, #tpu.memory_space<vmem>>, vector<16xf32>,
      %get3A_656 = arith.index_cast %add3A_652 : i32 to index
      %get3A_657 = arith.constant 0 : index
      %get3A_658 = tpu.vector_load %arg11[%get3A_656, %get3A_657] {strides = array<i32>} : memref<512x64xf32, #tpu.memory_space<vmem>>, vector<16xf32>,
      %mul3A_659 = arith.mulf %get3A_655, %get3A_658 : vector<16xf32>
      %mul3A_660 = arith.mulf %mul3A_659, %get3A_90 : vector<16xf32>
      %get3A_661 = arith.index_cast %add3A_652 : i32 to index
      %get3A_662 = arith.constant 16 : index
      %get3A_663 = tpu.vector_load %arg10[%get3A_661, %get3A_662] {strides = array<i32>} : memref<512x64xf32, #tpu.memory_space<vmem>>, vector<16xf32>,
      %get3A_664 = arith.index_cast %add3A_652 : i32 to index
      %get3A_665 = arith.constant 16 : index
      %get3A_666 = tpu.vector_load %arg11[%get3A_664, %get3A_665] {strides = array<i32>} : memref<512x64xf32, #tpu.memory_space<vmem>>, vector<16xf32>,
      %mul3A_667 = arith.mulf %get3A_663, %get3A_666 : vector<16xf32>
      %mul3A_668 = arith.mulf %mul3A_667, %get3A_92 : vector<16xf32>
      %get3A_669 = arith.index_cast %add3A_652 : i32 to index
      %get3A_670 = arith.constant 32 : index
      %get3A_671 = tpu.vector_load %arg10[%get3A_669, %get3A_670] {strides = array<i32>} : memref<512x64xf32, #tpu.memory_space<vmem>>, vector<16xf32>,
      %get3A_672 = arith.index_cast %add3A_652 : i32 to index
      %get3A_673 = arith.constant 32 : index
      %get3A_674 = tpu.vector_load %arg11[%get3A_672, %get3A_673] {strides = array<i32>} : memref<512x64xf32, #tpu.memory_space<vmem>>, vector<16xf32>,
      %mul3A_675 = arith.mulf %get3A_671, %get3A_674 : vector<16xf32>
      %mul3A_676 = arith.mulf %mul3A_675, %get3A_94 : vector<16xf32>
      %get3A_677 = arith.index_cast %add3A_652 : i32 to index
      %get3A_678 = arith.constant 48 : index
      %get3A_679 = tpu.vector_load %arg10[%get3A_677, %get3A_678] {strides = array<i32>} : memref<512x64xf32, #tpu.memory_space<vmem>>, vector<16xf32>,
      %get3A_680 = arith.index_cast %add3A_652 : i32 to index
      %get3A_681 = arith.constant 48 : index
      %get3A_682 = tpu.vector_load %arg11[%get3A_680, %get3A_681] {strides = array<i32>} : memref<512x64xf32, #tpu.memory_space<vmem>>, vector<16xf32>,
      %mul3A_683 = arith.mulf %get3A_679, %get3A_682 : vector<16xf32>
      %mul3A_684 = arith.mulf %mul3A_683, %get3A_96 : vector<16xf32>
      %add3A_685 = arith.addf %mul3A_660, %mul3A_668 : vector<16xf32>
      %add3A_686 = arith.addf %mul3A_676, %mul3A_684 : vector<16xf32>
      %add3A_687 = arith.addf %add3A_685, %add3A_686 : vector<16xf32>
      %swap3A_688 = arith.constant 10 : i32
      %swap3A_689 = arith.index_cast %scan3A_209 : i32 to index
      %swap3A_690 = arith.index_cast %swap3A_688 : i32 to index
      %swap3A_691 = arith.constant 0 : index
      %swap3A_692 = tpu.vector_load %arg14[%swap3A_689, %swap3A_690, %swap3A_691] {strides = array<i32>} : memref<32x16x17xf32, #tpu.memory_space<vmem>>, vector<16xf32>,
      tpu.vector_store %arg14[%swap3A_689, %swap3A_690, %swap3A_691], %add3A_687 {strides = array<i32>} : memref<32x16x17xf32, #tpu.memory_space<vmem>>, vector<16xf32>,
      %mul3A_693 = arith.constant 16 : i32
      %mul3A_694 = arith.muli %scan3A_209, %mul3A_693 : i32
      %add3A_695 = arith.constant 11 : i32
      %add3A_696 = arith.addi %mul3A_694, %add3A_695 : i32
      %get3A_697 = arith.index_cast %add3A_696 : i32 to index
      %get3A_698 = arith.constant 0 : index
      %get3A_699 = tpu.vector_load %arg10[%get3A_697, %get3A_698] {strides = array<i32>} : memref<512x64xf32, #tpu.memory_space<vmem>>, vector<16xf32>,
      %get3A_700 = arith.index_cast %add3A_696 : i32 to index
      %get3A_701 = arith.constant 0 : index
      %get3A_702 = tpu.vector_load %arg11[%get3A_700, %get3A_701] {strides = array<i32>} : memref<512x64xf32, #tpu.memory_space<vmem>>, vector<16xf32>,
      %mul3A_703 = arith.mulf %get3A_699, %get3A_702 : vector<16xf32>
      %mul3A_704 = arith.mulf %mul3A_703, %get3A_90 : vector<16xf32>
      %get3A_705 = arith.index_cast %add3A_696 : i32 to index
      %get3A_706 = arith.constant 16 : index
      %get3A_707 = tpu.vector_load %arg10[%get3A_705, %get3A_706] {strides = array<i32>} : memref<512x64xf32, #tpu.memory_space<vmem>>, vector<16xf32>,
      %get3A_708 = arith.index_cast %add3A_696 : i32 to index
      %get3A_709 = arith.constant 16 : index
      %get3A_710 = tpu.vector_load %arg11[%get3A_708, %get3A_709] {strides = array<i32>} : memref<512x64xf32, #tpu.memory_space<vmem>>, vector<16xf32>,
      %mul3A_711 = arith.mulf %get3A_707, %get3A_710 : vector<16xf32>
      %mul3A_712 = arith.mulf %mul3A_711, %get3A_92 : vector<16xf32>
      %get3A_713 = arith.index_cast %add3A_696 : i32 to index
      %get3A_714 = arith.constant 32 : index
      %get3A_715 = tpu.vector_load %arg10[%get3A_713, %get3A_714] {strides = array<i32>} : memref<512x64xf32, #tpu.memory_space<vmem>>, vector<16xf32>,
      %get3A_716 = arith.index_cast %add3A_696 : i32 to index
      %get3A_717 = arith.constant 32 : index
      %get3A_718 = tpu.vector_load %arg11[%get3A_716, %get3A_717] {strides = array<i32>} : memref<512x64xf32, #tpu.memory_space<vmem>>, vector<16xf32>,
      %mul3A_719 = arith.mulf %get3A_715, %get3A_718 : vector<16xf32>
      %mul3A_720 = arith.mulf %mul3A_719, %get3A_94 : vector<16xf32>
      %get3A_721 = arith.index_cast %add3A_696 : i32 to index
      %get3A_722 = arith.constant 48 : index
      %get3A_723 = tpu.vector_load %arg10[%get3A_721, %get3A_722] {strides = array<i32>} : memref<512x64xf32, #tpu.memory_space<vmem>>, vector<16xf32>,
      %get3A_724 = arith.index_cast %add3A_696 : i32 to index
      %get3A_725 = arith.constant 48 : index
      %get3A_726 = tpu.vector_load %arg11[%get3A_724, %get3A_725] {strides = array<i32>} : memref<512x64xf32, #tpu.memory_space<vmem>>, vector<16xf32>,
      %mul3A_727 = arith.mulf %get3A_723, %get3A_726 : vector<16xf32>
      %mul3A_728 = arith.mulf %mul3A_727, %get3A_96 : vector<16xf32>
      %add3A_729 = arith.addf %mul3A_704, %mul3A_712 : vector<16xf32>
      %add3A_730 = arith.addf %mul3A_720, %mul3A_728 : vector<16xf32>
      %add3A_731 = arith.addf %add3A_729, %add3A_730 : vector<16xf32>
      %swap3A_732 = arith.constant 11 : i32
      %swap3A_733 = arith.index_cast %scan3A_209 : i32 to index
      %swap3A_734 = arith.index_cast %swap3A_732 : i32 to index
      %swap3A_735 = arith.constant 0 : index
      %swap3A_736 = tpu.vector_load %arg14[%swap3A_733, %swap3A_734, %swap3A_735] {strides = array<i32>} : memref<32x16x17xf32, #tpu.memory_space<vmem>>, vector<16xf32>,
      tpu.vector_store %arg14[%swap3A_733, %swap3A_734, %swap3A_735], %add3A_731 {strides = array<i32>} : memref<32x16x17xf32, #tpu.memory_space<vmem>>, vector<16xf32>,
      %mul3A_737 = arith.constant 16 : i32
      %mul3A_738 = arith.muli %scan3A_209, %mul3A_737 : i32
      %add3A_739 = arith.constant 12 : i32
      %add3A_740 = arith.addi %mul3A_738, %add3A_739 : i32
      %get3A_741 = arith.index_cast %add3A_740 : i32 to index
      %get3A_742 = arith.constant 0 : index
      %get3A_743 = tpu.vector_load %arg10[%get3A_741, %get3A_742] {strides = array<i32>} : memref<512x64xf32, #tpu.memory_space<vmem>>, vector<16xf32>,
      %get3A_744 = arith.index_cast %add3A_740 : i32 to index
      %get3A_745 = arith.constant 0 : index
      %get3A_746 = tpu.vector_load %arg11[%get3A_744, %get3A_745] {strides = array<i32>} : memref<512x64xf32, #tpu.memory_space<vmem>>, vector<16xf32>,
      %mul3A_747 = arith.mulf %get3A_743, %get3A_746 : vector<16xf32>
      %mul3A_748 = arith.mulf %mul3A_747, %get3A_90 : vector<16xf32>
      %get3A_749 = arith.index_cast %add3A_740 : i32 to index
      %get3A_750 = arith.constant 16 : index
      %get3A_751 = tpu.vector_load %arg10[%get3A_749, %get3A_750] {strides = array<i32>} : memref<512x64xf32, #tpu.memory_space<vmem>>, vector<16xf32>,
      %get3A_752 = arith.index_cast %add3A_740 : i32 to index
      %get3A_753 = arith.constant 16 : index
      %get3A_754 = tpu.vector_load %arg11[%get3A_752, %get3A_753] {strides = array<i32>} : memref<512x64xf32, #tpu.memory_space<vmem>>, vector<16xf32>,
      %mul3A_755 = arith.mulf %get3A_751, %get3A_754 : vector<16xf32>
      %mul3A_756 = arith.mulf %mul3A_755, %get3A_92 : vector<16xf32>
      %get3A_757 = arith.index_cast %add3A_740 : i32 to index
      %get3A_758 = arith.constant 32 : index
      %get3A_759 = tpu.vector_load %arg10[%get3A_757, %get3A_758] {strides = array<i32>} : memref<512x64xf32, #tpu.memory_space<vmem>>, vector<16xf32>,
      %get3A_760 = arith.index_cast %add3A_740 : i32 to index
      %get3A_761 = arith.constant 32 : index
      %get3A_762 = tpu.vector_load %arg11[%get3A_760, %get3A_761] {strides = array<i32>} : memref<512x64xf32, #tpu.memory_space<vmem>>, vector<16xf32>,
      %mul3A_763 = arith.mulf %get3A_759, %get3A_762 : vector<16xf32>
      %mul3A_764 = arith.mulf %mul3A_763, %get3A_94 : vector<16xf32>
      %get3A_765 = arith.index_cast %add3A_740 : i32 to index
      %get3A_766 = arith.constant 48 : index
      %get3A_767 = tpu.vector_load %arg10[%get3A_765, %get3A_766] {strides = array<i32>} : memref<512x64xf32, #tpu.memory_space<vmem>>, vector<16xf32>,
      %get3A_768 = arith.index_cast %add3A_740 : i32 to index
      %get3A_769 = arith.constant 48 : index
      %get3A_770 = tpu.vector_load %arg11[%get3A_768, %get3A_769] {strides = array<i32>} : memref<512x64xf32, #tpu.memory_space<vmem>>, vector<16xf32>,
      %mul3A_771 = arith.mulf %get3A_767, %get3A_770 : vector<16xf32>
      %mul3A_772 = arith.mulf %mul3A_771, %get3A_96 : vector<16xf32>
      %add3A_773 = arith.addf %mul3A_748, %mul3A_756 : vector<16xf32>
      %add3A_774 = arith.addf %mul3A_764, %mul3A_772 : vector<16xf32>
      %add3A_775 = arith.addf %add3A_773, %add3A_774 : vector<16xf32>
      %swap3A_776 = arith.constant 12 : i32
      %swap3A_777 = arith.index_cast %scan3A_209 : i32 to index
      %swap3A_778 = arith.index_cast %swap3A_776 : i32 to index
      %swap3A_779 = arith.constant 0 : index
      %swap3A_780 = tpu.vector_load %arg14[%swap3A_777, %swap3A_778, %swap3A_779] {strides = array<i32>} : memref<32x16x17xf32, #tpu.memory_space<vmem>>, vector<16xf32>,
      tpu.vector_store %arg14[%swap3A_777, %swap3A_778, %swap3A_779], %add3A_775 {strides = array<i32>} : memref<32x16x17xf32, #tpu.memory_space<vmem>>, vector<16xf32>,
      %mul3A_781 = arith.constant 16 : i32
      %mul3A_782 = arith.muli %scan3A_209, %mul3A_781 : i32
      %add3A_783 = arith.constant 13 : i32
      %add3A_784 = arith.addi %mul3A_782, %add3A_783 : i32
      %get3A_785 = arith.index_cast %add3A_784 : i32 to index
      %get3A_786 = arith.constant 0 : index
      %get3A_787 = tpu.vector_load %arg10[%get3A_785, %get3A_786] {strides = array<i32>} : memref<512x64xf32, #tpu.memory_space<vmem>>, vector<16xf32>,
      %get3A_788 = arith.index_cast %add3A_784 : i32 to index
      %get3A_789 = arith.constant 0 : index
      %get3A_790 = tpu.vector_load %arg11[%get3A_788, %get3A_789] {strides = array<i32>} : memref<512x64xf32, #tpu.memory_space<vmem>>, vector<16xf32>,
      %mul3A_791 = arith.mulf %get3A_787, %get3A_790 : vector<16xf32>
      %mul3A_792 = arith.mulf %mul3A_791, %get3A_90 : vector<16xf32>
      %get3A_793 = arith.index_cast %add3A_784 : i32 to index
      %get3A_794 = arith.constant 16 : index
      %get3A_795 = tpu.vector_load %arg10[%get3A_793, %get3A_794] {strides = array<i32>} : memref<512x64xf32, #tpu.memory_space<vmem>>, vector<16xf32>,
      %get3A_796 = arith.index_cast %add3A_784 : i32 to index
      %get3A_797 = arith.constant 16 : index
      %get3A_798 = tpu.vector_load %arg11[%get3A_796, %get3A_797] {strides = array<i32>} : memref<512x64xf32, #tpu.memory_space<vmem>>, vector<16xf32>,
      %mul3A_799 = arith.mulf %get3A_795, %get3A_798 : vector<16xf32>
      %mul3A_800 = arith.mulf %mul3A_799, %get3A_92 : vector<16xf32>
      %get3A_801 = arith.index_cast %add3A_784 : i32 to index
      %get3A_802 = arith.constant 32 : index
      %get3A_803 = tpu.vector_load %arg10[%get3A_801, %get3A_802] {strides = array<i32>} : memref<512x64xf32, #tpu.memory_space<vmem>>, vector<16xf32>,
      %get3A_804 = arith.index_cast %add3A_784 : i32 to index
      %get3A_805 = arith.constant 32 : index
      %get3A_806 = tpu.vector_load %arg11[%get3A_804, %get3A_805] {strides = array<i32>} : memref<512x64xf32, #tpu.memory_space<vmem>>, vector<16xf32>,
      %mul3A_807 = arith.mulf %get3A_803, %get3A_806 : vector<16xf32>
      %mul3A_808 = arith.mulf %mul3A_807, %get3A_94 : vector<16xf32>
      %get3A_809 = arith.index_cast %add3A_784 : i32 to index
      %get3A_810 = arith.constant 48 : index
      %get3A_811 = tpu.vector_load %arg10[%get3A_809, %get3A_810] {strides = array<i32>} : memref<512x64xf32, #tpu.memory_space<vmem>>, vector<16xf32>,
      %get3A_812 = arith.index_cast %add3A_784 : i32 to index
      %get3A_813 = arith.constant 48 : index
      %get3A_814 = tpu.vector_load %arg11[%get3A_812, %get3A_813] {strides = array<i32>} : memref<512x64xf32, #tpu.memory_space<vmem>>, vector<16xf32>,
      %mul3A_815 = arith.mulf %get3A_811, %get3A_814 : vector<16xf32>
      %mul3A_816 = arith.mulf %mul3A_815, %get3A_96 : vector<16xf32>
      %add3A_817 = arith.addf %mul3A_792, %mul3A_800 : vector<16xf32>
      %add3A_818 = arith.addf %mul3A_808, %mul3A_816 : vector<16xf32>
      %add3A_819 = arith.addf %add3A_817, %add3A_818 : vector<16xf32>
      %swap3A_820 = arith.constant 13 : i32
      %swap3A_821 = arith.index_cast %scan3A_209 : i32 to index
      %swap3A_822 = arith.index_cast %swap3A_820 : i32 to index
      %swap3A_823 = arith.constant 0 : index
      %swap3A_824 = tpu.vector_load %arg14[%swap3A_821, %swap3A_822, %swap3A_823] {strides = array<i32>} : memref<32x16x17xf32, #tpu.memory_space<vmem>>, vector<16xf32>,
      tpu.vector_store %arg14[%swap3A_821, %swap3A_822, %swap3A_823], %add3A_819 {strides = array<i32>} : memref<32x16x17xf32, #tpu.memory_space<vmem>>, vector<16xf32>,
      %mul3A_825 = arith.constant 16 : i32
      %mul3A_826 = arith.muli %scan3A_209, %mul3A_825 : i32
      %add3A_827 = arith.constant 14 : i32
      %add3A_828 = arith.addi %mul3A_826, %add3A_827 : i32
      %get3A_829 = arith.index_cast %add3A_828 : i32 to index
      %get3A_830 = arith.constant 0 : index
      %get3A_831 = tpu.vector_load %arg10[%get3A_829, %get3A_830] {strides = array<i32>} : memref<512x64xf32, #tpu.memory_space<vmem>>, vector<16xf32>,
      %get3A_832 = arith.index_cast %add3A_828 : i32 to index
      %get3A_833 = arith.constant 0 : index
      %get3A_834 = tpu.vector_load %arg11[%get3A_832, %get3A_833] {strides = array<i32>} : memref<512x64xf32, #tpu.memory_space<vmem>>, vector<16xf32>,
      %mul3A_835 = arith.mulf %get3A_831, %get3A_834 : vector<16xf32>
      %mul3A_836 = arith.mulf %mul3A_835, %get3A_90 : vector<16xf32>
      %get3A_837 = arith.index_cast %add3A_828 : i32 to index
      %get3A_838 = arith.constant 16 : index
      %get3A_839 = tpu.vector_load %arg10[%get3A_837, %get3A_838] {strides = array<i32>} : memref<512x64xf32, #tpu.memory_space<vmem>>, vector<16xf32>,
      %get3A_840 = arith.index_cast %add3A_828 : i32 to index
      %get3A_841 = arith.constant 16 : index
      %get3A_842 = tpu.vector_load %arg11[%get3A_840, %get3A_841] {strides = array<i32>} : memref<512x64xf32, #tpu.memory_space<vmem>>, vector<16xf32>,
      %mul3A_843 = arith.mulf %get3A_839, %get3A_842 : vector<16xf32>
      %mul3A_844 = arith.mulf %mul3A_843, %get3A_92 : vector<16xf32>
      %get3A_845 = arith.index_cast %add3A_828 : i32 to index
      %get3A_846 = arith.constant 32 : index
      %get3A_847 = tpu.vector_load %arg10[%get3A_845, %get3A_846] {strides = array<i32>} : memref<512x64xf32, #tpu.memory_space<vmem>>, vector<16xf32>,
      %get3A_848 = arith.index_cast %add3A_828 : i32 to index
      %get3A_849 = arith.constant 32 : index
      %get3A_850 = tpu.vector_load %arg11[%get3A_848, %get3A_849] {strides = array<i32>} : memref<512x64xf32, #tpu.memory_space<vmem>>, vector<16xf32>,
      %mul3A_851 = arith.mulf %get3A_847, %get3A_850 : vector<16xf32>
      %mul3A_852 = arith.mulf %mul3A_851, %get3A_94 : vector<16xf32>
      %get3A_853 = arith.index_cast %add3A_828 : i32 to index
      %get3A_854 = arith.constant 48 : index
      %get3A_855 = tpu.vector_load %arg10[%get3A_853, %get3A_854] {strides = array<i32>} : memref<512x64xf32, #tpu.memory_space<vmem>>, vector<16xf32>,
      %get3A_856 = arith.index_cast %add3A_828 : i32 to index
      %get3A_857 = arith.constant 48 : index
      %get3A_858 = tpu.vector_load %arg11[%get3A_856, %get3A_857] {strides = array<i32>} : memref<512x64xf32, #tpu.memory_space<vmem>>, vector<16xf32>,
      %mul3A_859 = arith.mulf %get3A_855, %get3A_858 : vector<16xf32>
      %mul3A_860 = arith.mulf %mul3A_859, %get3A_96 : vector<16xf32>
      %add3A_861 = arith.addf %mul3A_836, %mul3A_844 : vector<16xf32>
      %add3A_862 = arith.addf %mul3A_852, %mul3A_860 : vector<16xf32>
      %add3A_863 = arith.addf %add3A_861, %add3A_862 : vector<16xf32>
      %swap3A_864 = arith.constant 14 : i32
      %swap3A_865 = arith.index_cast %scan3A_209 : i32 to index
      %swap3A_866 = arith.index_cast %swap3A_864 : i32 to index
      %swap3A_867 = arith.constant 0 : index
      %swap3A_868 = tpu.vector_load %arg14[%swap3A_865, %swap3A_866, %swap3A_867] {strides = array<i32>} : memref<32x16x17xf32, #tpu.memory_space<vmem>>, vector<16xf32>,
      tpu.vector_store %arg14[%swap3A_865, %swap3A_866, %swap3A_867], %add3A_863 {strides = array<i32>} : memref<32x16x17xf32, #tpu.memory_space<vmem>>, vector<16xf32>,
      %mul3A_869 = arith.constant 16 : i32
      %mul3A_870 = arith.muli %scan3A_209, %mul3A_869 : i32
      %add3A_871 = arith.constant 15 : i32
      %add3A_872 = arith.addi %mul3A_870, %add3A_871 : i32
      %get3A_873 = arith.index_cast %add3A_872 : i32 to index
      %get3A_874 = arith.constant 0 : index
      %get3A_875 = tpu.vector_load %arg10[%get3A_873, %get3A_874] {strides = array<i32>} : memref<512x64xf32, #tpu.memory_space<vmem>>, vector<16xf32>,
      %get3A_876 = arith.index_cast %add3A_872 : i32 to index
      %get3A_877 = arith.constant 0 : index
      %get3A_878 = tpu.vector_load %arg11[%get3A_876, %get3A_877] {strides = array<i32>} : memref<512x64xf32, #tpu.memory_space<vmem>>, vector<16xf32>,
      %mul3A_879 = arith.mulf %get3A_875, %get3A_878 : vector<16xf32>
      %mul3A_880 = arith.mulf %mul3A_879, %get3A_90 : vector<16xf32>
      %get3A_881 = arith.index_cast %add3A_872 : i32 to index
      %get3A_882 = arith.constant 16 : index
      %get3A_883 = tpu.vector_load %arg10[%get3A_881, %get3A_882] {strides = array<i32>} : memref<512x64xf32, #tpu.memory_space<vmem>>, vector<16xf32>,
      %get3A_884 = arith.index_cast %add3A_872 : i32 to index
      %get3A_885 = arith.constant 16 : index
      %get3A_886 = tpu.vector_load %arg11[%get3A_884, %get3A_885] {strides = array<i32>} : memref<512x64xf32, #tpu.memory_space<vmem>>, vector<16xf32>,
      %mul3A_887 = arith.mulf %get3A_883, %get3A_886 : vector<16xf32>
      %mul3A_888 = arith.mulf %mul3A_887, %get3A_92 : vector<16xf32>
      %get3A_889 = arith.index_cast %add3A_872 : i32 to index
      %get3A_890 = arith.constant 32 : index
      %get3A_891 = tpu.vector_load %arg10[%get3A_889, %get3A_890] {strides = array<i32>} : memref<512x64xf32, #tpu.memory_space<vmem>>, vector<16xf32>,
      %get3A_892 = arith.index_cast %add3A_872 : i32 to index
      %get3A_893 = arith.constant 32 : index
      %get3A_894 = tpu.vector_load %arg11[%get3A_892, %get3A_893] {strides = array<i32>} : memref<512x64xf32, #tpu.memory_space<vmem>>, vector<16xf32>,
      %mul3A_895 = arith.mulf %get3A_891, %get3A_894 : vector<16xf32>
      %mul3A_896 = arith.mulf %mul3A_895, %get3A_94 : vector<16xf32>
      %get3A_897 = arith.index_cast %add3A_872 : i32 to index
      %get3A_898 = arith.constant 48 : index
      %get3A_899 = tpu.vector_load %arg10[%get3A_897, %get3A_898] {strides = array<i32>} : memref<512x64xf32, #tpu.memory_space<vmem>>, vector<16xf32>,
      %get3A_900 = arith.index_cast %add3A_872 : i32 to index
      %get3A_901 = arith.constant 48 : index
      %get3A_902 = tpu.vector_load %arg11[%get3A_900, %get3A_901] {strides = array<i32>} : memref<512x64xf32, #tpu.memory_space<vmem>>, vector<16xf32>,
      %mul3A_903 = arith.mulf %get3A_899, %get3A_902 : vector<16xf32>
      %mul3A_904 = arith.mulf %mul3A_903, %get3A_96 : vector<16xf32>
      %add3A_905 = arith.addf %mul3A_880, %mul3A_888 : vector<16xf32>
      %add3A_906 = arith.addf %mul3A_896, %mul3A_904 : vector<16xf32>
      %add3A_907 = arith.addf %add3A_905, %add3A_906 : vector<16xf32>
      %swap3A_908 = arith.constant 15 : i32
      %swap3A_909 = arith.index_cast %scan3A_209 : i32 to index
      %swap3A_910 = arith.index_cast %swap3A_908 : i32 to index
      %swap3A_911 = arith.constant 0 : index
      %swap3A_912 = tpu.vector_load %arg14[%swap3A_909, %swap3A_910, %swap3A_911] {strides = array<i32>} : memref<32x16x17xf32, #tpu.memory_space<vmem>>, vector<16xf32>,
      tpu.vector_store %arg14[%swap3A_909, %swap3A_910, %swap3A_911], %add3A_907 {strides = array<i32>} : memref<32x16x17xf32, #tpu.memory_space<vmem>>, vector<16xf32>,
      %broadcast_in_dim3A = vector.broadcast %scan3A_209 : i32 to vector<16xi32>
      %broadcast_in_dim3A_913 = arith.constant 0 : i32
      %broadcast_in_dim3A_914 = vector.broadcast %broadcast_in_dim3A_913 : i32 to vector<16xi32>
      %gather3A = tpu.vector_load_idx %arg14[%broadcast_in_dim3A, %iota3A, %broadcast_in_dim3A_914] : memref<32x16x17xf32, #tpu.memory_space<vmem>>[vector<16xi32>, vector<16xi32>, vector<16xi32>], vector<16xf32>,
      %broadcast_in_dim3A_915 = arith.constant 1 : i32
      %broadcast_in_dim3A_916 = vector.broadcast %broadcast_in_dim3A_915 : i32 to vector<16xi32>
      %gather3A_917 = tpu.vector_load_idx %arg14[%broadcast_in_dim3A, %iota3A, %broadcast_in_dim3A_916] : memref<32x16x17xf32, #tpu.memory_space<vmem>>[vector<16xi32>, vector<16xi32>, vector<16xi32>], vector<16xf32>,
      %broadcast_in_dim3A_918 = arith.constant 2 : i32
      %broadcast_in_dim3A_919 = vector.broadcast %broadcast_in_dim3A_918 : i32 to vector<16xi32>
      %gather3A_920 = tpu.vector_load_idx %arg14[%broadcast_in_dim3A, %iota3A, %broadcast_in_dim3A_919] : memref<32x16x17xf32, #tpu.memory_space<vmem>>[vector<16xi32>, vector<16xi32>, vector<16xi32>], vector<16xf32>,
      %broadcast_in_dim3A_921 = arith.constant 3 : i32
      %broadcast_in_dim3A_922 = vector.broadcast %broadcast_in_dim3A_921 : i32 to vector<16xi32>
      %gather3A_923 = tpu.vector_load_idx %arg14[%broadcast_in_dim3A, %iota3A, %broadcast_in_dim3A_922] : memref<32x16x17xf32, #tpu.memory_space<vmem>>[vector<16xi32>, vector<16xi32>, vector<16xi32>], vector<16xf32>,
      %broadcast_in_dim3A_924 = arith.constant 4 : i32
      %broadcast_in_dim3A_925 = vector.broadcast %broadcast_in_dim3A_924 : i32 to vector<16xi32>
      %gather3A_926 = tpu.vector_load_idx %arg14[%broadcast_in_dim3A, %iota3A, %broadcast_in_dim3A_925] : memref<32x16x17xf32, #tpu.memory_space<vmem>>[vector<16xi32>, vector<16xi32>, vector<16xi32>], vector<16xf32>,
      %broadcast_in_dim3A_927 = arith.constant 5 : i32
      %broadcast_in_dim3A_928 = vector.broadcast %broadcast_in_dim3A_927 : i32 to vector<16xi32>
      %gather3A_929 = tpu.vector_load_idx %arg14[%broadcast_in_dim3A, %iota3A, %broadcast_in_dim3A_928] : memref<32x16x17xf32, #tpu.memory_space<vmem>>[vector<16xi32>, vector<16xi32>, vector<16xi32>], vector<16xf32>,
      %broadcast_in_dim3A_930 = arith.constant 6 : i32
      %broadcast_in_dim3A_931 = vector.broadcast %broadcast_in_dim3A_930 : i32 to vector<16xi32>
      %gather3A_932 = tpu.vector_load_idx %arg14[%broadcast_in_dim3A, %iota3A, %broadcast_in_dim3A_931] : memref<32x16x17xf32, #tpu.memory_space<vmem>>[vector<16xi32>, vector<16xi32>, vector<16xi32>], vector<16xf32>,
      %broadcast_in_dim3A_933 = arith.constant 7 : i32
      %broadcast_in_dim3A_934 = vector.broadcast %broadcast_in_dim3A_933 : i32 to vector<16xi32>
      %gather3A_935 = tpu.vector_load_idx %arg14[%broadcast_in_dim3A, %iota3A, %broadcast_in_dim3A_934] : memref<32x16x17xf32, #tpu.memory_space<vmem>>[vector<16xi32>, vector<16xi32>, vector<16xi32>], vector<16xf32>,
      %broadcast_in_dim3A_936 = arith.constant 8 : i32
      %broadcast_in_dim3A_937 = vector.broadcast %broadcast_in_dim3A_936 : i32 to vector<16xi32>
      %gather3A_938 = tpu.vector_load_idx %arg14[%broadcast_in_dim3A, %iota3A, %broadcast_in_dim3A_937] : memref<32x16x17xf32, #tpu.memory_space<vmem>>[vector<16xi32>, vector<16xi32>, vector<16xi32>], vector<16xf32>,
      %broadcast_in_dim3A_939 = arith.constant 9 : i32
      %broadcast_in_dim3A_940 = vector.broadcast %broadcast_in_dim3A_939 : i32 to vector<16xi32>
      %gather3A_941 = tpu.vector_load_idx %arg14[%broadcast_in_dim3A, %iota3A, %broadcast_in_dim3A_940] : memref<32x16x17xf32, #tpu.memory_space<vmem>>[vector<16xi32>, vector<16xi32>, vector<16xi32>], vector<16xf32>,
      %broadcast_in_dim3A_942 = arith.constant 10 : i32
      %broadcast_in_dim3A_943 = vector.broadcast %broadcast_in_dim3A_942 : i32 to vector<16xi32>
      %gather3A_944 = tpu.vector_load_idx %arg14[%broadcast_in_dim3A, %iota3A, %broadcast_in_dim3A_943] : memref<32x16x17xf32, #tpu.memory_space<vmem>>[vector<16xi32>, vector<16xi32>, vector<16xi32>], vector<16xf32>,
      %broadcast_in_dim3A_945 = arith.constant 11 : i32
      %broadcast_in_dim3A_946 = vector.broadcast %broadcast_in_dim3A_945 : i32 to vector<16xi32>
      %gather3A_947 = tpu.vector_load_idx %arg14[%broadcast_in_dim3A, %iota3A, %broadcast_in_dim3A_946] : memref<32x16x17xf32, #tpu.memory_space<vmem>>[vector<16xi32>, vector<16xi32>, vector<16xi32>], vector<16xf32>,
      %broadcast_in_dim3A_948 = arith.constant 12 : i32
      %broadcast_in_dim3A_949 = vector.broadcast %broadcast_in_dim3A_948 : i32 to vector<16xi32>
      %gather3A_950 = tpu.vector_load_idx %arg14[%broadcast_in_dim3A, %iota3A, %broadcast_in_dim3A_949] : memref<32x16x17xf32, #tpu.memory_space<vmem>>[vector<16xi32>, vector<16xi32>, vector<16xi32>], vector<16xf32>,
      %broadcast_in_dim3A_951 = arith.constant 13 : i32
      %broadcast_in_dim3A_952 = vector.broadcast %broadcast_in_dim3A_951 : i32 to vector<16xi32>
      %gather3A_953 = tpu.vector_load_idx %arg14[%broadcast_in_dim3A, %iota3A, %broadcast_in_dim3A_952] : memref<32x16x17xf32, #tpu.memory_space<vmem>>[vector<16xi32>, vector<16xi32>, vector<16xi32>], vector<16xf32>,
      %broadcast_in_dim3A_954 = arith.constant 14 : i32
      %broadcast_in_dim3A_955 = vector.broadcast %broadcast_in_dim3A_954 : i32 to vector<16xi32>
      %gather3A_956 = tpu.vector_load_idx %arg14[%broadcast_in_dim3A, %iota3A, %broadcast_in_dim3A_955] : memref<32x16x17xf32, #tpu.memory_space<vmem>>[vector<16xi32>, vector<16xi32>, vector<16xi32>], vector<16xf32>,
      %broadcast_in_dim3A_957 = arith.constant 15 : i32
      %broadcast_in_dim3A_958 = vector.broadcast %broadcast_in_dim3A_957 : i32 to vector<16xi32>
      %gather3A_959 = tpu.vector_load_idx %arg14[%broadcast_in_dim3A, %iota3A, %broadcast_in_dim3A_958] : memref<32x16x17xf32, #tpu.memory_space<vmem>>[vector<16xi32>, vector<16xi32>, vector<16xi32>], vector<16xf32>,
      %add3A_960 = arith.addf %gather3A, %gather3A_917 : vector<16xf32>
      %add3A_961 = arith.addf %gather3A_920, %gather3A_923 : vector<16xf32>
      %add3A_962 = arith.addf %gather3A_926, %gather3A_929 : vector<16xf32>
      %add3A_963 = arith.addf %gather3A_932, %gather3A_935 : vector<16xf32>
      %add3A_964 = arith.addf %gather3A_938, %gather3A_941 : vector<16xf32>
      %add3A_965 = arith.addf %gather3A_944, %gather3A_947 : vector<16xf32>
      %add3A_966 = arith.addf %gather3A_950, %gather3A_953 : vector<16xf32>
      %add3A_967 = arith.addf %gather3A_956, %gather3A_959 : vector<16xf32>
      %add3A_968 = arith.addf %add3A_960, %add3A_961 : vector<16xf32>
      %add3A_969 = arith.addf %add3A_962, %add3A_963 : vector<16xf32>
      %add3A_970 = arith.addf %add3A_964, %add3A_965 : vector<16xf32>
      %add3A_971 = arith.addf %add3A_966, %add3A_967 : vector<16xf32>
      %add3A_972 = arith.addf %add3A_968, %add3A_969 : vector<16xf32>
      %add3A_973 = arith.addf %add3A_970, %add3A_971 : vector<16xf32>
      %add3A_974 = arith.addf %add3A_972, %add3A_973 : vector<16xf32>
      %add3A_975 = arith.addf %add3A_974, %get3A_98 : vector<16xf32>
      %mul3A_976 = arith.constant 16 : i32
      %mul3A_977 = arith.muli %scan3A_209, %mul3A_976 : i32
      %swap3A_978 = arith.index_cast %mul3A_977 : i32 to index
      %swap3A_979 = tpu.vector_load %arg13[%swap3A_978] {strides = array<i32>} : memref<512xf32, #tpu.memory_space<vmem>>, vector<16xf32>,
      tpu.vector_store %arg13[%swap3A_978], %add3A_975 {strides = array<i32>} : memref<512xf32, #tpu.memory_space<vmem>>, vector<16xf32>,
    }
    %scan3A_152 = arith.constant 8 : i32
    %dma_wait3A_153 = arith.constant 2 : i32
    %dma_wait3A_154 = arith.constant 256 : i32
    %dma_wait3A_155 = arith.constant 0 : i32
    %dma_wait3A_156 = tpu.memref_slice %arg10[%dma_wait3A_154, %dma_wait3A_155] : memref<512x64xf32, #tpu.memory_space<vmem>> -> memref<128x64xf32, #tpu.memory_space<vmem>>
    %dma_wait3A_157 = arith.constant 256 : i32
    %dma_wait3A_158 = tpu.memref_slice %arg8[%dma_wait3A_157] : memref<512xi32, #tpu.memory_space<vmem>> -> memref<128xi32, #tpu.memory_space<vmem>>
    %dma_wait3A_159 = arith.constant 0 : i32
    %dma_wait3A_160 = arith.constant 0 : i32
    %dma_wait3A_161 = tpu.memref_slice %arg4[%dma_wait3A_159, %dma_wait3A_160] : memref<1000000x64xf32, #tpu.memory_space<hbm>> -> memref<1000000x64xf32, #tpu.memory_space<hbm>>
    %dma_wait3A_162 = tpu.memref_slice %arg15[%dma_wait3A_153] : memref<4x!tpu.dma_semaphore, #tpu.memory_space<semaphore_mem>> -> memref<1x!tpu.dma_semaphore, #tpu.memory_space<semaphore_mem>>
    %dma_wait3A_163 = tpu.memref_squeeze %dma_wait3A_162 : memref<1x!tpu.dma_semaphore, #tpu.memory_space<semaphore_mem>> -> memref<!tpu.dma_semaphore, #tpu.memory_space<semaphore_mem>>
    tpu.wait_indirect_dma semaphore(%dma_wait3A_163 : memref<!tpu.dma_semaphore, #tpu.memory_space<semaphore_mem>>) src(%dma_wait3A_161 : memref<1000000x64xf32, #tpu.memory_space<hbm>>) dst(%dma_wait3A_156 : memref<128x64xf32, #tpu.memory_space<vmem>>)
    %dma_wait3A_164 = arith.constant 2 : i32
    %dma_wait3A_165 = arith.constant 256 : i32
    %dma_wait3A_166 = arith.constant 0 : i32
    %dma_wait3A_167 = tpu.memref_slice %arg11[%dma_wait3A_165, %dma_wait3A_166] : memref<512x64xf32, #tpu.memory_space<vmem>> -> memref<128x64xf32, #tpu.memory_space<vmem>>
    %dma_wait3A_168 = arith.constant 256 : i32
    %dma_wait3A_169 = tpu.memref_slice %arg9[%dma_wait3A_168] : memref<512xi32, #tpu.memory_space<vmem>> -> memref<128xi32, #tpu.memory_space<vmem>>
    %dma_wait3A_170 = arith.constant 0 : i32
    %dma_wait3A_171 = arith.constant 0 : i32
    %dma_wait3A_172 = tpu.memref_slice %arg5[%dma_wait3A_170, %dma_wait3A_171] : memref<1000000x64xf32, #tpu.memory_space<hbm>> -> memref<1000000x64xf32, #tpu.memory_space<hbm>>
    %dma_wait3A_173 = tpu.memref_slice %arg15[%dma_wait3A_164] : memref<4x!tpu.dma_semaphore, #tpu.memory_space<semaphore_mem>> -> memref<1x!tpu.dma_semaphore, #tpu.memory_space<semaphore_mem>>
    %dma_wait3A_174 = tpu.memref_squeeze %dma_wait3A_173 : memref<1x!tpu.dma_semaphore, #tpu.memory_space<semaphore_mem>> -> memref<!tpu.dma_semaphore, #tpu.memory_space<semaphore_mem>>
    tpu.wait_indirect_dma semaphore(%dma_wait3A_174 : memref<!tpu.dma_semaphore, #tpu.memory_space<semaphore_mem>>) src(%dma_wait3A_172 : memref<1000000x64xf32, #tpu.memory_space<hbm>>) dst(%dma_wait3A_167 : memref<128x64xf32, #tpu.memory_space<vmem>>)
    %scan3A_175 = arith.constant 0 : i32
    %scan3A_176 = arith.constant 16 : i32
    %scan3A_177 = arith.constant 8 : i32
    %scan3A_178 = arith.addi %scan3A_176, %scan3A_177 : i32
    %scan3A_179 = arith.constant 1 : i32
    scf.for %scan3A_209 = %scan3A_176 to %scan3A_178 step %scan3A_179  : i32 {
      %mul3A_210 = arith.constant 16 : i32
      %mul3A_211 = arith.muli %scan3A_209, %mul3A_210 : i32
      %add3A_212 = arith.constant 0 : i32
      %add3A_213 = arith.addi %mul3A_211, %add3A_212 : i32
      %get3A_214 = arith.index_cast %add3A_213 : i32 to index
      %get3A_215 = arith.constant 0 : index
      %get3A_216 = tpu.vector_load %arg10[%get3A_214, %get3A_215] {strides = array<i32>} : memref<512x64xf32, #tpu.memory_space<vmem>>, vector<16xf32>,
      %get3A_217 = arith.index_cast %add3A_213 : i32 to index
      %get3A_218 = arith.constant 0 : index
      %get3A_219 = tpu.vector_load %arg11[%get3A_217, %get3A_218] {strides = array<i32>} : memref<512x64xf32, #tpu.memory_space<vmem>>, vector<16xf32>,
      %mul3A_220 = arith.mulf %get3A_216, %get3A_219 : vector<16xf32>
      %mul3A_221 = arith.mulf %mul3A_220, %get3A_90 : vector<16xf32>
      %get3A_222 = arith.index_cast %add3A_213 : i32 to index
      %get3A_223 = arith.constant 16 : index
      %get3A_224 = tpu.vector_load %arg10[%get3A_222, %get3A_223] {strides = array<i32>} : memref<512x64xf32, #tpu.memory_space<vmem>>, vector<16xf32>,
      %get3A_225 = arith.index_cast %add3A_213 : i32 to index
      %get3A_226 = arith.constant 16 : index
      %get3A_227 = tpu.vector_load %arg11[%get3A_225, %get3A_226] {strides = array<i32>} : memref<512x64xf32, #tpu.memory_space<vmem>>, vector<16xf32>,
      %mul3A_228 = arith.mulf %get3A_224, %get3A_227 : vector<16xf32>
      %mul3A_229 = arith.mulf %mul3A_228, %get3A_92 : vector<16xf32>
      %get3A_230 = arith.index_cast %add3A_213 : i32 to index
      %get3A_231 = arith.constant 32 : index
      %get3A_232 = tpu.vector_load %arg10[%get3A_230, %get3A_231] {strides = array<i32>} : memref<512x64xf32, #tpu.memory_space<vmem>>, vector<16xf32>,
      %get3A_233 = arith.index_cast %add3A_213 : i32 to index
      %get3A_234 = arith.constant 32 : index
      %get3A_235 = tpu.vector_load %arg11[%get3A_233, %get3A_234] {strides = array<i32>} : memref<512x64xf32, #tpu.memory_space<vmem>>, vector<16xf32>,
      %mul3A_236 = arith.mulf %get3A_232, %get3A_235 : vector<16xf32>
      %mul3A_237 = arith.mulf %mul3A_236, %get3A_94 : vector<16xf32>
      %get3A_238 = arith.index_cast %add3A_213 : i32 to index
      %get3A_239 = arith.constant 48 : index
      %get3A_240 = tpu.vector_load %arg10[%get3A_238, %get3A_239] {strides = array<i32>} : memref<512x64xf32, #tpu.memory_space<vmem>>, vector<16xf32>,
      %get3A_241 = arith.index_cast %add3A_213 : i32 to index
      %get3A_242 = arith.constant 48 : index
      %get3A_243 = tpu.vector_load %arg11[%get3A_241, %get3A_242] {strides = array<i32>} : memref<512x64xf32, #tpu.memory_space<vmem>>, vector<16xf32>,
      %mul3A_244 = arith.mulf %get3A_240, %get3A_243 : vector<16xf32>
      %mul3A_245 = arith.mulf %mul3A_244, %get3A_96 : vector<16xf32>
      %add3A_246 = arith.addf %mul3A_221, %mul3A_229 : vector<16xf32>
      %add3A_247 = arith.addf %mul3A_237, %mul3A_245 : vector<16xf32>
      %add3A_248 = arith.addf %add3A_246, %add3A_247 : vector<16xf32>
      %swap3A = arith.constant 0 : i32
      %swap3A_249 = arith.index_cast %scan3A_209 : i32 to index
      %swap3A_250 = arith.index_cast %swap3A : i32 to index
      %swap3A_251 = arith.constant 0 : index
      %swap3A_252 = tpu.vector_load %arg14[%swap3A_249, %swap3A_250, %swap3A_251] {strides = array<i32>} : memref<32x16x17xf32, #tpu.memory_space<vmem>>, vector<16xf32>,
      tpu.vector_store %arg14[%swap3A_249, %swap3A_250, %swap3A_251], %add3A_248 {strides = array<i32>} : memref<32x16x17xf32, #tpu.memory_space<vmem>>, vector<16xf32>,
      %mul3A_253 = arith.constant 16 : i32
      %mul3A_254 = arith.muli %scan3A_209, %mul3A_253 : i32
      %add3A_255 = arith.constant 1 : i32
      %add3A_256 = arith.addi %mul3A_254, %add3A_255 : i32
      %get3A_257 = arith.index_cast %add3A_256 : i32 to index
      %get3A_258 = arith.constant 0 : index
      %get3A_259 = tpu.vector_load %arg10[%get3A_257, %get3A_258] {strides = array<i32>} : memref<512x64xf32, #tpu.memory_space<vmem>>, vector<16xf32>,
      %get3A_260 = arith.index_cast %add3A_256 : i32 to index
      %get3A_261 = arith.constant 0 : index
      %get3A_262 = tpu.vector_load %arg11[%get3A_260, %get3A_261] {strides = array<i32>} : memref<512x64xf32, #tpu.memory_space<vmem>>, vector<16xf32>,
      %mul3A_263 = arith.mulf %get3A_259, %get3A_262 : vector<16xf32>
      %mul3A_264 = arith.mulf %mul3A_263, %get3A_90 : vector<16xf32>
      %get3A_265 = arith.index_cast %add3A_256 : i32 to index
      %get3A_266 = arith.constant 16 : index
      %get3A_267 = tpu.vector_load %arg10[%get3A_265, %get3A_266] {strides = array<i32>} : memref<512x64xf32, #tpu.memory_space<vmem>>, vector<16xf32>,
      %get3A_268 = arith.index_cast %add3A_256 : i32 to index
      %get3A_269 = arith.constant 16 : index
      %get3A_270 = tpu.vector_load %arg11[%get3A_268, %get3A_269] {strides = array<i32>} : memref<512x64xf32, #tpu.memory_space<vmem>>, vector<16xf32>,
      %mul3A_271 = arith.mulf %get3A_267, %get3A_270 : vector<16xf32>
      %mul3A_272 = arith.mulf %mul3A_271, %get3A_92 : vector<16xf32>
      %get3A_273 = arith.index_cast %add3A_256 : i32 to index
      %get3A_274 = arith.constant 32 : index
      %get3A_275 = tpu.vector_load %arg10[%get3A_273, %get3A_274] {strides = array<i32>} : memref<512x64xf32, #tpu.memory_space<vmem>>, vector<16xf32>,
      %get3A_276 = arith.index_cast %add3A_256 : i32 to index
      %get3A_277 = arith.constant 32 : index
      %get3A_278 = tpu.vector_load %arg11[%get3A_276, %get3A_277] {strides = array<i32>} : memref<512x64xf32, #tpu.memory_space<vmem>>, vector<16xf32>,
      %mul3A_279 = arith.mulf %get3A_275, %get3A_278 : vector<16xf32>
      %mul3A_280 = arith.mulf %mul3A_279, %get3A_94 : vector<16xf32>
      %get3A_281 = arith.index_cast %add3A_256 : i32 to index
      %get3A_282 = arith.constant 48 : index
      %get3A_283 = tpu.vector_load %arg10[%get3A_281, %get3A_282] {strides = array<i32>} : memref<512x64xf32, #tpu.memory_space<vmem>>, vector<16xf32>,
      %get3A_284 = arith.index_cast %add3A_256 : i32 to index
      %get3A_285 = arith.constant 48 : index
      %get3A_286 = tpu.vector_load %arg11[%get3A_284, %get3A_285] {strides = array<i32>} : memref<512x64xf32, #tpu.memory_space<vmem>>, vector<16xf32>,
      %mul3A_287 = arith.mulf %get3A_283, %get3A_286 : vector<16xf32>
      %mul3A_288 = arith.mulf %mul3A_287, %get3A_96 : vector<16xf32>
      %add3A_289 = arith.addf %mul3A_264, %mul3A_272 : vector<16xf32>
      %add3A_290 = arith.addf %mul3A_280, %mul3A_288 : vector<16xf32>
      %add3A_291 = arith.addf %add3A_289, %add3A_290 : vector<16xf32>
      %swap3A_292 = arith.constant 1 : i32
      %swap3A_293 = arith.index_cast %scan3A_209 : i32 to index
      %swap3A_294 = arith.index_cast %swap3A_292 : i32 to index
      %swap3A_295 = arith.constant 0 : index
      %swap3A_296 = tpu.vector_load %arg14[%swap3A_293, %swap3A_294, %swap3A_295] {strides = array<i32>} : memref<32x16x17xf32, #tpu.memory_space<vmem>>, vector<16xf32>,
      tpu.vector_store %arg14[%swap3A_293, %swap3A_294, %swap3A_295], %add3A_291 {strides = array<i32>} : memref<32x16x17xf32, #tpu.memory_space<vmem>>, vector<16xf32>,
      %mul3A_297 = arith.constant 16 : i32
      %mul3A_298 = arith.muli %scan3A_209, %mul3A_297 : i32
      %add3A_299 = arith.constant 2 : i32
      %add3A_300 = arith.addi %mul3A_298, %add3A_299 : i32
      %get3A_301 = arith.index_cast %add3A_300 : i32 to index
      %get3A_302 = arith.constant 0 : index
      %get3A_303 = tpu.vector_load %arg10[%get3A_301, %get3A_302] {strides = array<i32>} : memref<512x64xf32, #tpu.memory_space<vmem>>, vector<16xf32>,
      %get3A_304 = arith.index_cast %add3A_300 : i32 to index
      %get3A_305 = arith.constant 0 : index
      %get3A_306 = tpu.vector_load %arg11[%get3A_304, %get3A_305] {strides = array<i32>} : memref<512x64xf32, #tpu.memory_space<vmem>>, vector<16xf32>,
      %mul3A_307 = arith.mulf %get3A_303, %get3A_306 : vector<16xf32>
      %mul3A_308 = arith.mulf %mul3A_307, %get3A_90 : vector<16xf32>
      %get3A_309 = arith.index_cast %add3A_300 : i32 to index
      %get3A_310 = arith.constant 16 : index
      %get3A_311 = tpu.vector_load %arg10[%get3A_309, %get3A_310] {strides = array<i32>} : memref<512x64xf32, #tpu.memory_space<vmem>>, vector<16xf32>,
      %get3A_312 = arith.index_cast %add3A_300 : i32 to index
      %get3A_313 = arith.constant 16 : index
      %get3A_314 = tpu.vector_load %arg11[%get3A_312, %get3A_313] {strides = array<i32>} : memref<512x64xf32, #tpu.memory_space<vmem>>, vector<16xf32>,
      %mul3A_315 = arith.mulf %get3A_311, %get3A_314 : vector<16xf32>
      %mul3A_316 = arith.mulf %mul3A_315, %get3A_92 : vector<16xf32>
      %get3A_317 = arith.index_cast %add3A_300 : i32 to index
      %get3A_318 = arith.constant 32 : index
      %get3A_319 = tpu.vector_load %arg10[%get3A_317, %get3A_318] {strides = array<i32>} : memref<512x64xf32, #tpu.memory_space<vmem>>, vector<16xf32>,
      %get3A_320 = arith.index_cast %add3A_300 : i32 to index
      %get3A_321 = arith.constant 32 : index
      %get3A_322 = tpu.vector_load %arg11[%get3A_320, %get3A_321] {strides = array<i32>} : memref<512x64xf32, #tpu.memory_space<vmem>>, vector<16xf32>,
      %mul3A_323 = arith.mulf %get3A_319, %get3A_322 : vector<16xf32>
      %mul3A_324 = arith.mulf %mul3A_323, %get3A_94 : vector<16xf32>
      %get3A_325 = arith.index_cast %add3A_300 : i32 to index
      %get3A_326 = arith.constant 48 : index
      %get3A_327 = tpu.vector_load %arg10[%get3A_325, %get3A_326] {strides = array<i32>} : memref<512x64xf32, #tpu.memory_space<vmem>>, vector<16xf32>,
      %get3A_328 = arith.index_cast %add3A_300 : i32 to index
      %get3A_329 = arith.constant 48 : index
      %get3A_330 = tpu.vector_load %arg11[%get3A_328, %get3A_329] {strides = array<i32>} : memref<512x64xf32, #tpu.memory_space<vmem>>, vector<16xf32>,
      %mul3A_331 = arith.mulf %get3A_327, %get3A_330 : vector<16xf32>
      %mul3A_332 = arith.mulf %mul3A_331, %get3A_96 : vector<16xf32>
      %add3A_333 = arith.addf %mul3A_308, %mul3A_316 : vector<16xf32>
      %add3A_334 = arith.addf %mul3A_324, %mul3A_332 : vector<16xf32>
      %add3A_335 = arith.addf %add3A_333, %add3A_334 : vector<16xf32>
      %swap3A_336 = arith.constant 2 : i32
      %swap3A_337 = arith.index_cast %scan3A_209 : i32 to index
      %swap3A_338 = arith.index_cast %swap3A_336 : i32 to index
      %swap3A_339 = arith.constant 0 : index
      %swap3A_340 = tpu.vector_load %arg14[%swap3A_337, %swap3A_338, %swap3A_339] {strides = array<i32>} : memref<32x16x17xf32, #tpu.memory_space<vmem>>, vector<16xf32>,
      tpu.vector_store %arg14[%swap3A_337, %swap3A_338, %swap3A_339], %add3A_335 {strides = array<i32>} : memref<32x16x17xf32, #tpu.memory_space<vmem>>, vector<16xf32>,
      %mul3A_341 = arith.constant 16 : i32
      %mul3A_342 = arith.muli %scan3A_209, %mul3A_341 : i32
      %add3A_343 = arith.constant 3 : i32
      %add3A_344 = arith.addi %mul3A_342, %add3A_343 : i32
      %get3A_345 = arith.index_cast %add3A_344 : i32 to index
      %get3A_346 = arith.constant 0 : index
      %get3A_347 = tpu.vector_load %arg10[%get3A_345, %get3A_346] {strides = array<i32>} : memref<512x64xf32, #tpu.memory_space<vmem>>, vector<16xf32>,
      %get3A_348 = arith.index_cast %add3A_344 : i32 to index
      %get3A_349 = arith.constant 0 : index
      %get3A_350 = tpu.vector_load %arg11[%get3A_348, %get3A_349] {strides = array<i32>} : memref<512x64xf32, #tpu.memory_space<vmem>>, vector<16xf32>,
      %mul3A_351 = arith.mulf %get3A_347, %get3A_350 : vector<16xf32>
      %mul3A_352 = arith.mulf %mul3A_351, %get3A_90 : vector<16xf32>
      %get3A_353 = arith.index_cast %add3A_344 : i32 to index
      %get3A_354 = arith.constant 16 : index
      %get3A_355 = tpu.vector_load %arg10[%get3A_353, %get3A_354] {strides = array<i32>} : memref<512x64xf32, #tpu.memory_space<vmem>>, vector<16xf32>,
      %get3A_356 = arith.index_cast %add3A_344 : i32 to index
      %get3A_357 = arith.constant 16 : index
      %get3A_358 = tpu.vector_load %arg11[%get3A_356, %get3A_357] {strides = array<i32>} : memref<512x64xf32, #tpu.memory_space<vmem>>, vector<16xf32>,
      %mul3A_359 = arith.mulf %get3A_355, %get3A_358 : vector<16xf32>
      %mul3A_360 = arith.mulf %mul3A_359, %get3A_92 : vector<16xf32>
      %get3A_361 = arith.index_cast %add3A_344 : i32 to index
      %get3A_362 = arith.constant 32 : index
      %get3A_363 = tpu.vector_load %arg10[%get3A_361, %get3A_362] {strides = array<i32>} : memref<512x64xf32, #tpu.memory_space<vmem>>, vector<16xf32>,
      %get3A_364 = arith.index_cast %add3A_344 : i32 to index
      %get3A_365 = arith.constant 32 : index
      %get3A_366 = tpu.vector_load %arg11[%get3A_364, %get3A_365] {strides = array<i32>} : memref<512x64xf32, #tpu.memory_space<vmem>>, vector<16xf32>,
      %mul3A_367 = arith.mulf %get3A_363, %get3A_366 : vector<16xf32>
      %mul3A_368 = arith.mulf %mul3A_367, %get3A_94 : vector<16xf32>
      %get3A_369 = arith.index_cast %add3A_344 : i32 to index
      %get3A_370 = arith.constant 48 : index
      %get3A_371 = tpu.vector_load %arg10[%get3A_369, %get3A_370] {strides = array<i32>} : memref<512x64xf32, #tpu.memory_space<vmem>>, vector<16xf32>,
      %get3A_372 = arith.index_cast %add3A_344 : i32 to index
      %get3A_373 = arith.constant 48 : index
      %get3A_374 = tpu.vector_load %arg11[%get3A_372, %get3A_373] {strides = array<i32>} : memref<512x64xf32, #tpu.memory_space<vmem>>, vector<16xf32>,
      %mul3A_375 = arith.mulf %get3A_371, %get3A_374 : vector<16xf32>
      %mul3A_376 = arith.mulf %mul3A_375, %get3A_96 : vector<16xf32>
      %add3A_377 = arith.addf %mul3A_352, %mul3A_360 : vector<16xf32>
      %add3A_378 = arith.addf %mul3A_368, %mul3A_376 : vector<16xf32>
      %add3A_379 = arith.addf %add3A_377, %add3A_378 : vector<16xf32>
      %swap3A_380 = arith.constant 3 : i32
      %swap3A_381 = arith.index_cast %scan3A_209 : i32 to index
      %swap3A_382 = arith.index_cast %swap3A_380 : i32 to index
      %swap3A_383 = arith.constant 0 : index
      %swap3A_384 = tpu.vector_load %arg14[%swap3A_381, %swap3A_382, %swap3A_383] {strides = array<i32>} : memref<32x16x17xf32, #tpu.memory_space<vmem>>, vector<16xf32>,
      tpu.vector_store %arg14[%swap3A_381, %swap3A_382, %swap3A_383], %add3A_379 {strides = array<i32>} : memref<32x16x17xf32, #tpu.memory_space<vmem>>, vector<16xf32>,
      %mul3A_385 = arith.constant 16 : i32
      %mul3A_386 = arith.muli %scan3A_209, %mul3A_385 : i32
      %add3A_387 = arith.constant 4 : i32
      %add3A_388 = arith.addi %mul3A_386, %add3A_387 : i32
      %get3A_389 = arith.index_cast %add3A_388 : i32 to index
      %get3A_390 = arith.constant 0 : index
      %get3A_391 = tpu.vector_load %arg10[%get3A_389, %get3A_390] {strides = array<i32>} : memref<512x64xf32, #tpu.memory_space<vmem>>, vector<16xf32>,
      %get3A_392 = arith.index_cast %add3A_388 : i32 to index
      %get3A_393 = arith.constant 0 : index
      %get3A_394 = tpu.vector_load %arg11[%get3A_392, %get3A_393] {strides = array<i32>} : memref<512x64xf32, #tpu.memory_space<vmem>>, vector<16xf32>,
      %mul3A_395 = arith.mulf %get3A_391, %get3A_394 : vector<16xf32>
      %mul3A_396 = arith.mulf %mul3A_395, %get3A_90 : vector<16xf32>
      %get3A_397 = arith.index_cast %add3A_388 : i32 to index
      %get3A_398 = arith.constant 16 : index
      %get3A_399 = tpu.vector_load %arg10[%get3A_397, %get3A_398] {strides = array<i32>} : memref<512x64xf32, #tpu.memory_space<vmem>>, vector<16xf32>,
      %get3A_400 = arith.index_cast %add3A_388 : i32 to index
      %get3A_401 = arith.constant 16 : index
      %get3A_402 = tpu.vector_load %arg11[%get3A_400, %get3A_401] {strides = array<i32>} : memref<512x64xf32, #tpu.memory_space<vmem>>, vector<16xf32>,
      %mul3A_403 = arith.mulf %get3A_399, %get3A_402 : vector<16xf32>
      %mul3A_404 = arith.mulf %mul3A_403, %get3A_92 : vector<16xf32>
      %get3A_405 = arith.index_cast %add3A_388 : i32 to index
      %get3A_406 = arith.constant 32 : index
      %get3A_407 = tpu.vector_load %arg10[%get3A_405, %get3A_406] {strides = array<i32>} : memref<512x64xf32, #tpu.memory_space<vmem>>, vector<16xf32>,
      %get3A_408 = arith.index_cast %add3A_388 : i32 to index
      %get3A_409 = arith.constant 32 : index
      %get3A_410 = tpu.vector_load %arg11[%get3A_408, %get3A_409] {strides = array<i32>} : memref<512x64xf32, #tpu.memory_space<vmem>>, vector<16xf32>,
      %mul3A_411 = arith.mulf %get3A_407, %get3A_410 : vector<16xf32>
      %mul3A_412 = arith.mulf %mul3A_411, %get3A_94 : vector<16xf32>
      %get3A_413 = arith.index_cast %add3A_388 : i32 to index
      %get3A_414 = arith.constant 48 : index
      %get3A_415 = tpu.vector_load %arg10[%get3A_413, %get3A_414] {strides = array<i32>} : memref<512x64xf32, #tpu.memory_space<vmem>>, vector<16xf32>,
      %get3A_416 = arith.index_cast %add3A_388 : i32 to index
      %get3A_417 = arith.constant 48 : index
      %get3A_418 = tpu.vector_load %arg11[%get3A_416, %get3A_417] {strides = array<i32>} : memref<512x64xf32, #tpu.memory_space<vmem>>, vector<16xf32>,
      %mul3A_419 = arith.mulf %get3A_415, %get3A_418 : vector<16xf32>
      %mul3A_420 = arith.mulf %mul3A_419, %get3A_96 : vector<16xf32>
      %add3A_421 = arith.addf %mul3A_396, %mul3A_404 : vector<16xf32>
      %add3A_422 = arith.addf %mul3A_412, %mul3A_420 : vector<16xf32>
      %add3A_423 = arith.addf %add3A_421, %add3A_422 : vector<16xf32>
      %swap3A_424 = arith.constant 4 : i32
      %swap3A_425 = arith.index_cast %scan3A_209 : i32 to index
      %swap3A_426 = arith.index_cast %swap3A_424 : i32 to index
      %swap3A_427 = arith.constant 0 : index
      %swap3A_428 = tpu.vector_load %arg14[%swap3A_425, %swap3A_426, %swap3A_427] {strides = array<i32>} : memref<32x16x17xf32, #tpu.memory_space<vmem>>, vector<16xf32>,
      tpu.vector_store %arg14[%swap3A_425, %swap3A_426, %swap3A_427], %add3A_423 {strides = array<i32>} : memref<32x16x17xf32, #tpu.memory_space<vmem>>, vector<16xf32>,
      %mul3A_429 = arith.constant 16 : i32
      %mul3A_430 = arith.muli %scan3A_209, %mul3A_429 : i32
      %add3A_431 = arith.constant 5 : i32
      %add3A_432 = arith.addi %mul3A_430, %add3A_431 : i32
      %get3A_433 = arith.index_cast %add3A_432 : i32 to index
      %get3A_434 = arith.constant 0 : index
      %get3A_435 = tpu.vector_load %arg10[%get3A_433, %get3A_434] {strides = array<i32>} : memref<512x64xf32, #tpu.memory_space<vmem>>, vector<16xf32>,
      %get3A_436 = arith.index_cast %add3A_432 : i32 to index
      %get3A_437 = arith.constant 0 : index
      %get3A_438 = tpu.vector_load %arg11[%get3A_436, %get3A_437] {strides = array<i32>} : memref<512x64xf32, #tpu.memory_space<vmem>>, vector<16xf32>,
      %mul3A_439 = arith.mulf %get3A_435, %get3A_438 : vector<16xf32>
      %mul3A_440 = arith.mulf %mul3A_439, %get3A_90 : vector<16xf32>
      %get3A_441 = arith.index_cast %add3A_432 : i32 to index
      %get3A_442 = arith.constant 16 : index
      %get3A_443 = tpu.vector_load %arg10[%get3A_441, %get3A_442] {strides = array<i32>} : memref<512x64xf32, #tpu.memory_space<vmem>>, vector<16xf32>,
      %get3A_444 = arith.index_cast %add3A_432 : i32 to index
      %get3A_445 = arith.constant 16 : index
      %get3A_446 = tpu.vector_load %arg11[%get3A_444, %get3A_445] {strides = array<i32>} : memref<512x64xf32, #tpu.memory_space<vmem>>, vector<16xf32>,
      %mul3A_447 = arith.mulf %get3A_443, %get3A_446 : vector<16xf32>
      %mul3A_448 = arith.mulf %mul3A_447, %get3A_92 : vector<16xf32>
      %get3A_449 = arith.index_cast %add3A_432 : i32 to index
      %get3A_450 = arith.constant 32 : index
      %get3A_451 = tpu.vector_load %arg10[%get3A_449, %get3A_450] {strides = array<i32>} : memref<512x64xf32, #tpu.memory_space<vmem>>, vector<16xf32>,
      %get3A_452 = arith.index_cast %add3A_432 : i32 to index
      %get3A_453 = arith.constant 32 : index
      %get3A_454 = tpu.vector_load %arg11[%get3A_452, %get3A_453] {strides = array<i32>} : memref<512x64xf32, #tpu.memory_space<vmem>>, vector<16xf32>,
      %mul3A_455 = arith.mulf %get3A_451, %get3A_454 : vector<16xf32>
      %mul3A_456 = arith.mulf %mul3A_455, %get3A_94 : vector<16xf32>
      %get3A_457 = arith.index_cast %add3A_432 : i32 to index
      %get3A_458 = arith.constant 48 : index
      %get3A_459 = tpu.vector_load %arg10[%get3A_457, %get3A_458] {strides = array<i32>} : memref<512x64xf32, #tpu.memory_space<vmem>>, vector<16xf32>,
      %get3A_460 = arith.index_cast %add3A_432 : i32 to index
      %get3A_461 = arith.constant 48 : index
      %get3A_462 = tpu.vector_load %arg11[%get3A_460, %get3A_461] {strides = array<i32>} : memref<512x64xf32, #tpu.memory_space<vmem>>, vector<16xf32>,
      %mul3A_463 = arith.mulf %get3A_459, %get3A_462 : vector<16xf32>
      %mul3A_464 = arith.mulf %mul3A_463, %get3A_96 : vector<16xf32>
      %add3A_465 = arith.addf %mul3A_440, %mul3A_448 : vector<16xf32>
      %add3A_466 = arith.addf %mul3A_456, %mul3A_464 : vector<16xf32>
      %add3A_467 = arith.addf %add3A_465, %add3A_466 : vector<16xf32>
      %swap3A_468 = arith.constant 5 : i32
      %swap3A_469 = arith.index_cast %scan3A_209 : i32 to index
      %swap3A_470 = arith.index_cast %swap3A_468 : i32 to index
      %swap3A_471 = arith.constant 0 : index
      %swap3A_472 = tpu.vector_load %arg14[%swap3A_469, %swap3A_470, %swap3A_471] {strides = array<i32>} : memref<32x16x17xf32, #tpu.memory_space<vmem>>, vector<16xf32>,
      tpu.vector_store %arg14[%swap3A_469, %swap3A_470, %swap3A_471], %add3A_467 {strides = array<i32>} : memref<32x16x17xf32, #tpu.memory_space<vmem>>, vector<16xf32>,
      %mul3A_473 = arith.constant 16 : i32
      %mul3A_474 = arith.muli %scan3A_209, %mul3A_473 : i32
      %add3A_475 = arith.constant 6 : i32
      %add3A_476 = arith.addi %mul3A_474, %add3A_475 : i32
      %get3A_477 = arith.index_cast %add3A_476 : i32 to index
      %get3A_478 = arith.constant 0 : index
      %get3A_479 = tpu.vector_load %arg10[%get3A_477, %get3A_478] {strides = array<i32>} : memref<512x64xf32, #tpu.memory_space<vmem>>, vector<16xf32>,
      %get3A_480 = arith.index_cast %add3A_476 : i32 to index
      %get3A_481 = arith.constant 0 : index
      %get3A_482 = tpu.vector_load %arg11[%get3A_480, %get3A_481] {strides = array<i32>} : memref<512x64xf32, #tpu.memory_space<vmem>>, vector<16xf32>,
      %mul3A_483 = arith.mulf %get3A_479, %get3A_482 : vector<16xf32>
      %mul3A_484 = arith.mulf %mul3A_483, %get3A_90 : vector<16xf32>
      %get3A_485 = arith.index_cast %add3A_476 : i32 to index
      %get3A_486 = arith.constant 16 : index
      %get3A_487 = tpu.vector_load %arg10[%get3A_485, %get3A_486] {strides = array<i32>} : memref<512x64xf32, #tpu.memory_space<vmem>>, vector<16xf32>,
      %get3A_488 = arith.index_cast %add3A_476 : i32 to index
      %get3A_489 = arith.constant 16 : index
      %get3A_490 = tpu.vector_load %arg11[%get3A_488, %get3A_489] {strides = array<i32>} : memref<512x64xf32, #tpu.memory_space<vmem>>, vector<16xf32>,
      %mul3A_491 = arith.mulf %get3A_487, %get3A_490 : vector<16xf32>
      %mul3A_492 = arith.mulf %mul3A_491, %get3A_92 : vector<16xf32>
      %get3A_493 = arith.index_cast %add3A_476 : i32 to index
      %get3A_494 = arith.constant 32 : index
      %get3A_495 = tpu.vector_load %arg10[%get3A_493, %get3A_494] {strides = array<i32>} : memref<512x64xf32, #tpu.memory_space<vmem>>, vector<16xf32>,
      %get3A_496 = arith.index_cast %add3A_476 : i32 to index
      %get3A_497 = arith.constant 32 : index
      %get3A_498 = tpu.vector_load %arg11[%get3A_496, %get3A_497] {strides = array<i32>} : memref<512x64xf32, #tpu.memory_space<vmem>>, vector<16xf32>,
      %mul3A_499 = arith.mulf %get3A_495, %get3A_498 : vector<16xf32>
      %mul3A_500 = arith.mulf %mul3A_499, %get3A_94 : vector<16xf32>
      %get3A_501 = arith.index_cast %add3A_476 : i32 to index
      %get3A_502 = arith.constant 48 : index
      %get3A_503 = tpu.vector_load %arg10[%get3A_501, %get3A_502] {strides = array<i32>} : memref<512x64xf32, #tpu.memory_space<vmem>>, vector<16xf32>,
      %get3A_504 = arith.index_cast %add3A_476 : i32 to index
      %get3A_505 = arith.constant 48 : index
      %get3A_506 = tpu.vector_load %arg11[%get3A_504, %get3A_505] {strides = array<i32>} : memref<512x64xf32, #tpu.memory_space<vmem>>, vector<16xf32>,
      %mul3A_507 = arith.mulf %get3A_503, %get3A_506 : vector<16xf32>
      %mul3A_508 = arith.mulf %mul3A_507, %get3A_96 : vector<16xf32>
      %add3A_509 = arith.addf %mul3A_484, %mul3A_492 : vector<16xf32>
      %add3A_510 = arith.addf %mul3A_500, %mul3A_508 : vector<16xf32>
      %add3A_511 = arith.addf %add3A_509, %add3A_510 : vector<16xf32>
      %swap3A_512 = arith.constant 6 : i32
      %swap3A_513 = arith.index_cast %scan3A_209 : i32 to index
      %swap3A_514 = arith.index_cast %swap3A_512 : i32 to index
      %swap3A_515 = arith.constant 0 : index
      %swap3A_516 = tpu.vector_load %arg14[%swap3A_513, %swap3A_514, %swap3A_515] {strides = array<i32>} : memref<32x16x17xf32, #tpu.memory_space<vmem>>, vector<16xf32>,
      tpu.vector_store %arg14[%swap3A_513, %swap3A_514, %swap3A_515], %add3A_511 {strides = array<i32>} : memref<32x16x17xf32, #tpu.memory_space<vmem>>, vector<16xf32>,
      %mul3A_517 = arith.constant 16 : i32
      %mul3A_518 = arith.muli %scan3A_209, %mul3A_517 : i32
      %add3A_519 = arith.constant 7 : i32
      %add3A_520 = arith.addi %mul3A_518, %add3A_519 : i32
      %get3A_521 = arith.index_cast %add3A_520 : i32 to index
      %get3A_522 = arith.constant 0 : index
      %get3A_523 = tpu.vector_load %arg10[%get3A_521, %get3A_522] {strides = array<i32>} : memref<512x64xf32, #tpu.memory_space<vmem>>, vector<16xf32>,
      %get3A_524 = arith.index_cast %add3A_520 : i32 to index
      %get3A_525 = arith.constant 0 : index
      %get3A_526 = tpu.vector_load %arg11[%get3A_524, %get3A_525] {strides = array<i32>} : memref<512x64xf32, #tpu.memory_space<vmem>>, vector<16xf32>,
      %mul3A_527 = arith.mulf %get3A_523, %get3A_526 : vector<16xf32>
      %mul3A_528 = arith.mulf %mul3A_527, %get3A_90 : vector<16xf32>
      %get3A_529 = arith.index_cast %add3A_520 : i32 to index
      %get3A_530 = arith.constant 16 : index
      %get3A_531 = tpu.vector_load %arg10[%get3A_529, %get3A_530] {strides = array<i32>} : memref<512x64xf32, #tpu.memory_space<vmem>>, vector<16xf32>,
      %get3A_532 = arith.index_cast %add3A_520 : i32 to index
      %get3A_533 = arith.constant 16 : index
      %get3A_534 = tpu.vector_load %arg11[%get3A_532, %get3A_533] {strides = array<i32>} : memref<512x64xf32, #tpu.memory_space<vmem>>, vector<16xf32>,
      %mul3A_535 = arith.mulf %get3A_531, %get3A_534 : vector<16xf32>
      %mul3A_536 = arith.mulf %mul3A_535, %get3A_92 : vector<16xf32>
      %get3A_537 = arith.index_cast %add3A_520 : i32 to index
      %get3A_538 = arith.constant 32 : index
      %get3A_539 = tpu.vector_load %arg10[%get3A_537, %get3A_538] {strides = array<i32>} : memref<512x64xf32, #tpu.memory_space<vmem>>, vector<16xf32>,
      %get3A_540 = arith.index_cast %add3A_520 : i32 to index
      %get3A_541 = arith.constant 32 : index
      %get3A_542 = tpu.vector_load %arg11[%get3A_540, %get3A_541] {strides = array<i32>} : memref<512x64xf32, #tpu.memory_space<vmem>>, vector<16xf32>,
      %mul3A_543 = arith.mulf %get3A_539, %get3A_542 : vector<16xf32>
      %mul3A_544 = arith.mulf %mul3A_543, %get3A_94 : vector<16xf32>
      %get3A_545 = arith.index_cast %add3A_520 : i32 to index
      %get3A_546 = arith.constant 48 : index
      %get3A_547 = tpu.vector_load %arg10[%get3A_545, %get3A_546] {strides = array<i32>} : memref<512x64xf32, #tpu.memory_space<vmem>>, vector<16xf32>,
      %get3A_548 = arith.index_cast %add3A_520 : i32 to index
      %get3A_549 = arith.constant 48 : index
      %get3A_550 = tpu.vector_load %arg11[%get3A_548, %get3A_549] {strides = array<i32>} : memref<512x64xf32, #tpu.memory_space<vmem>>, vector<16xf32>,
      %mul3A_551 = arith.mulf %get3A_547, %get3A_550 : vector<16xf32>
      %mul3A_552 = arith.mulf %mul3A_551, %get3A_96 : vector<16xf32>
      %add3A_553 = arith.addf %mul3A_528, %mul3A_536 : vector<16xf32>
      %add3A_554 = arith.addf %mul3A_544, %mul3A_552 : vector<16xf32>
      %add3A_555 = arith.addf %add3A_553, %add3A_554 : vector<16xf32>
      %swap3A_556 = arith.constant 7 : i32
      %swap3A_557 = arith.index_cast %scan3A_209 : i32 to index
      %swap3A_558 = arith.index_cast %swap3A_556 : i32 to index
      %swap3A_559 = arith.constant 0 : index
      %swap3A_560 = tpu.vector_load %arg14[%swap3A_557, %swap3A_558, %swap3A_559] {strides = array<i32>} : memref<32x16x17xf32, #tpu.memory_space<vmem>>, vector<16xf32>,
      tpu.vector_store %arg14[%swap3A_557, %swap3A_558, %swap3A_559], %add3A_555 {strides = array<i32>} : memref<32x16x17xf32, #tpu.memory_space<vmem>>, vector<16xf32>,
      %mul3A_561 = arith.constant 16 : i32
      %mul3A_562 = arith.muli %scan3A_209, %mul3A_561 : i32
      %add3A_563 = arith.constant 8 : i32
      %add3A_564 = arith.addi %mul3A_562, %add3A_563 : i32
      %get3A_565 = arith.index_cast %add3A_564 : i32 to index
      %get3A_566 = arith.constant 0 : index
      %get3A_567 = tpu.vector_load %arg10[%get3A_565, %get3A_566] {strides = array<i32>} : memref<512x64xf32, #tpu.memory_space<vmem>>, vector<16xf32>,
      %get3A_568 = arith.index_cast %add3A_564 : i32 to index
      %get3A_569 = arith.constant 0 : index
      %get3A_570 = tpu.vector_load %arg11[%get3A_568, %get3A_569] {strides = array<i32>} : memref<512x64xf32, #tpu.memory_space<vmem>>, vector<16xf32>,
      %mul3A_571 = arith.mulf %get3A_567, %get3A_570 : vector<16xf32>
      %mul3A_572 = arith.mulf %mul3A_571, %get3A_90 : vector<16xf32>
      %get3A_573 = arith.index_cast %add3A_564 : i32 to index
      %get3A_574 = arith.constant 16 : index
      %get3A_575 = tpu.vector_load %arg10[%get3A_573, %get3A_574] {strides = array<i32>} : memref<512x64xf32, #tpu.memory_space<vmem>>, vector<16xf32>,
      %get3A_576 = arith.index_cast %add3A_564 : i32 to index
      %get3A_577 = arith.constant 16 : index
      %get3A_578 = tpu.vector_load %arg11[%get3A_576, %get3A_577] {strides = array<i32>} : memref<512x64xf32, #tpu.memory_space<vmem>>, vector<16xf32>,
      %mul3A_579 = arith.mulf %get3A_575, %get3A_578 : vector<16xf32>
      %mul3A_580 = arith.mulf %mul3A_579, %get3A_92 : vector<16xf32>
      %get3A_581 = arith.index_cast %add3A_564 : i32 to index
      %get3A_582 = arith.constant 32 : index
      %get3A_583 = tpu.vector_load %arg10[%get3A_581, %get3A_582] {strides = array<i32>} : memref<512x64xf32, #tpu.memory_space<vmem>>, vector<16xf32>,
      %get3A_584 = arith.index_cast %add3A_564 : i32 to index
      %get3A_585 = arith.constant 32 : index
      %get3A_586 = tpu.vector_load %arg11[%get3A_584, %get3A_585] {strides = array<i32>} : memref<512x64xf32, #tpu.memory_space<vmem>>, vector<16xf32>,
      %mul3A_587 = arith.mulf %get3A_583, %get3A_586 : vector<16xf32>
      %mul3A_588 = arith.mulf %mul3A_587, %get3A_94 : vector<16xf32>
      %get3A_589 = arith.index_cast %add3A_564 : i32 to index
      %get3A_590 = arith.constant 48 : index
      %get3A_591 = tpu.vector_load %arg10[%get3A_589, %get3A_590] {strides = array<i32>} : memref<512x64xf32, #tpu.memory_space<vmem>>, vector<16xf32>,
      %get3A_592 = arith.index_cast %add3A_564 : i32 to index
      %get3A_593 = arith.constant 48 : index
      %get3A_594 = tpu.vector_load %arg11[%get3A_592, %get3A_593] {strides = array<i32>} : memref<512x64xf32, #tpu.memory_space<vmem>>, vector<16xf32>,
      %mul3A_595 = arith.mulf %get3A_591, %get3A_594 : vector<16xf32>
      %mul3A_596 = arith.mulf %mul3A_595, %get3A_96 : vector<16xf32>
      %add3A_597 = arith.addf %mul3A_572, %mul3A_580 : vector<16xf32>
      %add3A_598 = arith.addf %mul3A_588, %mul3A_596 : vector<16xf32>
      %add3A_599 = arith.addf %add3A_597, %add3A_598 : vector<16xf32>
      %swap3A_600 = arith.constant 8 : i32
      %swap3A_601 = arith.index_cast %scan3A_209 : i32 to index
      %swap3A_602 = arith.index_cast %swap3A_600 : i32 to index
      %swap3A_603 = arith.constant 0 : index
      %swap3A_604 = tpu.vector_load %arg14[%swap3A_601, %swap3A_602, %swap3A_603] {strides = array<i32>} : memref<32x16x17xf32, #tpu.memory_space<vmem>>, vector<16xf32>,
      tpu.vector_store %arg14[%swap3A_601, %swap3A_602, %swap3A_603], %add3A_599 {strides = array<i32>} : memref<32x16x17xf32, #tpu.memory_space<vmem>>, vector<16xf32>,
      %mul3A_605 = arith.constant 16 : i32
      %mul3A_606 = arith.muli %scan3A_209, %mul3A_605 : i32
      %add3A_607 = arith.constant 9 : i32
      %add3A_608 = arith.addi %mul3A_606, %add3A_607 : i32
      %get3A_609 = arith.index_cast %add3A_608 : i32 to index
      %get3A_610 = arith.constant 0 : index
      %get3A_611 = tpu.vector_load %arg10[%get3A_609, %get3A_610] {strides = array<i32>} : memref<512x64xf32, #tpu.memory_space<vmem>>, vector<16xf32>,
      %get3A_612 = arith.index_cast %add3A_608 : i32 to index
      %get3A_613 = arith.constant 0 : index
      %get3A_614 = tpu.vector_load %arg11[%get3A_612, %get3A_613] {strides = array<i32>} : memref<512x64xf32, #tpu.memory_space<vmem>>, vector<16xf32>,
      %mul3A_615 = arith.mulf %get3A_611, %get3A_614 : vector<16xf32>
      %mul3A_616 = arith.mulf %mul3A_615, %get3A_90 : vector<16xf32>
      %get3A_617 = arith.index_cast %add3A_608 : i32 to index
      %get3A_618 = arith.constant 16 : index
      %get3A_619 = tpu.vector_load %arg10[%get3A_617, %get3A_618] {strides = array<i32>} : memref<512x64xf32, #tpu.memory_space<vmem>>, vector<16xf32>,
      %get3A_620 = arith.index_cast %add3A_608 : i32 to index
      %get3A_621 = arith.constant 16 : index
      %get3A_622 = tpu.vector_load %arg11[%get3A_620, %get3A_621] {strides = array<i32>} : memref<512x64xf32, #tpu.memory_space<vmem>>, vector<16xf32>,
      %mul3A_623 = arith.mulf %get3A_619, %get3A_622 : vector<16xf32>
      %mul3A_624 = arith.mulf %mul3A_623, %get3A_92 : vector<16xf32>
      %get3A_625 = arith.index_cast %add3A_608 : i32 to index
      %get3A_626 = arith.constant 32 : index
      %get3A_627 = tpu.vector_load %arg10[%get3A_625, %get3A_626] {strides = array<i32>} : memref<512x64xf32, #tpu.memory_space<vmem>>, vector<16xf32>,
      %get3A_628 = arith.index_cast %add3A_608 : i32 to index
      %get3A_629 = arith.constant 32 : index
      %get3A_630 = tpu.vector_load %arg11[%get3A_628, %get3A_629] {strides = array<i32>} : memref<512x64xf32, #tpu.memory_space<vmem>>, vector<16xf32>,
      %mul3A_631 = arith.mulf %get3A_627, %get3A_630 : vector<16xf32>
      %mul3A_632 = arith.mulf %mul3A_631, %get3A_94 : vector<16xf32>
      %get3A_633 = arith.index_cast %add3A_608 : i32 to index
      %get3A_634 = arith.constant 48 : index
      %get3A_635 = tpu.vector_load %arg10[%get3A_633, %get3A_634] {strides = array<i32>} : memref<512x64xf32, #tpu.memory_space<vmem>>, vector<16xf32>,
      %get3A_636 = arith.index_cast %add3A_608 : i32 to index
      %get3A_637 = arith.constant 48 : index
      %get3A_638 = tpu.vector_load %arg11[%get3A_636, %get3A_637] {strides = array<i32>} : memref<512x64xf32, #tpu.memory_space<vmem>>, vector<16xf32>,
      %mul3A_639 = arith.mulf %get3A_635, %get3A_638 : vector<16xf32>
      %mul3A_640 = arith.mulf %mul3A_639, %get3A_96 : vector<16xf32>
      %add3A_641 = arith.addf %mul3A_616, %mul3A_624 : vector<16xf32>
      %add3A_642 = arith.addf %mul3A_632, %mul3A_640 : vector<16xf32>
      %add3A_643 = arith.addf %add3A_641, %add3A_642 : vector<16xf32>
      %swap3A_644 = arith.constant 9 : i32
      %swap3A_645 = arith.index_cast %scan3A_209 : i32 to index
      %swap3A_646 = arith.index_cast %swap3A_644 : i32 to index
      %swap3A_647 = arith.constant 0 : index
      %swap3A_648 = tpu.vector_load %arg14[%swap3A_645, %swap3A_646, %swap3A_647] {strides = array<i32>} : memref<32x16x17xf32, #tpu.memory_space<vmem>>, vector<16xf32>,
      tpu.vector_store %arg14[%swap3A_645, %swap3A_646, %swap3A_647], %add3A_643 {strides = array<i32>} : memref<32x16x17xf32, #tpu.memory_space<vmem>>, vector<16xf32>,
      %mul3A_649 = arith.constant 16 : i32
      %mul3A_650 = arith.muli %scan3A_209, %mul3A_649 : i32
      %add3A_651 = arith.constant 10 : i32
      %add3A_652 = arith.addi %mul3A_650, %add3A_651 : i32
      %get3A_653 = arith.index_cast %add3A_652 : i32 to index
      %get3A_654 = arith.constant 0 : index
      %get3A_655 = tpu.vector_load %arg10[%get3A_653, %get3A_654] {strides = array<i32>} : memref<512x64xf32, #tpu.memory_space<vmem>>, vector<16xf32>,
      %get3A_656 = arith.index_cast %add3A_652 : i32 to index
      %get3A_657 = arith.constant 0 : index
      %get3A_658 = tpu.vector_load %arg11[%get3A_656, %get3A_657] {strides = array<i32>} : memref<512x64xf32, #tpu.memory_space<vmem>>, vector<16xf32>,
      %mul3A_659 = arith.mulf %get3A_655, %get3A_658 : vector<16xf32>
      %mul3A_660 = arith.mulf %mul3A_659, %get3A_90 : vector<16xf32>
      %get3A_661 = arith.index_cast %add3A_652 : i32 to index
      %get3A_662 = arith.constant 16 : index
      %get3A_663 = tpu.vector_load %arg10[%get3A_661, %get3A_662] {strides = array<i32>} : memref<512x64xf32, #tpu.memory_space<vmem>>, vector<16xf32>,
      %get3A_664 = arith.index_cast %add3A_652 : i32 to index
      %get3A_665 = arith.constant 16 : index
      %get3A_666 = tpu.vector_load %arg11[%get3A_664, %get3A_665] {strides = array<i32>} : memref<512x64xf32, #tpu.memory_space<vmem>>, vector<16xf32>,
      %mul3A_667 = arith.mulf %get3A_663, %get3A_666 : vector<16xf32>
      %mul3A_668 = arith.mulf %mul3A_667, %get3A_92 : vector<16xf32>
      %get3A_669 = arith.index_cast %add3A_652 : i32 to index
      %get3A_670 = arith.constant 32 : index
      %get3A_671 = tpu.vector_load %arg10[%get3A_669, %get3A_670] {strides = array<i32>} : memref<512x64xf32, #tpu.memory_space<vmem>>, vector<16xf32>,
      %get3A_672 = arith.index_cast %add3A_652 : i32 to index
      %get3A_673 = arith.constant 32 : index
      %get3A_674 = tpu.vector_load %arg11[%get3A_672, %get3A_673] {strides = array<i32>} : memref<512x64xf32, #tpu.memory_space<vmem>>, vector<16xf32>,
      %mul3A_675 = arith.mulf %get3A_671, %get3A_674 : vector<16xf32>
      %mul3A_676 = arith.mulf %mul3A_675, %get3A_94 : vector<16xf32>
      %get3A_677 = arith.index_cast %add3A_652 : i32 to index
      %get3A_678 = arith.constant 48 : index
      %get3A_679 = tpu.vector_load %arg10[%get3A_677, %get3A_678] {strides = array<i32>} : memref<512x64xf32, #tpu.memory_space<vmem>>, vector<16xf32>,
      %get3A_680 = arith.index_cast %add3A_652 : i32 to index
      %get3A_681 = arith.constant 48 : index
      %get3A_682 = tpu.vector_load %arg11[%get3A_680, %get3A_681] {strides = array<i32>} : memref<512x64xf32, #tpu.memory_space<vmem>>, vector<16xf32>,
      %mul3A_683 = arith.mulf %get3A_679, %get3A_682 : vector<16xf32>
      %mul3A_684 = arith.mulf %mul3A_683, %get3A_96 : vector<16xf32>
      %add3A_685 = arith.addf %mul3A_660, %mul3A_668 : vector<16xf32>
      %add3A_686 = arith.addf %mul3A_676, %mul3A_684 : vector<16xf32>
      %add3A_687 = arith.addf %add3A_685, %add3A_686 : vector<16xf32>
      %swap3A_688 = arith.constant 10 : i32
      %swap3A_689 = arith.index_cast %scan3A_209 : i32 to index
      %swap3A_690 = arith.index_cast %swap3A_688 : i32 to index
      %swap3A_691 = arith.constant 0 : index
      %swap3A_692 = tpu.vector_load %arg14[%swap3A_689, %swap3A_690, %swap3A_691] {strides = array<i32>} : memref<32x16x17xf32, #tpu.memory_space<vmem>>, vector<16xf32>,
      tpu.vector_store %arg14[%swap3A_689, %swap3A_690, %swap3A_691], %add3A_687 {strides = array<i32>} : memref<32x16x17xf32, #tpu.memory_space<vmem>>, vector<16xf32>,
      %mul3A_693 = arith.constant 16 : i32
      %mul3A_694 = arith.muli %scan3A_209, %mul3A_693 : i32
      %add3A_695 = arith.constant 11 : i32
      %add3A_696 = arith.addi %mul3A_694, %add3A_695 : i32
      %get3A_697 = arith.index_cast %add3A_696 : i32 to index
      %get3A_698 = arith.constant 0 : index
      %get3A_699 = tpu.vector_load %arg10[%get3A_697, %get3A_698] {strides = array<i32>} : memref<512x64xf32, #tpu.memory_space<vmem>>, vector<16xf32>,
      %get3A_700 = arith.index_cast %add3A_696 : i32 to index
      %get3A_701 = arith.constant 0 : index
      %get3A_702 = tpu.vector_load %arg11[%get3A_700, %get3A_701] {strides = array<i32>} : memref<512x64xf32, #tpu.memory_space<vmem>>, vector<16xf32>,
      %mul3A_703 = arith.mulf %get3A_699, %get3A_702 : vector<16xf32>
      %mul3A_704 = arith.mulf %mul3A_703, %get3A_90 : vector<16xf32>
      %get3A_705 = arith.index_cast %add3A_696 : i32 to index
      %get3A_706 = arith.constant 16 : index
      %get3A_707 = tpu.vector_load %arg10[%get3A_705, %get3A_706] {strides = array<i32>} : memref<512x64xf32, #tpu.memory_space<vmem>>, vector<16xf32>,
      %get3A_708 = arith.index_cast %add3A_696 : i32 to index
      %get3A_709 = arith.constant 16 : index
      %get3A_710 = tpu.vector_load %arg11[%get3A_708, %get3A_709] {strides = array<i32>} : memref<512x64xf32, #tpu.memory_space<vmem>>, vector<16xf32>,
      %mul3A_711 = arith.mulf %get3A_707, %get3A_710 : vector<16xf32>
      %mul3A_712 = arith.mulf %mul3A_711, %get3A_92 : vector<16xf32>
      %get3A_713 = arith.index_cast %add3A_696 : i32 to index
      %get3A_714 = arith.constant 32 : index
      %get3A_715 = tpu.vector_load %arg10[%get3A_713, %get3A_714] {strides = array<i32>} : memref<512x64xf32, #tpu.memory_space<vmem>>, vector<16xf32>,
      %get3A_716 = arith.index_cast %add3A_696 : i32 to index
      %get3A_717 = arith.constant 32 : index
      %get3A_718 = tpu.vector_load %arg11[%get3A_716, %get3A_717] {strides = array<i32>} : memref<512x64xf32, #tpu.memory_space<vmem>>, vector<16xf32>,
      %mul3A_719 = arith.mulf %get3A_715, %get3A_718 : vector<16xf32>
      %mul3A_720 = arith.mulf %mul3A_719, %get3A_94 : vector<16xf32>
      %get3A_721 = arith.index_cast %add3A_696 : i32 to index
      %get3A_722 = arith.constant 48 : index
      %get3A_723 = tpu.vector_load %arg10[%get3A_721, %get3A_722] {strides = array<i32>} : memref<512x64xf32, #tpu.memory_space<vmem>>, vector<16xf32>,
      %get3A_724 = arith.index_cast %add3A_696 : i32 to index
      %get3A_725 = arith.constant 48 : index
      %get3A_726 = tpu.vector_load %arg11[%get3A_724, %get3A_725] {strides = array<i32>} : memref<512x64xf32, #tpu.memory_space<vmem>>, vector<16xf32>,
      %mul3A_727 = arith.mulf %get3A_723, %get3A_726 : vector<16xf32>
      %mul3A_728 = arith.mulf %mul3A_727, %get3A_96 : vector<16xf32>
      %add3A_729 = arith.addf %mul3A_704, %mul3A_712 : vector<16xf32>
      %add3A_730 = arith.addf %mul3A_720, %mul3A_728 : vector<16xf32>
      %add3A_731 = arith.addf %add3A_729, %add3A_730 : vector<16xf32>
      %swap3A_732 = arith.constant 11 : i32
      %swap3A_733 = arith.index_cast %scan3A_209 : i32 to index
      %swap3A_734 = arith.index_cast %swap3A_732 : i32 to index
      %swap3A_735 = arith.constant 0 : index
      %swap3A_736 = tpu.vector_load %arg14[%swap3A_733, %swap3A_734, %swap3A_735] {strides = array<i32>} : memref<32x16x17xf32, #tpu.memory_space<vmem>>, vector<16xf32>,
      tpu.vector_store %arg14[%swap3A_733, %swap3A_734, %swap3A_735], %add3A_731 {strides = array<i32>} : memref<32x16x17xf32, #tpu.memory_space<vmem>>, vector<16xf32>,
      %mul3A_737 = arith.constant 16 : i32
      %mul3A_738 = arith.muli %scan3A_209, %mul3A_737 : i32
      %add3A_739 = arith.constant 12 : i32
      %add3A_740 = arith.addi %mul3A_738, %add3A_739 : i32
      %get3A_741 = arith.index_cast %add3A_740 : i32 to index
      %get3A_742 = arith.constant 0 : index
      %get3A_743 = tpu.vector_load %arg10[%get3A_741, %get3A_742] {strides = array<i32>} : memref<512x64xf32, #tpu.memory_space<vmem>>, vector<16xf32>,
      %get3A_744 = arith.index_cast %add3A_740 : i32 to index
      %get3A_745 = arith.constant 0 : index
      %get3A_746 = tpu.vector_load %arg11[%get3A_744, %get3A_745] {strides = array<i32>} : memref<512x64xf32, #tpu.memory_space<vmem>>, vector<16xf32>,
      %mul3A_747 = arith.mulf %get3A_743, %get3A_746 : vector<16xf32>
      %mul3A_748 = arith.mulf %mul3A_747, %get3A_90 : vector<16xf32>
      %get3A_749 = arith.index_cast %add3A_740 : i32 to index
      %get3A_750 = arith.constant 16 : index
      %get3A_751 = tpu.vector_load %arg10[%get3A_749, %get3A_750] {strides = array<i32>} : memref<512x64xf32, #tpu.memory_space<vmem>>, vector<16xf32>,
      %get3A_752 = arith.index_cast %add3A_740 : i32 to index
      %get3A_753 = arith.constant 16 : index
      %get3A_754 = tpu.vector_load %arg11[%get3A_752, %get3A_753] {strides = array<i32>} : memref<512x64xf32, #tpu.memory_space<vmem>>, vector<16xf32>,
      %mul3A_755 = arith.mulf %get3A_751, %get3A_754 : vector<16xf32>
      %mul3A_756 = arith.mulf %mul3A_755, %get3A_92 : vector<16xf32>
      %get3A_757 = arith.index_cast %add3A_740 : i32 to index
      %get3A_758 = arith.constant 32 : index
      %get3A_759 = tpu.vector_load %arg10[%get3A_757, %get3A_758] {strides = array<i32>} : memref<512x64xf32, #tpu.memory_space<vmem>>, vector<16xf32>,
      %get3A_760 = arith.index_cast %add3A_740 : i32 to index
      %get3A_761 = arith.constant 32 : index
      %get3A_762 = tpu.vector_load %arg11[%get3A_760, %get3A_761] {strides = array<i32>} : memref<512x64xf32, #tpu.memory_space<vmem>>, vector<16xf32>,
      %mul3A_763 = arith.mulf %get3A_759, %get3A_762 : vector<16xf32>
      %mul3A_764 = arith.mulf %mul3A_763, %get3A_94 : vector<16xf32>
      %get3A_765 = arith.index_cast %add3A_740 : i32 to index
      %get3A_766 = arith.constant 48 : index
      %get3A_767 = tpu.vector_load %arg10[%get3A_765, %get3A_766] {strides = array<i32>} : memref<512x64xf32, #tpu.memory_space<vmem>>, vector<16xf32>,
      %get3A_768 = arith.index_cast %add3A_740 : i32 to index
      %get3A_769 = arith.constant 48 : index
      %get3A_770 = tpu.vector_load %arg11[%get3A_768, %get3A_769] {strides = array<i32>} : memref<512x64xf32, #tpu.memory_space<vmem>>, vector<16xf32>,
      %mul3A_771 = arith.mulf %get3A_767, %get3A_770 : vector<16xf32>
      %mul3A_772 = arith.mulf %mul3A_771, %get3A_96 : vector<16xf32>
      %add3A_773 = arith.addf %mul3A_748, %mul3A_756 : vector<16xf32>
      %add3A_774 = arith.addf %mul3A_764, %mul3A_772 : vector<16xf32>
      %add3A_775 = arith.addf %add3A_773, %add3A_774 : vector<16xf32>
      %swap3A_776 = arith.constant 12 : i32
      %swap3A_777 = arith.index_cast %scan3A_209 : i32 to index
      %swap3A_778 = arith.index_cast %swap3A_776 : i32 to index
      %swap3A_779 = arith.constant 0 : index
      %swap3A_780 = tpu.vector_load %arg14[%swap3A_777, %swap3A_778, %swap3A_779] {strides = array<i32>} : memref<32x16x17xf32, #tpu.memory_space<vmem>>, vector<16xf32>,
      tpu.vector_store %arg14[%swap3A_777, %swap3A_778, %swap3A_779], %add3A_775 {strides = array<i32>} : memref<32x16x17xf32, #tpu.memory_space<vmem>>, vector<16xf32>,
      %mul3A_781 = arith.constant 16 : i32
      %mul3A_782 = arith.muli %scan3A_209, %mul3A_781 : i32
      %add3A_783 = arith.constant 13 : i32
      %add3A_784 = arith.addi %mul3A_782, %add3A_783 : i32
      %get3A_785 = arith.index_cast %add3A_784 : i32 to index
      %get3A_786 = arith.constant 0 : index
      %get3A_787 = tpu.vector_load %arg10[%get3A_785, %get3A_786] {strides = array<i32>} : memref<512x64xf32, #tpu.memory_space<vmem>>, vector<16xf32>,
      %get3A_788 = arith.index_cast %add3A_784 : i32 to index
      %get3A_789 = arith.constant 0 : index
      %get3A_790 = tpu.vector_load %arg11[%get3A_788, %get3A_789] {strides = array<i32>} : memref<512x64xf32, #tpu.memory_space<vmem>>, vector<16xf32>,
      %mul3A_791 = arith.mulf %get3A_787, %get3A_790 : vector<16xf32>
      %mul3A_792 = arith.mulf %mul3A_791, %get3A_90 : vector<16xf32>
      %get3A_793 = arith.index_cast %add3A_784 : i32 to index
      %get3A_794 = arith.constant 16 : index
      %get3A_795 = tpu.vector_load %arg10[%get3A_793, %get3A_794] {strides = array<i32>} : memref<512x64xf32, #tpu.memory_space<vmem>>, vector<16xf32>,
      %get3A_796 = arith.index_cast %add3A_784 : i32 to index
      %get3A_797 = arith.constant 16 : index
      %get3A_798 = tpu.vector_load %arg11[%get3A_796, %get3A_797] {strides = array<i32>} : memref<512x64xf32, #tpu.memory_space<vmem>>, vector<16xf32>,
      %mul3A_799 = arith.mulf %get3A_795, %get3A_798 : vector<16xf32>
      %mul3A_800 = arith.mulf %mul3A_799, %get3A_92 : vector<16xf32>
      %get3A_801 = arith.index_cast %add3A_784 : i32 to index
      %get3A_802 = arith.constant 32 : index
      %get3A_803 = tpu.vector_load %arg10[%get3A_801, %get3A_802] {strides = array<i32>} : memref<512x64xf32, #tpu.memory_space<vmem>>, vector<16xf32>,
      %get3A_804 = arith.index_cast %add3A_784 : i32 to index
      %get3A_805 = arith.constant 32 : index
      %get3A_806 = tpu.vector_load %arg11[%get3A_804, %get3A_805] {strides = array<i32>} : memref<512x64xf32, #tpu.memory_space<vmem>>, vector<16xf32>,
      %mul3A_807 = arith.mulf %get3A_803, %get3A_806 : vector<16xf32>
      %mul3A_808 = arith.mulf %mul3A_807, %get3A_94 : vector<16xf32>
      %get3A_809 = arith.index_cast %add3A_784 : i32 to index
      %get3A_810 = arith.constant 48 : index
      %get3A_811 = tpu.vector_load %arg10[%get3A_809, %get3A_810] {strides = array<i32>} : memref<512x64xf32, #tpu.memory_space<vmem>>, vector<16xf32>,
      %get3A_812 = arith.index_cast %add3A_784 : i32 to index
      %get3A_813 = arith.constant 48 : index
      %get3A_814 = tpu.vector_load %arg11[%get3A_812, %get3A_813] {strides = array<i32>} : memref<512x64xf32, #tpu.memory_space<vmem>>, vector<16xf32>,
      %mul3A_815 = arith.mulf %get3A_811, %get3A_814 : vector<16xf32>
      %mul3A_816 = arith.mulf %mul3A_815, %get3A_96 : vector<16xf32>
      %add3A_817 = arith.addf %mul3A_792, %mul3A_800 : vector<16xf32>
      %add3A_818 = arith.addf %mul3A_808, %mul3A_816 : vector<16xf32>
      %add3A_819 = arith.addf %add3A_817, %add3A_818 : vector<16xf32>
      %swap3A_820 = arith.constant 13 : i32
      %swap3A_821 = arith.index_cast %scan3A_209 : i32 to index
      %swap3A_822 = arith.index_cast %swap3A_820 : i32 to index
      %swap3A_823 = arith.constant 0 : index
      %swap3A_824 = tpu.vector_load %arg14[%swap3A_821, %swap3A_822, %swap3A_823] {strides = array<i32>} : memref<32x16x17xf32, #tpu.memory_space<vmem>>, vector<16xf32>,
      tpu.vector_store %arg14[%swap3A_821, %swap3A_822, %swap3A_823], %add3A_819 {strides = array<i32>} : memref<32x16x17xf32, #tpu.memory_space<vmem>>, vector<16xf32>,
      %mul3A_825 = arith.constant 16 : i32
      %mul3A_826 = arith.muli %scan3A_209, %mul3A_825 : i32
      %add3A_827 = arith.constant 14 : i32
      %add3A_828 = arith.addi %mul3A_826, %add3A_827 : i32
      %get3A_829 = arith.index_cast %add3A_828 : i32 to index
      %get3A_830 = arith.constant 0 : index
      %get3A_831 = tpu.vector_load %arg10[%get3A_829, %get3A_830] {strides = array<i32>} : memref<512x64xf32, #tpu.memory_space<vmem>>, vector<16xf32>,
      %get3A_832 = arith.index_cast %add3A_828 : i32 to index
      %get3A_833 = arith.constant 0 : index
      %get3A_834 = tpu.vector_load %arg11[%get3A_832, %get3A_833] {strides = array<i32>} : memref<512x64xf32, #tpu.memory_space<vmem>>, vector<16xf32>,
      %mul3A_835 = arith.mulf %get3A_831, %get3A_834 : vector<16xf32>
      %mul3A_836 = arith.mulf %mul3A_835, %get3A_90 : vector<16xf32>
      %get3A_837 = arith.index_cast %add3A_828 : i32 to index
      %get3A_838 = arith.constant 16 : index
      %get3A_839 = tpu.vector_load %arg10[%get3A_837, %get3A_838] {strides = array<i32>} : memref<512x64xf32, #tpu.memory_space<vmem>>, vector<16xf32>,
      %get3A_840 = arith.index_cast %add3A_828 : i32 to index
      %get3A_841 = arith.constant 16 : index
      %get3A_842 = tpu.vector_load %arg11[%get3A_840, %get3A_841] {strides = array<i32>} : memref<512x64xf32, #tpu.memory_space<vmem>>, vector<16xf32>,
      %mul3A_843 = arith.mulf %get3A_839, %get3A_842 : vector<16xf32>
      %mul3A_844 = arith.mulf %mul3A_843, %get3A_92 : vector<16xf32>
      %get3A_845 = arith.index_cast %add3A_828 : i32 to index
      %get3A_846 = arith.constant 32 : index
      %get3A_847 = tpu.vector_load %arg10[%get3A_845, %get3A_846] {strides = array<i32>} : memref<512x64xf32, #tpu.memory_space<vmem>>, vector<16xf32>,
      %get3A_848 = arith.index_cast %add3A_828 : i32 to index
      %get3A_849 = arith.constant 32 : index
      %get3A_850 = tpu.vector_load %arg11[%get3A_848, %get3A_849] {strides = array<i32>} : memref<512x64xf32, #tpu.memory_space<vmem>>, vector<16xf32>,
      %mul3A_851 = arith.mulf %get3A_847, %get3A_850 : vector<16xf32>
      %mul3A_852 = arith.mulf %mul3A_851, %get3A_94 : vector<16xf32>
      %get3A_853 = arith.index_cast %add3A_828 : i32 to index
      %get3A_854 = arith.constant 48 : index
      %get3A_855 = tpu.vector_load %arg10[%get3A_853, %get3A_854] {strides = array<i32>} : memref<512x64xf32, #tpu.memory_space<vmem>>, vector<16xf32>,
      %get3A_856 = arith.index_cast %add3A_828 : i32 to index
      %get3A_857 = arith.constant 48 : index
      %get3A_858 = tpu.vector_load %arg11[%get3A_856, %get3A_857] {strides = array<i32>} : memref<512x64xf32, #tpu.memory_space<vmem>>, vector<16xf32>,
      %mul3A_859 = arith.mulf %get3A_855, %get3A_858 : vector<16xf32>
      %mul3A_860 = arith.mulf %mul3A_859, %get3A_96 : vector<16xf32>
      %add3A_861 = arith.addf %mul3A_836, %mul3A_844 : vector<16xf32>
      %add3A_862 = arith.addf %mul3A_852, %mul3A_860 : vector<16xf32>
      %add3A_863 = arith.addf %add3A_861, %add3A_862 : vector<16xf32>
      %swap3A_864 = arith.constant 14 : i32
      %swap3A_865 = arith.index_cast %scan3A_209 : i32 to index
      %swap3A_866 = arith.index_cast %swap3A_864 : i32 to index
      %swap3A_867 = arith.constant 0 : index
      %swap3A_868 = tpu.vector_load %arg14[%swap3A_865, %swap3A_866, %swap3A_867] {strides = array<i32>} : memref<32x16x17xf32, #tpu.memory_space<vmem>>, vector<16xf32>,
      tpu.vector_store %arg14[%swap3A_865, %swap3A_866, %swap3A_867], %add3A_863 {strides = array<i32>} : memref<32x16x17xf32, #tpu.memory_space<vmem>>, vector<16xf32>,
      %mul3A_869 = arith.constant 16 : i32
      %mul3A_870 = arith.muli %scan3A_209, %mul3A_869 : i32
      %add3A_871 = arith.constant 15 : i32
      %add3A_872 = arith.addi %mul3A_870, %add3A_871 : i32
      %get3A_873 = arith.index_cast %add3A_872 : i32 to index
      %get3A_874 = arith.constant 0 : index
      %get3A_875 = tpu.vector_load %arg10[%get3A_873, %get3A_874] {strides = array<i32>} : memref<512x64xf32, #tpu.memory_space<vmem>>, vector<16xf32>,
      %get3A_876 = arith.index_cast %add3A_872 : i32 to index
      %get3A_877 = arith.constant 0 : index
      %get3A_878 = tpu.vector_load %arg11[%get3A_876, %get3A_877] {strides = array<i32>} : memref<512x64xf32, #tpu.memory_space<vmem>>, vector<16xf32>,
      %mul3A_879 = arith.mulf %get3A_875, %get3A_878 : vector<16xf32>
      %mul3A_880 = arith.mulf %mul3A_879, %get3A_90 : vector<16xf32>
      %get3A_881 = arith.index_cast %add3A_872 : i32 to index
      %get3A_882 = arith.constant 16 : index
      %get3A_883 = tpu.vector_load %arg10[%get3A_881, %get3A_882] {strides = array<i32>} : memref<512x64xf32, #tpu.memory_space<vmem>>, vector<16xf32>,
      %get3A_884 = arith.index_cast %add3A_872 : i32 to index
      %get3A_885 = arith.constant 16 : index
      %get3A_886 = tpu.vector_load %arg11[%get3A_884, %get3A_885] {strides = array<i32>} : memref<512x64xf32, #tpu.memory_space<vmem>>, vector<16xf32>,
      %mul3A_887 = arith.mulf %get3A_883, %get3A_886 : vector<16xf32>
      %mul3A_888 = arith.mulf %mul3A_887, %get3A_92 : vector<16xf32>
      %get3A_889 = arith.index_cast %add3A_872 : i32 to index
      %get3A_890 = arith.constant 32 : index
      %get3A_891 = tpu.vector_load %arg10[%get3A_889, %get3A_890] {strides = array<i32>} : memref<512x64xf32, #tpu.memory_space<vmem>>, vector<16xf32>,
      %get3A_892 = arith.index_cast %add3A_872 : i32 to index
      %get3A_893 = arith.constant 32 : index
      %get3A_894 = tpu.vector_load %arg11[%get3A_892, %get3A_893] {strides = array<i32>} : memref<512x64xf32, #tpu.memory_space<vmem>>, vector<16xf32>,
      %mul3A_895 = arith.mulf %get3A_891, %get3A_894 : vector<16xf32>
      %mul3A_896 = arith.mulf %mul3A_895, %get3A_94 : vector<16xf32>
      %get3A_897 = arith.index_cast %add3A_872 : i32 to index
      %get3A_898 = arith.constant 48 : index
      %get3A_899 = tpu.vector_load %arg10[%get3A_897, %get3A_898] {strides = array<i32>} : memref<512x64xf32, #tpu.memory_space<vmem>>, vector<16xf32>,
      %get3A_900 = arith.index_cast %add3A_872 : i32 to index
      %get3A_901 = arith.constant 48 : index
      %get3A_902 = tpu.vector_load %arg11[%get3A_900, %get3A_901] {strides = array<i32>} : memref<512x64xf32, #tpu.memory_space<vmem>>, vector<16xf32>,
      %mul3A_903 = arith.mulf %get3A_899, %get3A_902 : vector<16xf32>
      %mul3A_904 = arith.mulf %mul3A_903, %get3A_96 : vector<16xf32>
      %add3A_905 = arith.addf %mul3A_880, %mul3A_888 : vector<16xf32>
      %add3A_906 = arith.addf %mul3A_896, %mul3A_904 : vector<16xf32>
      %add3A_907 = arith.addf %add3A_905, %add3A_906 : vector<16xf32>
      %swap3A_908 = arith.constant 15 : i32
      %swap3A_909 = arith.index_cast %scan3A_209 : i32 to index
      %swap3A_910 = arith.index_cast %swap3A_908 : i32 to index
      %swap3A_911 = arith.constant 0 : index
      %swap3A_912 = tpu.vector_load %arg14[%swap3A_909, %swap3A_910, %swap3A_911] {strides = array<i32>} : memref<32x16x17xf32, #tpu.memory_space<vmem>>, vector<16xf32>,
      tpu.vector_store %arg14[%swap3A_909, %swap3A_910, %swap3A_911], %add3A_907 {strides = array<i32>} : memref<32x16x17xf32, #tpu.memory_space<vmem>>, vector<16xf32>,
      %broadcast_in_dim3A = vector.broadcast %scan3A_209 : i32 to vector<16xi32>
      %broadcast_in_dim3A_913 = arith.constant 0 : i32
      %broadcast_in_dim3A_914 = vector.broadcast %broadcast_in_dim3A_913 : i32 to vector<16xi32>
      %gather3A = tpu.vector_load_idx %arg14[%broadcast_in_dim3A, %iota3A, %broadcast_in_dim3A_914] : memref<32x16x17xf32, #tpu.memory_space<vmem>>[vector<16xi32>, vector<16xi32>, vector<16xi32>], vector<16xf32>,
      %broadcast_in_dim3A_915 = arith.constant 1 : i32
      %broadcast_in_dim3A_916 = vector.broadcast %broadcast_in_dim3A_915 : i32 to vector<16xi32>
      %gather3A_917 = tpu.vector_load_idx %arg14[%broadcast_in_dim3A, %iota3A, %broadcast_in_dim3A_916] : memref<32x16x17xf32, #tpu.memory_space<vmem>>[vector<16xi32>, vector<16xi32>, vector<16xi32>], vector<16xf32>,
      %broadcast_in_dim3A_918 = arith.constant 2 : i32
      %broadcast_in_dim3A_919 = vector.broadcast %broadcast_in_dim3A_918 : i32 to vector<16xi32>
      %gather3A_920 = tpu.vector_load_idx %arg14[%broadcast_in_dim3A, %iota3A, %broadcast_in_dim3A_919] : memref<32x16x17xf32, #tpu.memory_space<vmem>>[vector<16xi32>, vector<16xi32>, vector<16xi32>], vector<16xf32>,
      %broadcast_in_dim3A_921 = arith.constant 3 : i32
      %broadcast_in_dim3A_922 = vector.broadcast %broadcast_in_dim3A_921 : i32 to vector<16xi32>
      %gather3A_923 = tpu.vector_load_idx %arg14[%broadcast_in_dim3A, %iota3A, %broadcast_in_dim3A_922] : memref<32x16x17xf32, #tpu.memory_space<vmem>>[vector<16xi32>, vector<16xi32>, vector<16xi32>], vector<16xf32>,
      %broadcast_in_dim3A_924 = arith.constant 4 : i32
      %broadcast_in_dim3A_925 = vector.broadcast %broadcast_in_dim3A_924 : i32 to vector<16xi32>
      %gather3A_926 = tpu.vector_load_idx %arg14[%broadcast_in_dim3A, %iota3A, %broadcast_in_dim3A_925] : memref<32x16x17xf32, #tpu.memory_space<vmem>>[vector<16xi32>, vector<16xi32>, vector<16xi32>], vector<16xf32>,
      %broadcast_in_dim3A_927 = arith.constant 5 : i32
      %broadcast_in_dim3A_928 = vector.broadcast %broadcast_in_dim3A_927 : i32 to vector<16xi32>
      %gather3A_929 = tpu.vector_load_idx %arg14[%broadcast_in_dim3A, %iota3A, %broadcast_in_dim3A_928] : memref<32x16x17xf32, #tpu.memory_space<vmem>>[vector<16xi32>, vector<16xi32>, vector<16xi32>], vector<16xf32>,
      %broadcast_in_dim3A_930 = arith.constant 6 : i32
      %broadcast_in_dim3A_931 = vector.broadcast %broadcast_in_dim3A_930 : i32 to vector<16xi32>
      %gather3A_932 = tpu.vector_load_idx %arg14[%broadcast_in_dim3A, %iota3A, %broadcast_in_dim3A_931] : memref<32x16x17xf32, #tpu.memory_space<vmem>>[vector<16xi32>, vector<16xi32>, vector<16xi32>], vector<16xf32>,
      %broadcast_in_dim3A_933 = arith.constant 7 : i32
      %broadcast_in_dim3A_934 = vector.broadcast %broadcast_in_dim3A_933 : i32 to vector<16xi32>
      %gather3A_935 = tpu.vector_load_idx %arg14[%broadcast_in_dim3A, %iota3A, %broadcast_in_dim3A_934] : memref<32x16x17xf32, #tpu.memory_space<vmem>>[vector<16xi32>, vector<16xi32>, vector<16xi32>], vector<16xf32>,
      %broadcast_in_dim3A_936 = arith.constant 8 : i32
      %broadcast_in_dim3A_937 = vector.broadcast %broadcast_in_dim3A_936 : i32 to vector<16xi32>
      %gather3A_938 = tpu.vector_load_idx %arg14[%broadcast_in_dim3A, %iota3A, %broadcast_in_dim3A_937] : memref<32x16x17xf32, #tpu.memory_space<vmem>>[vector<16xi32>, vector<16xi32>, vector<16xi32>], vector<16xf32>,
      %broadcast_in_dim3A_939 = arith.constant 9 : i32
      %broadcast_in_dim3A_940 = vector.broadcast %broadcast_in_dim3A_939 : i32 to vector<16xi32>
      %gather3A_941 = tpu.vector_load_idx %arg14[%broadcast_in_dim3A, %iota3A, %broadcast_in_dim3A_940] : memref<32x16x17xf32, #tpu.memory_space<vmem>>[vector<16xi32>, vector<16xi32>, vector<16xi32>], vector<16xf32>,
      %broadcast_in_dim3A_942 = arith.constant 10 : i32
      %broadcast_in_dim3A_943 = vector.broadcast %broadcast_in_dim3A_942 : i32 to vector<16xi32>
      %gather3A_944 = tpu.vector_load_idx %arg14[%broadcast_in_dim3A, %iota3A, %broadcast_in_dim3A_943] : memref<32x16x17xf32, #tpu.memory_space<vmem>>[vector<16xi32>, vector<16xi32>, vector<16xi32>], vector<16xf32>,
      %broadcast_in_dim3A_945 = arith.constant 11 : i32
      %broadcast_in_dim3A_946 = vector.broadcast %broadcast_in_dim3A_945 : i32 to vector<16xi32>
      %gather3A_947 = tpu.vector_load_idx %arg14[%broadcast_in_dim3A, %iota3A, %broadcast_in_dim3A_946] : memref<32x16x17xf32, #tpu.memory_space<vmem>>[vector<16xi32>, vector<16xi32>, vector<16xi32>], vector<16xf32>,
      %broadcast_in_dim3A_948 = arith.constant 12 : i32
      %broadcast_in_dim3A_949 = vector.broadcast %broadcast_in_dim3A_948 : i32 to vector<16xi32>
      %gather3A_950 = tpu.vector_load_idx %arg14[%broadcast_in_dim3A, %iota3A, %broadcast_in_dim3A_949] : memref<32x16x17xf32, #tpu.memory_space<vmem>>[vector<16xi32>, vector<16xi32>, vector<16xi32>], vector<16xf32>,
      %broadcast_in_dim3A_951 = arith.constant 13 : i32
      %broadcast_in_dim3A_952 = vector.broadcast %broadcast_in_dim3A_951 : i32 to vector<16xi32>
      %gather3A_953 = tpu.vector_load_idx %arg14[%broadcast_in_dim3A, %iota3A, %broadcast_in_dim3A_952] : memref<32x16x17xf32, #tpu.memory_space<vmem>>[vector<16xi32>, vector<16xi32>, vector<16xi32>], vector<16xf32>,
      %broadcast_in_dim3A_954 = arith.constant 14 : i32
      %broadcast_in_dim3A_955 = vector.broadcast %broadcast_in_dim3A_954 : i32 to vector<16xi32>
      %gather3A_956 = tpu.vector_load_idx %arg14[%broadcast_in_dim3A, %iota3A, %broadcast_in_dim3A_955] : memref<32x16x17xf32, #tpu.memory_space<vmem>>[vector<16xi32>, vector<16xi32>, vector<16xi32>], vector<16xf32>,
      %broadcast_in_dim3A_957 = arith.constant 15 : i32
      %broadcast_in_dim3A_958 = vector.broadcast %broadcast_in_dim3A_957 : i32 to vector<16xi32>
      %gather3A_959 = tpu.vector_load_idx %arg14[%broadcast_in_dim3A, %iota3A, %broadcast_in_dim3A_958] : memref<32x16x17xf32, #tpu.memory_space<vmem>>[vector<16xi32>, vector<16xi32>, vector<16xi32>], vector<16xf32>,
      %add3A_960 = arith.addf %gather3A, %gather3A_917 : vector<16xf32>
      %add3A_961 = arith.addf %gather3A_920, %gather3A_923 : vector<16xf32>
      %add3A_962 = arith.addf %gather3A_926, %gather3A_929 : vector<16xf32>
      %add3A_963 = arith.addf %gather3A_932, %gather3A_935 : vector<16xf32>
      %add3A_964 = arith.addf %gather3A_938, %gather3A_941 : vector<16xf32>
      %add3A_965 = arith.addf %gather3A_944, %gather3A_947 : vector<16xf32>
      %add3A_966 = arith.addf %gather3A_950, %gather3A_953 : vector<16xf32>
      %add3A_967 = arith.addf %gather3A_956, %gather3A_959 : vector<16xf32>
      %add3A_968 = arith.addf %add3A_960, %add3A_961 : vector<16xf32>
      %add3A_969 = arith.addf %add3A_962, %add3A_963 : vector<16xf32>
      %add3A_970 = arith.addf %add3A_964, %add3A_965 : vector<16xf32>
      %add3A_971 = arith.addf %add3A_966, %add3A_967 : vector<16xf32>
      %add3A_972 = arith.addf %add3A_968, %add3A_969 : vector<16xf32>
      %add3A_973 = arith.addf %add3A_970, %add3A_971 : vector<16xf32>
      %add3A_974 = arith.addf %add3A_972, %add3A_973 : vector<16xf32>
      %add3A_975 = arith.addf %add3A_974, %get3A_98 : vector<16xf32>
      %mul3A_976 = arith.constant 16 : i32
      %mul3A_977 = arith.muli %scan3A_209, %mul3A_976 : i32
      %swap3A_978 = arith.index_cast %mul3A_977 : i32 to index
      %swap3A_979 = tpu.vector_load %arg13[%swap3A_978] {strides = array<i32>} : memref<512xf32, #tpu.memory_space<vmem>>, vector<16xf32>,
      tpu.vector_store %arg13[%swap3A_978], %add3A_975 {strides = array<i32>} : memref<512xf32, #tpu.memory_space<vmem>>, vector<16xf32>,
    }
    %scan3A_180 = arith.constant 8 : i32
    %dma_wait3A_181 = arith.constant 3 : i32
    %dma_wait3A_182 = arith.constant 384 : i32
    %dma_wait3A_183 = arith.constant 0 : i32
    %dma_wait3A_184 = tpu.memref_slice %arg10[%dma_wait3A_182, %dma_wait3A_183] : memref<512x64xf32, #tpu.memory_space<vmem>> -> memref<128x64xf32, #tpu.memory_space<vmem>>
    %dma_wait3A_185 = arith.constant 384 : i32
    %dma_wait3A_186 = tpu.memref_slice %arg8[%dma_wait3A_185] : memref<512xi32, #tpu.memory_space<vmem>> -> memref<128xi32, #tpu.memory_space<vmem>>
    %dma_wait3A_187 = arith.constant 0 : i32
    %dma_wait3A_188 = arith.constant 0 : i32
    %dma_wait3A_189 = tpu.memref_slice %arg4[%dma_wait3A_187, %dma_wait3A_188] : memref<1000000x64xf32, #tpu.memory_space<hbm>> -> memref<1000000x64xf32, #tpu.memory_space<hbm>>
    %dma_wait3A_190 = tpu.memref_slice %arg15[%dma_wait3A_181] : memref<4x!tpu.dma_semaphore, #tpu.memory_space<semaphore_mem>> -> memref<1x!tpu.dma_semaphore, #tpu.memory_space<semaphore_mem>>
    %dma_wait3A_191 = tpu.memref_squeeze %dma_wait3A_190 : memref<1x!tpu.dma_semaphore, #tpu.memory_space<semaphore_mem>> -> memref<!tpu.dma_semaphore, #tpu.memory_space<semaphore_mem>>
    tpu.wait_indirect_dma semaphore(%dma_wait3A_191 : memref<!tpu.dma_semaphore, #tpu.memory_space<semaphore_mem>>) src(%dma_wait3A_189 : memref<1000000x64xf32, #tpu.memory_space<hbm>>) dst(%dma_wait3A_184 : memref<128x64xf32, #tpu.memory_space<vmem>>)
    %dma_wait3A_192 = arith.constant 3 : i32
    %dma_wait3A_193 = arith.constant 384 : i32
    %dma_wait3A_194 = arith.constant 0 : i32
    %dma_wait3A_195 = tpu.memref_slice %arg11[%dma_wait3A_193, %dma_wait3A_194] : memref<512x64xf32, #tpu.memory_space<vmem>> -> memref<128x64xf32, #tpu.memory_space<vmem>>
    %dma_wait3A_196 = arith.constant 384 : i32
    %dma_wait3A_197 = tpu.memref_slice %arg9[%dma_wait3A_196] : memref<512xi32, #tpu.memory_space<vmem>> -> memref<128xi32, #tpu.memory_space<vmem>>
    %dma_wait3A_198 = arith.constant 0 : i32
    %dma_wait3A_199 = arith.constant 0 : i32
    %dma_wait3A_200 = tpu.memref_slice %arg5[%dma_wait3A_198, %dma_wait3A_199] : memref<1000000x64xf32, #tpu.memory_space<hbm>> -> memref<1000000x64xf32, #tpu.memory_space<hbm>>
    %dma_wait3A_201 = tpu.memref_slice %arg15[%dma_wait3A_192] : memref<4x!tpu.dma_semaphore, #tpu.memory_space<semaphore_mem>> -> memref<1x!tpu.dma_semaphore, #tpu.memory_space<semaphore_mem>>
    %dma_wait3A_202 = tpu.memref_squeeze %dma_wait3A_201 : memref<1x!tpu.dma_semaphore, #tpu.memory_space<semaphore_mem>> -> memref<!tpu.dma_semaphore, #tpu.memory_space<semaphore_mem>>
    tpu.wait_indirect_dma semaphore(%dma_wait3A_202 : memref<!tpu.dma_semaphore, #tpu.memory_space<semaphore_mem>>) src(%dma_wait3A_200 : memref<1000000x64xf32, #tpu.memory_space<hbm>>) dst(%dma_wait3A_195 : memref<128x64xf32, #tpu.memory_space<vmem>>)
    %scan3A_203 = arith.constant 0 : i32
    %scan3A_204 = arith.constant 24 : i32
    %scan3A_205 = arith.constant 8 : i32
    %scan3A_206 = arith.addi %scan3A_204, %scan3A_205 : i32
    %scan3A_207 = arith.constant 1 : i32
    scf.for %scan3A_209 = %scan3A_204 to %scan3A_206 step %scan3A_207  : i32 {
      %mul3A_210 = arith.constant 16 : i32
      %mul3A_211 = arith.muli %scan3A_209, %mul3A_210 : i32
      %add3A_212 = arith.constant 0 : i32
      %add3A_213 = arith.addi %mul3A_211, %add3A_212 : i32
      %get3A_214 = arith.index_cast %add3A_213 : i32 to index
      %get3A_215 = arith.constant 0 : index
      %get3A_216 = tpu.vector_load %arg10[%get3A_214, %get3A_215] {strides = array<i32>} : memref<512x64xf32, #tpu.memory_space<vmem>>, vector<16xf32>,
      %get3A_217 = arith.index_cast %add3A_213 : i32 to index
      %get3A_218 = arith.constant 0 : index
      %get3A_219 = tpu.vector_load %arg11[%get3A_217, %get3A_218] {strides = array<i32>} : memref<512x64xf32, #tpu.memory_space<vmem>>, vector<16xf32>,
      %mul3A_220 = arith.mulf %get3A_216, %get3A_219 : vector<16xf32>
      %mul3A_221 = arith.mulf %mul3A_220, %get3A_90 : vector<16xf32>
      %get3A_222 = arith.index_cast %add3A_213 : i32 to index
      %get3A_223 = arith.constant 16 : index
      %get3A_224 = tpu.vector_load %arg10[%get3A_222, %get3A_223] {strides = array<i32>} : memref<512x64xf32, #tpu.memory_space<vmem>>, vector<16xf32>,
      %get3A_225 = arith.index_cast %add3A_213 : i32 to index
      %get3A_226 = arith.constant 16 : index
      %get3A_227 = tpu.vector_load %arg11[%get3A_225, %get3A_226] {strides = array<i32>} : memref<512x64xf32, #tpu.memory_space<vmem>>, vector<16xf32>,
      %mul3A_228 = arith.mulf %get3A_224, %get3A_227 : vector<16xf32>
      %mul3A_229 = arith.mulf %mul3A_228, %get3A_92 : vector<16xf32>
      %get3A_230 = arith.index_cast %add3A_213 : i32 to index
      %get3A_231 = arith.constant 32 : index
      %get3A_232 = tpu.vector_load %arg10[%get3A_230, %get3A_231] {strides = array<i32>} : memref<512x64xf32, #tpu.memory_space<vmem>>, vector<16xf32>,
      %get3A_233 = arith.index_cast %add3A_213 : i32 to index
      %get3A_234 = arith.constant 32 : index
      %get3A_235 = tpu.vector_load %arg11[%get3A_233, %get3A_234] {strides = array<i32>} : memref<512x64xf32, #tpu.memory_space<vmem>>, vector<16xf32>,
      %mul3A_236 = arith.mulf %get3A_232, %get3A_235 : vector<16xf32>
      %mul3A_237 = arith.mulf %mul3A_236, %get3A_94 : vector<16xf32>
      %get3A_238 = arith.index_cast %add3A_213 : i32 to index
      %get3A_239 = arith.constant 48 : index
      %get3A_240 = tpu.vector_load %arg10[%get3A_238, %get3A_239] {strides = array<i32>} : memref<512x64xf32, #tpu.memory_space<vmem>>, vector<16xf32>,
      %get3A_241 = arith.index_cast %add3A_213 : i32 to index
      %get3A_242 = arith.constant 48 : index
      %get3A_243 = tpu.vector_load %arg11[%get3A_241, %get3A_242] {strides = array<i32>} : memref<512x64xf32, #tpu.memory_space<vmem>>, vector<16xf32>,
      %mul3A_244 = arith.mulf %get3A_240, %get3A_243 : vector<16xf32>
      %mul3A_245 = arith.mulf %mul3A_244, %get3A_96 : vector<16xf32>
      %add3A_246 = arith.addf %mul3A_221, %mul3A_229 : vector<16xf32>
      %add3A_247 = arith.addf %mul3A_237, %mul3A_245 : vector<16xf32>
      %add3A_248 = arith.addf %add3A_246, %add3A_247 : vector<16xf32>
      %swap3A = arith.constant 0 : i32
      %swap3A_249 = arith.index_cast %scan3A_209 : i32 to index
      %swap3A_250 = arith.index_cast %swap3A : i32 to index
      %swap3A_251 = arith.constant 0 : index
      %swap3A_252 = tpu.vector_load %arg14[%swap3A_249, %swap3A_250, %swap3A_251] {strides = array<i32>} : memref<32x16x17xf32, #tpu.memory_space<vmem>>, vector<16xf32>,
      tpu.vector_store %arg14[%swap3A_249, %swap3A_250, %swap3A_251], %add3A_248 {strides = array<i32>} : memref<32x16x17xf32, #tpu.memory_space<vmem>>, vector<16xf32>,
      %mul3A_253 = arith.constant 16 : i32
      %mul3A_254 = arith.muli %scan3A_209, %mul3A_253 : i32
      %add3A_255 = arith.constant 1 : i32
      %add3A_256 = arith.addi %mul3A_254, %add3A_255 : i32
      %get3A_257 = arith.index_cast %add3A_256 : i32 to index
      %get3A_258 = arith.constant 0 : index
      %get3A_259 = tpu.vector_load %arg10[%get3A_257, %get3A_258] {strides = array<i32>} : memref<512x64xf32, #tpu.memory_space<vmem>>, vector<16xf32>,
      %get3A_260 = arith.index_cast %add3A_256 : i32 to index
      %get3A_261 = arith.constant 0 : index
      %get3A_262 = tpu.vector_load %arg11[%get3A_260, %get3A_261] {strides = array<i32>} : memref<512x64xf32, #tpu.memory_space<vmem>>, vector<16xf32>,
      %mul3A_263 = arith.mulf %get3A_259, %get3A_262 : vector<16xf32>
      %mul3A_264 = arith.mulf %mul3A_263, %get3A_90 : vector<16xf32>
      %get3A_265 = arith.index_cast %add3A_256 : i32 to index
      %get3A_266 = arith.constant 16 : index
      %get3A_267 = tpu.vector_load %arg10[%get3A_265, %get3A_266] {strides = array<i32>} : memref<512x64xf32, #tpu.memory_space<vmem>>, vector<16xf32>,
      %get3A_268 = arith.index_cast %add3A_256 : i32 to index
      %get3A_269 = arith.constant 16 : index
      %get3A_270 = tpu.vector_load %arg11[%get3A_268, %get3A_269] {strides = array<i32>} : memref<512x64xf32, #tpu.memory_space<vmem>>, vector<16xf32>,
      %mul3A_271 = arith.mulf %get3A_267, %get3A_270 : vector<16xf32>
      %mul3A_272 = arith.mulf %mul3A_271, %get3A_92 : vector<16xf32>
      %get3A_273 = arith.index_cast %add3A_256 : i32 to index
      %get3A_274 = arith.constant 32 : index
      %get3A_275 = tpu.vector_load %arg10[%get3A_273, %get3A_274] {strides = array<i32>} : memref<512x64xf32, #tpu.memory_space<vmem>>, vector<16xf32>,
      %get3A_276 = arith.index_cast %add3A_256 : i32 to index
      %get3A_277 = arith.constant 32 : index
      %get3A_278 = tpu.vector_load %arg11[%get3A_276, %get3A_277] {strides = array<i32>} : memref<512x64xf32, #tpu.memory_space<vmem>>, vector<16xf32>,
      %mul3A_279 = arith.mulf %get3A_275, %get3A_278 : vector<16xf32>
      %mul3A_280 = arith.mulf %mul3A_279, %get3A_94 : vector<16xf32>
      %get3A_281 = arith.index_cast %add3A_256 : i32 to index
      %get3A_282 = arith.constant 48 : index
      %get3A_283 = tpu.vector_load %arg10[%get3A_281, %get3A_282] {strides = array<i32>} : memref<512x64xf32, #tpu.memory_space<vmem>>, vector<16xf32>,
      %get3A_284 = arith.index_cast %add3A_256 : i32 to index
      %get3A_285 = arith.constant 48 : index
      %get3A_286 = tpu.vector_load %arg11[%get3A_284, %get3A_285] {strides = array<i32>} : memref<512x64xf32, #tpu.memory_space<vmem>>, vector<16xf32>,
      %mul3A_287 = arith.mulf %get3A_283, %get3A_286 : vector<16xf32>
      %mul3A_288 = arith.mulf %mul3A_287, %get3A_96 : vector<16xf32>
      %add3A_289 = arith.addf %mul3A_264, %mul3A_272 : vector<16xf32>
      %add3A_290 = arith.addf %mul3A_280, %mul3A_288 : vector<16xf32>
      %add3A_291 = arith.addf %add3A_289, %add3A_290 : vector<16xf32>
      %swap3A_292 = arith.constant 1 : i32
      %swap3A_293 = arith.index_cast %scan3A_209 : i32 to index
      %swap3A_294 = arith.index_cast %swap3A_292 : i32 to index
      %swap3A_295 = arith.constant 0 : index
      %swap3A_296 = tpu.vector_load %arg14[%swap3A_293, %swap3A_294, %swap3A_295] {strides = array<i32>} : memref<32x16x17xf32, #tpu.memory_space<vmem>>, vector<16xf32>,
      tpu.vector_store %arg14[%swap3A_293, %swap3A_294, %swap3A_295], %add3A_291 {strides = array<i32>} : memref<32x16x17xf32, #tpu.memory_space<vmem>>, vector<16xf32>,
      %mul3A_297 = arith.constant 16 : i32
      %mul3A_298 = arith.muli %scan3A_209, %mul3A_297 : i32
      %add3A_299 = arith.constant 2 : i32
      %add3A_300 = arith.addi %mul3A_298, %add3A_299 : i32
      %get3A_301 = arith.index_cast %add3A_300 : i32 to index
      %get3A_302 = arith.constant 0 : index
      %get3A_303 = tpu.vector_load %arg10[%get3A_301, %get3A_302] {strides = array<i32>} : memref<512x64xf32, #tpu.memory_space<vmem>>, vector<16xf32>,
      %get3A_304 = arith.index_cast %add3A_300 : i32 to index
      %get3A_305 = arith.constant 0 : index
      %get3A_306 = tpu.vector_load %arg11[%get3A_304, %get3A_305] {strides = array<i32>} : memref<512x64xf32, #tpu.memory_space<vmem>>, vector<16xf32>,
      %mul3A_307 = arith.mulf %get3A_303, %get3A_306 : vector<16xf32>
      %mul3A_308 = arith.mulf %mul3A_307, %get3A_90 : vector<16xf32>
      %get3A_309 = arith.index_cast %add3A_300 : i32 to index
      %get3A_310 = arith.constant 16 : index
      %get3A_311 = tpu.vector_load %arg10[%get3A_309, %get3A_310] {strides = array<i32>} : memref<512x64xf32, #tpu.memory_space<vmem>>, vector<16xf32>,
      %get3A_312 = arith.index_cast %add3A_300 : i32 to index
      %get3A_313 = arith.constant 16 : index
      %get3A_314 = tpu.vector_load %arg11[%get3A_312, %get3A_313] {strides = array<i32>} : memref<512x64xf32, #tpu.memory_space<vmem>>, vector<16xf32>,
      %mul3A_315 = arith.mulf %get3A_311, %get3A_314 : vector<16xf32>
      %mul3A_316 = arith.mulf %mul3A_315, %get3A_92 : vector<16xf32>
      %get3A_317 = arith.index_cast %add3A_300 : i32 to index
      %get3A_318 = arith.constant 32 : index
      %get3A_319 = tpu.vector_load %arg10[%get3A_317, %get3A_318] {strides = array<i32>} : memref<512x64xf32, #tpu.memory_space<vmem>>, vector<16xf32>,
      %get3A_320 = arith.index_cast %add3A_300 : i32 to index
      %get3A_321 = arith.constant 32 : index
      %get3A_322 = tpu.vector_load %arg11[%get3A_320, %get3A_321] {strides = array<i32>} : memref<512x64xf32, #tpu.memory_space<vmem>>, vector<16xf32>,
      %mul3A_323 = arith.mulf %get3A_319, %get3A_322 : vector<16xf32>
      %mul3A_324 = arith.mulf %mul3A_323, %get3A_94 : vector<16xf32>
      %get3A_325 = arith.index_cast %add3A_300 : i32 to index
      %get3A_326 = arith.constant 48 : index
      %get3A_327 = tpu.vector_load %arg10[%get3A_325, %get3A_326] {strides = array<i32>} : memref<512x64xf32, #tpu.memory_space<vmem>>, vector<16xf32>,
      %get3A_328 = arith.index_cast %add3A_300 : i32 to index
      %get3A_329 = arith.constant 48 : index
      %get3A_330 = tpu.vector_load %arg11[%get3A_328, %get3A_329] {strides = array<i32>} : memref<512x64xf32, #tpu.memory_space<vmem>>, vector<16xf32>,
      %mul3A_331 = arith.mulf %get3A_327, %get3A_330 : vector<16xf32>
      %mul3A_332 = arith.mulf %mul3A_331, %get3A_96 : vector<16xf32>
      %add3A_333 = arith.addf %mul3A_308, %mul3A_316 : vector<16xf32>
      %add3A_334 = arith.addf %mul3A_324, %mul3A_332 : vector<16xf32>
      %add3A_335 = arith.addf %add3A_333, %add3A_334 : vector<16xf32>
      %swap3A_336 = arith.constant 2 : i32
      %swap3A_337 = arith.index_cast %scan3A_209 : i32 to index
      %swap3A_338 = arith.index_cast %swap3A_336 : i32 to index
      %swap3A_339 = arith.constant 0 : index
      %swap3A_340 = tpu.vector_load %arg14[%swap3A_337, %swap3A_338, %swap3A_339] {strides = array<i32>} : memref<32x16x17xf32, #tpu.memory_space<vmem>>, vector<16xf32>,
      tpu.vector_store %arg14[%swap3A_337, %swap3A_338, %swap3A_339], %add3A_335 {strides = array<i32>} : memref<32x16x17xf32, #tpu.memory_space<vmem>>, vector<16xf32>,
      %mul3A_341 = arith.constant 16 : i32
      %mul3A_342 = arith.muli %scan3A_209, %mul3A_341 : i32
      %add3A_343 = arith.constant 3 : i32
      %add3A_344 = arith.addi %mul3A_342, %add3A_343 : i32
      %get3A_345 = arith.index_cast %add3A_344 : i32 to index
      %get3A_346 = arith.constant 0 : index
      %get3A_347 = tpu.vector_load %arg10[%get3A_345, %get3A_346] {strides = array<i32>} : memref<512x64xf32, #tpu.memory_space<vmem>>, vector<16xf32>,
      %get3A_348 = arith.index_cast %add3A_344 : i32 to index
      %get3A_349 = arith.constant 0 : index
      %get3A_350 = tpu.vector_load %arg11[%get3A_348, %get3A_349] {strides = array<i32>} : memref<512x64xf32, #tpu.memory_space<vmem>>, vector<16xf32>,
      %mul3A_351 = arith.mulf %get3A_347, %get3A_350 : vector<16xf32>
      %mul3A_352 = arith.mulf %mul3A_351, %get3A_90 : vector<16xf32>
      %get3A_353 = arith.index_cast %add3A_344 : i32 to index
      %get3A_354 = arith.constant 16 : index
      %get3A_355 = tpu.vector_load %arg10[%get3A_353, %get3A_354] {strides = array<i32>} : memref<512x64xf32, #tpu.memory_space<vmem>>, vector<16xf32>,
      %get3A_356 = arith.index_cast %add3A_344 : i32 to index
      %get3A_357 = arith.constant 16 : index
      %get3A_358 = tpu.vector_load %arg11[%get3A_356, %get3A_357] {strides = array<i32>} : memref<512x64xf32, #tpu.memory_space<vmem>>, vector<16xf32>,
      %mul3A_359 = arith.mulf %get3A_355, %get3A_358 : vector<16xf32>
      %mul3A_360 = arith.mulf %mul3A_359, %get3A_92 : vector<16xf32>
      %get3A_361 = arith.index_cast %add3A_344 : i32 to index
      %get3A_362 = arith.constant 32 : index
      %get3A_363 = tpu.vector_load %arg10[%get3A_361, %get3A_362] {strides = array<i32>} : memref<512x64xf32, #tpu.memory_space<vmem>>, vector<16xf32>,
      %get3A_364 = arith.index_cast %add3A_344 : i32 to index
      %get3A_365 = arith.constant 32 : index
      %get3A_366 = tpu.vector_load %arg11[%get3A_364, %get3A_365] {strides = array<i32>} : memref<512x64xf32, #tpu.memory_space<vmem>>, vector<16xf32>,
      %mul3A_367 = arith.mulf %get3A_363, %get3A_366 : vector<16xf32>
      %mul3A_368 = arith.mulf %mul3A_367, %get3A_94 : vector<16xf32>
      %get3A_369 = arith.index_cast %add3A_344 : i32 to index
      %get3A_370 = arith.constant 48 : index
      %get3A_371 = tpu.vector_load %arg10[%get3A_369, %get3A_370] {strides = array<i32>} : memref<512x64xf32, #tpu.memory_space<vmem>>, vector<16xf32>,
      %get3A_372 = arith.index_cast %add3A_344 : i32 to index
      %get3A_373 = arith.constant 48 : index
      %get3A_374 = tpu.vector_load %arg11[%get3A_372, %get3A_373] {strides = array<i32>} : memref<512x64xf32, #tpu.memory_space<vmem>>, vector<16xf32>,
      %mul3A_375 = arith.mulf %get3A_371, %get3A_374 : vector<16xf32>
      %mul3A_376 = arith.mulf %mul3A_375, %get3A_96 : vector<16xf32>
      %add3A_377 = arith.addf %mul3A_352, %mul3A_360 : vector<16xf32>
      %add3A_378 = arith.addf %mul3A_368, %mul3A_376 : vector<16xf32>
      %add3A_379 = arith.addf %add3A_377, %add3A_378 : vector<16xf32>
      %swap3A_380 = arith.constant 3 : i32
      %swap3A_381 = arith.index_cast %scan3A_209 : i32 to index
      %swap3A_382 = arith.index_cast %swap3A_380 : i32 to index
      %swap3A_383 = arith.constant 0 : index
      %swap3A_384 = tpu.vector_load %arg14[%swap3A_381, %swap3A_382, %swap3A_383] {strides = array<i32>} : memref<32x16x17xf32, #tpu.memory_space<vmem>>, vector<16xf32>,
      tpu.vector_store %arg14[%swap3A_381, %swap3A_382, %swap3A_383], %add3A_379 {strides = array<i32>} : memref<32x16x17xf32, #tpu.memory_space<vmem>>, vector<16xf32>,
      %mul3A_385 = arith.constant 16 : i32
      %mul3A_386 = arith.muli %scan3A_209, %mul3A_385 : i32
      %add3A_387 = arith.constant 4 : i32
      %add3A_388 = arith.addi %mul3A_386, %add3A_387 : i32
      %get3A_389 = arith.index_cast %add3A_388 : i32 to index
      %get3A_390 = arith.constant 0 : index
      %get3A_391 = tpu.vector_load %arg10[%get3A_389, %get3A_390] {strides = array<i32>} : memref<512x64xf32, #tpu.memory_space<vmem>>, vector<16xf32>,
      %get3A_392 = arith.index_cast %add3A_388 : i32 to index
      %get3A_393 = arith.constant 0 : index
      %get3A_394 = tpu.vector_load %arg11[%get3A_392, %get3A_393] {strides = array<i32>} : memref<512x64xf32, #tpu.memory_space<vmem>>, vector<16xf32>,
      %mul3A_395 = arith.mulf %get3A_391, %get3A_394 : vector<16xf32>
      %mul3A_396 = arith.mulf %mul3A_395, %get3A_90 : vector<16xf32>
      %get3A_397 = arith.index_cast %add3A_388 : i32 to index
      %get3A_398 = arith.constant 16 : index
      %get3A_399 = tpu.vector_load %arg10[%get3A_397, %get3A_398] {strides = array<i32>} : memref<512x64xf32, #tpu.memory_space<vmem>>, vector<16xf32>,
      %get3A_400 = arith.index_cast %add3A_388 : i32 to index
      %get3A_401 = arith.constant 16 : index
      %get3A_402 = tpu.vector_load %arg11[%get3A_400, %get3A_401] {strides = array<i32>} : memref<512x64xf32, #tpu.memory_space<vmem>>, vector<16xf32>,
      %mul3A_403 = arith.mulf %get3A_399, %get3A_402 : vector<16xf32>
      %mul3A_404 = arith.mulf %mul3A_403, %get3A_92 : vector<16xf32>
      %get3A_405 = arith.index_cast %add3A_388 : i32 to index
      %get3A_406 = arith.constant 32 : index
      %get3A_407 = tpu.vector_load %arg10[%get3A_405, %get3A_406] {strides = array<i32>} : memref<512x64xf32, #tpu.memory_space<vmem>>, vector<16xf32>,
      %get3A_408 = arith.index_cast %add3A_388 : i32 to index
      %get3A_409 = arith.constant 32 : index
      %get3A_410 = tpu.vector_load %arg11[%get3A_408, %get3A_409] {strides = array<i32>} : memref<512x64xf32, #tpu.memory_space<vmem>>, vector<16xf32>,
      %mul3A_411 = arith.mulf %get3A_407, %get3A_410 : vector<16xf32>
      %mul3A_412 = arith.mulf %mul3A_411, %get3A_94 : vector<16xf32>
      %get3A_413 = arith.index_cast %add3A_388 : i32 to index
      %get3A_414 = arith.constant 48 : index
      %get3A_415 = tpu.vector_load %arg10[%get3A_413, %get3A_414] {strides = array<i32>} : memref<512x64xf32, #tpu.memory_space<vmem>>, vector<16xf32>,
      %get3A_416 = arith.index_cast %add3A_388 : i32 to index
      %get3A_417 = arith.constant 48 : index
      %get3A_418 = tpu.vector_load %arg11[%get3A_416, %get3A_417] {strides = array<i32>} : memref<512x64xf32, #tpu.memory_space<vmem>>, vector<16xf32>,
      %mul3A_419 = arith.mulf %get3A_415, %get3A_418 : vector<16xf32>
      %mul3A_420 = arith.mulf %mul3A_419, %get3A_96 : vector<16xf32>
      %add3A_421 = arith.addf %mul3A_396, %mul3A_404 : vector<16xf32>
      %add3A_422 = arith.addf %mul3A_412, %mul3A_420 : vector<16xf32>
      %add3A_423 = arith.addf %add3A_421, %add3A_422 : vector<16xf32>
      %swap3A_424 = arith.constant 4 : i32
      %swap3A_425 = arith.index_cast %scan3A_209 : i32 to index
      %swap3A_426 = arith.index_cast %swap3A_424 : i32 to index
      %swap3A_427 = arith.constant 0 : index
      %swap3A_428 = tpu.vector_load %arg14[%swap3A_425, %swap3A_426, %swap3A_427] {strides = array<i32>} : memref<32x16x17xf32, #tpu.memory_space<vmem>>, vector<16xf32>,
      tpu.vector_store %arg14[%swap3A_425, %swap3A_426, %swap3A_427], %add3A_423 {strides = array<i32>} : memref<32x16x17xf32, #tpu.memory_space<vmem>>, vector<16xf32>,
      %mul3A_429 = arith.constant 16 : i32
      %mul3A_430 = arith.muli %scan3A_209, %mul3A_429 : i32
      %add3A_431 = arith.constant 5 : i32
      %add3A_432 = arith.addi %mul3A_430, %add3A_431 : i32
      %get3A_433 = arith.index_cast %add3A_432 : i32 to index
      %get3A_434 = arith.constant 0 : index
      %get3A_435 = tpu.vector_load %arg10[%get3A_433, %get3A_434] {strides = array<i32>} : memref<512x64xf32, #tpu.memory_space<vmem>>, vector<16xf32>,
      %get3A_436 = arith.index_cast %add3A_432 : i32 to index
      %get3A_437 = arith.constant 0 : index
      %get3A_438 = tpu.vector_load %arg11[%get3A_436, %get3A_437] {strides = array<i32>} : memref<512x64xf32, #tpu.memory_space<vmem>>, vector<16xf32>,
      %mul3A_439 = arith.mulf %get3A_435, %get3A_438 : vector<16xf32>
      %mul3A_440 = arith.mulf %mul3A_439, %get3A_90 : vector<16xf32>
      %get3A_441 = arith.index_cast %add3A_432 : i32 to index
      %get3A_442 = arith.constant 16 : index
      %get3A_443 = tpu.vector_load %arg10[%get3A_441, %get3A_442] {strides = array<i32>} : memref<512x64xf32, #tpu.memory_space<vmem>>, vector<16xf32>,
      %get3A_444 = arith.index_cast %add3A_432 : i32 to index
      %get3A_445 = arith.constant 16 : index
      %get3A_446 = tpu.vector_load %arg11[%get3A_444, %get3A_445] {strides = array<i32>} : memref<512x64xf32, #tpu.memory_space<vmem>>, vector<16xf32>,
      %mul3A_447 = arith.mulf %get3A_443, %get3A_446 : vector<16xf32>
      %mul3A_448 = arith.mulf %mul3A_447, %get3A_92 : vector<16xf32>
      %get3A_449 = arith.index_cast %add3A_432 : i32 to index
      %get3A_450 = arith.constant 32 : index
      %get3A_451 = tpu.vector_load %arg10[%get3A_449, %get3A_450] {strides = array<i32>} : memref<512x64xf32, #tpu.memory_space<vmem>>, vector<16xf32>,
      %get3A_452 = arith.index_cast %add3A_432 : i32 to index
      %get3A_453 = arith.constant 32 : index
      %get3A_454 = tpu.vector_load %arg11[%get3A_452, %get3A_453] {strides = array<i32>} : memref<512x64xf32, #tpu.memory_space<vmem>>, vector<16xf32>,
      %mul3A_455 = arith.mulf %get3A_451, %get3A_454 : vector<16xf32>
      %mul3A_456 = arith.mulf %mul3A_455, %get3A_94 : vector<16xf32>
      %get3A_457 = arith.index_cast %add3A_432 : i32 to index
      %get3A_458 = arith.constant 48 : index
      %get3A_459 = tpu.vector_load %arg10[%get3A_457, %get3A_458] {strides = array<i32>} : memref<512x64xf32, #tpu.memory_space<vmem>>, vector<16xf32>,
      %get3A_460 = arith.index_cast %add3A_432 : i32 to index
      %get3A_461 = arith.constant 48 : index
      %get3A_462 = tpu.vector_load %arg11[%get3A_460, %get3A_461] {strides = array<i32>} : memref<512x64xf32, #tpu.memory_space<vmem>>, vector<16xf32>,
      %mul3A_463 = arith.mulf %get3A_459, %get3A_462 : vector<16xf32>
      %mul3A_464 = arith.mulf %mul3A_463, %get3A_96 : vector<16xf32>
      %add3A_465 = arith.addf %mul3A_440, %mul3A_448 : vector<16xf32>
      %add3A_466 = arith.addf %mul3A_456, %mul3A_464 : vector<16xf32>
      %add3A_467 = arith.addf %add3A_465, %add3A_466 : vector<16xf32>
      %swap3A_468 = arith.constant 5 : i32
      %swap3A_469 = arith.index_cast %scan3A_209 : i32 to index
      %swap3A_470 = arith.index_cast %swap3A_468 : i32 to index
      %swap3A_471 = arith.constant 0 : index
      %swap3A_472 = tpu.vector_load %arg14[%swap3A_469, %swap3A_470, %swap3A_471] {strides = array<i32>} : memref<32x16x17xf32, #tpu.memory_space<vmem>>, vector<16xf32>,
      tpu.vector_store %arg14[%swap3A_469, %swap3A_470, %swap3A_471], %add3A_467 {strides = array<i32>} : memref<32x16x17xf32, #tpu.memory_space<vmem>>, vector<16xf32>,
      %mul3A_473 = arith.constant 16 : i32
      %mul3A_474 = arith.muli %scan3A_209, %mul3A_473 : i32
      %add3A_475 = arith.constant 6 : i32
      %add3A_476 = arith.addi %mul3A_474, %add3A_475 : i32
      %get3A_477 = arith.index_cast %add3A_476 : i32 to index
      %get3A_478 = arith.constant 0 : index
      %get3A_479 = tpu.vector_load %arg10[%get3A_477, %get3A_478] {strides = array<i32>} : memref<512x64xf32, #tpu.memory_space<vmem>>, vector<16xf32>,
      %get3A_480 = arith.index_cast %add3A_476 : i32 to index
      %get3A_481 = arith.constant 0 : index
      %get3A_482 = tpu.vector_load %arg11[%get3A_480, %get3A_481] {strides = array<i32>} : memref<512x64xf32, #tpu.memory_space<vmem>>, vector<16xf32>,
      %mul3A_483 = arith.mulf %get3A_479, %get3A_482 : vector<16xf32>
      %mul3A_484 = arith.mulf %mul3A_483, %get3A_90 : vector<16xf32>
      %get3A_485 = arith.index_cast %add3A_476 : i32 to index
      %get3A_486 = arith.constant 16 : index
      %get3A_487 = tpu.vector_load %arg10[%get3A_485, %get3A_486] {strides = array<i32>} : memref<512x64xf32, #tpu.memory_space<vmem>>, vector<16xf32>,
      %get3A_488 = arith.index_cast %add3A_476 : i32 to index
      %get3A_489 = arith.constant 16 : index
      %get3A_490 = tpu.vector_load %arg11[%get3A_488, %get3A_489] {strides = array<i32>} : memref<512x64xf32, #tpu.memory_space<vmem>>, vector<16xf32>,
      %mul3A_491 = arith.mulf %get3A_487, %get3A_490 : vector<16xf32>
      %mul3A_492 = arith.mulf %mul3A_491, %get3A_92 : vector<16xf32>
      %get3A_493 = arith.index_cast %add3A_476 : i32 to index
      %get3A_494 = arith.constant 32 : index
      %get3A_495 = tpu.vector_load %arg10[%get3A_493, %get3A_494] {strides = array<i32>} : memref<512x64xf32, #tpu.memory_space<vmem>>, vector<16xf32>,
      %get3A_496 = arith.index_cast %add3A_476 : i32 to index
      %get3A_497 = arith.constant 32 : index
      %get3A_498 = tpu.vector_load %arg11[%get3A_496, %get3A_497] {strides = array<i32>} : memref<512x64xf32, #tpu.memory_space<vmem>>, vector<16xf32>,
      %mul3A_499 = arith.mulf %get3A_495, %get3A_498 : vector<16xf32>
      %mul3A_500 = arith.mulf %mul3A_499, %get3A_94 : vector<16xf32>
      %get3A_501 = arith.index_cast %add3A_476 : i32 to index
      %get3A_502 = arith.constant 48 : index
      %get3A_503 = tpu.vector_load %arg10[%get3A_501, %get3A_502] {strides = array<i32>} : memref<512x64xf32, #tpu.memory_space<vmem>>, vector<16xf32>,
      %get3A_504 = arith.index_cast %add3A_476 : i32 to index
      %get3A_505 = arith.constant 48 : index
      %get3A_506 = tpu.vector_load %arg11[%get3A_504, %get3A_505] {strides = array<i32>} : memref<512x64xf32, #tpu.memory_space<vmem>>, vector<16xf32>,
      %mul3A_507 = arith.mulf %get3A_503, %get3A_506 : vector<16xf32>
      %mul3A_508 = arith.mulf %mul3A_507, %get3A_96 : vector<16xf32>
      %add3A_509 = arith.addf %mul3A_484, %mul3A_492 : vector<16xf32>
      %add3A_510 = arith.addf %mul3A_500, %mul3A_508 : vector<16xf32>
      %add3A_511 = arith.addf %add3A_509, %add3A_510 : vector<16xf32>
      %swap3A_512 = arith.constant 6 : i32
      %swap3A_513 = arith.index_cast %scan3A_209 : i32 to index
      %swap3A_514 = arith.index_cast %swap3A_512 : i32 to index
      %swap3A_515 = arith.constant 0 : index
      %swap3A_516 = tpu.vector_load %arg14[%swap3A_513, %swap3A_514, %swap3A_515] {strides = array<i32>} : memref<32x16x17xf32, #tpu.memory_space<vmem>>, vector<16xf32>,
      tpu.vector_store %arg14[%swap3A_513, %swap3A_514, %swap3A_515], %add3A_511 {strides = array<i32>} : memref<32x16x17xf32, #tpu.memory_space<vmem>>, vector<16xf32>,
      %mul3A_517 = arith.constant 16 : i32
      %mul3A_518 = arith.muli %scan3A_209, %mul3A_517 : i32
      %add3A_519 = arith.constant 7 : i32
      %add3A_520 = arith.addi %mul3A_518, %add3A_519 : i32
      %get3A_521 = arith.index_cast %add3A_520 : i32 to index
      %get3A_522 = arith.constant 0 : index
      %get3A_523 = tpu.vector_load %arg10[%get3A_521, %get3A_522] {strides = array<i32>} : memref<512x64xf32, #tpu.memory_space<vmem>>, vector<16xf32>,
      %get3A_524 = arith.index_cast %add3A_520 : i32 to index
      %get3A_525 = arith.constant 0 : index
      %get3A_526 = tpu.vector_load %arg11[%get3A_524, %get3A_525] {strides = array<i32>} : memref<512x64xf32, #tpu.memory_space<vmem>>, vector<16xf32>,
      %mul3A_527 = arith.mulf %get3A_523, %get3A_526 : vector<16xf32>
      %mul3A_528 = arith.mulf %mul3A_527, %get3A_90 : vector<16xf32>
      %get3A_529 = arith.index_cast %add3A_520 : i32 to index
      %get3A_530 = arith.constant 16 : index
      %get3A_531 = tpu.vector_load %arg10[%get3A_529, %get3A_530] {strides = array<i32>} : memref<512x64xf32, #tpu.memory_space<vmem>>, vector<16xf32>,
      %get3A_532 = arith.index_cast %add3A_520 : i32 to index
      %get3A_533 = arith.constant 16 : index
      %get3A_534 = tpu.vector_load %arg11[%get3A_532, %get3A_533] {strides = array<i32>} : memref<512x64xf32, #tpu.memory_space<vmem>>, vector<16xf32>,
      %mul3A_535 = arith.mulf %get3A_531, %get3A_534 : vector<16xf32>
      %mul3A_536 = arith.mulf %mul3A_535, %get3A_92 : vector<16xf32>
      %get3A_537 = arith.index_cast %add3A_520 : i32 to index
      %get3A_538 = arith.constant 32 : index
      %get3A_539 = tpu.vector_load %arg10[%get3A_537, %get3A_538] {strides = array<i32>} : memref<512x64xf32, #tpu.memory_space<vmem>>, vector<16xf32>,
      %get3A_540 = arith.index_cast %add3A_520 : i32 to index
      %get3A_541 = arith.constant 32 : index
      %get3A_542 = tpu.vector_load %arg11[%get3A_540, %get3A_541] {strides = array<i32>} : memref<512x64xf32, #tpu.memory_space<vmem>>, vector<16xf32>,
      %mul3A_543 = arith.mulf %get3A_539, %get3A_542 : vector<16xf32>
      %mul3A_544 = arith.mulf %mul3A_543, %get3A_94 : vector<16xf32>
      %get3A_545 = arith.index_cast %add3A_520 : i32 to index
      %get3A_546 = arith.constant 48 : index
      %get3A_547 = tpu.vector_load %arg10[%get3A_545, %get3A_546] {strides = array<i32>} : memref<512x64xf32, #tpu.memory_space<vmem>>, vector<16xf32>,
      %get3A_548 = arith.index_cast %add3A_520 : i32 to index
      %get3A_549 = arith.constant 48 : index
      %get3A_550 = tpu.vector_load %arg11[%get3A_548, %get3A_549] {strides = array<i32>} : memref<512x64xf32, #tpu.memory_space<vmem>>, vector<16xf32>,
      %mul3A_551 = arith.mulf %get3A_547, %get3A_550 : vector<16xf32>
      %mul3A_552 = arith.mulf %mul3A_551, %get3A_96 : vector<16xf32>
      %add3A_553 = arith.addf %mul3A_528, %mul3A_536 : vector<16xf32>
      %add3A_554 = arith.addf %mul3A_544, %mul3A_552 : vector<16xf32>
      %add3A_555 = arith.addf %add3A_553, %add3A_554 : vector<16xf32>
      %swap3A_556 = arith.constant 7 : i32
      %swap3A_557 = arith.index_cast %scan3A_209 : i32 to index
      %swap3A_558 = arith.index_cast %swap3A_556 : i32 to index
      %swap3A_559 = arith.constant 0 : index
      %swap3A_560 = tpu.vector_load %arg14[%swap3A_557, %swap3A_558, %swap3A_559] {strides = array<i32>} : memref<32x16x17xf32, #tpu.memory_space<vmem>>, vector<16xf32>,
      tpu.vector_store %arg14[%swap3A_557, %swap3A_558, %swap3A_559], %add3A_555 {strides = array<i32>} : memref<32x16x17xf32, #tpu.memory_space<vmem>>, vector<16xf32>,
      %mul3A_561 = arith.constant 16 : i32
      %mul3A_562 = arith.muli %scan3A_209, %mul3A_561 : i32
      %add3A_563 = arith.constant 8 : i32
      %add3A_564 = arith.addi %mul3A_562, %add3A_563 : i32
      %get3A_565 = arith.index_cast %add3A_564 : i32 to index
      %get3A_566 = arith.constant 0 : index
      %get3A_567 = tpu.vector_load %arg10[%get3A_565, %get3A_566] {strides = array<i32>} : memref<512x64xf32, #tpu.memory_space<vmem>>, vector<16xf32>,
      %get3A_568 = arith.index_cast %add3A_564 : i32 to index
      %get3A_569 = arith.constant 0 : index
      %get3A_570 = tpu.vector_load %arg11[%get3A_568, %get3A_569] {strides = array<i32>} : memref<512x64xf32, #tpu.memory_space<vmem>>, vector<16xf32>,
      %mul3A_571 = arith.mulf %get3A_567, %get3A_570 : vector<16xf32>
      %mul3A_572 = arith.mulf %mul3A_571, %get3A_90 : vector<16xf32>
      %get3A_573 = arith.index_cast %add3A_564 : i32 to index
      %get3A_574 = arith.constant 16 : index
      %get3A_575 = tpu.vector_load %arg10[%get3A_573, %get3A_574] {strides = array<i32>} : memref<512x64xf32, #tpu.memory_space<vmem>>, vector<16xf32>,
      %get3A_576 = arith.index_cast %add3A_564 : i32 to index
      %get3A_577 = arith.constant 16 : index
      %get3A_578 = tpu.vector_load %arg11[%get3A_576, %get3A_577] {strides = array<i32>} : memref<512x64xf32, #tpu.memory_space<vmem>>, vector<16xf32>,
      %mul3A_579 = arith.mulf %get3A_575, %get3A_578 : vector<16xf32>
      %mul3A_580 = arith.mulf %mul3A_579, %get3A_92 : vector<16xf32>
      %get3A_581 = arith.index_cast %add3A_564 : i32 to index
      %get3A_582 = arith.constant 32 : index
      %get3A_583 = tpu.vector_load %arg10[%get3A_581, %get3A_582] {strides = array<i32>} : memref<512x64xf32, #tpu.memory_space<vmem>>, vector<16xf32>,
      %get3A_584 = arith.index_cast %add3A_564 : i32 to index
      %get3A_585 = arith.constant 32 : index
      %get3A_586 = tpu.vector_load %arg11[%get3A_584, %get3A_585] {strides = array<i32>} : memref<512x64xf32, #tpu.memory_space<vmem>>, vector<16xf32>,
      %mul3A_587 = arith.mulf %get3A_583, %get3A_586 : vector<16xf32>
      %mul3A_588 = arith.mulf %mul3A_587, %get3A_94 : vector<16xf32>
      %get3A_589 = arith.index_cast %add3A_564 : i32 to index
      %get3A_590 = arith.constant 48 : index
      %get3A_591 = tpu.vector_load %arg10[%get3A_589, %get3A_590] {strides = array<i32>} : memref<512x64xf32, #tpu.memory_space<vmem>>, vector<16xf32>,
      %get3A_592 = arith.index_cast %add3A_564 : i32 to index
      %get3A_593 = arith.constant 48 : index
      %get3A_594 = tpu.vector_load %arg11[%get3A_592, %get3A_593] {strides = array<i32>} : memref<512x64xf32, #tpu.memory_space<vmem>>, vector<16xf32>,
      %mul3A_595 = arith.mulf %get3A_591, %get3A_594 : vector<16xf32>
      %mul3A_596 = arith.mulf %mul3A_595, %get3A_96 : vector<16xf32>
      %add3A_597 = arith.addf %mul3A_572, %mul3A_580 : vector<16xf32>
      %add3A_598 = arith.addf %mul3A_588, %mul3A_596 : vector<16xf32>
      %add3A_599 = arith.addf %add3A_597, %add3A_598 : vector<16xf32>
      %swap3A_600 = arith.constant 8 : i32
      %swap3A_601 = arith.index_cast %scan3A_209 : i32 to index
      %swap3A_602 = arith.index_cast %swap3A_600 : i32 to index
      %swap3A_603 = arith.constant 0 : index
      %swap3A_604 = tpu.vector_load %arg14[%swap3A_601, %swap3A_602, %swap3A_603] {strides = array<i32>} : memref<32x16x17xf32, #tpu.memory_space<vmem>>, vector<16xf32>,
      tpu.vector_store %arg14[%swap3A_601, %swap3A_602, %swap3A_603], %add3A_599 {strides = array<i32>} : memref<32x16x17xf32, #tpu.memory_space<vmem>>, vector<16xf32>,
      %mul3A_605 = arith.constant 16 : i32
      %mul3A_606 = arith.muli %scan3A_209, %mul3A_605 : i32
      %add3A_607 = arith.constant 9 : i32
      %add3A_608 = arith.addi %mul3A_606, %add3A_607 : i32
      %get3A_609 = arith.index_cast %add3A_608 : i32 to index
      %get3A_610 = arith.constant 0 : index
      %get3A_611 = tpu.vector_load %arg10[%get3A_609, %get3A_610] {strides = array<i32>} : memref<512x64xf32, #tpu.memory_space<vmem>>, vector<16xf32>,
      %get3A_612 = arith.index_cast %add3A_608 : i32 to index
      %get3A_613 = arith.constant 0 : index
      %get3A_614 = tpu.vector_load %arg11[%get3A_612, %get3A_613] {strides = array<i32>} : memref<512x64xf32, #tpu.memory_space<vmem>>, vector<16xf32>,
      %mul3A_615 = arith.mulf %get3A_611, %get3A_614 : vector<16xf32>
      %mul3A_616 = arith.mulf %mul3A_615, %get3A_90 : vector<16xf32>
      %get3A_617 = arith.index_cast %add3A_608 : i32 to index
      %get3A_618 = arith.constant 16 : index
      %get3A_619 = tpu.vector_load %arg10[%get3A_617, %get3A_618] {strides = array<i32>} : memref<512x64xf32, #tpu.memory_space<vmem>>, vector<16xf32>,
      %get3A_620 = arith.index_cast %add3A_608 : i32 to index
      %get3A_621 = arith.constant 16 : index
      %get3A_622 = tpu.vector_load %arg11[%get3A_620, %get3A_621] {strides = array<i32>} : memref<512x64xf32, #tpu.memory_space<vmem>>, vector<16xf32>,
      %mul3A_623 = arith.mulf %get3A_619, %get3A_622 : vector<16xf32>
      %mul3A_624 = arith.mulf %mul3A_623, %get3A_92 : vector<16xf32>
      %get3A_625 = arith.index_cast %add3A_608 : i32 to index
      %get3A_626 = arith.constant 32 : index
      %get3A_627 = tpu.vector_load %arg10[%get3A_625, %get3A_626] {strides = array<i32>} : memref<512x64xf32, #tpu.memory_space<vmem>>, vector<16xf32>,
      %get3A_628 = arith.index_cast %add3A_608 : i32 to index
      %get3A_629 = arith.constant 32 : index
      %get3A_630 = tpu.vector_load %arg11[%get3A_628, %get3A_629] {strides = array<i32>} : memref<512x64xf32, #tpu.memory_space<vmem>>, vector<16xf32>,
      %mul3A_631 = arith.mulf %get3A_627, %get3A_630 : vector<16xf32>
      %mul3A_632 = arith.mulf %mul3A_631, %get3A_94 : vector<16xf32>
      %get3A_633 = arith.index_cast %add3A_608 : i32 to index
      %get3A_634 = arith.constant 48 : index
      %get3A_635 = tpu.vector_load %arg10[%get3A_633, %get3A_634] {strides = array<i32>} : memref<512x64xf32, #tpu.memory_space<vmem>>, vector<16xf32>,
      %get3A_636 = arith.index_cast %add3A_608 : i32 to index
      %get3A_637 = arith.constant 48 : index
      %get3A_638 = tpu.vector_load %arg11[%get3A_636, %get3A_637] {strides = array<i32>} : memref<512x64xf32, #tpu.memory_space<vmem>>, vector<16xf32>,
      %mul3A_639 = arith.mulf %get3A_635, %get3A_638 : vector<16xf32>
      %mul3A_640 = arith.mulf %mul3A_639, %get3A_96 : vector<16xf32>
      %add3A_641 = arith.addf %mul3A_616, %mul3A_624 : vector<16xf32>
      %add3A_642 = arith.addf %mul3A_632, %mul3A_640 : vector<16xf32>
      %add3A_643 = arith.addf %add3A_641, %add3A_642 : vector<16xf32>
      %swap3A_644 = arith.constant 9 : i32
      %swap3A_645 = arith.index_cast %scan3A_209 : i32 to index
      %swap3A_646 = arith.index_cast %swap3A_644 : i32 to index
      %swap3A_647 = arith.constant 0 : index
      %swap3A_648 = tpu.vector_load %arg14[%swap3A_645, %swap3A_646, %swap3A_647] {strides = array<i32>} : memref<32x16x17xf32, #tpu.memory_space<vmem>>, vector<16xf32>,
      tpu.vector_store %arg14[%swap3A_645, %swap3A_646, %swap3A_647], %add3A_643 {strides = array<i32>} : memref<32x16x17xf32, #tpu.memory_space<vmem>>, vector<16xf32>,
      %mul3A_649 = arith.constant 16 : i32
      %mul3A_650 = arith.muli %scan3A_209, %mul3A_649 : i32
      %add3A_651 = arith.constant 10 : i32
      %add3A_652 = arith.addi %mul3A_650, %add3A_651 : i32
      %get3A_653 = arith.index_cast %add3A_652 : i32 to index
      %get3A_654 = arith.constant 0 : index
      %get3A_655 = tpu.vector_load %arg10[%get3A_653, %get3A_654] {strides = array<i32>} : memref<512x64xf32, #tpu.memory_space<vmem>>, vector<16xf32>,
      %get3A_656 = arith.index_cast %add3A_652 : i32 to index
      %get3A_657 = arith.constant 0 : index
      %get3A_658 = tpu.vector_load %arg11[%get3A_656, %get3A_657] {strides = array<i32>} : memref<512x64xf32, #tpu.memory_space<vmem>>, vector<16xf32>,
      %mul3A_659 = arith.mulf %get3A_655, %get3A_658 : vector<16xf32>
      %mul3A_660 = arith.mulf %mul3A_659, %get3A_90 : vector<16xf32>
      %get3A_661 = arith.index_cast %add3A_652 : i32 to index
      %get3A_662 = arith.constant 16 : index
      %get3A_663 = tpu.vector_load %arg10[%get3A_661, %get3A_662] {strides = array<i32>} : memref<512x64xf32, #tpu.memory_space<vmem>>, vector<16xf32>,
      %get3A_664 = arith.index_cast %add3A_652 : i32 to index
      %get3A_665 = arith.constant 16 : index
      %get3A_666 = tpu.vector_load %arg11[%get3A_664, %get3A_665] {strides = array<i32>} : memref<512x64xf32, #tpu.memory_space<vmem>>, vector<16xf32>,
      %mul3A_667 = arith.mulf %get3A_663, %get3A_666 : vector<16xf32>
      %mul3A_668 = arith.mulf %mul3A_667, %get3A_92 : vector<16xf32>
      %get3A_669 = arith.index_cast %add3A_652 : i32 to index
      %get3A_670 = arith.constant 32 : index
      %get3A_671 = tpu.vector_load %arg10[%get3A_669, %get3A_670] {strides = array<i32>} : memref<512x64xf32, #tpu.memory_space<vmem>>, vector<16xf32>,
      %get3A_672 = arith.index_cast %add3A_652 : i32 to index
      %get3A_673 = arith.constant 32 : index
      %get3A_674 = tpu.vector_load %arg11[%get3A_672, %get3A_673] {strides = array<i32>} : memref<512x64xf32, #tpu.memory_space<vmem>>, vector<16xf32>,
      %mul3A_675 = arith.mulf %get3A_671, %get3A_674 : vector<16xf32>
      %mul3A_676 = arith.mulf %mul3A_675, %get3A_94 : vector<16xf32>
      %get3A_677 = arith.index_cast %add3A_652 : i32 to index
      %get3A_678 = arith.constant 48 : index
      %get3A_679 = tpu.vector_load %arg10[%get3A_677, %get3A_678] {strides = array<i32>} : memref<512x64xf32, #tpu.memory_space<vmem>>, vector<16xf32>,
      %get3A_680 = arith.index_cast %add3A_652 : i32 to index
      %get3A_681 = arith.constant 48 : index
      %get3A_682 = tpu.vector_load %arg11[%get3A_680, %get3A_681] {strides = array<i32>} : memref<512x64xf32, #tpu.memory_space<vmem>>, vector<16xf32>,
      %mul3A_683 = arith.mulf %get3A_679, %get3A_682 : vector<16xf32>
      %mul3A_684 = arith.mulf %mul3A_683, %get3A_96 : vector<16xf32>
      %add3A_685 = arith.addf %mul3A_660, %mul3A_668 : vector<16xf32>
      %add3A_686 = arith.addf %mul3A_676, %mul3A_684 : vector<16xf32>
      %add3A_687 = arith.addf %add3A_685, %add3A_686 : vector<16xf32>
      %swap3A_688 = arith.constant 10 : i32
      %swap3A_689 = arith.index_cast %scan3A_209 : i32 to index
      %swap3A_690 = arith.index_cast %swap3A_688 : i32 to index
      %swap3A_691 = arith.constant 0 : index
      %swap3A_692 = tpu.vector_load %arg14[%swap3A_689, %swap3A_690, %swap3A_691] {strides = array<i32>} : memref<32x16x17xf32, #tpu.memory_space<vmem>>, vector<16xf32>,
      tpu.vector_store %arg14[%swap3A_689, %swap3A_690, %swap3A_691], %add3A_687 {strides = array<i32>} : memref<32x16x17xf32, #tpu.memory_space<vmem>>, vector<16xf32>,
      %mul3A_693 = arith.constant 16 : i32
      %mul3A_694 = arith.muli %scan3A_209, %mul3A_693 : i32
      %add3A_695 = arith.constant 11 : i32
      %add3A_696 = arith.addi %mul3A_694, %add3A_695 : i32
      %get3A_697 = arith.index_cast %add3A_696 : i32 to index
      %get3A_698 = arith.constant 0 : index
      %get3A_699 = tpu.vector_load %arg10[%get3A_697, %get3A_698] {strides = array<i32>} : memref<512x64xf32, #tpu.memory_space<vmem>>, vector<16xf32>,
      %get3A_700 = arith.index_cast %add3A_696 : i32 to index
      %get3A_701 = arith.constant 0 : index
      %get3A_702 = tpu.vector_load %arg11[%get3A_700, %get3A_701] {strides = array<i32>} : memref<512x64xf32, #tpu.memory_space<vmem>>, vector<16xf32>,
      %mul3A_703 = arith.mulf %get3A_699, %get3A_702 : vector<16xf32>
      %mul3A_704 = arith.mulf %mul3A_703, %get3A_90 : vector<16xf32>
      %get3A_705 = arith.index_cast %add3A_696 : i32 to index
      %get3A_706 = arith.constant 16 : index
      %get3A_707 = tpu.vector_load %arg10[%get3A_705, %get3A_706] {strides = array<i32>} : memref<512x64xf32, #tpu.memory_space<vmem>>, vector<16xf32>,
      %get3A_708 = arith.index_cast %add3A_696 : i32 to index
      %get3A_709 = arith.constant 16 : index
      %get3A_710 = tpu.vector_load %arg11[%get3A_708, %get3A_709] {strides = array<i32>} : memref<512x64xf32, #tpu.memory_space<vmem>>, vector<16xf32>,
      %mul3A_711 = arith.mulf %get3A_707, %get3A_710 : vector<16xf32>
      %mul3A_712 = arith.mulf %mul3A_711, %get3A_92 : vector<16xf32>
      %get3A_713 = arith.index_cast %add3A_696 : i32 to index
      %get3A_714 = arith.constant 32 : index
      %get3A_715 = tpu.vector_load %arg10[%get3A_713, %get3A_714] {strides = array<i32>} : memref<512x64xf32, #tpu.memory_space<vmem>>, vector<16xf32>,
      %get3A_716 = arith.index_cast %add3A_696 : i32 to index
      %get3A_717 = arith.constant 32 : index
      %get3A_718 = tpu.vector_load %arg11[%get3A_716, %get3A_717] {strides = array<i32>} : memref<512x64xf32, #tpu.memory_space<vmem>>, vector<16xf32>,
      %mul3A_719 = arith.mulf %get3A_715, %get3A_718 : vector<16xf32>
      %mul3A_720 = arith.mulf %mul3A_719, %get3A_94 : vector<16xf32>
      %get3A_721 = arith.index_cast %add3A_696 : i32 to index
      %get3A_722 = arith.constant 48 : index
      %get3A_723 = tpu.vector_load %arg10[%get3A_721, %get3A_722] {strides = array<i32>} : memref<512x64xf32, #tpu.memory_space<vmem>>, vector<16xf32>,
      %get3A_724 = arith.index_cast %add3A_696 : i32 to index
      %get3A_725 = arith.constant 48 : index
      %get3A_726 = tpu.vector_load %arg11[%get3A_724, %get3A_725] {strides = array<i32>} : memref<512x64xf32, #tpu.memory_space<vmem>>, vector<16xf32>,
      %mul3A_727 = arith.mulf %get3A_723, %get3A_726 : vector<16xf32>
      %mul3A_728 = arith.mulf %mul3A_727, %get3A_96 : vector<16xf32>
      %add3A_729 = arith.addf %mul3A_704, %mul3A_712 : vector<16xf32>
      %add3A_730 = arith.addf %mul3A_720, %mul3A_728 : vector<16xf32>
      %add3A_731 = arith.addf %add3A_729, %add3A_730 : vector<16xf32>
      %swap3A_732 = arith.constant 11 : i32
      %swap3A_733 = arith.index_cast %scan3A_209 : i32 to index
      %swap3A_734 = arith.index_cast %swap3A_732 : i32 to index
      %swap3A_735 = arith.constant 0 : index
      %swap3A_736 = tpu.vector_load %arg14[%swap3A_733, %swap3A_734, %swap3A_735] {strides = array<i32>} : memref<32x16x17xf32, #tpu.memory_space<vmem>>, vector<16xf32>,
      tpu.vector_store %arg14[%swap3A_733, %swap3A_734, %swap3A_735], %add3A_731 {strides = array<i32>} : memref<32x16x17xf32, #tpu.memory_space<vmem>>, vector<16xf32>,
      %mul3A_737 = arith.constant 16 : i32
      %mul3A_738 = arith.muli %scan3A_209, %mul3A_737 : i32
      %add3A_739 = arith.constant 12 : i32
      %add3A_740 = arith.addi %mul3A_738, %add3A_739 : i32
      %get3A_741 = arith.index_cast %add3A_740 : i32 to index
      %get3A_742 = arith.constant 0 : index
      %get3A_743 = tpu.vector_load %arg10[%get3A_741, %get3A_742] {strides = array<i32>} : memref<512x64xf32, #tpu.memory_space<vmem>>, vector<16xf32>,
      %get3A_744 = arith.index_cast %add3A_740 : i32 to index
      %get3A_745 = arith.constant 0 : index
      %get3A_746 = tpu.vector_load %arg11[%get3A_744, %get3A_745] {strides = array<i32>} : memref<512x64xf32, #tpu.memory_space<vmem>>, vector<16xf32>,
      %mul3A_747 = arith.mulf %get3A_743, %get3A_746 : vector<16xf32>
      %mul3A_748 = arith.mulf %mul3A_747, %get3A_90 : vector<16xf32>
      %get3A_749 = arith.index_cast %add3A_740 : i32 to index
      %get3A_750 = arith.constant 16 : index
      %get3A_751 = tpu.vector_load %arg10[%get3A_749, %get3A_750] {strides = array<i32>} : memref<512x64xf32, #tpu.memory_space<vmem>>, vector<16xf32>,
      %get3A_752 = arith.index_cast %add3A_740 : i32 to index
      %get3A_753 = arith.constant 16 : index
      %get3A_754 = tpu.vector_load %arg11[%get3A_752, %get3A_753] {strides = array<i32>} : memref<512x64xf32, #tpu.memory_space<vmem>>, vector<16xf32>,
      %mul3A_755 = arith.mulf %get3A_751, %get3A_754 : vector<16xf32>
      %mul3A_756 = arith.mulf %mul3A_755, %get3A_92 : vector<16xf32>
      %get3A_757 = arith.index_cast %add3A_740 : i32 to index
      %get3A_758 = arith.constant 32 : index
      %get3A_759 = tpu.vector_load %arg10[%get3A_757, %get3A_758] {strides = array<i32>} : memref<512x64xf32, #tpu.memory_space<vmem>>, vector<16xf32>,
      %get3A_760 = arith.index_cast %add3A_740 : i32 to index
      %get3A_761 = arith.constant 32 : index
      %get3A_762 = tpu.vector_load %arg11[%get3A_760, %get3A_761] {strides = array<i32>} : memref<512x64xf32, #tpu.memory_space<vmem>>, vector<16xf32>,
      %mul3A_763 = arith.mulf %get3A_759, %get3A_762 : vector<16xf32>
      %mul3A_764 = arith.mulf %mul3A_763, %get3A_94 : vector<16xf32>
      %get3A_765 = arith.index_cast %add3A_740 : i32 to index
      %get3A_766 = arith.constant 48 : index
      %get3A_767 = tpu.vector_load %arg10[%get3A_765, %get3A_766] {strides = array<i32>} : memref<512x64xf32, #tpu.memory_space<vmem>>, vector<16xf32>,
      %get3A_768 = arith.index_cast %add3A_740 : i32 to index
      %get3A_769 = arith.constant 48 : index
      %get3A_770 = tpu.vector_load %arg11[%get3A_768, %get3A_769] {strides = array<i32>} : memref<512x64xf32, #tpu.memory_space<vmem>>, vector<16xf32>,
      %mul3A_771 = arith.mulf %get3A_767, %get3A_770 : vector<16xf32>
      %mul3A_772 = arith.mulf %mul3A_771, %get3A_96 : vector<16xf32>
      %add3A_773 = arith.addf %mul3A_748, %mul3A_756 : vector<16xf32>
      %add3A_774 = arith.addf %mul3A_764, %mul3A_772 : vector<16xf32>
      %add3A_775 = arith.addf %add3A_773, %add3A_774 : vector<16xf32>
      %swap3A_776 = arith.constant 12 : i32
      %swap3A_777 = arith.index_cast %scan3A_209 : i32 to index
      %swap3A_778 = arith.index_cast %swap3A_776 : i32 to index
      %swap3A_779 = arith.constant 0 : index
      %swap3A_780 = tpu.vector_load %arg14[%swap3A_777, %swap3A_778, %swap3A_779] {strides = array<i32>} : memref<32x16x17xf32, #tpu.memory_space<vmem>>, vector<16xf32>,
      tpu.vector_store %arg14[%swap3A_777, %swap3A_778, %swap3A_779], %add3A_775 {strides = array<i32>} : memref<32x16x17xf32, #tpu.memory_space<vmem>>, vector<16xf32>,
      %mul3A_781 = arith.constant 16 : i32
      %mul3A_782 = arith.muli %scan3A_209, %mul3A_781 : i32
      %add3A_783 = arith.constant 13 : i32
      %add3A_784 = arith.addi %mul3A_782, %add3A_783 : i32
      %get3A_785 = arith.index_cast %add3A_784 : i32 to index
      %get3A_786 = arith.constant 0 : index
      %get3A_787 = tpu.vector_load %arg10[%get3A_785, %get3A_786] {strides = array<i32>} : memref<512x64xf32, #tpu.memory_space<vmem>>, vector<16xf32>,
      %get3A_788 = arith.index_cast %add3A_784 : i32 to index
      %get3A_789 = arith.constant 0 : index
      %get3A_790 = tpu.vector_load %arg11[%get3A_788, %get3A_789] {strides = array<i32>} : memref<512x64xf32, #tpu.memory_space<vmem>>, vector<16xf32>,
      %mul3A_791 = arith.mulf %get3A_787, %get3A_790 : vector<16xf32>
      %mul3A_792 = arith.mulf %mul3A_791, %get3A_90 : vector<16xf32>
      %get3A_793 = arith.index_cast %add3A_784 : i32 to index
      %get3A_794 = arith.constant 16 : index
      %get3A_795 = tpu.vector_load %arg10[%get3A_793, %get3A_794] {strides = array<i32>} : memref<512x64xf32, #tpu.memory_space<vmem>>, vector<16xf32>,
      %get3A_796 = arith.index_cast %add3A_784 : i32 to index
      %get3A_797 = arith.constant 16 : index
      %get3A_798 = tpu.vector_load %arg11[%get3A_796, %get3A_797] {strides = array<i32>} : memref<512x64xf32, #tpu.memory_space<vmem>>, vector<16xf32>,
      %mul3A_799 = arith.mulf %get3A_795, %get3A_798 : vector<16xf32>
      %mul3A_800 = arith.mulf %mul3A_799, %get3A_92 : vector<16xf32>
      %get3A_801 = arith.index_cast %add3A_784 : i32 to index
      %get3A_802 = arith.constant 32 : index
      %get3A_803 = tpu.vector_load %arg10[%get3A_801, %get3A_802] {strides = array<i32>} : memref<512x64xf32, #tpu.memory_space<vmem>>, vector<16xf32>,
      %get3A_804 = arith.index_cast %add3A_784 : i32 to index
      %get3A_805 = arith.constant 32 : index
      %get3A_806 = tpu.vector_load %arg11[%get3A_804, %get3A_805] {strides = array<i32>} : memref<512x64xf32, #tpu.memory_space<vmem>>, vector<16xf32>,
      %mul3A_807 = arith.mulf %get3A_803, %get3A_806 : vector<16xf32>
      %mul3A_808 = arith.mulf %mul3A_807, %get3A_94 : vector<16xf32>
      %get3A_809 = arith.index_cast %add3A_784 : i32 to index
      %get3A_810 = arith.constant 48 : index
      %get3A_811 = tpu.vector_load %arg10[%get3A_809, %get3A_810] {strides = array<i32>} : memref<512x64xf32, #tpu.memory_space<vmem>>, vector<16xf32>,
      %get3A_812 = arith.index_cast %add3A_784 : i32 to index
      %get3A_813 = arith.constant 48 : index
      %get3A_814 = tpu.vector_load %arg11[%get3A_812, %get3A_813] {strides = array<i32>} : memref<512x64xf32, #tpu.memory_space<vmem>>, vector<16xf32>,
      %mul3A_815 = arith.mulf %get3A_811, %get3A_814 : vector<16xf32>
      %mul3A_816 = arith.mulf %mul3A_815, %get3A_96 : vector<16xf32>
      %add3A_817 = arith.addf %mul3A_792, %mul3A_800 : vector<16xf32>
      %add3A_818 = arith.addf %mul3A_808, %mul3A_816 : vector<16xf32>
      %add3A_819 = arith.addf %add3A_817, %add3A_818 : vector<16xf32>
      %swap3A_820 = arith.constant 13 : i32
      %swap3A_821 = arith.index_cast %scan3A_209 : i32 to index
      %swap3A_822 = arith.index_cast %swap3A_820 : i32 to index
      %swap3A_823 = arith.constant 0 : index
      %swap3A_824 = tpu.vector_load %arg14[%swap3A_821, %swap3A_822, %swap3A_823] {strides = array<i32>} : memref<32x16x17xf32, #tpu.memory_space<vmem>>, vector<16xf32>,
      tpu.vector_store %arg14[%swap3A_821, %swap3A_822, %swap3A_823], %add3A_819 {strides = array<i32>} : memref<32x16x17xf32, #tpu.memory_space<vmem>>, vector<16xf32>,
      %mul3A_825 = arith.constant 16 : i32
      %mul3A_826 = arith.muli %scan3A_209, %mul3A_825 : i32
      %add3A_827 = arith.constant 14 : i32
      %add3A_828 = arith.addi %mul3A_826, %add3A_827 : i32
      %get3A_829 = arith.index_cast %add3A_828 : i32 to index
      %get3A_830 = arith.constant 0 : index
      %get3A_831 = tpu.vector_load %arg10[%get3A_829, %get3A_830] {strides = array<i32>} : memref<512x64xf32, #tpu.memory_space<vmem>>, vector<16xf32>,
      %get3A_832 = arith.index_cast %add3A_828 : i32 to index
      %get3A_833 = arith.constant 0 : index
      %get3A_834 = tpu.vector_load %arg11[%get3A_832, %get3A_833] {strides = array<i32>} : memref<512x64xf32, #tpu.memory_space<vmem>>, vector<16xf32>,
      %mul3A_835 = arith.mulf %get3A_831, %get3A_834 : vector<16xf32>
      %mul3A_836 = arith.mulf %mul3A_835, %get3A_90 : vector<16xf32>
      %get3A_837 = arith.index_cast %add3A_828 : i32 to index
      %get3A_838 = arith.constant 16 : index
      %get3A_839 = tpu.vector_load %arg10[%get3A_837, %get3A_838] {strides = array<i32>} : memref<512x64xf32, #tpu.memory_space<vmem>>, vector<16xf32>,
      %get3A_840 = arith.index_cast %add3A_828 : i32 to index
      %get3A_841 = arith.constant 16 : index
      %get3A_842 = tpu.vector_load %arg11[%get3A_840, %get3A_841] {strides = array<i32>} : memref<512x64xf32, #tpu.memory_space<vmem>>, vector<16xf32>,
      %mul3A_843 = arith.mulf %get3A_839, %get3A_842 : vector<16xf32>
      %mul3A_844 = arith.mulf %mul3A_843, %get3A_92 : vector<16xf32>
      %get3A_845 = arith.index_cast %add3A_828 : i32 to index
      %get3A_846 = arith.constant 32 : index
      %get3A_847 = tpu.vector_load %arg10[%get3A_845, %get3A_846] {strides = array<i32>} : memref<512x64xf32, #tpu.memory_space<vmem>>, vector<16xf32>,
      %get3A_848 = arith.index_cast %add3A_828 : i32 to index
      %get3A_849 = arith.constant 32 : index
      %get3A_850 = tpu.vector_load %arg11[%get3A_848, %get3A_849] {strides = array<i32>} : memref<512x64xf32, #tpu.memory_space<vmem>>, vector<16xf32>,
      %mul3A_851 = arith.mulf %get3A_847, %get3A_850 : vector<16xf32>
      %mul3A_852 = arith.mulf %mul3A_851, %get3A_94 : vector<16xf32>
      %get3A_853 = arith.index_cast %add3A_828 : i32 to index
      %get3A_854 = arith.constant 48 : index
      %get3A_855 = tpu.vector_load %arg10[%get3A_853, %get3A_854] {strides = array<i32>} : memref<512x64xf32, #tpu.memory_space<vmem>>, vector<16xf32>,
      %get3A_856 = arith.index_cast %add3A_828 : i32 to index
      %get3A_857 = arith.constant 48 : index
      %get3A_858 = tpu.vector_load %arg11[%get3A_856, %get3A_857] {strides = array<i32>} : memref<512x64xf32, #tpu.memory_space<vmem>>, vector<16xf32>,
      %mul3A_859 = arith.mulf %get3A_855, %get3A_858 : vector<16xf32>
      %mul3A_860 = arith.mulf %mul3A_859, %get3A_96 : vector<16xf32>
      %add3A_861 = arith.addf %mul3A_836, %mul3A_844 : vector<16xf32>
      %add3A_862 = arith.addf %mul3A_852, %mul3A_860 : vector<16xf32>
      %add3A_863 = arith.addf %add3A_861, %add3A_862 : vector<16xf32>
      %swap3A_864 = arith.constant 14 : i32
      %swap3A_865 = arith.index_cast %scan3A_209 : i32 to index
      %swap3A_866 = arith.index_cast %swap3A_864 : i32 to index
      %swap3A_867 = arith.constant 0 : index
      %swap3A_868 = tpu.vector_load %arg14[%swap3A_865, %swap3A_866, %swap3A_867] {strides = array<i32>} : memref<32x16x17xf32, #tpu.memory_space<vmem>>, vector<16xf32>,
      tpu.vector_store %arg14[%swap3A_865, %swap3A_866, %swap3A_867], %add3A_863 {strides = array<i32>} : memref<32x16x17xf32, #tpu.memory_space<vmem>>, vector<16xf32>,
      %mul3A_869 = arith.constant 16 : i32
      %mul3A_870 = arith.muli %scan3A_209, %mul3A_869 : i32
      %add3A_871 = arith.constant 15 : i32
      %add3A_872 = arith.addi %mul3A_870, %add3A_871 : i32
      %get3A_873 = arith.index_cast %add3A_872 : i32 to index
      %get3A_874 = arith.constant 0 : index
      %get3A_875 = tpu.vector_load %arg10[%get3A_873, %get3A_874] {strides = array<i32>} : memref<512x64xf32, #tpu.memory_space<vmem>>, vector<16xf32>,
      %get3A_876 = arith.index_cast %add3A_872 : i32 to index
      %get3A_877 = arith.constant 0 : index
      %get3A_878 = tpu.vector_load %arg11[%get3A_876, %get3A_877] {strides = array<i32>} : memref<512x64xf32, #tpu.memory_space<vmem>>, vector<16xf32>,
      %mul3A_879 = arith.mulf %get3A_875, %get3A_878 : vector<16xf32>
      %mul3A_880 = arith.mulf %mul3A_879, %get3A_90 : vector<16xf32>
      %get3A_881 = arith.index_cast %add3A_872 : i32 to index
      %get3A_882 = arith.constant 16 : index
      %get3A_883 = tpu.vector_load %arg10[%get3A_881, %get3A_882] {strides = array<i32>} : memref<512x64xf32, #tpu.memory_space<vmem>>, vector<16xf32>,
      %get3A_884 = arith.index_cast %add3A_872 : i32 to index
      %get3A_885 = arith.constant 16 : index
      %get3A_886 = tpu.vector_load %arg11[%get3A_884, %get3A_885] {strides = array<i32>} : memref<512x64xf32, #tpu.memory_space<vmem>>, vector<16xf32>,
      %mul3A_887 = arith.mulf %get3A_883, %get3A_886 : vector<16xf32>
      %mul3A_888 = arith.mulf %mul3A_887, %get3A_92 : vector<16xf32>
      %get3A_889 = arith.index_cast %add3A_872 : i32 to index
      %get3A_890 = arith.constant 32 : index
      %get3A_891 = tpu.vector_load %arg10[%get3A_889, %get3A_890] {strides = array<i32>} : memref<512x64xf32, #tpu.memory_space<vmem>>, vector<16xf32>,
      %get3A_892 = arith.index_cast %add3A_872 : i32 to index
      %get3A_893 = arith.constant 32 : index
      %get3A_894 = tpu.vector_load %arg11[%get3A_892, %get3A_893] {strides = array<i32>} : memref<512x64xf32, #tpu.memory_space<vmem>>, vector<16xf32>,
      %mul3A_895 = arith.mulf %get3A_891, %get3A_894 : vector<16xf32>
      %mul3A_896 = arith.mulf %mul3A_895, %get3A_94 : vector<16xf32>
      %get3A_897 = arith.index_cast %add3A_872 : i32 to index
      %get3A_898 = arith.constant 48 : index
      %get3A_899 = tpu.vector_load %arg10[%get3A_897, %get3A_898] {strides = array<i32>} : memref<512x64xf32, #tpu.memory_space<vmem>>, vector<16xf32>,
      %get3A_900 = arith.index_cast %add3A_872 : i32 to index
      %get3A_901 = arith.constant 48 : index
      %get3A_902 = tpu.vector_load %arg11[%get3A_900, %get3A_901] {strides = array<i32>} : memref<512x64xf32, #tpu.memory_space<vmem>>, vector<16xf32>,
      %mul3A_903 = arith.mulf %get3A_899, %get3A_902 : vector<16xf32>
      %mul3A_904 = arith.mulf %mul3A_903, %get3A_96 : vector<16xf32>
      %add3A_905 = arith.addf %mul3A_880, %mul3A_888 : vector<16xf32>
      %add3A_906 = arith.addf %mul3A_896, %mul3A_904 : vector<16xf32>
      %add3A_907 = arith.addf %add3A_905, %add3A_906 : vector<16xf32>
      %swap3A_908 = arith.constant 15 : i32
      %swap3A_909 = arith.index_cast %scan3A_209 : i32 to index
      %swap3A_910 = arith.index_cast %swap3A_908 : i32 to index
      %swap3A_911 = arith.constant 0 : index
      %swap3A_912 = tpu.vector_load %arg14[%swap3A_909, %swap3A_910, %swap3A_911] {strides = array<i32>} : memref<32x16x17xf32, #tpu.memory_space<vmem>>, vector<16xf32>,
      tpu.vector_store %arg14[%swap3A_909, %swap3A_910, %swap3A_911], %add3A_907 {strides = array<i32>} : memref<32x16x17xf32, #tpu.memory_space<vmem>>, vector<16xf32>,
      %broadcast_in_dim3A = vector.broadcast %scan3A_209 : i32 to vector<16xi32>
      %broadcast_in_dim3A_913 = arith.constant 0 : i32
      %broadcast_in_dim3A_914 = vector.broadcast %broadcast_in_dim3A_913 : i32 to vector<16xi32>
      %gather3A = tpu.vector_load_idx %arg14[%broadcast_in_dim3A, %iota3A, %broadcast_in_dim3A_914] : memref<32x16x17xf32, #tpu.memory_space<vmem>>[vector<16xi32>, vector<16xi32>, vector<16xi32>], vector<16xf32>,
      %broadcast_in_dim3A_915 = arith.constant 1 : i32
      %broadcast_in_dim3A_916 = vector.broadcast %broadcast_in_dim3A_915 : i32 to vector<16xi32>
      %gather3A_917 = tpu.vector_load_idx %arg14[%broadcast_in_dim3A, %iota3A, %broadcast_in_dim3A_916] : memref<32x16x17xf32, #tpu.memory_space<vmem>>[vector<16xi32>, vector<16xi32>, vector<16xi32>], vector<16xf32>,
      %broadcast_in_dim3A_918 = arith.constant 2 : i32
      %broadcast_in_dim3A_919 = vector.broadcast %broadcast_in_dim3A_918 : i32 to vector<16xi32>
      %gather3A_920 = tpu.vector_load_idx %arg14[%broadcast_in_dim3A, %iota3A, %broadcast_in_dim3A_919] : memref<32x16x17xf32, #tpu.memory_space<vmem>>[vector<16xi32>, vector<16xi32>, vector<16xi32>], vector<16xf32>,
      %broadcast_in_dim3A_921 = arith.constant 3 : i32
      %broadcast_in_dim3A_922 = vector.broadcast %broadcast_in_dim3A_921 : i32 to vector<16xi32>
      %gather3A_923 = tpu.vector_load_idx %arg14[%broadcast_in_dim3A, %iota3A, %broadcast_in_dim3A_922] : memref<32x16x17xf32, #tpu.memory_space<vmem>>[vector<16xi32>, vector<16xi32>, vector<16xi32>], vector<16xf32>,
      %broadcast_in_dim3A_924 = arith.constant 4 : i32
      %broadcast_in_dim3A_925 = vector.broadcast %broadcast_in_dim3A_924 : i32 to vector<16xi32>
      %gather3A_926 = tpu.vector_load_idx %arg14[%broadcast_in_dim3A, %iota3A, %broadcast_in_dim3A_925] : memref<32x16x17xf32, #tpu.memory_space<vmem>>[vector<16xi32>, vector<16xi32>, vector<16xi32>], vector<16xf32>,
      %broadcast_in_dim3A_927 = arith.constant 5 : i32
      %broadcast_in_dim3A_928 = vector.broadcast %broadcast_in_dim3A_927 : i32 to vector<16xi32>
      %gather3A_929 = tpu.vector_load_idx %arg14[%broadcast_in_dim3A, %iota3A, %broadcast_in_dim3A_928] : memref<32x16x17xf32, #tpu.memory_space<vmem>>[vector<16xi32>, vector<16xi32>, vector<16xi32>], vector<16xf32>,
      %broadcast_in_dim3A_930 = arith.constant 6 : i32
      %broadcast_in_dim3A_931 = vector.broadcast %broadcast_in_dim3A_930 : i32 to vector<16xi32>
      %gather3A_932 = tpu.vector_load_idx %arg14[%broadcast_in_dim3A, %iota3A, %broadcast_in_dim3A_931] : memref<32x16x17xf32, #tpu.memory_space<vmem>>[vector<16xi32>, vector<16xi32>, vector<16xi32>], vector<16xf32>,
      %broadcast_in_dim3A_933 = arith.constant 7 : i32
      %broadcast_in_dim3A_934 = vector.broadcast %broadcast_in_dim3A_933 : i32 to vector<16xi32>
      %gather3A_935 = tpu.vector_load_idx %arg14[%broadcast_in_dim3A, %iota3A, %broadcast_in_dim3A_934] : memref<32x16x17xf32, #tpu.memory_space<vmem>>[vector<16xi32>, vector<16xi32>, vector<16xi32>], vector<16xf32>,
      %broadcast_in_dim3A_936 = arith.constant 8 : i32
      %broadcast_in_dim3A_937 = vector.broadcast %broadcast_in_dim3A_936 : i32 to vector<16xi32>
      %gather3A_938 = tpu.vector_load_idx %arg14[%broadcast_in_dim3A, %iota3A, %broadcast_in_dim3A_937] : memref<32x16x17xf32, #tpu.memory_space<vmem>>[vector<16xi32>, vector<16xi32>, vector<16xi32>], vector<16xf32>,
      %broadcast_in_dim3A_939 = arith.constant 9 : i32
      %broadcast_in_dim3A_940 = vector.broadcast %broadcast_in_dim3A_939 : i32 to vector<16xi32>
      %gather3A_941 = tpu.vector_load_idx %arg14[%broadcast_in_dim3A, %iota3A, %broadcast_in_dim3A_940] : memref<32x16x17xf32, #tpu.memory_space<vmem>>[vector<16xi32>, vector<16xi32>, vector<16xi32>], vector<16xf32>,
      %broadcast_in_dim3A_942 = arith.constant 10 : i32
      %broadcast_in_dim3A_943 = vector.broadcast %broadcast_in_dim3A_942 : i32 to vector<16xi32>
      %gather3A_944 = tpu.vector_load_idx %arg14[%broadcast_in_dim3A, %iota3A, %broadcast_in_dim3A_943] : memref<32x16x17xf32, #tpu.memory_space<vmem>>[vector<16xi32>, vector<16xi32>, vector<16xi32>], vector<16xf32>,
      %broadcast_in_dim3A_945 = arith.constant 11 : i32
      %broadcast_in_dim3A_946 = vector.broadcast %broadcast_in_dim3A_945 : i32 to vector<16xi32>
      %gather3A_947 = tpu.vector_load_idx %arg14[%broadcast_in_dim3A, %iota3A, %broadcast_in_dim3A_946] : memref<32x16x17xf32, #tpu.memory_space<vmem>>[vector<16xi32>, vector<16xi32>, vector<16xi32>], vector<16xf32>,
      %broadcast_in_dim3A_948 = arith.constant 12 : i32
      %broadcast_in_dim3A_949 = vector.broadcast %broadcast_in_dim3A_948 : i32 to vector<16xi32>
      %gather3A_950 = tpu.vector_load_idx %arg14[%broadcast_in_dim3A, %iota3A, %broadcast_in_dim3A_949] : memref<32x16x17xf32, #tpu.memory_space<vmem>>[vector<16xi32>, vector<16xi32>, vector<16xi32>], vector<16xf32>,
      %broadcast_in_dim3A_951 = arith.constant 13 : i32
      %broadcast_in_dim3A_952 = vector.broadcast %broadcast_in_dim3A_951 : i32 to vector<16xi32>
      %gather3A_953 = tpu.vector_load_idx %arg14[%broadcast_in_dim3A, %iota3A, %broadcast_in_dim3A_952] : memref<32x16x17xf32, #tpu.memory_space<vmem>>[vector<16xi32>, vector<16xi32>, vector<16xi32>], vector<16xf32>,
      %broadcast_in_dim3A_954 = arith.constant 14 : i32
      %broadcast_in_dim3A_955 = vector.broadcast %broadcast_in_dim3A_954 : i32 to vector<16xi32>
      %gather3A_956 = tpu.vector_load_idx %arg14[%broadcast_in_dim3A, %iota3A, %broadcast_in_dim3A_955] : memref<32x16x17xf32, #tpu.memory_space<vmem>>[vector<16xi32>, vector<16xi32>, vector<16xi32>], vector<16xf32>,
      %broadcast_in_dim3A_957 = arith.constant 15 : i32
      %broadcast_in_dim3A_958 = vector.broadcast %broadcast_in_dim3A_957 : i32 to vector<16xi32>
      %gather3A_959 = tpu.vector_load_idx %arg14[%broadcast_in_dim3A, %iota3A, %broadcast_in_dim3A_958] : memref<32x16x17xf32, #tpu.memory_space<vmem>>[vector<16xi32>, vector<16xi32>, vector<16xi32>], vector<16xf32>,
      %add3A_960 = arith.addf %gather3A, %gather3A_917 : vector<16xf32>
      %add3A_961 = arith.addf %gather3A_920, %gather3A_923 : vector<16xf32>
      %add3A_962 = arith.addf %gather3A_926, %gather3A_929 : vector<16xf32>
      %add3A_963 = arith.addf %gather3A_932, %gather3A_935 : vector<16xf32>
      %add3A_964 = arith.addf %gather3A_938, %gather3A_941 : vector<16xf32>
      %add3A_965 = arith.addf %gather3A_944, %gather3A_947 : vector<16xf32>
      %add3A_966 = arith.addf %gather3A_950, %gather3A_953 : vector<16xf32>
      %add3A_967 = arith.addf %gather3A_956, %gather3A_959 : vector<16xf32>
      %add3A_968 = arith.addf %add3A_960, %add3A_961 : vector<16xf32>
      %add3A_969 = arith.addf %add3A_962, %add3A_963 : vector<16xf32>
      %add3A_970 = arith.addf %add3A_964, %add3A_965 : vector<16xf32>
      %add3A_971 = arith.addf %add3A_966, %add3A_967 : vector<16xf32>
      %add3A_972 = arith.addf %add3A_968, %add3A_969 : vector<16xf32>
      %add3A_973 = arith.addf %add3A_970, %add3A_971 : vector<16xf32>
      %add3A_974 = arith.addf %add3A_972, %add3A_973 : vector<16xf32>
      %add3A_975 = arith.addf %add3A_974, %get3A_98 : vector<16xf32>
      %mul3A_976 = arith.constant 16 : i32
      %mul3A_977 = arith.muli %scan3A_209, %mul3A_976 : i32
      %swap3A_978 = arith.index_cast %mul3A_977 : i32 to index
      %swap3A_979 = tpu.vector_load %arg13[%swap3A_978] {strides = array<i32>} : memref<512xf32, #tpu.memory_space<vmem>>, vector<16xf32>,
      tpu.vector_store %arg13[%swap3A_978], %add3A_975 {strides = array<i32>} : memref<512xf32, #tpu.memory_space<vmem>>, vector<16xf32>,
    }
    %scan3A_208 = arith.constant 8 : i32
    "tpu.region"() ({
      %run_scoped3A = tpu.sem_alloc : memref<!tpu.dma_semaphore, #tpu.memory_space<semaphore_mem>>
      %dma_start3A_209 = tpu.memref_slice %arg7[%mul3A_2] : memref<16384xf32, #tpu.memory_space<hbm>> -> memref<512xf32, #tpu.memory_space<hbm>>
      %dma_start3A_210 = tpu.memref_slice %arg7[%mul3A_2] : memref<16384xf32, #tpu.memory_space<hbm>> -> memref<512xf32, #tpu.memory_space<hbm>>
      tpu.enqueue_dma source(%arg13 : memref<512xf32, #tpu.memory_space<vmem>>) target(%dma_start3A_210 : memref<512xf32, #tpu.memory_space<hbm>>) target_semaphore(%run_scoped3A : memref<!tpu.dma_semaphore, #tpu.memory_space<semaphore_mem>>)
      %dma_wait3A_211 = tpu.memref_slice %arg7[%mul3A_2] : memref<16384xf32, #tpu.memory_space<hbm>> -> memref<512xf32, #tpu.memory_space<hbm>>
      %dma_wait3A_212 = tpu.memref_slice %arg7[%mul3A_2] : memref<16384xf32, #tpu.memory_space<hbm>> -> memref<512xf32, #tpu.memory_space<hbm>>
      tpu.wait_dma2 semaphore(%run_scoped3A : memref<!tpu.dma_semaphore, #tpu.memory_space<semaphore_mem>>) src(%arg13 : memref<512xf32, #tpu.memory_space<vmem>>) dst(%dma_wait3A_212 : memref<512xf32, #tpu.memory_space<hbm>>)
      tpu.yield
    }) : () -> ()
    return
  }
}

</mosaic_0001>

<sc_bundles>
// kernel: kernel.3.cloned.1.call-start
scs
__scs_entry_jumppad:
0x0: {  	(pc) =	sbr.rel $0x88, $3  }
0x1: {  	(tag) =	ssettag $0x0;
	lr =	simm.s32 $0x1  }
0x2: {  	[smem:$0x3F9B] =	sst lr;
	_ =	strace $0xD0000000  }
0x3: {  	_ = 	snop  }
0x4: {  	_ = 	snop  }
0x5: {  	_ = 	snop  }
0x6: {  	_ = 	snop  }
0x7: {  	_ = 	snop  }
__scs_overlays_trampoline_lowered:
0x8: {  	[smem:$0x3FAA] =	sst s0  }
0x9: {  	[smem:$0x3FAB] =	sst s1  }
0xa: {  	[smem:$0x3FAC] =	sst s2  }
0xb: {  	[smem:$0x3FAD] =	sst s3  }
0xc: {  	[smem:$0x3FAE] =	sst s4  }
0xd: {  	[smem:$0x3FAF] =	sst s5  }
0xe: {  	[smem:$0x3FB0] =	sst s6  }
0xf: {  	[smem:$0x3FB1] =	sst s7  }
0x10: {  	[smem:$0x3FB2] =	sst s8  }
0x11: {  	[smem:$0x3FB3] =	sst s9;
	s0 =	simm.s32 @!p0 $0x0  }
0x12: {  	s1 =	sld [smem:$0x3F99];
	s0 =	simm.s32 @p0 $0x1  }
0x13: {  	[smem:$0x3FB4] =	sst s0;
	s0 =	simm.s32 @!p1 $0x0  }
0x14: {  	s2 =	sld [smem:$0x3F98];
	s0 =	simm.s32 @p1 $0x1  }
0x15: {  	[smem:$0x3FB5] =	sst s0;
	s0 =	simm.s32 @!p2 $0x0  }
0x16: {  	s3 =	sld [smem:$0x3FDB];
	s0 =	simm.s32 @p2 $0x1  }
0x17: {  	s4 =	simm.s32 $0x1BF5;
	[smem:$0x3FB7] =	sst s0  }
0x18: {  	s0 =	sld [smem:$0x3F9A];
	_ =	swait.ge [sflag:s4], $0x0  }
0x19: {  	s7 =	sld [smem:$0x3F9B]  }
0x1a: {  	s8 =	sadd.s32 $0xFFFFE003, lr  }
0x1b: {  	s9 =	sadd.s32 $0xFFFFFEF7, lr;
	s5 =	simm.s32 $0xFFFFFFFF;
	p2 =	slt.u32 s8, $0xFFFFF086  }
0x1c: {  	p1 =	slt.u32 s9, $0xF7A;
	s5 =	simm.s32 @!p2 $0x0  }
0x1d: {  	s5 =	simm.s32 @p1 $0x1;
	p0 =	seq.s32 s7, s2  }
0x1e: {  	s7 =	smul.u32 @!p0 $0xF7A, s2;
	p2 =	seq.s32 @!p0 s5, $0x0  }
0x1f: {  	s9 =	smul.u32 $0xF7A, s1;
	s8 =	simm.s32 @!p0 $0x1BF5;
	p2 =	por !p2, p0  }
0x20: {  	[sflag:s8] =	ssyncset.s32 @!p0 $0xFFFFF086;
	s6 =	sadd.s32 @!p0 s3, s7;
	s7 =	simm.s32 @!p0 $0x108  }
0x21: {  	s3 =	sadd.s32 s3, s9;
	s6 =	sadd.s32 @!p0 $0x88, s6;
	s7 =	simm.s32 @p2 $0x1082  }
0x22: {  	[simem:s7], [sflag:s8] =	dma.local @!p0 [hbm:s6], $0xF7A  }
0x23: {  	s9 =	sor.u32 $0xD0000000, s2;
	s6 =	simm.s32 $0x108;
	_ =	swait.ge @!p0 [sflag:s8], $0x0  }
0x24: {  	s3 =	sadd.s32 $0x88, s3;
	s6 =	simm.s32 @!p1 $0x1082;
	[sflag:s4] =	ssyncset.s32 $0xFFFFF086  }
0x25: {  	[simem:s6], [sflag:s4] =	dma.local [hbm:s3], $0xF7A  }
0x26: {  	[smem:$0x3F9B] =	sst s1;
	(tag) =	ssettag s2;
	_ =	strace s9  }
0x27: {  	s1 =	sld [smem:$0x3FAB]  }
0x28: {  	s2 =	sld [smem:$0x3FAC]  }
0x29: {  	s4 =	sld [smem:$0x3FAE]  }
0x2a: {  	p0 =	seq.s32 s5, $0x0;
	s5 =	sld [smem:$0x3FAF]  }
0x2b: {  	s6 =	sld [smem:$0x3FB0]  }
0x2c: {  	s7 =	sld [smem:$0x3FB1]  }
0x2d: {  	s3 =	simm.s32 $0x108;
	s8 =	sld [smem:$0x3FB2]  }
0x2e: {  	s3 =	simm.s32 @!p0 $0x1082;
	s9 =	sld [smem:$0x3FB3]  }
0x2f: {  	lr =	sadd.s32 s0, s3;
	s0 =	sld [smem:$0x3FAA]  }
0x30: {  	s3 =	sld [smem:$0x3FAD]  }
0x31: {  	[smem:$0x3FB6] =	sst s10  }
0x32: {  	s10 =	sld [smem:$0x3FB4];
	_ =	sdelay $0x3  }
0x33: {  	p0 =	seq.s32 s10, $0x1;
	s10 =	sld [smem:$0x3FB6];
	_ =	sdelay $0x3  }
0x34: {  	[smem:$0x3FB6] =	sst s10  }
0x35: {  	s10 =	sld [smem:$0x3FB5];
	_ =	sdelay $0x3  }
0x36: {  	p1 =	seq.s32 s10, $0x1;
	s10 =	sld [smem:$0x3FB6];
	_ =	sdelay $0x3  }
0x37: {  	[smem:$0x3FB6] =	sst s10  }
0x38: {  	s10 =	sld [smem:$0x3FB7]  }
0x39: {  	_ = 	snop;
	(pc) =	sbr.ind lr, $3  }
0x3a: {  	_ = 	snop  }
0x3b: {  	_ = 	snop  }
0x3c: {  	p2 =	seq.s32 s10, $0x1;
	s10 =	sld [smem:$0x3FB6]  }
0x3d: {  	_ =	shalt  }
0x3e: {  	_ =	shalt  }
0x3f: {  	_ =	shalt  }
0x40: {  	_ =	shalt  }
0x41: {  	_ =	shalt  }
0x42: {  	_ =	shalt  }
0x43: {  	_ =	shalt  }
0x44: {  	_ =	shalt  }
0x45: {  	_ =	shalt  }
0x46: {  	_ =	shalt  }
0x47: {  	_ =	shalt  }
0x48: {  	_ =	shalt  }
0x49: {  	_ =	shalt  }
0x4a: {  	_ =	shalt  }
0x4b: {  	_ =	shalt  }
0x4c: {  	_ =	shalt  }
0x4d: {  	_ =	shalt  }
0x4e: {  	_ =	shalt  }
0x4f: {  	_ =	shalt  }
0x50: {  	_ =	shalt  }
0x51: {  	_ =	shalt  }
0x52: {  	_ =	shalt  }
0x53: {  	_ =	shalt  }
0x54: {  	_ =	shalt  }
0x55: {  	_ =	shalt  }
0x56: {  	_ =	shalt  }
0x57: {  	_ =	shalt  }
0x58: {  	_ =	shalt  }
0x59: {  	_ =	shalt  }
0x5a: {  	_ =	shalt  }
0x5b: {  	_ =	shalt  }
0x5c: {  	_ =	shalt  }
0x5d: {  	_ =	shalt  }
0x5e: {  	_ =	shalt  }
0x5f: {  	_ =	shalt  }
0x60: {  	_ =	shalt  }
0x61: {  	_ =	shalt  }
0x62: {  	_ =	shalt  }
0x63: {  	_ =	shalt  }
0x64: {  	_ =	shalt  }
0x65: {  	_ =	shalt  }
0x66: {  	_ =	shalt  }
0x67: {  	_ =	shalt  }
0x68: {  	_ =	shalt  }
0x69: {  	_ =	shalt  }
0x6a: {  	_ =	shalt  }
0x6b: {  	_ =	shalt  }
0x6c: {  	_ =	shalt  }
0x6d: {  	_ =	shalt  }
0x6e: {  	_ =	shalt  }
0x6f: {  	_ =	shalt  }
0x70: {  	_ =	shalt  }
0x71: {  	_ =	shalt  }
0x72: {  	_ =	shalt  }
0x73: {  	_ =	shalt  }
0x74: {  	_ =	shalt  }
0x75: {  	_ =	shalt  }
0x76: {  	_ =	shalt  }
0x77: {  	_ =	shalt  }
0x78: {  	_ =	shalt  }
0x79: {  	_ =	shalt  }
0x7a: {  	_ =	shalt  }
0x7b: {  	_ =	shalt  }
0x7c: {  	_ =	shalt  }
0x7d: {  	_ =	shalt  }
0x7e: {  	_ =	shalt  }
0x7f: {  	_ =	shalt  }
0x80: {  	_ =	shalt  }
0x81: {  	_ =	shalt  }
0x82: {  	_ =	shalt  }
0x83: {  	_ =	shalt  }
0x84: {  	_ =	shalt  }
0x85: {  	_ =	shalt  }
0x86: {  	_ =	shalt  }
0x87: {  	_ =	shalt  }
.Lfunc_end0:
.L_simem_size_0:
called_computation_lowered:
.L_overlay_start_0:
0x88: {  	s2 =	sld [smem:$0x3FD9]  }
0x89: {  	s3 =	sld [smem:$0x3FFE];
	_ =	sdelay $0x1  }
0x8a: {  	s1 =	srdreg.scid  }
0x8b: {  	s0 =	sand.u32 $0x1, s1  }
0x8c: {  	s17 =	sshll.u32 s0, $0xA;
	s2 =	sadd.s32 s3, s2  }
0x8d: {  	s2 =	sadd.s32 s2, s17  }
0x8e: {  	[smem:$0x3FC2] =	sst s2  }
0x8f: {  	_ = 	snop  }
0x90: {  	s2 =	sld [smem:$0x3FC9]  }
0x91: {  	s18 =	sld [smem:$0x3FC8]  }
0x92: {  	s4 =	sld [smem:$0x3FD0];
	(tm) =	ssettm $0x1  }
0x93: {  	s5 =	sld [smem:$0x3FFB];
	_ =	sdelay $0x3  }
0x94: {  	_ =	strace s5  }
0x95: {  	s5 =	sld [smem:$0x3FFC];
	_ =	sdelay $0x3  }
0x96: {  	_ =	strace s5  }
0x97: {  	s5 =	sld [smem:$0x3FFD];
	_ =	sdelay $0x3  }
0x98: {  	_ =	strace s5  }
0x99: {  	_ =	strace $0x8FFFFFFF  }
0x9a: {  	s19 =	sld [smem:$0x3FDB];
	_ =	sdelay $0x1  }
0x9b: {  	s6 =	simm.s32 $_scs_section_size  }
0x9c: {  	s7 =	simm.s32 $_size__tile_overlayer_lowered;
	s8 =	simm.s32 $_tile_overlayer_lowered  }
0x9d: {  	s22 =	simm.s32 $0x1BFF;
	s21 =	sshll.u32 s8, $0x1;
	s5 =	sadd.s32 s6, s19  }
0x9e: {  	s9 =	simm.s32 $0x0;
	s20 =	sshll.u32 s7, $0x1;
	s7 =	sadd.s32 s21, s5  }
0x9f: {  	[timem:s9], [sflag:s22] =	dma.local [hbm:s7], s20  }
0xa0: {  	_ =	swait.ge [sflag:s22], s20  }
0xa1: {  	s6 =	ssub.s32 $0x0, s20;
	[sflag:s22] =	ssyncset.done $0x0  }
0xa2: {  	[sflag:s22] =	ssyncadd.s32 s6;
	_ =	sdelay $0x1  }
0xa3: {  	s23 =	simm.s32 $0x1B8B  }
0xa4: {  	_ =	swait.ge [sflag:s23], $0x1  }
0xa5: {  	[sflag:s23] =	ssyncset.done $0x0  }
0xa6: {  	s25 =	simm.s32 $0x1B8E;
	s24 =	sld [smem:$0x3FFE];
	[sflag:s23] =	ssyncadd.s32 $0xFFFFFFFF  }
0xa7: {  	s26 =	simm.s32 $execute0_lowered;
	[smem:$0x3FD2] =	sst s25  }
0xa8: {  	s7 =	sshll.u32 s26, $0x1;
	_ =	strace $0x80000046;
	[dreg:$0x1] =	wrdreg $0xFFFFFFFF  }
0xa9: {  	s28 =	simm.s32 $_size_execute0_lowered;
	s5 =	sadd.s32 s5, s7;
	[dreg:$0x0] =	wrdreg $0x0  }
0xaa: {  	s7 =	sshll.u32 s28, $0x1;
	[dreg:$0x2] =	wrdreg s5  }
0xab: {  	[dreg:$0x3] =	wrdreg s7  }
0xac: {  	[dreg:$0x4] =	wrdreg $0xC0  }
0xad: {  	_ =	task [dreg:s9], $0x5FFFF  }
0xae: {  	[dreg:$0x1] =	wrdreg $0xFFFFFFFF  }
0xaf: {  	[dreg:$0x0] =	wrdreg $0x60  }
0xb0: {  	[dreg:$0x2] =	wrdreg s2  }
0xb1: {  	[dreg:$0x3] =	wrdreg s18  }
0xb2: {  	[dreg:$0x4] =	wrdreg s24  }
0xb3: {  	[dreg:$0x5] =	wrdreg s4  }
0xb4: {  	[dreg:$0x6] =	wrdreg $0x9  }
0xb5: {  	_ =	task.clear_ibuf [dreg:s9], $0x7FFFF;
	_ =	strace $0x90000046  }
0xb6: {  	s29 =	simm.s32 $0x9;
	_ =	strace $0x80000048  }
0xb7: {  	_ =	swait.ge [sflag:s29], $0x1  }
0xb8: {  	[sflag:s29] =	ssyncadd.s32 $0xFFFFFFFF  }
0xb9: {  	_ =	strace $0x90000048  }
0xba: {  	_ =	sfence  }
0xbb: {  	s30 =	sld [smem:$0x0];
	_ =	sdelay $0x2  }
0xbc: {  	s31 =	sshll.u32 s1, $0xD;
	s1 =	sshrl.u32 s1, $0x2  }
0xbd: {  	s3 =	sand.u32 $0x4000, s31;
	s1 =	sadd.s32 s1, s30  }
0xbe: {  	s0 =	sor.u32 s3, s0;
	s1 =	sshll.u32 s1, $0x11  }
0xbf: {  	s0 =	sor.u32 s1, s0  }
0xc0: {  	s0 =	sadd.s32 $0x8F2B, s0  }
0xc1: {  	[sflag:s0] =	ssyncadd.remote.s32 $0x1  }
0xc2: {  	_ =	sfence.sel $0xFFFF  }
0xc3: {  	[dreg:$0x0] =	wrdreg $0xFFFFFFFF;
	(pc) =	sbr.abs _section_cstart, $3  }
0xc4: {  	[dreg:$0x1] =	wrdreg $0xFFFFFFFF  }
0xc5: {  	_ =	task.clear_ibuf [dreg:s9], $0x2FFFF;
	_ =	strace $0x9FFFFFFF  }
0xc6: {  	(tm) =	ssettm $0x7FFFFFFF  }
0xc7: {  	_ =	shalt  }
tec
execute0_lowered:
.L_overlay_start_1:
0x0: {  	(tag) =	ssettag $0x1  }
0x1: {  	s0 =	rddreg [dreg:$0x0]  }
0x2: {  	s2 =	rddreg [dreg:$0x1]  }
0x3: {  	s5 =	rddreg [dreg:$0x2]  }
0x4: {  	s8 =	rddreg [dreg:$0x3];
	s1 =	simm.s32 $0x0  }
0x5: {  	s4 =	srdreg.scid;
	s7 =	stileid.u32;
	s11 =	simm.s32 $0x200  }
0x6: {  	s13 =	simm.s32 $0x80;
	s19 =	simm.s32 $0x100;
	s20 =	simm.s32 $0x4400  }
0x7: {  	s21 =	simm.s32 $0x300;
	s22 =	simm.s32 $0xC400;
	s23 =	simm.s32 $0x180  }
0x8: {  	s24 =	simm.s32 $0x6400;
	s25 =	simm.s32 $0x380;
	s26 =	simm.s32 $0xE400  }
0x9: {  	v0 =	vlaneseq.u32;
	s28 =	simm.s32 $0x1;
	s29 =	simm.s32 $0x10680;
	s30 =	simm.s32 $0x2  }
0xa: {  	s31 =	simm.s32 $0x3;
	s12 =	simm.s32 $0x0;
	[smem:$0x7FF] =	sst s1;
	v0 =	vmul.u32 $0x18, v0  }
0xb: {  	s3 =	sadd.s32 $0x16E3C00, s5;
	s4 =	sand.u32 $0x1, s4;
	s7 =	sshll.u32 s7, $0x7  }
0xc: {  	_ =	strace $0x80000047;
	s6 =	ssub.s32 $0x2, s4;
	s9 =	sshll.u32 s4, $0x6;
	v1 =	vor.u32 $0x1, v0;
	v2 =	vor.u32 $0x2, v0;
	v3 =	vor.u32 $0x3, v0  }
0xd: {  	s4 =	sadd.s32 $0xF42A00, s5;
	s10 =	sshrl.u32 s6, $0x1;
	s9 =	sor.u32 s9, s7;
	v4 =	vor.u32 $0x4, v0;
	v5 =	vor.u32 $0x5, v0;
	v6 =	vor.u32 $0x6, v0  }
0xe: {  	s5 =	sadd.s32 $0x600, s5;
	v7 =	vor.u32 $0x7, v0;
	v8 =	vadd.s32 $0x8, v0;
	v9 =	vadd.s32 $0x9, v0;
	s10 =	ssub.s32 s6, s10;
	s6 =	sadd.s32 s0, s9  }
0xf: {  	v10 =	vadd.s32 $0xA, v0;
	v11 =	vadd.s32 $0xB, v0;
	v12 =	vadd.s32 $0xC, v0;
	s7 =	sadd.s32 s2, s9;
	s8 =	sadd.s32 s8, s9;
	s0 =	simm.s32 $0x4  }
0x10: {  	v13 =	vadd.s32 $0xD, v0;
	v14 =	vadd.s32 $0xE, v0;
	v15 =	vadd.s32 $0xF, v0;
	s2 =	simm.s32 $0x10480;
	s9 =	smax.u32 s10, $0x1;
	s10 =	simm.s32 $0x5  }
.LBB2_1:
0x11: {  	[tilespmem:s1], [sflag:$0x5] =	stream.linear.gather [hbm4b:s6+s1], $0x200, $0x38;
	[tilespmem:$0x13680] =	vst v63  }
0x12: {  	_ =	swait.ge [sflag:s10], $0x200  }
0x13: {  	[sflag:s10] =	ssyncset.done $0x0  }
0x14: {  	[sflag:s10] =	ssyncadd.s32 $0xFFFFFE00  }
0x15: {  	[tilespmem:s11], [sflag:$0x5] =	stream.linear.gather [hbm4b:s7+s1], $0x200, $0x38;
	[tilespmem:$0x13680] =	vst v63  }
0x16: {  	_ =	swait.ge [sflag:s10], $0x200  }
0x17: {  	[sflag:s10] =	ssyncset.done $0x0  }
0x18: {  	s14 =	simm.s32 $0x10400;
	[sflag:s10] =	ssyncadd.s32 $0xFFFFFE00  }
0x19: {  	[tilespmem:s14], [sflag:$0x5] =	stream.linear.gather [hbm4b:s5+s1], $0x80, $0x38;
	[tilespmem:$0x13680] =	vst v63  }
0x1a: {  	_ =	swait.ge [sflag:s10], $0x80  }
0x1b: {  	[sflag:s10] =	ssyncset.done $0x0  }
0x1c: {  	s15 =	simm.s32 $0x400;
	[sflag:s10] =	ssyncadd.s32 $0xFFFFFF80  }
0x1d: {  	[tilespmem:s15], [sflag:$0x1] =	stream.indirect.gather [hbm4b:s3+s13], $0x40, s1, s13, $0xb8;
	[tilespmem:$0x13680] =	vst v63  }
0x1e: {  	s16 =	simm.s32 $0x8400  }
0x1f: {  	[tilespmem:s16], [sflag:$0x1] =	stream.indirect.gather [hbm4b:s4+s13], $0x40, s11, s13, $0xb8;
	[tilespmem:$0x13680] =	vst v63  }
0x20: {  	s17 =	simm.s32 $0x2400  }
0x21: {  	[tilespmem:s17], [sflag:$0x2] =	stream.indirect.gather [hbm4b:s3+s13], $0x40, s13, s13, $0xb8;
	[tilespmem:$0x13680] =	vst v63  }
0x22: {  	s18 =	simm.s32 $0x280;
	s15 =	simm.s32 $0xA400  }
0x23: {  	[tilespmem:s15], [sflag:$0x2] =	stream.indirect.gather [hbm4b:s4+s13], $0x40, s18, s13, $0xb8;
	[tilespmem:$0x13680] =	vst v63  }
0x24: {  	_ = 	snop  }
0x25: {  	[tilespmem:s20], [sflag:$0x3] =	stream.indirect.gather [hbm4b:s3+s13], $0x40, s19, s13, $0xb8;
	[tilespmem:$0x13680] =	vst v63  }
0x26: {  	_ = 	snop  }
0x27: {  	[tilespmem:s22], [sflag:$0x3] =	stream.indirect.gather [hbm4b:s4+s13], $0x40, s21, s13, $0xb8;
	[tilespmem:$0x13680] =	vst v63  }
0x28: {  	_ = 	snop  }
0x29: {  	[tilespmem:s24], [sflag:$0x4] =	stream.indirect.gather [hbm4b:s3+s13], $0x40, s23, s13, $0xb8;
	[tilespmem:$0x13680] =	vst v63  }
0x2a: {  	_ = 	snop  }
0x2b: {  	[tilespmem:s26], [sflag:$0x4] =	stream.indirect.gather [hbm4b:s4+s13], $0x40, s25, s13, $0xb8;
	[tilespmem:$0x13680] =	vst v63  }
0x2c: {  	v16 =	vld [tilespmem:$0x10400]  }
0x2d: {  	v17 =	vld [tilespmem:$0x10410]  }
0x2e: {  	v18 =	vld [tilespmem:$0x10420]  }
0x2f: {  	v19 =	vld [tilespmem:$0x10430]  }
0x30: {  	v20 =	vld [tilespmem:$0x10440];
	_ =	swait.ge [sflag:s28], $0x2000  }
0x31: {  	[sflag:s28] =	ssyncset.done $0x0  }
0x32: {  	[sflag:s28] =	ssyncadd.s32 $0xFFFFE000  }
0x33: {  	s14 =	simm.s32 $0x10740;
	_ =	swait.ge [sflag:s28], $0x2000  }
0x34: {  	s16 =	simm.s32 $0x8600;
	s17 =	simm.s32 $0x10480;
	[sflag:s28] =	ssyncset.done $0x0  }
0x35: {  	s15 =	simm.s32 $0x600;
	s18 =	simm.s32 $0x0;
	[sflag:s28] =	ssyncadd.s32 $0xFFFFE000  }
.LBB2_2:
0x36: {  	v21 =	vld [tilespmem:s15+$0xFFFFFE00]  }
0x37: {  	v22 =	vld [tilespmem:s16+$0xFFFFFE00]  }
0x38: {  	v23 =	vld [tilespmem:s15+$0xFFFFFE10]  }
0x39: {  	v24 =	vld [tilespmem:s16+$0xFFFFFE10]  }
0x3a: {  	v25 =	vld [tilespmem:s15+$0xFFFFFE20]  }
0x3b: {  	v26 =	vld [tilespmem:s16+$0xFFFFFE20]  }
0x3c: {  	v27 =	vld [tilespmem:s15+$0xFFFFFE30]  }
0x3d: {  	v28 =	vld [tilespmem:s16+$0xFFFFFE30];
	_ =	sdelay $0x3  }
0x3e: {  	v21 =	vmul.f32 v22, v21;
	v22 =	vmul.f32 v24, v23  }
0x3f: {  	v23 =	vmul.f32 v26, v25;
	v60 =	vmul.f32 v28, v27  }
0x40: {  	v21 =	vmul.f32 v21, v16;
	v22 =	vmul.f32 v22, v17  }
0x41: {  	v23 =	vmul.f32 v23, v18;
	v24 =	vmul.f32 v60, v19;
	_ =	sdelay $0x1  }
0x42: {  	v21 =	vadd.f32 v22, v21;
	v22 =	vadd.f32 v24, v23;
	_ =	sdelay $0x1  }
0x43: {  	v21 =	vadd.f32 v22, v21;
	_ =	sdelay $0x1  }
0x44: {  	[tilespmem:s14+$0xFFFFFF40] =	vst v21  }
0x45: {  	v21 =	vld [tilespmem:s15+$0xFFFFFE40]  }
0x46: {  	v22 =	vld [tilespmem:s16+$0xFFFFFE40]  }
0x47: {  	v23 =	vld [tilespmem:s15+$0xFFFFFE50]  }
0x48: {  	v61 =	vld [tilespmem:s16+$0xFFFFFE50]  }
0x49: {  	v62 =	vld [tilespmem:s15+$0xFFFFFE60]  }
0x4a: {  	v63 =	vld [tilespmem:s16+$0xFFFFFE60]  }
0x4b: {  	v32 =	vld [tilespmem:s15+$0xFFFFFE70]  }
0x4c: {  	v33 =	vld [tilespmem:s16+$0xFFFFFE70];
	_ =	sdelay $0x3  }
0x4d: {  	v21 =	vmul.f32 v22, v21;
	v22 =	vmul.f32 v61, v23  }
0x4e: {  	v23 =	vmul.f32 v63, v62;
	v34 =	vmul.f32 v33, v32  }
0x4f: {  	v21 =	vmul.f32 v21, v16;
	v22 =	vmul.f32 v22, v17  }
0x50: {  	v23 =	vmul.f32 v23, v18;
	v24 =	vmul.f32 v34, v19;
	_ =	sdelay $0x1  }
0x51: {  	v21 =	vadd.f32 v22, v21;
	v22 =	vadd.f32 v24, v23;
	_ =	sdelay $0x1  }
0x52: {  	v21 =	vadd.f32 v22, v21;
	_ =	sdelay $0x1  }
0x53: {  	[tilespmem:s14+$0xFFFFFF58] =	vst v21  }
0x54: {  	v21 =	vld [tilespmem:s15+$0xFFFFFE80]  }
0x55: {  	v22 =	vld [tilespmem:s16+$0xFFFFFE80]  }
0x56: {  	v23 =	vld [tilespmem:s15+$0xFFFFFE90]  }
0x57: {  	v35 =	vld [tilespmem:s16+$0xFFFFFE90]  }
0x58: {  	v36 =	vld [tilespmem:s15+$0xFFFFFEA0]  }
0x59: {  	v37 =	vld [tilespmem:s16+$0xFFFFFEA0]  }
0x5a: {  	v38 =	vld [tilespmem:s15+$0xFFFFFEB0]  }
0x5b: {  	v39 =	vld [tilespmem:s16+$0xFFFFFEB0];
	_ =	sdelay $0x3  }
0x5c: {  	v21 =	vmul.f32 v22, v21;
	v22 =	vmul.f32 v35, v23  }
0x5d: {  	v23 =	vmul.f32 v37, v36;
	v40 =	vmul.f32 v39, v38  }
0x5e: {  	v21 =	vmul.f32 v21, v16;
	v22 =	vmul.f32 v22, v17  }
0x5f: {  	v23 =	vmul.f32 v23, v18;
	v24 =	vmul.f32 v40, v19;
	_ =	sdelay $0x1  }
0x60: {  	v21 =	vadd.f32 v22, v21;
	v22 =	vadd.f32 v24, v23;
	_ =	sdelay $0x1  }
0x61: {  	v21 =	vadd.f32 v22, v21;
	_ =	sdelay $0x1  }
0x62: {  	[tilespmem:s14+$0xFFFFFF70] =	vst v21  }
0x63: {  	v21 =	vld [tilespmem:s15+$0xFFFFFEC0]  }
0x64: {  	v22 =	vld [tilespmem:s16+$0xFFFFFEC0]  }
0x65: {  	v23 =	vld [tilespmem:s15+$0xFFFFFED0]  }
0x66: {  	v41 =	vld [tilespmem:s16+$0xFFFFFED0]  }
0x67: {  	v42 =	vld [tilespmem:s15+$0xFFFFFEE0]  }
0x68: {  	v43 =	vld [tilespmem:s16+$0xFFFFFEE0]  }
0x69: {  	v44 =	vld [tilespmem:s15+$0xFFFFFEF0]  }
0x6a: {  	v45 =	vld [tilespmem:s16+$0xFFFFFEF0];
	_ =	sdelay $0x3  }
0x6b: {  	v21 =	vmul.f32 v22, v21;
	v22 =	vmul.f32 v41, v23  }
0x6c: {  	v23 =	vmul.f32 v43, v42;
	v46 =	vmul.f32 v45, v44  }
0x6d: {  	v21 =	vmul.f32 v21, v16;
	v22 =	vmul.f32 v22, v17  }
0x6e: {  	v23 =	vmul.f32 v23, v18;
	v24 =	vmul.f32 v46, v19;
	_ =	sdelay $0x1  }
0x6f: {  	v21 =	vadd.f32 v22, v21;
	v22 =	vadd.f32 v24, v23;
	_ =	sdelay $0x1  }
0x70: {  	v21 =	vadd.f32 v22, v21;
	_ =	sdelay $0x1  }
0x71: {  	[tilespmem:s14+$0xFFFFFF88] =	vst v21  }
0x72: {  	v21 =	vld [tilespmem:s15+$0xFFFFFF00]  }
0x73: {  	v22 =	vld [tilespmem:s16+$0xFFFFFF00]  }
0x74: {  	v23 =	vld [tilespmem:s15+$0xFFFFFF10]  }
0x75: {  	v47 =	vld [tilespmem:s16+$0xFFFFFF10]  }
0x76: {  	v48 =	vld [tilespmem:s15+$0xFFFFFF20]  }
0x77: {  	v49 =	vld [tilespmem:s16+$0xFFFFFF20]  }
0x78: {  	v50 =	vld [tilespmem:s15+$0xFFFFFF30]  }
0x79: {  	v51 =	vld [tilespmem:s16+$0xFFFFFF30];
	_ =	sdelay $0x3  }
0x7a: {  	v21 =	vmul.f32 v22, v21;
	v22 =	vmul.f32 v47, v23  }
0x7b: {  	v23 =	vmul.f32 v49, v48;
	v52 =	vmul.f32 v51, v50  }
0x7c: {  	v21 =	vmul.f32 v21, v16;
	v22 =	vmul.f32 v22, v17  }
0x7d: {  	v23 =	vmul.f32 v23, v18;
	v24 =	vmul.f32 v52, v19;
	_ =	sdelay $0x1  }
0x7e: {  	v21 =	vadd.f32 v22, v21;
	v22 =	vadd.f32 v24, v23;
	_ =	sdelay $0x1  }
0x7f: {  	v21 =	vadd.f32 v22, v21;
	_ =	sdelay $0x1  }
0x80: {  	[tilespmem:s14+$0xFFFFFFA0] =	vst v21  }
0x81: {  	v21 =	vld [tilespmem:s15+$0xFFFFFF40]  }
0x82: {  	v22 =	vld [tilespmem:s16+$0xFFFFFF40]  }
0x83: {  	v23 =	vld [tilespmem:s15+$0xFFFFFF50]  }
0x84: {  	v53 =	vld [tilespmem:s16+$0xFFFFFF50]  }
0x85: {  	v54 =	vld [tilespmem:s15+$0xFFFFFF60]  }
0x86: {  	v55 =	vld [tilespmem:s16+$0xFFFFFF60]  }
0x87: {  	v56 =	vld [tilespmem:s15+$0xFFFFFF70]  }
0x88: {  	v57 =	vld [tilespmem:s16+$0xFFFFFF70];
	_ =	sdelay $0x3  }
0x89: {  	v21 =	vmul.f32 v22, v21;
	v22 =	vmul.f32 v53, v23  }
0x8a: {  	v23 =	vmul.f32 v55, v54;
	v58 =	vmul.f32 v57, v56  }
0x8b: {  	v21 =	vmul.f32 v21, v16;
	v22 =	vmul.f32 v22, v17  }
0x8c: {  	v23 =	vmul.f32 v23, v18;
	v24 =	vmul.f32 v58, v19;
	_ =	sdelay $0x1  }
0x8d: {  	v21 =	vadd.f32 v22, v21;
	v22 =	vadd.f32 v24, v23;
	_ =	sdelay $0x1  }
0x8e: {  	v21 =	vadd.f32 v22, v21;
	_ =	sdelay $0x1  }
0x8f: {  	[tilespmem:s14+$0xFFFFFFB8] =	vst v21  }
0x90: {  	v21 =	vld [tilespmem:s15+$0xFFFFFF80]  }
0x91: {  	v22 =	vld [tilespmem:s16+$0xFFFFFF80]  }
0x92: {  	v23 =	vld [tilespmem:s15+$0xFFFFFF90]  }
0x93: {  	v59 =	vld [tilespmem:s16+$0xFFFFFF90]  }
0x94: {  	v60 =	vld [tilespmem:s15+$0xFFFFFFA0]  }
0x95: {  	v61 =	vld [tilespmem:s16+$0xFFFFFFA0]  }
0x96: {  	v62 =	vld [tilespmem:s15+$0xFFFFFFB0]  }
0x97: {  	v63 =	vld [tilespmem:s16+$0xFFFFFFB0];
	_ =	sdelay $0x3  }
0x98: {  	v21 =	vmul.f32 v22, v21;
	v22 =	vmul.f32 v59, v23  }
0x99: {  	v23 =	vmul.f32 v61, v60;
	v32 =	vmul.f32 v63, v62  }
0x9a: {  	v21 =	vmul.f32 v21, v16;
	v22 =	vmul.f32 v22, v17  }
0x9b: {  	v23 =	vmul.f32 v23, v18;
	v24 =	vmul.f32 v32, v19;
	_ =	sdelay $0x1  }
0x9c: {  	v21 =	vadd.f32 v22, v21;
	v22 =	vadd.f32 v24, v23;
	_ =	sdelay $0x1  }
0x9d: {  	v21 =	vadd.f32 v22, v21;
	_ =	sdelay $0x1  }
0x9e: {  	[tilespmem:s14+$0xFFFFFFD0] =	vst v21  }
0x9f: {  	v21 =	vld [tilespmem:s15+$0xFFFFFFC0]  }
0xa0: {  	v22 =	vld [tilespmem:s16+$0xFFFFFFC0]  }
0xa1: {  	v23 =	vld [tilespmem:s15+$0xFFFFFFD0]  }
0xa2: {  	v33 =	vld [tilespmem:s16+$0xFFFFFFD0]  }
0xa3: {  	v34 =	vld [tilespmem:s15+$0xFFFFFFE0]  }
0xa4: {  	v35 =	vld [tilespmem:s16+$0xFFFFFFE0]  }
0xa5: {  	v36 =	vld [tilespmem:s15+$0xFFFFFFF0]  }
0xa6: {  	v37 =	vld [tilespmem:s16+$0xFFFFFFF0];
	_ =	sdelay $0x3  }
0xa7: {  	v21 =	vmul.f32 v22, v21;
	v22 =	vmul.f32 v33, v23  }
0xa8: {  	v23 =	vmul.f32 v35, v34;
	v38 =	vmul.f32 v37, v36  }
0xa9: {  	v21 =	vmul.f32 v21, v16;
	v22 =	vmul.f32 v22, v17  }
0xaa: {  	v23 =	vmul.f32 v23, v18;
	v24 =	vmul.f32 v38, v19;
	_ =	sdelay $0x1  }
0xab: {  	v21 =	vadd.f32 v22, v21;
	v22 =	vadd.f32 v24, v23;
	_ =	sdelay $0x1  }
0xac: {  	v21 =	vadd.f32 v22, v21;
	_ =	sdelay $0x1  }
0xad: {  	[tilespmem:s14+$0xFFFFFFE8] =	vst v21  }
0xae: {  	v21 =	vld [tilespmem:s15+$0x0]  }
0xaf: {  	v22 =	vld [tilespmem:s16+$0x0]  }
0xb0: {  	v23 =	vld [tilespmem:s15+$0x10]  }
0xb1: {  	v39 =	vld [tilespmem:s16+$0x10]  }
0xb2: {  	v40 =	vld [tilespmem:s15+$0x20]  }
0xb3: {  	v41 =	vld [tilespmem:s16+$0x20]  }
0xb4: {  	v42 =	vld [tilespmem:s15+$0x30]  }
0xb5: {  	v43 =	vld [tilespmem:s16+$0x30];
	_ =	sdelay $0x3  }
0xb6: {  	v21 =	vmul.f32 v22, v21;
	v22 =	vmul.f32 v39, v23  }
0xb7: {  	v23 =	vmul.f32 v41, v40;
	v44 =	vmul.f32 v43, v42  }
0xb8: {  	v21 =	vmul.f32 v21, v16;
	v22 =	vmul.f32 v22, v17  }
0xb9: {  	v23 =	vmul.f32 v23, v18;
	v24 =	vmul.f32 v44, v19;
	_ =	sdelay $0x1  }
0xba: {  	v21 =	vadd.f32 v22, v21;
	v22 =	vadd.f32 v24, v23;
	_ =	sdelay $0x1  }
0xbb: {  	v21 =	vadd.f32 v22, v21;
	_ =	sdelay $0x1  }
0xbc: {  	[tilespmem:s14+$0x0] =	vst v21  }
0xbd: {  	v21 =	vld [tilespmem:s15+$0x40]  }
0xbe: {  	v22 =	vld [tilespmem:s16+$0x40]  }
0xbf: {  	v23 =	vld [tilespmem:s15+$0x50]  }
0xc0: {  	v45 =	vld [tilespmem:s16+$0x50]  }
0xc1: {  	v46 =	vld [tilespmem:s15+$0x60]  }
0xc2: {  	v47 =	vld [tilespmem:s16+$0x60]  }
0xc3: {  	v48 =	vld [tilespmem:s15+$0x70]  }
0xc4: {  	v49 =	vld [tilespmem:s16+$0x70];
	_ =	sdelay $0x3  }
0xc5: {  	v21 =	vmul.f32 v22, v21;
	v22 =	vmul.f32 v45, v23  }
0xc6: {  	v23 =	vmul.f32 v47, v46;
	v50 =	vmul.f32 v49, v48  }
0xc7: {  	v21 =	vmul.f32 v21, v16;
	v22 =	vmul.f32 v22, v17  }
0xc8: {  	v23 =	vmul.f32 v23, v18;
	v24 =	vmul.f32 v50, v19;
	_ =	sdelay $0x1  }
0xc9: {  	v21 =	vadd.f32 v22, v21;
	v22 =	vadd.f32 v24, v23;
	_ =	sdelay $0x1  }
0xca: {  	v21 =	vadd.f32 v22, v21;
	_ =	sdelay $0x1  }
0xcb: {  	[tilespmem:s14+$0x18] =	vst v21  }
0xcc: {  	v21 =	vld [tilespmem:s15+$0x80]  }
0xcd: {  	v22 =	vld [tilespmem:s16+$0x80]  }
0xce: {  	v23 =	vld [tilespmem:s15+$0x90]  }
0xcf: {  	v51 =	vld [tilespmem:s16+$0x90]  }
0xd0: {  	v52 =	vld [tilespmem:s15+$0xA0]  }
0xd1: {  	v53 =	vld [tilespmem:s16+$0xA0]  }
0xd2: {  	v54 =	vld [tilespmem:s15+$0xB0]  }
0xd3: {  	v55 =	vld [tilespmem:s16+$0xB0];
	_ =	sdelay $0x3  }
0xd4: {  	v21 =	vmul.f32 v22, v21;
	v22 =	vmul.f32 v51, v23  }
0xd5: {  	v23 =	vmul.f32 v53, v52;
	v56 =	vmul.f32 v55, v54  }
0xd6: {  	v21 =	vmul.f32 v21, v16;
	v22 =	vmul.f32 v22, v17  }
0xd7: {  	v23 =	vmul.f32 v23, v18;
	v24 =	vmul.f32 v56, v19;
	_ =	sdelay $0x1  }
0xd8: {  	v21 =	vadd.f32 v22, v21;
	v22 =	vadd.f32 v24, v23;
	_ =	sdelay $0x1  }
0xd9: {  	v21 =	vadd.f32 v22, v21;
	_ =	sdelay $0x1  }
0xda: {  	[tilespmem:s14+$0x30] =	vst v21  }
0xdb: {  	v21 =	vld [tilespmem:s15+$0xC0]  }
0xdc: {  	v22 =	vld [tilespmem:s16+$0xC0]  }
0xdd: {  	v23 =	vld [tilespmem:s15+$0xD0]  }
0xde: {  	v57 =	vld [tilespmem:s16+$0xD0]  }
0xdf: {  	v58 =	vld [tilespmem:s15+$0xE0]  }
0xe0: {  	v59 =	vld [tilespmem:s16+$0xE0]  }
0xe1: {  	v60 =	vld [tilespmem:s15+$0xF0]  }
0xe2: {  	v61 =	vld [tilespmem:s16+$0xF0];
	_ =	sdelay $0x3  }
0xe3: {  	v21 =	vmul.f32 v22, v21;
	v22 =	vmul.f32 v57, v23  }
0xe4: {  	v23 =	vmul.f32 v59, v58;
	v62 =	vmul.f32 v61, v60  }
0xe5: {  	v21 =	vmul.f32 v21, v16;
	v22 =	vmul.f32 v22, v17  }
0xe6: {  	v23 =	vmul.f32 v23, v18;
	v24 =	vmul.f32 v62, v19;
	_ =	sdelay $0x1  }
0xe7: {  	v21 =	vadd.f32 v22, v21;
	v22 =	vadd.f32 v24, v23;
	_ =	sdelay $0x1  }
0xe8: {  	v21 =	vadd.f32 v22, v21;
	_ =	sdelay $0x1  }
0xe9: {  	[tilespmem:s14+$0x48] =	vst v21  }
0xea: {  	v21 =	vld [tilespmem:s15+$0x100]  }
0xeb: {  	v22 =	vld [tilespmem:s16+$0x100]  }
0xec: {  	v23 =	vld [tilespmem:s15+$0x110]  }
0xed: {  	v63 =	vld [tilespmem:s16+$0x110]  }
0xee: {  	v32 =	vld [tilespmem:s15+$0x120]  }
0xef: {  	v33 =	vld [tilespmem:s16+$0x120]  }
0xf0: {  	v34 =	vld [tilespmem:s15+$0x130]  }
0xf1: {  	v35 =	vld [tilespmem:s16+$0x130];
	_ =	sdelay $0x3  }
0xf2: {  	v21 =	vmul.f32 v22, v21;
	v22 =	vmul.f32 v63, v23  }
0xf3: {  	v23 =	vmul.f32 v33, v32;
	v36 =	vmul.f32 v35, v34  }
0xf4: {  	v21 =	vmul.f32 v21, v16;
	v22 =	vmul.f32 v22, v17  }
0xf5: {  	v23 =	vmul.f32 v23, v18;
	v24 =	vmul.f32 v36, v19;
	_ =	sdelay $0x1  }
0xf6: {  	v21 =	vadd.f32 v22, v21;
	v22 =	vadd.f32 v24, v23;
	_ =	sdelay $0x1  }
0xf7: {  	v21 =	vadd.f32 v22, v21;
	_ =	sdelay $0x1  }
0xf8: {  	[tilespmem:s14+$0x60] =	vst v21  }
0xf9: {  	v21 =	vld [tilespmem:s15+$0x140]  }
0xfa: {  	v22 =	vld [tilespmem:s16+$0x140]  }
0xfb: {  	v23 =	vld [tilespmem:s15+$0x150]  }
0xfc: {  	v37 =	vld [tilespmem:s16+$0x150]  }
0xfd: {  	v38 =	vld [tilespmem:s15+$0x160]  }
0xfe: {  	v39 =	vld [tilespmem:s16+$0x160]  }
0xff: {  	v40 =	vld [tilespmem:s15+$0x170]  }
0x100: {  	v41 =	vld [tilespmem:s16+$0x170];
	_ =	sdelay $0x3  }
0x101: {  	v21 =	vmul.f32 v22, v21;
	v22 =	vmul.f32 v37, v23  }
0x102: {  	v23 =	vmul.f32 v39, v38;
	v42 =	vmul.f32 v41, v40  }
0x103: {  	v21 =	vmul.f32 v21, v16;
	v22 =	vmul.f32 v22, v17  }
0x104: {  	v23 =	vmul.f32 v23, v18;
	v24 =	vmul.f32 v42, v19;
	_ =	sdelay $0x1  }
0x105: {  	v21 =	vadd.f32 v22, v21;
	v22 =	vadd.f32 v24, v23;
	_ =	sdelay $0x1  }
0x106: {  	v21 =	vadd.f32 v22, v21;
	_ =	sdelay $0x1  }
0x107: {  	[tilespmem:s14+$0x78] =	vst v21  }
0x108: {  	v21 =	vld [tilespmem:s15+$0x180]  }
0x109: {  	v22 =	vld [tilespmem:s16+$0x180]  }
0x10a: {  	v23 =	vld [tilespmem:s15+$0x190]  }
0x10b: {  	v43 =	vld [tilespmem:s16+$0x190]  }
0x10c: {  	v44 =	vld [tilespmem:s15+$0x1A0]  }
0x10d: {  	v45 =	vld [tilespmem:s16+$0x1A0]  }
0x10e: {  	v46 =	vld [tilespmem:s15+$0x1B0]  }
0x10f: {  	v47 =	vld [tilespmem:s16+$0x1B0];
	_ =	sdelay $0x3  }
0x110: {  	v21 =	vmul.f32 v22, v21;
	v22 =	vmul.f32 v43, v23  }
0x111: {  	v23 =	vmul.f32 v45, v44;
	v48 =	vmul.f32 v47, v46  }
0x112: {  	v21 =	vmul.f32 v21, v16;
	v22 =	vmul.f32 v22, v17  }
0x113: {  	v23 =	vmul.f32 v23, v18;
	v24 =	vmul.f32 v48, v19;
	_ =	sdelay $0x1  }
0x114: {  	v21 =	vadd.f32 v22, v21;
	v22 =	vadd.f32 v24, v23;
	_ =	sdelay $0x1  }
0x115: {  	v21 =	vadd.f32 v22, v21;
	_ =	sdelay $0x1  }
0x116: {  	[tilespmem:s14+$0x90] =	vst v21  }
0x117: {  	v21 =	vld [tilespmem:s15+$0x1C0]  }
0x118: {  	v22 =	vld [tilespmem:s16+$0x1C0]  }
0x119: {  	v23 =	vld [tilespmem:s15+$0x1D0]  }
0x11a: {  	v49 =	vld [tilespmem:s16+$0x1D0]  }
0x11b: {  	v50 =	vld [tilespmem:s15+$0x1E0]  }
0x11c: {  	v51 =	vld [tilespmem:s16+$0x1E0]  }
0x11d: {  	v52 =	vld [tilespmem:s15+$0x1F0]  }
0x11e: {  	v54 =	vmov s18;
	v53 =	vld [tilespmem:s16+$0x1F0]  }
0x11f: {  	v24 =	vmul.u32 $0x180, v54;
	_ =	sdelay $0x1  }
0x120: {  	v24 =	vbroadcast v24, $0x0  }
0x121: {  	v21 =	vmul.f32 v22, v21;
	v22 =	vmul.f32 v49, v23  }
0x122: {  	v23 =	vmul.f32 v51, v50;
	v55 =	vmul.f32 v53, v52  }
0x123: {  	v21 =	vmul.f32 v21, v16;
	v22 =	vmul.f32 v22, v17  }
0x124: {  	v23 =	vmul.f32 v23, v18;
	v25 =	vmul.f32 v55, v19;
	_ =	sdelay $0x1  }
0x125: {  	v21 =	vadd.f32 v22, v21;
	v22 =	vadd.f32 v25, v23;
	v23 =	vadd.s32 v0, v24  }
0x126: {  	v56 =	vadd.s32 v1, v24  }
0x127: {  	v57 =	vadd.s32 v3, v24;
	v21 =	vadd.f32 v22, v21  }
0x128: {  	v58 =	vadd.s32 v5, v24  }
0x129: {  	v59 =	vadd.s32 v6, v24;
	[tilespmem:s14+$0xA8] =	vst v21  }
0x12a: {  	v29 =	vadd.s32 v7, v24;
	v23 =	vld.idx.msk [tilespmem:v23+s29+$0x0], $0xffff  }
0x12b: {  	v30 =	vadd.s32 v8, v24;
	v25 =	vld.idx.msk [tilespmem:v56+s29+$0x0], $0xffff  }
0x12c: {  	v31 =	vadd.s32 v9, v24;
	v26 =	vld.idx.msk [tilespmem:v57+s29+$0x0], $0xffff  }
0x12d: {  	v32 =	vadd.s32 v10, v24;
	v27 =	vld.idx.msk [tilespmem:v58+s29+$0x0], $0xffff  }
0x12e: {  	v33 =	vadd.s32 v11, v24;
	v28 =	vld.idx.msk [tilespmem:v59+s29+$0x0], $0xffff  }
0x12f: {  	v34 =	vadd.s32 v12, v24;
	v29 =	vld.idx.msk [tilespmem:v29+s29+$0x0], $0xffff  }
0x130: {  	v35 =	vadd.s32 v13, v24;
	v30 =	vld.idx.msk [tilespmem:v30+s29+$0x0], $0xffff  }
0x131: {  	v36 =	vadd.s32 v14, v24;
	v31 =	vld.idx.msk [tilespmem:v31+s29+$0x0], $0xffff  }
0x132: {  	v22 =	vadd.s32 v2, v24;
	v32 =	vld.idx.msk [tilespmem:v32+s29+$0x0], $0xffff  }
0x133: {  	v21 =	vadd.s32 v4, v24;
	v33 =	vld.idx.msk [tilespmem:v33+s29+$0x0], $0xffff  }
0x134: {  	v24 =	vadd.s32 v15, v24;
	v34 =	vld.idx.msk [tilespmem:v34+s29+$0x0], $0xffff  }
0x135: {  	v35 =	vld.idx.msk [tilespmem:v35+s29+$0x0], $0xffff  }
0x136: {  	v36 =	vld.idx.msk [tilespmem:v36+s29+$0x0], $0xffff  }
0x137: {  	v22 =	vld.idx.msk [tilespmem:v22+s29+$0x0], $0xffff  }
0x138: {  	v21 =	vld.idx.msk [tilespmem:v21+s29+$0x0], $0xffff  }
0x139: {  	v24 =	vld.idx.msk [tilespmem:v24+s29+$0x0], $0xffff;
	_ =	sdelay $0x1  }
0x13a: {  	v23 =	vadd.f32 v25, v23;
	v60 =	vadd.f32 v29, v28  }
0x13b: {  	v61 =	vadd.f32 v31, v30;
	v62 =	vadd.f32 v33, v32  }
0x13c: {  	v63 =	vadd.f32 v35, v34;
	v22 =	vadd.f32 v26, v22  }
0x13d: {  	v21 =	vadd.f32 v27, v21;
	v24 =	vadd.f32 v24, v36  }
0x13e: {  	v22 =	vadd.f32 v22, v23;
	v23 =	vadd.f32 v62, v61  }
0x13f: {  	v21 =	vadd.f32 v60, v21;
	v24 =	vadd.f32 v24, v63;
	_ =	sdelay $0x1  }
0x140: {  	v21 =	vadd.f32 v21, v22;
	v22 =	vadd.f32 v24, v23  }
0x141: {  	p0 =	sne.s32 s18, $0x7  }
.Ltmp0:
0x142: {  	v21 =	vadd.f32 v22, v21;
	(pc) =	sbr.rel @p0 .LBB2_2-.Ltmp0, $4  }
0x143: {  	_ = 	snop  }
0x144: {  	v21 =	vadd.f32 v21, v20  }
0x145: {  	s18 =	sadd.s32 $0x1, s18;
	s15 =	sadd.s32 $0x400, s15  }
0x146: {  	s16 =	sadd.s32 $0x400, s16;
	s14 =	sadd.s32 $0x180, s14;
	[tilespmem:s17+$0x0] =	vst v21;
	s17 =	sadd.s32 $0x10, s17  }
0x147: {  	_ =	swait.ge [sflag:s30], $0x2000  }
0x148: {  	[sflag:s30] =	ssyncset.done $0x0  }
0x149: {  	[sflag:s30] =	ssyncadd.s32 $0xFFFFE000  }
0x14a: {  	s14 =	simm.s32 $0x8;
	_ =	swait.ge [sflag:s30], $0x2000  }
0x14b: {  	s15 =	simm.s32 $0x10500;
	s16 =	simm.s32 $0x11280;
	[sflag:s30] =	ssyncset.done $0x0  }
0x14c: {  	s17 =	simm.s32 $0x27F0;
	s18 =	simm.s32 $0xA7F0;
	[sflag:s30] =	ssyncadd.s32 $0xFFFFE000  }
.LBB2_4:
0x14d: {  	v21 =	vld [tilespmem:s17+$0xFFFFFC10]  }
0x14e: {  	v22 =	vld [tilespmem:s18+$0xFFFFFC10]  }
0x14f: {  	v23 =	vld [tilespmem:s17+$0xFFFFFC20]  }
0x150: {  	v24 =	vld [tilespmem:s18+$0xFFFFFC20]  }
0x151: {  	v25 =	vld [tilespmem:s17+$0xFFFFFC30]  }
0x152: {  	v26 =	vld [tilespmem:s18+$0xFFFFFC30]  }
0x153: {  	v27 =	vld [tilespmem:s17+$0xFFFFFC40]  }
0x154: {  	v28 =	vld [tilespmem:s18+$0xFFFFFC40];
	_ =	sdelay $0x3  }
0x155: {  	v21 =	vmul.f32 v22, v21;
	v22 =	vmul.f32 v24, v23  }
0x156: {  	v23 =	vmul.f32 v26, v25;
	v60 =	vmul.f32 v28, v27  }
0x157: {  	v21 =	vmul.f32 v21, v16;
	v22 =	vmul.f32 v22, v17  }
0x158: {  	v23 =	vmul.f32 v23, v18;
	v24 =	vmul.f32 v60, v19;
	_ =	sdelay $0x1  }
0x159: {  	v21 =	vadd.f32 v22, v21;
	v22 =	vadd.f32 v24, v23;
	_ =	sdelay $0x1  }
0x15a: {  	v21 =	vadd.f32 v22, v21;
	_ =	sdelay $0x1  }
0x15b: {  	[tilespmem:s16+$0x0] =	vst v21  }
0x15c: {  	v21 =	vld [tilespmem:s17+$0xFFFFFC50]  }
0x15d: {  	v22 =	vld [tilespmem:s18+$0xFFFFFC50]  }
0x15e: {  	v23 =	vld [tilespmem:s17+$0xFFFFFC60]  }
0x15f: {  	v61 =	vld [tilespmem:s18+$0xFFFFFC60]  }
0x160: {  	v62 =	vld [tilespmem:s17+$0xFFFFFC70]  }
0x161: {  	v63 =	vld [tilespmem:s18+$0xFFFFFC70]  }
0x162: {  	v32 =	vld [tilespmem:s17+$0xFFFFFC80]  }
0x163: {  	v33 =	vld [tilespmem:s18+$0xFFFFFC80];
	_ =	sdelay $0x3  }
0x164: {  	v21 =	vmul.f32 v22, v21;
	v22 =	vmul.f32 v61, v23  }
0x165: {  	v23 =	vmul.f32 v63, v62;
	v34 =	vmul.f32 v33, v32  }
0x166: {  	v21 =	vmul.f32 v21, v16;
	v22 =	vmul.f32 v22, v17  }
0x167: {  	v23 =	vmul.f32 v23, v18;
	v24 =	vmul.f32 v34, v19;
	_ =	sdelay $0x1  }
0x168: {  	v21 =	vadd.f32 v22, v21;
	v22 =	vadd.f32 v24, v23;
	_ =	sdelay $0x1  }
0x169: {  	v21 =	vadd.f32 v22, v21;
	_ =	sdelay $0x1  }
0x16a: {  	[tilespmem:s16+$0x18] =	vst v21  }
0x16b: {  	v21 =	vld [tilespmem:s17+$0xFFFFFC90]  }
0x16c: {  	v22 =	vld [tilespmem:s18+$0xFFFFFC90]  }
0x16d: {  	v23 =	vld [tilespmem:s17+$0xFFFFFCA0]  }
0x16e: {  	v35 =	vld [tilespmem:s18+$0xFFFFFCA0]  }
0x16f: {  	v36 =	vld [tilespmem:s17+$0xFFFFFCB0]  }
0x170: {  	v37 =	vld [tilespmem:s18+$0xFFFFFCB0]  }
0x171: {  	v38 =	vld [tilespmem:s17+$0xFFFFFCC0]  }
0x172: {  	v39 =	vld [tilespmem:s18+$0xFFFFFCC0];
	_ =	sdelay $0x3  }
0x173: {  	v21 =	vmul.f32 v22, v21;
	v22 =	vmul.f32 v35, v23  }
0x174: {  	v23 =	vmul.f32 v37, v36;
	v40 =	vmul.f32 v39, v38  }
0x175: {  	v21 =	vmul.f32 v21, v16;
	v22 =	vmul.f32 v22, v17  }
0x176: {  	v23 =	vmul.f32 v23, v18;
	v24 =	vmul.f32 v40, v19;
	_ =	sdelay $0x1  }
0x177: {  	v21 =	vadd.f32 v22, v21;
	v22 =	vadd.f32 v24, v23;
	_ =	sdelay $0x1  }
0x178: {  	v21 =	vadd.f32 v22, v21;
	_ =	sdelay $0x1  }
0x179: {  	[tilespmem:s16+$0x30] =	vst v21  }
0x17a: {  	v21 =	vld [tilespmem:s17+$0xFFFFFCD0]  }
0x17b: {  	v22 =	vld [tilespmem:s18+$0xFFFFFCD0]  }
0x17c: {  	v23 =	vld [tilespmem:s17+$0xFFFFFCE0]  }
0x17d: {  	v41 =	vld [tilespmem:s18+$0xFFFFFCE0]  }
0x17e: {  	v42 =	vld [tilespmem:s17+$0xFFFFFCF0]  }
0x17f: {  	v43 =	vld [tilespmem:s18+$0xFFFFFCF0]  }
0x180: {  	v44 =	vld [tilespmem:s17+$0xFFFFFD00]  }
0x181: {  	v45 =	vld [tilespmem:s18+$0xFFFFFD00];
	_ =	sdelay $0x3  }
0x182: {  	v21 =	vmul.f32 v22, v21;
	v22 =	vmul.f32 v41, v23  }
0x183: {  	v23 =	vmul.f32 v43, v42;
	v46 =	vmul.f32 v45, v44  }
0x184: {  	v21 =	vmul.f32 v21, v16;
	v22 =	vmul.f32 v22, v17  }
0x185: {  	v23 =	vmul.f32 v23, v18;
	v24 =	vmul.f32 v46, v19;
	_ =	sdelay $0x1  }
0x186: {  	v21 =	vadd.f32 v22, v21;
	v22 =	vadd.f32 v24, v23;
	_ =	sdelay $0x1  }
0x187: {  	v21 =	vadd.f32 v22, v21;
	_ =	sdelay $0x1  }
0x188: {  	[tilespmem:s16+$0x48] =	vst v21  }
0x189: {  	v21 =	vld [tilespmem:s17+$0xFFFFFD10]  }
0x18a: {  	v22 =	vld [tilespmem:s18+$0xFFFFFD10]  }
0x18b: {  	v23 =	vld [tilespmem:s17+$0xFFFFFD20]  }
0x18c: {  	v47 =	vld [tilespmem:s18+$0xFFFFFD20]  }
0x18d: {  	v48 =	vld [tilespmem:s17+$0xFFFFFD30]  }
0x18e: {  	v49 =	vld [tilespmem:s18+$0xFFFFFD30]  }
0x18f: {  	v50 =	vld [tilespmem:s17+$0xFFFFFD40]  }
0x190: {  	v51 =	vld [tilespmem:s18+$0xFFFFFD40];
	_ =	sdelay $0x3  }
0x191: {  	v21 =	vmul.f32 v22, v21;
	v22 =	vmul.f32 v47, v23  }
0x192: {  	v23 =	vmul.f32 v49, v48;
	v52 =	vmul.f32 v51, v50  }
0x193: {  	v21 =	vmul.f32 v21, v16;
	v22 =	vmul.f32 v22, v17  }
0x194: {  	v23 =	vmul.f32 v23, v18;
	v24 =	vmul.f32 v52, v19;
	_ =	sdelay $0x1  }
0x195: {  	v21 =	vadd.f32 v22, v21;
	v22 =	vadd.f32 v24, v23;
	_ =	sdelay $0x1  }
0x196: {  	v21 =	vadd.f32 v22, v21;
	_ =	sdelay $0x1  }
0x197: {  	[tilespmem:s16+$0x60] =	vst v21  }
0x198: {  	v21 =	vld [tilespmem:s17+$0xFFFFFD50]  }
0x199: {  	v22 =	vld [tilespmem:s18+$0xFFFFFD50]  }
0x19a: {  	v23 =	vld [tilespmem:s17+$0xFFFFFD60]  }
0x19b: {  	v53 =	vld [tilespmem:s18+$0xFFFFFD60]  }
0x19c: {  	v54 =	vld [tilespmem:s17+$0xFFFFFD70]  }
0x19d: {  	v55 =	vld [tilespmem:s18+$0xFFFFFD70]  }
0x19e: {  	v56 =	vld [tilespmem:s17+$0xFFFFFD80]  }
0x19f: {  	v57 =	vld [tilespmem:s18+$0xFFFFFD80];
	_ =	sdelay $0x3  }
0x1a0: {  	v21 =	vmul.f32 v22, v21;
	v22 =	vmul.f32 v53, v23  }
0x1a1: {  	v23 =	vmul.f32 v55, v54;
	v58 =	vmul.f32 v57, v56  }
0x1a2: {  	v21 =	vmul.f32 v21, v16;
	v22 =	vmul.f32 v22, v17  }
0x1a3: {  	v23 =	vmul.f32 v23, v18;
	v24 =	vmul.f32 v58, v19;
	_ =	sdelay $0x1  }
0x1a4: {  	v21 =	vadd.f32 v22, v21;
	v22 =	vadd.f32 v24, v23;
	_ =	sdelay $0x1  }
0x1a5: {  	v21 =	vadd.f32 v22, v21;
	_ =	sdelay $0x1  }
0x1a6: {  	[tilespmem:s16+$0x78] =	vst v21  }
0x1a7: {  	v21 =	vld [tilespmem:s17+$0xFFFFFD90]  }
0x1a8: {  	v22 =	vld [tilespmem:s18+$0xFFFFFD90]  }
0x1a9: {  	v23 =	vld [tilespmem:s17+$0xFFFFFDA0]  }
0x1aa: {  	v59 =	vld [tilespmem:s18+$0xFFFFFDA0]  }
0x1ab: {  	v60 =	vld [tilespmem:s17+$0xFFFFFDB0]  }
0x1ac: {  	v61 =	vld [tilespmem:s18+$0xFFFFFDB0]  }
0x1ad: {  	v62 =	vld [tilespmem:s17+$0xFFFFFDC0]  }
0x1ae: {  	v63 =	vld [tilespmem:s18+$0xFFFFFDC0];
	_ =	sdelay $0x3  }
0x1af: {  	v21 =	vmul.f32 v22, v21;
	v22 =	vmul.f32 v59, v23  }
0x1b0: {  	v23 =	vmul.f32 v61, v60;
	v32 =	vmul.f32 v63, v62  }
0x1b1: {  	v21 =	vmul.f32 v21, v16;
	v22 =	vmul.f32 v22, v17  }
0x1b2: {  	v23 =	vmul.f32 v23, v18;
	v24 =	vmul.f32 v32, v19;
	_ =	sdelay $0x1  }
0x1b3: {  	v21 =	vadd.f32 v22, v21;
	v22 =	vadd.f32 v24, v23;
	_ =	sdelay $0x1  }
0x1b4: {  	v21 =	vadd.f32 v22, v21;
	_ =	sdelay $0x1  }
0x1b5: {  	[tilespmem:s16+$0x90] =	vst v21  }
0x1b6: {  	v21 =	vld [tilespmem:s17+$0xFFFFFDD0]  }
0x1b7: {  	v22 =	vld [tilespmem:s18+$0xFFFFFDD0]  }
0x1b8: {  	v23 =	vld [tilespmem:s17+$0xFFFFFDE0]  }
0x1b9: {  	v33 =	vld [tilespmem:s18+$0xFFFFFDE0]  }
0x1ba: {  	v34 =	vld [tilespmem:s17+$0xFFFFFDF0]  }
0x1bb: {  	v35 =	vld [tilespmem:s18+$0xFFFFFDF0]  }
0x1bc: {  	v36 =	vld [tilespmem:s17+$0xFFFFFE00]  }
0x1bd: {  	v37 =	vld [tilespmem:s18+$0xFFFFFE00];
	_ =	sdelay $0x3  }
0x1be: {  	v21 =	vmul.f32 v22, v21;
	v22 =	vmul.f32 v33, v23  }
0x1bf: {  	v23 =	vmul.f32 v35, v34;
	v38 =	vmul.f32 v37, v36  }
0x1c0: {  	v21 =	vmul.f32 v21, v16;
	v22 =	vmul.f32 v22, v17  }
0x1c1: {  	v23 =	vmul.f32 v23, v18;
	v24 =	vmul.f32 v38, v19;
	_ =	sdelay $0x1  }
0x1c2: {  	v21 =	vadd.f32 v22, v21;
	v22 =	vadd.f32 v24, v23;
	_ =	sdelay $0x1  }
0x1c3: {  	v21 =	vadd.f32 v22, v21;
	_ =	sdelay $0x1  }
0x1c4: {  	[tilespmem:s16+$0xA8] =	vst v21  }
0x1c5: {  	v21 =	vld [tilespmem:s17+$0xFFFFFE10]  }
0x1c6: {  	v22 =	vld [tilespmem:s18+$0xFFFFFE10]  }
0x1c7: {  	v23 =	vld [tilespmem:s17+$0xFFFFFE20]  }
0x1c8: {  	v39 =	vld [tilespmem:s18+$0xFFFFFE20]  }
0x1c9: {  	v40 =	vld [tilespmem:s17+$0xFFFFFE30]  }
0x1ca: {  	v41 =	vld [tilespmem:s18+$0xFFFFFE30]  }
0x1cb: {  	v42 =	vld [tilespmem:s17+$0xFFFFFE40]  }
0x1cc: {  	v43 =	vld [tilespmem:s18+$0xFFFFFE40];
	_ =	sdelay $0x3  }
0x1cd: {  	v21 =	vmul.f32 v22, v21;
	v22 =	vmul.f32 v39, v23  }
0x1ce: {  	v23 =	vmul.f32 v41, v40;
	v44 =	vmul.f32 v43, v42  }
0x1cf: {  	v21 =	vmul.f32 v21, v16;
	v22 =	vmul.f32 v22, v17  }
0x1d0: {  	v23 =	vmul.f32 v23, v18;
	v24 =	vmul.f32 v44, v19;
	_ =	sdelay $0x1  }
0x1d1: {  	v21 =	vadd.f32 v22, v21;
	v22 =	vadd.f32 v24, v23;
	_ =	sdelay $0x1  }
0x1d2: {  	v21 =	vadd.f32 v22, v21;
	_ =	sdelay $0x1  }
0x1d3: {  	[tilespmem:s16+$0xC0] =	vst v21  }
0x1d4: {  	v21 =	vld [tilespmem:s17+$0xFFFFFE50]  }
0x1d5: {  	v22 =	vld [tilespmem:s18+$0xFFFFFE50]  }
0x1d6: {  	v23 =	vld [tilespmem:s17+$0xFFFFFE60]  }
0x1d7: {  	v45 =	vld [tilespmem:s18+$0xFFFFFE60]  }
0x1d8: {  	v46 =	vld [tilespmem:s17+$0xFFFFFE70]  }
0x1d9: {  	v47 =	vld [tilespmem:s18+$0xFFFFFE70]  }
0x1da: {  	v48 =	vld [tilespmem:s17+$0xFFFFFE80]  }
0x1db: {  	v49 =	vld [tilespmem:s18+$0xFFFFFE80];
	_ =	sdelay $0x3  }
0x1dc: {  	v21 =	vmul.f32 v22, v21;
	v22 =	vmul.f32 v45, v23  }
0x1dd: {  	v23 =	vmul.f32 v47, v46;
	v50 =	vmul.f32 v49, v48  }
0x1de: {  	v21 =	vmul.f32 v21, v16;
	v22 =	vmul.f32 v22, v17  }
0x1df: {  	v23 =	vmul.f32 v23, v18;
	v24 =	vmul.f32 v50, v19;
	_ =	sdelay $0x1  }
0x1e0: {  	v21 =	vadd.f32 v22, v21;
	v22 =	vadd.f32 v24, v23;
	_ =	sdelay $0x1  }
0x1e1: {  	v21 =	vadd.f32 v22, v21;
	_ =	sdelay $0x1  }
0x1e2: {  	[tilespmem:s16+$0xD8] =	vst v21  }
0x1e3: {  	v21 =	vld [tilespmem:s17+$0xFFFFFE90]  }
0x1e4: {  	v22 =	vld [tilespmem:s18+$0xFFFFFE90]  }
0x1e5: {  	v23 =	vld [tilespmem:s17+$0xFFFFFEA0]  }
0x1e6: {  	v51 =	vld [tilespmem:s18+$0xFFFFFEA0]  }
0x1e7: {  	v52 =	vld [tilespmem:s17+$0xFFFFFEB0]  }
0x1e8: {  	v53 =	vld [tilespmem:s18+$0xFFFFFEB0]  }
0x1e9: {  	v54 =	vld [tilespmem:s17+$0xFFFFFEC0]  }
0x1ea: {  	v55 =	vld [tilespmem:s18+$0xFFFFFEC0];
	_ =	sdelay $0x3  }
0x1eb: {  	v21 =	vmul.f32 v22, v21;
	v22 =	vmul.f32 v51, v23  }
0x1ec: {  	v23 =	vmul.f32 v53, v52;
	v56 =	vmul.f32 v55, v54  }
0x1ed: {  	v21 =	vmul.f32 v21, v16;
	v22 =	vmul.f32 v22, v17  }
0x1ee: {  	v23 =	vmul.f32 v23, v18;
	v24 =	vmul.f32 v56, v19;
	_ =	sdelay $0x1  }
0x1ef: {  	v21 =	vadd.f32 v22, v21;
	v22 =	vadd.f32 v24, v23;
	_ =	sdelay $0x1  }
0x1f0: {  	v21 =	vadd.f32 v22, v21;
	_ =	sdelay $0x1  }
0x1f1: {  	[tilespmem:s16+$0xF0] =	vst v21  }
0x1f2: {  	v21 =	vld [tilespmem:s17+$0xFFFFFED0]  }
0x1f3: {  	v22 =	vld [tilespmem:s18+$0xFFFFFED0]  }
0x1f4: {  	v23 =	vld [tilespmem:s17+$0xFFFFFEE0]  }
0x1f5: {  	v57 =	vld [tilespmem:s18+$0xFFFFFEE0]  }
0x1f6: {  	v58 =	vld [tilespmem:s17+$0xFFFFFEF0]  }
0x1f7: {  	v59 =	vld [tilespmem:s18+$0xFFFFFEF0]  }
0x1f8: {  	v60 =	vld [tilespmem:s17+$0xFFFFFF00]  }
0x1f9: {  	v61 =	vld [tilespmem:s18+$0xFFFFFF00];
	_ =	sdelay $0x3  }
0x1fa: {  	v21 =	vmul.f32 v22, v21;
	v22 =	vmul.f32 v57, v23  }
0x1fb: {  	v23 =	vmul.f32 v59, v58;
	v62 =	vmul.f32 v61, v60  }
0x1fc: {  	v21 =	vmul.f32 v21, v16;
	v22 =	vmul.f32 v22, v17  }
0x1fd: {  	v23 =	vmul.f32 v23, v18;
	v24 =	vmul.f32 v62, v19;
	_ =	sdelay $0x1  }
0x1fe: {  	v21 =	vadd.f32 v22, v21;
	v22 =	vadd.f32 v24, v23;
	_ =	sdelay $0x1  }
0x1ff: {  	v21 =	vadd.f32 v22, v21;
	_ =	sdelay $0x1  }
0x200: {  	[tilespmem:s16+$0x108] =	vst v21  }
0x201: {  	v21 =	vld [tilespmem:s17+$0xFFFFFF10]  }
0x202: {  	v22 =	vld [tilespmem:s18+$0xFFFFFF10]  }
0x203: {  	v23 =	vld [tilespmem:s17+$0xFFFFFF20]  }
0x204: {  	v63 =	vld [tilespmem:s18+$0xFFFFFF20]  }
0x205: {  	v32 =	vld [tilespmem:s17+$0xFFFFFF30]  }
0x206: {  	v33 =	vld [tilespmem:s18+$0xFFFFFF30]  }
0x207: {  	v34 =	vld [tilespmem:s17+$0xFFFFFF40]  }
0x208: {  	v35 =	vld [tilespmem:s18+$0xFFFFFF40];
	_ =	sdelay $0x3  }
0x209: {  	v21 =	vmul.f32 v22, v21;
	v22 =	vmul.f32 v63, v23  }
0x20a: {  	v23 =	vmul.f32 v33, v32;
	v36 =	vmul.f32 v35, v34  }
0x20b: {  	v21 =	vmul.f32 v21, v16;
	v22 =	vmul.f32 v22, v17  }
0x20c: {  	v23 =	vmul.f32 v23, v18;
	v24 =	vmul.f32 v36, v19;
	_ =	sdelay $0x1  }
0x20d: {  	v21 =	vadd.f32 v22, v21;
	v22 =	vadd.f32 v24, v23;
	_ =	sdelay $0x1  }
0x20e: {  	v21 =	vadd.f32 v22, v21;
	_ =	sdelay $0x1  }
0x20f: {  	[tilespmem:s16+$0x120] =	vst v21  }
0x210: {  	v21 =	vld [tilespmem:s17+$0xFFFFFF50]  }
0x211: {  	v22 =	vld [tilespmem:s18+$0xFFFFFF50]  }
0x212: {  	v23 =	vld [tilespmem:s17+$0xFFFFFF60]  }
0x213: {  	v37 =	vld [tilespmem:s18+$0xFFFFFF60]  }
0x214: {  	v38 =	vld [tilespmem:s17+$0xFFFFFF70]  }
0x215: {  	v39 =	vld [tilespmem:s18+$0xFFFFFF70]  }
0x216: {  	v40 =	vld [tilespmem:s17+$0xFFFFFF80]  }
0x217: {  	v41 =	vld [tilespmem:s18+$0xFFFFFF80];
	_ =	sdelay $0x3  }
0x218: {  	v21 =	vmul.f32 v22, v21;
	v22 =	vmul.f32 v37, v23  }
0x219: {  	v23 =	vmul.f32 v39, v38;
	v42 =	vmul.f32 v41, v40  }
0x21a: {  	v21 =	vmul.f32 v21, v16;
	v22 =	vmul.f32 v22, v17  }
0x21b: {  	v23 =	vmul.f32 v23, v18;
	v24 =	vmul.f32 v42, v19;
	_ =	sdelay $0x1  }
0x21c: {  	v21 =	vadd.f32 v22, v21;
	v22 =	vadd.f32 v24, v23;
	_ =	sdelay $0x1  }
0x21d: {  	v21 =	vadd.f32 v22, v21;
	_ =	sdelay $0x1  }
0x21e: {  	[tilespmem:s16+$0x138] =	vst v21  }
0x21f: {  	v21 =	vld [tilespmem:s17+$0xFFFFFF90]  }
0x220: {  	v22 =	vld [tilespmem:s18+$0xFFFFFF90]  }
0x221: {  	v23 =	vld [tilespmem:s17+$0xFFFFFFA0]  }
0x222: {  	v43 =	vld [tilespmem:s18+$0xFFFFFFA0]  }
0x223: {  	v44 =	vld [tilespmem:s17+$0xFFFFFFB0]  }
0x224: {  	v45 =	vld [tilespmem:s18+$0xFFFFFFB0]  }
0x225: {  	v46 =	vld [tilespmem:s17+$0xFFFFFFC0]  }
0x226: {  	v47 =	vld [tilespmem:s18+$0xFFFFFFC0];
	_ =	sdelay $0x3  }
0x227: {  	v21 =	vmul.f32 v22, v21;
	v22 =	vmul.f32 v43, v23  }
0x228: {  	v23 =	vmul.f32 v45, v44;
	v48 =	vmul.f32 v47, v46  }
0x229: {  	v21 =	vmul.f32 v21, v16;
	v22 =	vmul.f32 v22, v17  }
0x22a: {  	v23 =	vmul.f32 v23, v18;
	v24 =	vmul.f32 v48, v19;
	_ =	sdelay $0x1  }
0x22b: {  	v21 =	vadd.f32 v22, v21;
	v22 =	vadd.f32 v24, v23;
	_ =	sdelay $0x1  }
0x22c: {  	v21 =	vadd.f32 v22, v21;
	_ =	sdelay $0x1  }
0x22d: {  	[tilespmem:s16+$0x150] =	vst v21  }
0x22e: {  	v21 =	vld [tilespmem:s17+$0xFFFFFFD0]  }
0x22f: {  	v22 =	vld [tilespmem:s18+$0xFFFFFFD0]  }
0x230: {  	v23 =	vld [tilespmem:s17+$0xFFFFFFE0]  }
0x231: {  	v49 =	vld [tilespmem:s18+$0xFFFFFFE0]  }
0x232: {  	v50 =	vld [tilespmem:s17+$0xFFFFFFF0]  }
0x233: {  	v51 =	vld [tilespmem:s18+$0xFFFFFFF0]  }
0x234: {  	v52 =	vld [tilespmem:s17+$0x0]  }
0x235: {  	v54 =	vmov s14;
	v53 =	vld [tilespmem:s18+$0x0]  }
0x236: {  	v24 =	vmul.u32 $0x180, v54;
	_ =	sdelay $0x1  }
0x237: {  	v24 =	vbroadcast v24, $0x0  }
0x238: {  	v21 =	vmul.f32 v22, v21;
	v22 =	vmul.f32 v49, v23  }
0x239: {  	v23 =	vmul.f32 v51, v50;
	v55 =	vmul.f32 v53, v52  }
0x23a: {  	v21 =	vmul.f32 v21, v16;
	v22 =	vmul.f32 v22, v17  }
0x23b: {  	v23 =	vmul.f32 v23, v18;
	v25 =	vmul.f32 v55, v19;
	_ =	sdelay $0x1  }
0x23c: {  	v21 =	vadd.f32 v22, v21;
	v22 =	vadd.f32 v25, v23;
	v23 =	vadd.s32 v0, v24  }
0x23d: {  	v56 =	vadd.s32 v1, v24  }
0x23e: {  	v57 =	vadd.s32 v3, v24;
	v21 =	vadd.f32 v22, v21  }
0x23f: {  	v58 =	vadd.s32 v5, v24  }
0x240: {  	v59 =	vadd.s32 v6, v24;
	[tilespmem:s16+$0x168] =	vst v21  }
0x241: {  	v29 =	vadd.s32 v7, v24;
	v23 =	vld.idx.msk [tilespmem:v23+s29+$0x0], $0xffff  }
0x242: {  	v30 =	vadd.s32 v8, v24;
	v25 =	vld.idx.msk [tilespmem:v56+s29+$0x0], $0xffff  }
0x243: {  	v31 =	vadd.s32 v9, v24;
	v26 =	vld.idx.msk [tilespmem:v57+s29+$0x0], $0xffff  }
0x244: {  	v32 =	vadd.s32 v10, v24;
	v27 =	vld.idx.msk [tilespmem:v58+s29+$0x0], $0xffff  }
0x245: {  	v33 =	vadd.s32 v11, v24;
	v28 =	vld.idx.msk [tilespmem:v59+s29+$0x0], $0xffff  }
0x246: {  	v34 =	vadd.s32 v12, v24;
	v29 =	vld.idx.msk [tilespmem:v29+s29+$0x0], $0xffff  }
0x247: {  	v35 =	vadd.s32 v13, v24;
	v30 =	vld.idx.msk [tilespmem:v30+s29+$0x0], $0xffff  }
0x248: {  	v36 =	vadd.s32 v14, v24;
	v31 =	vld.idx.msk [tilespmem:v31+s29+$0x0], $0xffff  }
0x249: {  	v22 =	vadd.s32 v2, v24;
	v32 =	vld.idx.msk [tilespmem:v32+s29+$0x0], $0xffff  }
0x24a: {  	v21 =	vadd.s32 v4, v24;
	v33 =	vld.idx.msk [tilespmem:v33+s29+$0x0], $0xffff  }
0x24b: {  	v24 =	vadd.s32 v15, v24;
	v34 =	vld.idx.msk [tilespmem:v34+s29+$0x0], $0xffff  }
0x24c: {  	v35 =	vld.idx.msk [tilespmem:v35+s29+$0x0], $0xffff  }
0x24d: {  	v36 =	vld.idx.msk [tilespmem:v36+s29+$0x0], $0xffff  }
0x24e: {  	v22 =	vld.idx.msk [tilespmem:v22+s29+$0x0], $0xffff  }
0x24f: {  	v21 =	vld.idx.msk [tilespmem:v21+s29+$0x0], $0xffff  }
0x250: {  	v24 =	vld.idx.msk [tilespmem:v24+s29+$0x0], $0xffff;
	_ =	sdelay $0x1  }
0x251: {  	v23 =	vadd.f32 v25, v23;
	v60 =	vadd.f32 v29, v28  }
0x252: {  	v61 =	vadd.f32 v31, v30;
	v62 =	vadd.f32 v33, v32  }
0x253: {  	v63 =	vadd.f32 v35, v34;
	v22 =	vadd.f32 v26, v22  }
0x254: {  	v21 =	vadd.f32 v27, v21;
	v24 =	vadd.f32 v24, v36  }
0x255: {  	v22 =	vadd.f32 v22, v23;
	v23 =	vadd.f32 v62, v61  }
0x256: {  	v21 =	vadd.f32 v60, v21;
	v24 =	vadd.f32 v24, v63;
	_ =	sdelay $0x1  }
0x257: {  	v21 =	vadd.f32 v21, v22;
	v22 =	vadd.f32 v24, v23  }
0x258: {  	p0 =	sne.s32 s14, $0xF  }
.Ltmp1:
0x259: {  	v21 =	vadd.f32 v22, v21;
	(pc) =	sbr.rel @p0 .LBB2_4-.Ltmp1, $4  }
0x25a: {  	_ = 	snop  }
0x25b: {  	v21 =	vadd.f32 v21, v20  }
0x25c: {  	s14 =	sadd.s32 $0x1, s14;
	s17 =	sadd.s32 $0x400, s17  }
0x25d: {  	s18 =	sadd.s32 $0x400, s18;
	s16 =	sadd.s32 $0x180, s16;
	[tilespmem:s15+$0x0] =	vst v21;
	s15 =	sadd.s32 $0x10, s15  }
0x25e: {  	_ =	swait.ge [sflag:s31], $0x2000  }
0x25f: {  	[sflag:s31] =	ssyncset.done $0x0  }
0x260: {  	[sflag:s31] =	ssyncadd.s32 $0xFFFFE000  }
0x261: {  	_ =	swait.ge [sflag:s31], $0x2000  }
0x262: {  	s14 =	simm.s32 $0x10;
	s15 =	simm.s32 $0x0;
	[sflag:s31] =	ssyncset.done $0x0  }
0x263: {  	s16 =	simm.s32 $0x10580;
	s17 =	simm.s32 $0x11FE8;
	[sflag:s31] =	ssyncadd.s32 $0xFFFFE000  }
.LBB2_6:
0x264: {  	s18 =	sshra.s32 s15, $0x2  }
0x265: {  	v21 =	vld [tilespmem:s18+$0x4400]  }
0x266: {  	v22 =	vld [tilespmem:s18+$0xC400]  }
0x267: {  	v23 =	vld [tilespmem:s18+$0x4410]  }
0x268: {  	v24 =	vld [tilespmem:s18+$0xC410]  }
0x269: {  	v25 =	vld [tilespmem:s18+$0x4420]  }
0x26a: {  	v26 =	vld [tilespmem:s18+$0xC420]  }
0x26b: {  	v27 =	vld [tilespmem:s18+$0x4430]  }
0x26c: {  	v28 =	vld [tilespmem:s18+$0xC430];
	_ =	sdelay $0x3  }
0x26d: {  	v21 =	vmul.f32 v22, v21;
	v22 =	vmul.f32 v24, v23  }
0x26e: {  	v23 =	vmul.f32 v26, v25;
	v60 =	vmul.f32 v28, v27  }
0x26f: {  	v21 =	vmul.f32 v21, v16;
	v22 =	vmul.f32 v22, v17  }
0x270: {  	v23 =	vmul.f32 v23, v18;
	v24 =	vmul.f32 v60, v19;
	_ =	sdelay $0x1  }
0x271: {  	v21 =	vadd.f32 v22, v21;
	v22 =	vadd.f32 v24, v23;
	_ =	sdelay $0x1  }
0x272: {  	v21 =	vadd.f32 v22, v21;
	_ =	sdelay $0x1  }
0x273: {  	[tilespmem:s17+$0xFFFFFE98] =	vst v21  }
0x274: {  	v21 =	vld [tilespmem:s18+$0x4440]  }
0x275: {  	v22 =	vld [tilespmem:s18+$0xC440]  }
0x276: {  	v23 =	vld [tilespmem:s18+$0x4450]  }
0x277: {  	v61 =	vld [tilespmem:s18+$0xC450]  }
0x278: {  	v62 =	vld [tilespmem:s18+$0x4460]  }
0x279: {  	v63 =	vld [tilespmem:s18+$0xC460]  }
0x27a: {  	v32 =	vld [tilespmem:s18+$0x4470]  }
0x27b: {  	v33 =	vld [tilespmem:s18+$0xC470];
	_ =	sdelay $0x3  }
0x27c: {  	v21 =	vmul.f32 v22, v21;
	v22 =	vmul.f32 v61, v23  }
0x27d: {  	v23 =	vmul.f32 v63, v62;
	v34 =	vmul.f32 v33, v32  }
0x27e: {  	v21 =	vmul.f32 v21, v16;
	v22 =	vmul.f32 v22, v17  }
0x27f: {  	v23 =	vmul.f32 v23, v18;
	v24 =	vmul.f32 v34, v19;
	_ =	sdelay $0x1  }
0x280: {  	v21 =	vadd.f32 v22, v21;
	v22 =	vadd.f32 v24, v23;
	_ =	sdelay $0x1  }
0x281: {  	v21 =	vadd.f32 v22, v21;
	_ =	sdelay $0x1  }
0x282: {  	[tilespmem:s17+$0xFFFFFEB0] =	vst v21  }
0x283: {  	v21 =	vld [tilespmem:s18+$0x4480]  }
0x284: {  	v22 =	vld [tilespmem:s18+$0xC480]  }
0x285: {  	v23 =	vld [tilespmem:s18+$0x4490]  }
0x286: {  	v35 =	vld [tilespmem:s18+$0xC490]  }
0x287: {  	v36 =	vld [tilespmem:s18+$0x44A0]  }
0x288: {  	v37 =	vld [tilespmem:s18+$0xC4A0]  }
0x289: {  	v38 =	vld [tilespmem:s18+$0x44B0]  }
0x28a: {  	v39 =	vld [tilespmem:s18+$0xC4B0];
	_ =	sdelay $0x3  }
0x28b: {  	v21 =	vmul.f32 v22, v21;
	v22 =	vmul.f32 v35, v23  }
0x28c: {  	v23 =	vmul.f32 v37, v36;
	v40 =	vmul.f32 v39, v38  }
0x28d: {  	v21 =	vmul.f32 v21, v16;
	v22 =	vmul.f32 v22, v17  }
0x28e: {  	v23 =	vmul.f32 v23, v18;
	v24 =	vmul.f32 v40, v19;
	_ =	sdelay $0x1  }
0x28f: {  	v21 =	vadd.f32 v22, v21;
	v22 =	vadd.f32 v24, v23;
	_ =	sdelay $0x1  }
0x290: {  	v21 =	vadd.f32 v22, v21;
	_ =	sdelay $0x1  }
0x291: {  	[tilespmem:s17+$0xFFFFFEC8] =	vst v21  }
0x292: {  	v21 =	vld [tilespmem:s18+$0x44C0]  }
0x293: {  	v22 =	vld [tilespmem:s18+$0xC4C0]  }
0x294: {  	v23 =	vld [tilespmem:s18+$0x44D0]  }
0x295: {  	v41 =	vld [tilespmem:s18+$0xC4D0]  }
0x296: {  	v42 =	vld [tilespmem:s18+$0x44E0]  }
0x297: {  	v43 =	vld [tilespmem:s18+$0xC4E0]  }
0x298: {  	v44 =	vld [tilespmem:s18+$0x44F0]  }
0x299: {  	v45 =	vld [tilespmem:s18+$0xC4F0];
	_ =	sdelay $0x3  }
0x29a: {  	v21 =	vmul.f32 v22, v21;
	v22 =	vmul.f32 v41, v23  }
0x29b: {  	v23 =	vmul.f32 v43, v42;
	v46 =	vmul.f32 v45, v44  }
0x29c: {  	v21 =	vmul.f32 v21, v16;
	v22 =	vmul.f32 v22, v17  }
0x29d: {  	v23 =	vmul.f32 v23, v18;
	v24 =	vmul.f32 v46, v19;
	_ =	sdelay $0x1  }
0x29e: {  	v21 =	vadd.f32 v22, v21;
	v22 =	vadd.f32 v24, v23;
	_ =	sdelay $0x1  }
0x29f: {  	v21 =	vadd.f32 v22, v21;
	_ =	sdelay $0x1  }
0x2a0: {  	[tilespmem:s17+$0xFFFFFEE0] =	vst v21  }
0x2a1: {  	v21 =	vld [tilespmem:s18+$0x4500]  }
0x2a2: {  	v22 =	vld [tilespmem:s18+$0xC500]  }
0x2a3: {  	v23 =	vld [tilespmem:s18+$0x4510]  }
0x2a4: {  	v47 =	vld [tilespmem:s18+$0xC510]  }
0x2a5: {  	v48 =	vld [tilespmem:s18+$0x4520]  }
0x2a6: {  	v49 =	vld [tilespmem:s18+$0xC520]  }
0x2a7: {  	v50 =	vld [tilespmem:s18+$0x4530]  }
0x2a8: {  	v51 =	vld [tilespmem:s18+$0xC530];
	_ =	sdelay $0x3  }
0x2a9: {  	v21 =	vmul.f32 v22, v21;
	v22 =	vmul.f32 v47, v23  }
0x2aa: {  	v23 =	vmul.f32 v49, v48;
	v52 =	vmul.f32 v51, v50  }
0x2ab: {  	v21 =	vmul.f32 v21, v16;
	v22 =	vmul.f32 v22, v17  }
0x2ac: {  	v23 =	vmul.f32 v23, v18;
	v24 =	vmul.f32 v52, v19;
	_ =	sdelay $0x1  }
0x2ad: {  	v21 =	vadd.f32 v22, v21;
	v22 =	vadd.f32 v24, v23;
	_ =	sdelay $0x1  }
0x2ae: {  	v21 =	vadd.f32 v22, v21;
	_ =	sdelay $0x1  }
0x2af: {  	[tilespmem:s17+$0xFFFFFEF8] =	vst v21  }
0x2b0: {  	v21 =	vld [tilespmem:s18+$0x4540]  }
0x2b1: {  	v22 =	vld [tilespmem:s18+$0xC540]  }
0x2b2: {  	v23 =	vld [tilespmem:s18+$0x4550]  }
0x2b3: {  	v53 =	vld [tilespmem:s18+$0xC550]  }
0x2b4: {  	v54 =	vld [tilespmem:s18+$0x4560]  }
0x2b5: {  	v55 =	vld [tilespmem:s18+$0xC560]  }
0x2b6: {  	v56 =	vld [tilespmem:s18+$0x4570]  }
0x2b7: {  	v57 =	vld [tilespmem:s18+$0xC570];
	_ =	sdelay $0x3  }
0x2b8: {  	v21 =	vmul.f32 v22, v21;
	v22 =	vmul.f32 v53, v23  }
0x2b9: {  	v23 =	vmul.f32 v55, v54;
	v58 =	vmul.f32 v57, v56  }
0x2ba: {  	v21 =	vmul.f32 v21, v16;
	v22 =	vmul.f32 v22, v17  }
0x2bb: {  	v23 =	vmul.f32 v23, v18;
	v24 =	vmul.f32 v58, v19;
	_ =	sdelay $0x1  }
0x2bc: {  	v21 =	vadd.f32 v22, v21;
	v22 =	vadd.f32 v24, v23;
	_ =	sdelay $0x1  }
0x2bd: {  	v21 =	vadd.f32 v22, v21;
	_ =	sdelay $0x1  }
0x2be: {  	[tilespmem:s17+$0xFFFFFF10] =	vst v21  }
0x2bf: {  	v21 =	vld [tilespmem:s18+$0x4580]  }
0x2c0: {  	v22 =	vld [tilespmem:s18+$0xC580]  }
0x2c1: {  	v23 =	vld [tilespmem:s18+$0x4590]  }
0x2c2: {  	v59 =	vld [tilespmem:s18+$0xC590]  }
0x2c3: {  	v60 =	vld [tilespmem:s18+$0x45A0]  }
0x2c4: {  	v61 =	vld [tilespmem:s18+$0xC5A0]  }
0x2c5: {  	v62 =	vld [tilespmem:s18+$0x45B0]  }
0x2c6: {  	v63 =	vld [tilespmem:s18+$0xC5B0];
	_ =	sdelay $0x3  }
0x2c7: {  	v21 =	vmul.f32 v22, v21;
	v22 =	vmul.f32 v59, v23  }
0x2c8: {  	v23 =	vmul.f32 v61, v60;
	v32 =	vmul.f32 v63, v62  }
0x2c9: {  	v21 =	vmul.f32 v21, v16;
	v22 =	vmul.f32 v22, v17  }
0x2ca: {  	v23 =	vmul.f32 v23, v18;
	v24 =	vmul.f32 v32, v19;
	_ =	sdelay $0x1  }
0x2cb: {  	v21 =	vadd.f32 v22, v21;
	v22 =	vadd.f32 v24, v23;
	_ =	sdelay $0x1  }
0x2cc: {  	v21 =	vadd.f32 v22, v21;
	_ =	sdelay $0x1  }
0x2cd: {  	[tilespmem:s17+$0xFFFFFF28] =	vst v21  }
0x2ce: {  	v21 =	vld [tilespmem:s18+$0x45C0]  }
0x2cf: {  	v22 =	vld [tilespmem:s18+$0xC5C0]  }
0x2d0: {  	v23 =	vld [tilespmem:s18+$0x45D0]  }
0x2d1: {  	v33 =	vld [tilespmem:s18+$0xC5D0]  }
0x2d2: {  	v34 =	vld [tilespmem:s18+$0x45E0]  }
0x2d3: {  	v35 =	vld [tilespmem:s18+$0xC5E0]  }
0x2d4: {  	v36 =	vld [tilespmem:s18+$0x45F0]  }
0x2d5: {  	v37 =	vld [tilespmem:s18+$0xC5F0];
	_ =	sdelay $0x3  }
0x2d6: {  	v21 =	vmul.f32 v22, v21;
	v22 =	vmul.f32 v33, v23  }
0x2d7: {  	v23 =	vmul.f32 v35, v34;
	v38 =	vmul.f32 v37, v36  }
0x2d8: {  	v21 =	vmul.f32 v21, v16;
	v22 =	vmul.f32 v22, v17  }
0x2d9: {  	v23 =	vmul.f32 v23, v18;
	v24 =	vmul.f32 v38, v19;
	_ =	sdelay $0x1  }
0x2da: {  	v21 =	vadd.f32 v22, v21;
	v22 =	vadd.f32 v24, v23;
	_ =	sdelay $0x1  }
0x2db: {  	v21 =	vadd.f32 v22, v21;
	_ =	sdelay $0x1  }
0x2dc: {  	[tilespmem:s17+$0xFFFFFF40] =	vst v21  }
0x2dd: {  	v21 =	vld [tilespmem:s18+$0x4600]  }
0x2de: {  	v22 =	vld [tilespmem:s18+$0xC600]  }
0x2df: {  	v23 =	vld [tilespmem:s18+$0x4610]  }
0x2e0: {  	v39 =	vld [tilespmem:s18+$0xC610]  }
0x2e1: {  	v40 =	vld [tilespmem:s18+$0x4620]  }
0x2e2: {  	v41 =	vld [tilespmem:s18+$0xC620]  }
0x2e3: {  	v42 =	vld [tilespmem:s18+$0x4630]  }
0x2e4: {  	v43 =	vld [tilespmem:s18+$0xC630];
	_ =	sdelay $0x3  }
0x2e5: {  	v21 =	vmul.f32 v22, v21;
	v22 =	vmul.f32 v39, v23  }
0x2e6: {  	v23 =	vmul.f32 v41, v40;
	v44 =	vmul.f32 v43, v42  }
0x2e7: {  	v21 =	vmul.f32 v21, v16;
	v22 =	vmul.f32 v22, v17  }
0x2e8: {  	v23 =	vmul.f32 v23, v18;
	v24 =	vmul.f32 v44, v19;
	_ =	sdelay $0x1  }
0x2e9: {  	v21 =	vadd.f32 v22, v21;
	v22 =	vadd.f32 v24, v23;
	_ =	sdelay $0x1  }
0x2ea: {  	v21 =	vadd.f32 v22, v21;
	_ =	sdelay $0x1  }
0x2eb: {  	[tilespmem:s17+$0xFFFFFF58] =	vst v21  }
0x2ec: {  	v21 =	vld [tilespmem:s18+$0x4640]  }
0x2ed: {  	v22 =	vld [tilespmem:s18+$0xC640]  }
0x2ee: {  	v23 =	vld [tilespmem:s18+$0x4650]  }
0x2ef: {  	v45 =	vld [tilespmem:s18+$0xC650]  }
0x2f0: {  	v46 =	vld [tilespmem:s18+$0x4660]  }
0x2f1: {  	v47 =	vld [tilespmem:s18+$0xC660]  }
0x2f2: {  	v48 =	vld [tilespmem:s18+$0x4670]  }
0x2f3: {  	v49 =	vld [tilespmem:s18+$0xC670];
	_ =	sdelay $0x3  }
0x2f4: {  	v21 =	vmul.f32 v22, v21;
	v22 =	vmul.f32 v45, v23  }
0x2f5: {  	v23 =	vmul.f32 v47, v46;
	v50 =	vmul.f32 v49, v48  }
0x2f6: {  	v21 =	vmul.f32 v21, v16;
	v22 =	vmul.f32 v22, v17  }
0x2f7: {  	v23 =	vmul.f32 v23, v18;
	v24 =	vmul.f32 v50, v19;
	_ =	sdelay $0x1  }
0x2f8: {  	v21 =	vadd.f32 v22, v21;
	v22 =	vadd.f32 v24, v23;
	_ =	sdelay $0x1  }
0x2f9: {  	v21 =	vadd.f32 v22, v21;
	_ =	sdelay $0x1  }
0x2fa: {  	[tilespmem:s17+$0xFFFFFF70] =	vst v21  }
0x2fb: {  	v21 =	vld [tilespmem:s18+$0x4680]  }
0x2fc: {  	v22 =	vld [tilespmem:s18+$0xC680]  }
0x2fd: {  	v23 =	vld [tilespmem:s18+$0x4690]  }
0x2fe: {  	v51 =	vld [tilespmem:s18+$0xC690]  }
0x2ff: {  	v52 =	vld [tilespmem:s18+$0x46A0]  }
0x300: {  	v53 =	vld [tilespmem:s18+$0xC6A0]  }
0x301: {  	v54 =	vld [tilespmem:s18+$0x46B0]  }
0x302: {  	v55 =	vld [tilespmem:s18+$0xC6B0];
	_ =	sdelay $0x3  }
0x303: {  	v21 =	vmul.f32 v22, v21;
	v22 =	vmul.f32 v51, v23  }
0x304: {  	v23 =	vmul.f32 v53, v52;
	v56 =	vmul.f32 v55, v54  }
0x305: {  	v21 =	vmul.f32 v21, v16;
	v22 =	vmul.f32 v22, v17  }
0x306: {  	v23 =	vmul.f32 v23, v18;
	v24 =	vmul.f32 v56, v19;
	_ =	sdelay $0x1  }
0x307: {  	v21 =	vadd.f32 v22, v21;
	v22 =	vadd.f32 v24, v23;
	_ =	sdelay $0x1  }
0x308: {  	v21 =	vadd.f32 v22, v21;
	_ =	sdelay $0x1  }
0x309: {  	[tilespmem:s17+$0xFFFFFF88] =	vst v21  }
0x30a: {  	v21 =	vld [tilespmem:s18+$0x46C0]  }
0x30b: {  	v22 =	vld [tilespmem:s18+$0xC6C0]  }
0x30c: {  	v23 =	vld [tilespmem:s18+$0x46D0]  }
0x30d: {  	v57 =	vld [tilespmem:s18+$0xC6D0]  }
0x30e: {  	v58 =	vld [tilespmem:s18+$0x46E0]  }
0x30f: {  	v59 =	vld [tilespmem:s18+$0xC6E0]  }
0x310: {  	v60 =	vld [tilespmem:s18+$0x46F0]  }
0x311: {  	v61 =	vld [tilespmem:s18+$0xC6F0];
	_ =	sdelay $0x3  }
0x312: {  	v21 =	vmul.f32 v22, v21;
	v22 =	vmul.f32 v57, v23  }
0x313: {  	v23 =	vmul.f32 v59, v58;
	v62 =	vmul.f32 v61, v60  }
0x314: {  	v21 =	vmul.f32 v21, v16;
	v22 =	vmul.f32 v22, v17  }
0x315: {  	v23 =	vmul.f32 v23, v18;
	v24 =	vmul.f32 v62, v19;
	_ =	sdelay $0x1  }
0x316: {  	v21 =	vadd.f32 v22, v21;
	v22 =	vadd.f32 v24, v23;
	_ =	sdelay $0x1  }
0x317: {  	v21 =	vadd.f32 v22, v21;
	_ =	sdelay $0x1  }
0x318: {  	[tilespmem:s17+$0xFFFFFFA0] =	vst v21  }
0x319: {  	v21 =	vld [tilespmem:s18+$0x4700]  }
0x31a: {  	v22 =	vld [tilespmem:s18+$0xC700]  }
0x31b: {  	v23 =	vld [tilespmem:s18+$0x4710]  }
0x31c: {  	v63 =	vld [tilespmem:s18+$0xC710]  }
0x31d: {  	v32 =	vld [tilespmem:s18+$0x4720]  }
0x31e: {  	v33 =	vld [tilespmem:s18+$0xC720]  }
0x31f: {  	v34 =	vld [tilespmem:s18+$0x4730]  }
0x320: {  	v35 =	vld [tilespmem:s18+$0xC730];
	_ =	sdelay $0x3  }
0x321: {  	v21 =	vmul.f32 v22, v21;
	v22 =	vmul.f32 v63, v23  }
0x322: {  	v23 =	vmul.f32 v33, v32;
	v36 =	vmul.f32 v35, v34  }
0x323: {  	v21 =	vmul.f32 v21, v16;
	v22 =	vmul.f32 v22, v17  }
0x324: {  	v23 =	vmul.f32 v23, v18;
	v24 =	vmul.f32 v36, v19;
	_ =	sdelay $0x1  }
0x325: {  	v21 =	vadd.f32 v22, v21;
	v22 =	vadd.f32 v24, v23;
	_ =	sdelay $0x1  }
0x326: {  	v21 =	vadd.f32 v22, v21;
	_ =	sdelay $0x1  }
0x327: {  	[tilespmem:s17+$0xFFFFFFB8] =	vst v21  }
0x328: {  	v21 =	vld [tilespmem:s18+$0x4740]  }
0x329: {  	v22 =	vld [tilespmem:s18+$0xC740]  }
0x32a: {  	v23 =	vld [tilespmem:s18+$0x4750]  }
0x32b: {  	v37 =	vld [tilespmem:s18+$0xC750]  }
0x32c: {  	v38 =	vld [tilespmem:s18+$0x4760]  }
0x32d: {  	v39 =	vld [tilespmem:s18+$0xC760]  }
0x32e: {  	v40 =	vld [tilespmem:s18+$0x4770]  }
0x32f: {  	v41 =	vld [tilespmem:s18+$0xC770];
	_ =	sdelay $0x3  }
0x330: {  	v21 =	vmul.f32 v22, v21;
	v22 =	vmul.f32 v37, v23  }
0x331: {  	v23 =	vmul.f32 v39, v38;
	v42 =	vmul.f32 v41, v40  }
0x332: {  	v21 =	vmul.f32 v21, v16;
	v22 =	vmul.f32 v22, v17  }
0x333: {  	v23 =	vmul.f32 v23, v18;
	v24 =	vmul.f32 v42, v19;
	_ =	sdelay $0x1  }
0x334: {  	v21 =	vadd.f32 v22, v21;
	v22 =	vadd.f32 v24, v23;
	_ =	sdelay $0x1  }
0x335: {  	v21 =	vadd.f32 v22, v21;
	_ =	sdelay $0x1  }
0x336: {  	[tilespmem:s17+$0xFFFFFFD0] =	vst v21  }
0x337: {  	v21 =	vld [tilespmem:s18+$0x4780]  }
0x338: {  	v22 =	vld [tilespmem:s18+$0xC780]  }
0x339: {  	v23 =	vld [tilespmem:s18+$0x4790]  }
0x33a: {  	v43 =	vld [tilespmem:s18+$0xC790]  }
0x33b: {  	v44 =	vld [tilespmem:s18+$0x47A0]  }
0x33c: {  	v45 =	vld [tilespmem:s18+$0xC7A0]  }
0x33d: {  	v46 =	vld [tilespmem:s18+$0x47B0]  }
0x33e: {  	v47 =	vld [tilespmem:s18+$0xC7B0];
	_ =	sdelay $0x3  }
0x33f: {  	v21 =	vmul.f32 v22, v21;
	v22 =	vmul.f32 v43, v23  }
0x340: {  	v23 =	vmul.f32 v45, v44;
	v48 =	vmul.f32 v47, v46  }
0x341: {  	v21 =	vmul.f32 v21, v16;
	v22 =	vmul.f32 v22, v17  }
0x342: {  	v23 =	vmul.f32 v23, v18;
	v24 =	vmul.f32 v48, v19;
	_ =	sdelay $0x1  }
0x343: {  	v21 =	vadd.f32 v22, v21;
	v22 =	vadd.f32 v24, v23;
	_ =	sdelay $0x1  }
0x344: {  	v21 =	vadd.f32 v22, v21;
	_ =	sdelay $0x1  }
0x345: {  	[tilespmem:s17+$0xFFFFFFE8] =	vst v21  }
0x346: {  	v21 =	vld [tilespmem:s18+$0x47C0]  }
0x347: {  	v22 =	vld [tilespmem:s18+$0xC7C0]  }
0x348: {  	v23 =	vld [tilespmem:s18+$0x47D0]  }
0x349: {  	v49 =	vld [tilespmem:s18+$0xC7D0]  }
0x34a: {  	v50 =	vld [tilespmem:s18+$0x47E0]  }
0x34b: {  	v51 =	vld [tilespmem:s18+$0xC7E0]  }
0x34c: {  	v52 =	vld [tilespmem:s18+$0x47F0]  }
0x34d: {  	v54 =	vmov s14;
	v53 =	vld [tilespmem:s18+$0xC7F0]  }
0x34e: {  	v24 =	vmul.u32 $0x180, v54;
	_ =	sdelay $0x1  }
0x34f: {  	v24 =	vbroadcast v24, $0x0  }
0x350: {  	v21 =	vmul.f32 v22, v21;
	v22 =	vmul.f32 v49, v23  }
0x351: {  	v23 =	vmul.f32 v51, v50;
	v55 =	vmul.f32 v53, v52  }
0x352: {  	v21 =	vmul.f32 v21, v16;
	v22 =	vmul.f32 v22, v17  }
0x353: {  	v23 =	vmul.f32 v23, v18;
	v25 =	vmul.f32 v55, v19;
	_ =	sdelay $0x1  }
0x354: {  	v21 =	vadd.f32 v22, v21;
	v22 =	vadd.f32 v25, v23;
	v23 =	vadd.s32 v0, v24  }
0x355: {  	v56 =	vadd.s32 v1, v24  }
0x356: {  	v57 =	vadd.s32 v3, v24;
	v21 =	vadd.f32 v22, v21  }
0x357: {  	v58 =	vadd.s32 v5, v24  }
0x358: {  	v59 =	vadd.s32 v6, v24;
	[tilespmem:s17+$0x0] =	vst v21  }
0x359: {  	v29 =	vadd.s32 v7, v24;
	v23 =	vld.idx.msk [tilespmem:v23+s29+$0x0], $0xffff  }
0x35a: {  	v30 =	vadd.s32 v8, v24;
	v25 =	vld.idx.msk [tilespmem:v56+s29+$0x0], $0xffff  }
0x35b: {  	v31 =	vadd.s32 v9, v24;
	v26 =	vld.idx.msk [tilespmem:v57+s29+$0x0], $0xffff  }
0x35c: {  	v32 =	vadd.s32 v10, v24;
	v27 =	vld.idx.msk [tilespmem:v58+s29+$0x0], $0xffff  }
0x35d: {  	v33 =	vadd.s32 v11, v24;
	v28 =	vld.idx.msk [tilespmem:v59+s29+$0x0], $0xffff  }
0x35e: {  	v34 =	vadd.s32 v12, v24;
	v29 =	vld.idx.msk [tilespmem:v29+s29+$0x0], $0xffff  }
0x35f: {  	v35 =	vadd.s32 v13, v24;
	v30 =	vld.idx.msk [tilespmem:v30+s29+$0x0], $0xffff  }
0x360: {  	v36 =	vadd.s32 v14, v24;
	v31 =	vld.idx.msk [tilespmem:v31+s29+$0x0], $0xffff  }
0x361: {  	v22 =	vadd.s32 v2, v24;
	v32 =	vld.idx.msk [tilespmem:v32+s29+$0x0], $0xffff  }
0x362: {  	v21 =	vadd.s32 v4, v24;
	v33 =	vld.idx.msk [tilespmem:v33+s29+$0x0], $0xffff  }
0x363: {  	v24 =	vadd.s32 v15, v24;
	v34 =	vld.idx.msk [tilespmem:v34+s29+$0x0], $0xffff  }
0x364: {  	v35 =	vld.idx.msk [tilespmem:v35+s29+$0x0], $0xffff  }
0x365: {  	v36 =	vld.idx.msk [tilespmem:v36+s29+$0x0], $0xffff  }
0x366: {  	v22 =	vld.idx.msk [tilespmem:v22+s29+$0x0], $0xffff  }
0x367: {  	v21 =	vld.idx.msk [tilespmem:v21+s29+$0x0], $0xffff  }
0x368: {  	v24 =	vld.idx.msk [tilespmem:v24+s29+$0x0], $0xffff;
	_ =	sdelay $0x1  }
0x369: {  	v23 =	vadd.f32 v25, v23;
	v60 =	vadd.f32 v29, v28  }
0x36a: {  	v61 =	vadd.f32 v31, v30;
	v62 =	vadd.f32 v33, v32  }
0x36b: {  	v63 =	vadd.f32 v35, v34;
	v22 =	vadd.f32 v26, v22  }
0x36c: {  	v21 =	vadd.f32 v27, v21;
	v24 =	vadd.f32 v24, v36  }
0x36d: {  	v22 =	vadd.f32 v22, v23;
	v23 =	vadd.f32 v62, v61  }
0x36e: {  	v21 =	vadd.f32 v60, v21;
	v24 =	vadd.f32 v24, v63;
	_ =	sdelay $0x1  }
0x36f: {  	v21 =	vadd.f32 v21, v22;
	v22 =	vadd.f32 v24, v23  }
0x370: {  	p0 =	sne.s32 s15, $0x7000  }
.Ltmp2:
0x371: {  	v21 =	vadd.f32 v22, v21;
	(pc) =	sbr.rel @p0 .LBB2_6-.Ltmp2, $4  }
0x372: {  	_ = 	snop  }
0x373: {  	v21 =	vadd.f32 v21, v20  }
0x374: {  	s15 =	sadd.s32 $0x1000, s15  }
0x375: {  	s14 =	sadd.s32 $0x1, s14;
	s17 =	sadd.s32 $0x180, s17;
	[tilespmem:s16+$0x0] =	vst v21;
	s16 =	sadd.s32 $0x10, s16  }
0x376: {  	_ =	swait.ge [sflag:s0], $0x2000  }
0x377: {  	[sflag:s0] =	ssyncset.done $0x0  }
0x378: {  	[sflag:s0] =	ssyncadd.s32 $0xFFFFE000  }
0x379: {  	_ =	swait.ge [sflag:s0], $0x2000  }
0x37a: {  	s14 =	simm.s32 $0x18;
	s15 =	simm.s32 $0x0;
	[sflag:s0] =	ssyncset.done $0x0  }
0x37b: {  	s16 =	simm.s32 $0x10600;
	s17 =	simm.s32 $0x12BE8;
	[sflag:s0] =	ssyncadd.s32 $0xFFFFE000  }
.LBB2_8:
0x37c: {  	s18 =	sshra.s32 s15, $0x2  }
0x37d: {  	v21 =	vld [tilespmem:s18+$0x6400]  }
0x37e: {  	v22 =	vld [tilespmem:s18+$0xE400]  }
0x37f: {  	v23 =	vld [tilespmem:s18+$0x6410]  }
0x380: {  	v24 =	vld [tilespmem:s18+$0xE410]  }
0x381: {  	v25 =	vld [tilespmem:s18+$0x6420]  }
0x382: {  	v26 =	vld [tilespmem:s18+$0xE420]  }
0x383: {  	v27 =	vld [tilespmem:s18+$0x6430]  }
0x384: {  	v28 =	vld [tilespmem:s18+$0xE430];
	_ =	sdelay $0x3  }
0x385: {  	v21 =	vmul.f32 v22, v21;
	v22 =	vmul.f32 v24, v23  }
0x386: {  	v23 =	vmul.f32 v26, v25;
	v60 =	vmul.f32 v28, v27  }
0x387: {  	v21 =	vmul.f32 v21, v16;
	v22 =	vmul.f32 v22, v17  }
0x388: {  	v23 =	vmul.f32 v23, v18;
	v24 =	vmul.f32 v60, v19;
	_ =	sdelay $0x1  }
0x389: {  	v21 =	vadd.f32 v22, v21;
	v22 =	vadd.f32 v24, v23;
	_ =	sdelay $0x1  }
0x38a: {  	v21 =	vadd.f32 v22, v21;
	_ =	sdelay $0x1  }
0x38b: {  	[tilespmem:s17+$0xFFFFFE98] =	vst v21  }
0x38c: {  	v21 =	vld [tilespmem:s18+$0x6440]  }
0x38d: {  	v22 =	vld [tilespmem:s18+$0xE440]  }
0x38e: {  	v23 =	vld [tilespmem:s18+$0x6450]  }
0x38f: {  	v61 =	vld [tilespmem:s18+$0xE450]  }
0x390: {  	v62 =	vld [tilespmem:s18+$0x6460]  }
0x391: {  	v63 =	vld [tilespmem:s18+$0xE460]  }
0x392: {  	v32 =	vld [tilespmem:s18+$0x6470]  }
0x393: {  	v33 =	vld [tilespmem:s18+$0xE470];
	_ =	sdelay $0x3  }
0x394: {  	v21 =	vmul.f32 v22, v21;
	v22 =	vmul.f32 v61, v23  }
0x395: {  	v23 =	vmul.f32 v63, v62;
	v34 =	vmul.f32 v33, v32  }
0x396: {  	v21 =	vmul.f32 v21, v16;
	v22 =	vmul.f32 v22, v17  }
0x397: {  	v23 =	vmul.f32 v23, v18;
	v24 =	vmul.f32 v34, v19;
	_ =	sdelay $0x1  }
0x398: {  	v21 =	vadd.f32 v22, v21;
	v22 =	vadd.f32 v24, v23;
	_ =	sdelay $0x1  }
0x399: {  	v21 =	vadd.f32 v22, v21;
	_ =	sdelay $0x1  }
0x39a: {  	[tilespmem:s17+$0xFFFFFEB0] =	vst v21  }
0x39b: {  	v21 =	vld [tilespmem:s18+$0x6480]  }
0x39c: {  	v22 =	vld [tilespmem:s18+$0xE480]  }
0x39d: {  	v23 =	vld [tilespmem:s18+$0x6490]  }
0x39e: {  	v35 =	vld [tilespmem:s18+$0xE490]  }
0x39f: {  	v36 =	vld [tilespmem:s18+$0x64A0]  }
0x3a0: {  	v37 =	vld [tilespmem:s18+$0xE4A0]  }
0x3a1: {  	v38 =	vld [tilespmem:s18+$0x64B0]  }
0x3a2: {  	v39 =	vld [tilespmem:s18+$0xE4B0];
	_ =	sdelay $0x3  }
0x3a3: {  	v21 =	vmul.f32 v22, v21;
	v22 =	vmul.f32 v35, v23  }
0x3a4: {  	v23 =	vmul.f32 v37, v36;
	v40 =	vmul.f32 v39, v38  }
0x3a5: {  	v21 =	vmul.f32 v21, v16;
	v22 =	vmul.f32 v22, v17  }
0x3a6: {  	v23 =	vmul.f32 v23, v18;
	v24 =	vmul.f32 v40, v19;
	_ =	sdelay $0x1  }
0x3a7: {  	v21 =	vadd.f32 v22, v21;
	v22 =	vadd.f32 v24, v23;
	_ =	sdelay $0x1  }
0x3a8: {  	v21 =	vadd.f32 v22, v21;
	_ =	sdelay $0x1  }
0x3a9: {  	[tilespmem:s17+$0xFFFFFEC8] =	vst v21  }
0x3aa: {  	v21 =	vld [tilespmem:s18+$0x64C0]  }
0x3ab: {  	v22 =	vld [tilespmem:s18+$0xE4C0]  }
0x3ac: {  	v23 =	vld [tilespmem:s18+$0x64D0]  }
0x3ad: {  	v41 =	vld [tilespmem:s18+$0xE4D0]  }
0x3ae: {  	v42 =	vld [tilespmem:s18+$0x64E0]  }
0x3af: {  	v43 =	vld [tilespmem:s18+$0xE4E0]  }
0x3b0: {  	v44 =	vld [tilespmem:s18+$0x64F0]  }
0x3b1: {  	v45 =	vld [tilespmem:s18+$0xE4F0];
	_ =	sdelay $0x3  }
0x3b2: {  	v21 =	vmul.f32 v22, v21;
	v22 =	vmul.f32 v41, v23  }
0x3b3: {  	v23 =	vmul.f32 v43, v42;
	v46 =	vmul.f32 v45, v44  }
0x3b4: {  	v21 =	vmul.f32 v21, v16;
	v22 =	vmul.f32 v22, v17  }
0x3b5: {  	v23 =	vmul.f32 v23, v18;
	v24 =	vmul.f32 v46, v19;
	_ =	sdelay $0x1  }
0x3b6: {  	v21 =	vadd.f32 v22, v21;
	v22 =	vadd.f32 v24, v23;
	_ =	sdelay $0x1  }
0x3b7: {  	v21 =	vadd.f32 v22, v21;
	_ =	sdelay $0x1  }
0x3b8: {  	[tilespmem:s17+$0xFFFFFEE0] =	vst v21  }
0x3b9: {  	v21 =	vld [tilespmem:s18+$0x6500]  }
0x3ba: {  	v22 =	vld [tilespmem:s18+$0xE500]  }
0x3bb: {  	v23 =	vld [tilespmem:s18+$0x6510]  }
0x3bc: {  	v47 =	vld [tilespmem:s18+$0xE510]  }
0x3bd: {  	v48 =	vld [tilespmem:s18+$0x6520]  }
0x3be: {  	v49 =	vld [tilespmem:s18+$0xE520]  }
0x3bf: {  	v50 =	vld [tilespmem:s18+$0x6530]  }
0x3c0: {  	v51 =	vld [tilespmem:s18+$0xE530];
	_ =	sdelay $0x3  }
0x3c1: {  	v21 =	vmul.f32 v22, v21;
	v22 =	vmul.f32 v47, v23  }
0x3c2: {  	v23 =	vmul.f32 v49, v48;
	v52 =	vmul.f32 v51, v50  }
0x3c3: {  	v21 =	vmul.f32 v21, v16;
	v22 =	vmul.f32 v22, v17  }
0x3c4: {  	v23 =	vmul.f32 v23, v18;
	v24 =	vmul.f32 v52, v19;
	_ =	sdelay $0x1  }
0x3c5: {  	v21 =	vadd.f32 v22, v21;
	v22 =	vadd.f32 v24, v23;
	_ =	sdelay $0x1  }
0x3c6: {  	v21 =	vadd.f32 v22, v21;
	_ =	sdelay $0x1  }
0x3c7: {  	[tilespmem:s17+$0xFFFFFEF8] =	vst v21  }
0x3c8: {  	v21 =	vld [tilespmem:s18+$0x6540]  }
0x3c9: {  	v22 =	vld [tilespmem:s18+$0xE540]  }
0x3ca: {  	v23 =	vld [tilespmem:s18+$0x6550]  }
0x3cb: {  	v53 =	vld [tilespmem:s18+$0xE550]  }
0x3cc: {  	v54 =	vld [tilespmem:s18+$0x6560]  }
0x3cd: {  	v55 =	vld [tilespmem:s18+$0xE560]  }
0x3ce: {  	v56 =	vld [tilespmem:s18+$0x6570]  }
0x3cf: {  	v57 =	vld [tilespmem:s18+$0xE570];
	_ =	sdelay $0x3  }
0x3d0: {  	v21 =	vmul.f32 v22, v21;
	v22 =	vmul.f32 v53, v23  }
0x3d1: {  	v23 =	vmul.f32 v55, v54;
	v58 =	vmul.f32 v57, v56  }
0x3d2: {  	v21 =	vmul.f32 v21, v16;
	v22 =	vmul.f32 v22, v17  }
0x3d3: {  	v23 =	vmul.f32 v23, v18;
	v24 =	vmul.f32 v58, v19;
	_ =	sdelay $0x1  }
0x3d4: {  	v21 =	vadd.f32 v22, v21;
	v22 =	vadd.f32 v24, v23;
	_ =	sdelay $0x1  }
0x3d5: {  	v21 =	vadd.f32 v22, v21;
	_ =	sdelay $0x1  }
0x3d6: {  	[tilespmem:s17+$0xFFFFFF10] =	vst v21  }
0x3d7: {  	v21 =	vld [tilespmem:s18+$0x6580]  }
0x3d8: {  	v22 =	vld [tilespmem:s18+$0xE580]  }
0x3d9: {  	v23 =	vld [tilespmem:s18+$0x6590]  }
0x3da: {  	v59 =	vld [tilespmem:s18+$0xE590]  }
0x3db: {  	v60 =	vld [tilespmem:s18+$0x65A0]  }
0x3dc: {  	v61 =	vld [tilespmem:s18+$0xE5A0]  }
0x3dd: {  	v62 =	vld [tilespmem:s18+$0x65B0]  }
0x3de: {  	v63 =	vld [tilespmem:s18+$0xE5B0];
	_ =	sdelay $0x3  }
0x3df: {  	v21 =	vmul.f32 v22, v21;
	v22 =	vmul.f32 v59, v23  }
0x3e0: {  	v23 =	vmul.f32 v61, v60;
	v32 =	vmul.f32 v63, v62  }
0x3e1: {  	v21 =	vmul.f32 v21, v16;
	v22 =	vmul.f32 v22, v17  }
0x3e2: {  	v23 =	vmul.f32 v23, v18;
	v24 =	vmul.f32 v32, v19;
	_ =	sdelay $0x1  }
0x3e3: {  	v21 =	vadd.f32 v22, v21;
	v22 =	vadd.f32 v24, v23;
	_ =	sdelay $0x1  }
0x3e4: {  	v21 =	vadd.f32 v22, v21;
	_ =	sdelay $0x1  }
0x3e5: {  	[tilespmem:s17+$0xFFFFFF28] =	vst v21  }
0x3e6: {  	v21 =	vld [tilespmem:s18+$0x65C0]  }
0x3e7: {  	v22 =	vld [tilespmem:s18+$0xE5C0]  }
0x3e8: {  	v23 =	vld [tilespmem:s18+$0x65D0]  }
0x3e9: {  	v33 =	vld [tilespmem:s18+$0xE5D0]  }
0x3ea: {  	v34 =	vld [tilespmem:s18+$0x65E0]  }
0x3eb: {  	v35 =	vld [tilespmem:s18+$0xE5E0]  }
0x3ec: {  	v36 =	vld [tilespmem:s18+$0x65F0]  }
0x3ed: {  	v37 =	vld [tilespmem:s18+$0xE5F0];
	_ =	sdelay $0x3  }
0x3ee: {  	v21 =	vmul.f32 v22, v21;
	v22 =	vmul.f32 v33, v23  }
0x3ef: {  	v23 =	vmul.f32 v35, v34;
	v38 =	vmul.f32 v37, v36  }
0x3f0: {  	v21 =	vmul.f32 v21, v16;
	v22 =	vmul.f32 v22, v17  }
0x3f1: {  	v23 =	vmul.f32 v23, v18;
	v24 =	vmul.f32 v38, v19;
	_ =	sdelay $0x1  }
0x3f2: {  	v21 =	vadd.f32 v22, v21;
	v22 =	vadd.f32 v24, v23;
	_ =	sdelay $0x1  }
0x3f3: {  	v21 =	vadd.f32 v22, v21;
	_ =	sdelay $0x1  }
0x3f4: {  	[tilespmem:s17+$0xFFFFFF40] =	vst v21  }
0x3f5: {  	v21 =	vld [tilespmem:s18+$0x6600]  }
0x3f6: {  	v22 =	vld [tilespmem:s18+$0xE600]  }
0x3f7: {  	v23 =	vld [tilespmem:s18+$0x6610]  }
0x3f8: {  	v39 =	vld [tilespmem:s18+$0xE610]  }
0x3f9: {  	v40 =	vld [tilespmem:s18+$0x6620]  }
0x3fa: {  	v41 =	vld [tilespmem:s18+$0xE620]  }
0x3fb: {  	v42 =	vld [tilespmem:s18+$0x6630]  }
0x3fc: {  	v43 =	vld [tilespmem:s18+$0xE630];
	_ =	sdelay $0x3  }
0x3fd: {  	v21 =	vmul.f32 v22, v21;
	v22 =	vmul.f32 v39, v23  }
0x3fe: {  	v23 =	vmul.f32 v41, v40;
	v44 =	vmul.f32 v43, v42  }
0x3ff: {  	v21 =	vmul.f32 v21, v16;
	v22 =	vmul.f32 v22, v17  }
0x400: {  	v23 =	vmul.f32 v23, v18;
	v24 =	vmul.f32 v44, v19;
	_ =	sdelay $0x1  }
0x401: {  	v21 =	vadd.f32 v22, v21;
	v22 =	vadd.f32 v24, v23;
	_ =	sdelay $0x1  }
0x402: {  	v21 =	vadd.f32 v22, v21;
	_ =	sdelay $0x1  }
0x403: {  	[tilespmem:s17+$0xFFFFFF58] =	vst v21  }
0x404: {  	v21 =	vld [tilespmem:s18+$0x6640]  }
0x405: {  	v22 =	vld [tilespmem:s18+$0xE640]  }
0x406: {  	v23 =	vld [tilespmem:s18+$0x6650]  }
0x407: {  	v45 =	vld [tilespmem:s18+$0xE650]  }
0x408: {  	v46 =	vld [tilespmem:s18+$0x6660]  }
0x409: {  	v47 =	vld [tilespmem:s18+$0xE660]  }
0x40a: {  	v48 =	vld [tilespmem:s18+$0x6670]  }
0x40b: {  	v49 =	vld [tilespmem:s18+$0xE670];
	_ =	sdelay $0x3  }
0x40c: {  	v21 =	vmul.f32 v22, v21;
	v22 =	vmul.f32 v45, v23  }
0x40d: {  	v23 =	vmul.f32 v47, v46;
	v50 =	vmul.f32 v49, v48  }
0x40e: {  	v21 =	vmul.f32 v21, v16;
	v22 =	vmul.f32 v22, v17  }
0x40f: {  	v23 =	vmul.f32 v23, v18;
	v24 =	vmul.f32 v50, v19;
	_ =	sdelay $0x1  }
0x410: {  	v21 =	vadd.f32 v22, v21;
	v22 =	vadd.f32 v24, v23;
	_ =	sdelay $0x1  }
0x411: {  	v21 =	vadd.f32 v22, v21;
	_ =	sdelay $0x1  }
0x412: {  	[tilespmem:s17+$0xFFFFFF70] =	vst v21  }
0x413: {  	v21 =	vld [tilespmem:s18+$0x6680]  }
0x414: {  	v22 =	vld [tilespmem:s18+$0xE680]  }
0x415: {  	v23 =	vld [tilespmem:s18+$0x6690]  }
0x416: {  	v51 =	vld [tilespmem:s18+$0xE690]  }
0x417: {  	v52 =	vld [tilespmem:s18+$0x66A0]  }
0x418: {  	v53 =	vld [tilespmem:s18+$0xE6A0]  }
0x419: {  	v54 =	vld [tilespmem:s18+$0x66B0]  }
0x41a: {  	v55 =	vld [tilespmem:s18+$0xE6B0];
	_ =	sdelay $0x3  }
0x41b: {  	v21 =	vmul.f32 v22, v21;
	v22 =	vmul.f32 v51, v23  }
0x41c: {  	v23 =	vmul.f32 v53, v52;
	v56 =	vmul.f32 v55, v54  }
0x41d: {  	v21 =	vmul.f32 v21, v16;
	v22 =	vmul.f32 v22, v17  }
0x41e: {  	v23 =	vmul.f32 v23, v18;
	v24 =	vmul.f32 v56, v19;
	_ =	sdelay $0x1  }
0x41f: {  	v21 =	vadd.f32 v22, v21;
	v22 =	vadd.f32 v24, v23;
	_ =	sdelay $0x1  }
0x420: {  	v21 =	vadd.f32 v22, v21;
	_ =	sdelay $0x1  }
0x421: {  	[tilespmem:s17+$0xFFFFFF88] =	vst v21  }
0x422: {  	v21 =	vld [tilespmem:s18+$0x66C0]  }
0x423: {  	v22 =	vld [tilespmem:s18+$0xE6C0]  }
0x424: {  	v23 =	vld [tilespmem:s18+$0x66D0]  }
0x425: {  	v57 =	vld [tilespmem:s18+$0xE6D0]  }
0x426: {  	v58 =	vld [tilespmem:s18+$0x66E0]  }
0x427: {  	v59 =	vld [tilespmem:s18+$0xE6E0]  }
0x428: {  	v60 =	vld [tilespmem:s18+$0x66F0]  }
0x429: {  	v61 =	vld [tilespmem:s18+$0xE6F0];
	_ =	sdelay $0x3  }
0x42a: {  	v21 =	vmul.f32 v22, v21;
	v22 =	vmul.f32 v57, v23  }
0x42b: {  	v23 =	vmul.f32 v59, v58;
	v62 =	vmul.f32 v61, v60  }
0x42c: {  	v21 =	vmul.f32 v21, v16;
	v22 =	vmul.f32 v22, v17  }
0x42d: {  	v23 =	vmul.f32 v23, v18;
	v24 =	vmul.f32 v62, v19;
	_ =	sdelay $0x1  }
0x42e: {  	v21 =	vadd.f32 v22, v21;
	v22 =	vadd.f32 v24, v23;
	_ =	sdelay $0x1  }
0x42f: {  	v21 =	vadd.f32 v22, v21;
	_ =	sdelay $0x1  }
0x430: {  	[tilespmem:s17+$0xFFFFFFA0] =	vst v21  }
0x431: {  	v21 =	vld [tilespmem:s18+$0x6700]  }
0x432: {  	v22 =	vld [tilespmem:s18+$0xE700]  }
0x433: {  	v23 =	vld [tilespmem:s18+$0x6710]  }
0x434: {  	v63 =	vld [tilespmem:s18+$0xE710]  }
0x435: {  	v32 =	vld [tilespmem:s18+$0x6720]  }
0x436: {  	v33 =	vld [tilespmem:s18+$0xE720]  }
0x437: {  	v34 =	vld [tilespmem:s18+$0x6730]  }
0x438: {  	v35 =	vld [tilespmem:s18+$0xE730];
	_ =	sdelay $0x3  }
0x439: {  	v21 =	vmul.f32 v22, v21;
	v22 =	vmul.f32 v63, v23  }
0x43a: {  	v23 =	vmul.f32 v33, v32;
	v36 =	vmul.f32 v35, v34  }
0x43b: {  	v21 =	vmul.f32 v21, v16;
	v22 =	vmul.f32 v22, v17  }
0x43c: {  	v23 =	vmul.f32 v23, v18;
	v24 =	vmul.f32 v36, v19;
	_ =	sdelay $0x1  }
0x43d: {  	v21 =	vadd.f32 v22, v21;
	v22 =	vadd.f32 v24, v23;
	_ =	sdelay $0x1  }
0x43e: {  	v21 =	vadd.f32 v22, v21;
	_ =	sdelay $0x1  }
0x43f: {  	[tilespmem:s17+$0xFFFFFFB8] =	vst v21  }
0x440: {  	v21 =	vld [tilespmem:s18+$0x6740]  }
0x441: {  	v22 =	vld [tilespmem:s18+$0xE740]  }
0x442: {  	v23 =	vld [tilespmem:s18+$0x6750]  }
0x443: {  	v37 =	vld [tilespmem:s18+$0xE750]  }
0x444: {  	v38 =	vld [tilespmem:s18+$0x6760]  }
0x445: {  	v39 =	vld [tilespmem:s18+$0xE760]  }
0x446: {  	v40 =	vld [tilespmem:s18+$0x6770]  }
0x447: {  	v41 =	vld [tilespmem:s18+$0xE770];
	_ =	sdelay $0x3  }
0x448: {  	v21 =	vmul.f32 v22, v21;
	v22 =	vmul.f32 v37, v23  }
0x449: {  	v23 =	vmul.f32 v39, v38;
	v42 =	vmul.f32 v41, v40  }
0x44a: {  	v21 =	vmul.f32 v21, v16;
	v22 =	vmul.f32 v22, v17  }
0x44b: {  	v23 =	vmul.f32 v23, v18;
	v24 =	vmul.f32 v42, v19;
	_ =	sdelay $0x1  }
0x44c: {  	v21 =	vadd.f32 v22, v21;
	v22 =	vadd.f32 v24, v23;
	_ =	sdelay $0x1  }
0x44d: {  	v21 =	vadd.f32 v22, v21;
	_ =	sdelay $0x1  }
0x44e: {  	[tilespmem:s17+$0xFFFFFFD0] =	vst v21  }
0x44f: {  	v21 =	vld [tilespmem:s18+$0x6780]  }
0x450: {  	v22 =	vld [tilespmem:s18+$0xE780]  }
0x451: {  	v23 =	vld [tilespmem:s18+$0x6790]  }
0x452: {  	v43 =	vld [tilespmem:s18+$0xE790]  }
0x453: {  	v44 =	vld [tilespmem:s18+$0x67A0]  }
0x454: {  	v45 =	vld [tilespmem:s18+$0xE7A0]  }
0x455: {  	v46 =	vld [tilespmem:s18+$0x67B0]  }
0x456: {  	v47 =	vld [tilespmem:s18+$0xE7B0];
	_ =	sdelay $0x3  }
0x457: {  	v21 =	vmul.f32 v22, v21;
	v22 =	vmul.f32 v43, v23  }
0x458: {  	v23 =	vmul.f32 v45, v44;
	v48 =	vmul.f32 v47, v46  }
0x459: {  	v21 =	vmul.f32 v21, v16;
	v22 =	vmul.f32 v22, v17  }
0x45a: {  	v23 =	vmul.f32 v23, v18;
	v24 =	vmul.f32 v48, v19;
	_ =	sdelay $0x1  }
0x45b: {  	v21 =	vadd.f32 v22, v21;
	v22 =	vadd.f32 v24, v23;
	_ =	sdelay $0x1  }
0x45c: {  	v21 =	vadd.f32 v22, v21;
	_ =	sdelay $0x1  }
0x45d: {  	[tilespmem:s17+$0xFFFFFFE8] =	vst v21  }
0x45e: {  	v21 =	vld [tilespmem:s18+$0x67C0]  }
0x45f: {  	v22 =	vld [tilespmem:s18+$0xE7C0]  }
0x460: {  	v23 =	vld [tilespmem:s18+$0x67D0]  }
0x461: {  	v49 =	vld [tilespmem:s18+$0xE7D0]  }
0x462: {  	v50 =	vld [tilespmem:s18+$0x67E0]  }
0x463: {  	v51 =	vld [tilespmem:s18+$0xE7E0]  }
0x464: {  	v52 =	vld [tilespmem:s18+$0x67F0]  }
0x465: {  	v54 =	vmov s14;
	v53 =	vld [tilespmem:s18+$0xE7F0]  }
0x466: {  	v24 =	vmul.u32 $0x180, v54;
	_ =	sdelay $0x1  }
0x467: {  	v24 =	vbroadcast v24, $0x0  }
0x468: {  	v21 =	vmul.f32 v22, v21;
	v22 =	vmul.f32 v49, v23  }
0x469: {  	v23 =	vmul.f32 v51, v50;
	v55 =	vmul.f32 v53, v52  }
0x46a: {  	v21 =	vmul.f32 v21, v16;
	v22 =	vmul.f32 v22, v17  }
0x46b: {  	v23 =	vmul.f32 v23, v18;
	v25 =	vmul.f32 v55, v19;
	_ =	sdelay $0x1  }
0x46c: {  	v21 =	vadd.f32 v22, v21;
	v22 =	vadd.f32 v25, v23;
	v23 =	vadd.s32 v0, v24  }
0x46d: {  	v56 =	vadd.s32 v1, v24  }
0x46e: {  	v57 =	vadd.s32 v3, v24;
	v21 =	vadd.f32 v22, v21  }
0x46f: {  	v58 =	vadd.s32 v5, v24  }
0x470: {  	v59 =	vadd.s32 v6, v24;
	[tilespmem:s17+$0x0] =	vst v21  }
0x471: {  	v29 =	vadd.s32 v7, v24;
	v23 =	vld.idx.msk [tilespmem:v23+s29+$0x0], $0xffff  }
0x472: {  	v30 =	vadd.s32 v8, v24;
	v25 =	vld.idx.msk [tilespmem:v56+s29+$0x0], $0xffff  }
0x473: {  	v31 =	vadd.s32 v9, v24;
	v26 =	vld.idx.msk [tilespmem:v57+s29+$0x0], $0xffff  }
0x474: {  	v32 =	vadd.s32 v10, v24;
	v27 =	vld.idx.msk [tilespmem:v58+s29+$0x0], $0xffff  }
0x475: {  	v33 =	vadd.s32 v11, v24;
	v28 =	vld.idx.msk [tilespmem:v59+s29+$0x0], $0xffff  }
0x476: {  	v34 =	vadd.s32 v12, v24;
	v29 =	vld.idx.msk [tilespmem:v29+s29+$0x0], $0xffff  }
0x477: {  	v35 =	vadd.s32 v13, v24;
	v30 =	vld.idx.msk [tilespmem:v30+s29+$0x0], $0xffff  }
0x478: {  	v36 =	vadd.s32 v14, v24;
	v31 =	vld.idx.msk [tilespmem:v31+s29+$0x0], $0xffff  }
0x479: {  	v22 =	vadd.s32 v2, v24;
	v32 =	vld.idx.msk [tilespmem:v32+s29+$0x0], $0xffff  }
0x47a: {  	v21 =	vadd.s32 v4, v24;
	v33 =	vld.idx.msk [tilespmem:v33+s29+$0x0], $0xffff  }
0x47b: {  	v24 =	vadd.s32 v15, v24;
	v34 =	vld.idx.msk [tilespmem:v34+s29+$0x0], $0xffff  }
0x47c: {  	v35 =	vld.idx.msk [tilespmem:v35+s29+$0x0], $0xffff  }
0x47d: {  	v36 =	vld.idx.msk [tilespmem:v36+s29+$0x0], $0xffff  }
0x47e: {  	v22 =	vld.idx.msk [tilespmem:v22+s29+$0x0], $0xffff  }
0x47f: {  	v21 =	vld.idx.msk [tilespmem:v21+s29+$0x0], $0xffff  }
0x480: {  	v24 =	vld.idx.msk [tilespmem:v24+s29+$0x0], $0xffff;
	_ =	sdelay $0x1  }
0x481: {  	v23 =	vadd.f32 v25, v23;
	v60 =	vadd.f32 v29, v28  }
0x482: {  	v61 =	vadd.f32 v31, v30;
	v62 =	vadd.f32 v33, v32  }
0x483: {  	v63 =	vadd.f32 v35, v34;
	v22 =	vadd.f32 v26, v22  }
0x484: {  	v21 =	vadd.f32 v27, v21;
	v24 =	vadd.f32 v24, v36  }
0x485: {  	v22 =	vadd.f32 v22, v23;
	v23 =	vadd.f32 v62, v61  }
0x486: {  	v21 =	vadd.f32 v60, v21;
	v24 =	vadd.f32 v24, v63;
	_ =	sdelay $0x1  }
0x487: {  	v21 =	vadd.f32 v21, v22;
	v22 =	vadd.f32 v24, v23  }
0x488: {  	p0 =	sne.s32 s15, $0x7000  }
.Ltmp3:
0x489: {  	v21 =	vadd.f32 v22, v21;
	(pc) =	sbr.rel @p0 .LBB2_8-.Ltmp3, $4  }
0x48a: {  	_ = 	snop  }
0x48b: {  	v21 =	vadd.f32 v21, v20  }
0x48c: {  	s15 =	sadd.s32 $0x1000, s15  }
0x48d: {  	s14 =	sadd.s32 $0x1, s14;
	s17 =	sadd.s32 $0x180, s17;
	[tilespmem:s16+$0x0] =	vst v21;
	s16 =	sadd.s32 $0x10, s16  }
0x48e: {  	s12 =	sadd.s32 $0x1, s12  }
0x48f: {  	p0 =	sne.s32 s12, s9  }
.Ltmp4:
0x490: {  	_ = 	snop;
	(pc) =	sbr.rel @p0 .LBB2_1-.Ltmp4, $4  }
0x491: {  	[hbm4b:s8+s1] =	stream.linear.scatter [tilespmem:s2], [sflag:$0x5], $0x200, $0x38;
	[tilespmem:$0x13680] =	vst v63  }
0x492: {  	_ =	swait.ge [sflag:s10], $0x200  }
0x493: {  	[sflag:s10] =	ssyncset.done $0x0  }
0x494: {  	[sflag:s10] =	ssyncadd.s32 $0xFFFFFE00  }
0x495: {  	_ =	sfence.sel $0x180000  }
0x496: {  	[bflag:$0x0] =	sbarrier.arrive $0xFFFF  }
0x497: {  	_ =	strace $0x90000047  }
0x498: {  	s0 =	stileid.u32;
	[bflag:$0x2] =	sbarrier.arrive $0xFFFF  }
0x499: {  	p0 =	sne.s32 s0, $0x0;
	s0 =	rddreg [dreg:$0x4]  }
0x49a: {  	s0 =	sadd.s32 @!p0 $0x100000, s0  }
0x49b: {  	[sflag:s0] =	ssyncadd.tile.s32 @!p0 $0x1;
	_ =	shalt  }
.Lfunc_end2:
_tile_overlayer_lowered:
.L_overlay_start_2:
0x49c: {  	(tag) =	ssettag $0x2  }
0x49d: {  	s0 =	rddreg [dreg:$0x0];
	s2 =	stileid.u32  }
0x49e: {  	s1 =	rddreg [dreg:$0x1];
	p0 =	sne.s32 s2, $0x0  }
0x49f: {  	s3 =	rddreg [dreg:$0x2];
	[bflag:$0x3] =	sbarrier.arrive $0xFFFF;
	s2 =	simm.s32 @!p0 $0x1C05  }
0x4a0: {  	[timem:s3], [sflag:s2] =	dma.local @!p0 [hbm:s0], s1  }
0x4a1: {  	s0 =	simm.s32 @!p0 $0x5  }
0x4a2: {  	_ =	swait.ge @!p0 [sflag:s0], s1  }
0x4a3: {  	s1 =	ssub.s32 @!p0 $0x0, s1;
	[sflag:s0] =	ssyncset.done @!p0 $0x0  }
0x4a4: {  	[sflag:s0] =	ssyncadd.s32 @!p0 s1  }
0x4a5: {  	[bflag:$0x3] =	sbarrier.arrive $0xFFFF  }
0x4a6: {  	_ =	shalt  }

</sc_bundles>
